<compile_context>
chip_gen: v7x
topology: tpu7x:2x2x1
jax: 0.10.2.dev20260603
libtpu: 0.0.44.dev20260713+nightly
codegen_flags: <defaults>
</compile_context>

<pallas_src>
import functools

import jax
import jax.numpy as jnp
from jax import lax
from jax.experimental import pallas as pl
from jax.experimental.pallas import tpu as pltpu
from jax.experimental.pallas import tpu_sc as plsc

NC = 2
NS = 16
NW = NC * NS
K = 128
LANES = 16

N = 10000
NPAD = 10240
F = 128


def _make_deg_kernel(C0, C1):
    cmax = max(C0, C1)
    slc = NPAD // NS
    mesh = plsc.VectorSubcoreMesh(core_axis_name="c", subcore_axis_name="s")

    dgrp = 10

    @functools.partial(
        pl.kernel,
        out_type=jax.ShapeDtypeStruct((NC, NPAD), jnp.float32),
        mesh=mesh,
        scratch_types=[
            pltpu.VMEM((cmax, 1, K), jnp.int32),
            pltpu.VMEM((K,), jnp.float32),
            pltpu.VMEM((slc,), jnp.float32),
            pltpu.VMEM_SHARED((NPAD,), jnp.float32),
            pltpu.SemaphoreType.DMA,
        ],
    )
    def deg_k(dst_hbm, out_hbm, idx_v, ones_v, zbuf, deg_sh, sem):
        c = lax.axis_index("c")
        s = lax.axis_index("s")
        for j in range(K // LANES):
            ones_v[pl.ds(j * LANES, LANES)] = jnp.ones((LANES,), jnp.float32)
        for j in range(slc // LANES):
            zbuf[pl.ds(j * LANES, LANES)] = jnp.zeros((LANES,), jnp.float32)
        pltpu.sync_copy(zbuf, deg_sh.at[pl.ds(s * slc, slc)])
        plsc.subcore_barrier()

        def run(base, nchunks):
            pltpu.sync_copy(
                dst_hbm.at[pl.ds(pl.multiple_of(base, 2), nchunks)],
                idx_v.at[pl.ds(0, nchunks)])

            def body(grp, carry):
                ds = [
                    pltpu.async_copy(ones_v,
                                     deg_sh.at[idx_v.at[grp * dgrp + b, 0]],
                                     sem, add=True)
                    for b in range(dgrp)
                ]
                for d in ds:
                    d.wait()
                return carry

            lax.fori_loop(0, nchunks // dgrp, body, 0)

        @pl.when(c == 0)
        def _():
            run(s * C0, C0)

        if C1 > 0:
            @pl.when(c == 1)
            def _():
                run(NS * C0 + s * C1, C1)

        plsc.subcore_barrier()
        pltpu.sync_copy(deg_sh.at[pl.ds(s * slc, slc)],
                        out_hbm.at[c, pl.ds(s * slc, slc)])

    return deg_k


NBUF = 2


def _make_scatter_kernel(C0, C1):
    cmax = max(C0, C1)
    rps = NPAD // NS
    mesh = plsc.VectorSubcoreMesh(core_axis_name="c", subcore_axis_name="s")

    @functools.partial(
        pl.kernel,
        out_type=jax.ShapeDtypeStruct((NC, NPAD, F), jnp.float32),
        mesh=mesh,
        scratch_types=[
            pltpu.VMEM((NBUF, 1, K), jnp.int32),
            pltpu.VMEM((NBUF, 1, K), jnp.int32),
            pltpu.VMEM((NBUF, K, F), jnp.float32),
            pltpu.VMEM_SHARED((NPAD, F), jnp.float32),
            pltpu.SemaphoreType.DMA((NBUF,)),
            pltpu.SemaphoreType.DMA((NBUF,)),
            pltpu.SemaphoreType.DMA((NBUF,)),
            pltpu.SemaphoreType.DMA,
        ],
    )
    def scat_k(src_hbm, dst_hbm, g_hbm, out_hbm, idx_s, idx_d, rows, acc_sh,
               sem_i, sem_j, sem_g, sem_s):
        c = lax.axis_index("c")
        s = lax.axis_index("s")

        def zbody(i, carry):
            for j in range(F // LANES):
                rows[0, i, pl.ds(j * LANES, LANES)] = jnp.zeros(
                    (LANES,), jnp.float32)
            return carry

        lax.fori_loop(0, K, zbody, 0)
        for t in range(rps // K):
            pltpu.sync_copy(rows.at[0], acc_sh.at[pl.ds(s * rps + t * K, K)])
        plsc.subcore_barrier()

        def run(cbase, nchunks):
            for b in range(NBUF):
                pltpu.async_copy(src_hbm.at[cbase + b], idx_s.at[b],
                                 sem_i.at[b])
                pltpu.async_copy(dst_hbm.at[cbase + b], idx_d.at[b],
                                 sem_j.at[b])

            def body(grp, carry):
                base = grp * NBUF
                gds = []
                for b in range(NBUF):
                    pltpu.make_async_copy(src_hbm.at[cbase + base + b],
                                          idx_s.at[b], sem_i.at[b]).wait()
                    gds.append(
                        pltpu.async_copy(g_hbm.at[idx_s.at[b, 0]], rows.at[b],
                                         sem_g.at[b]))
                sds = []
                for b in range(NBUF):
                    gds[b].wait()
                    nc = base + b + NBUF

                    @pl.when(nc < nchunks)
                    def _():
                        pltpu.async_copy(src_hbm.at[cbase + nc], idx_s.at[b],
                                         sem_i.at[b])

                    pltpu.make_async_copy(dst_hbm.at[cbase + base + b],
                                          idx_d.at[b], sem_j.at[b]).wait()
                    sds.append(
                        pltpu.async_copy(rows.at[b],
                                         acc_sh.at[idx_d.at[b, 0]],
                                         sem_s, add=True))
                for d in sds:
                    d.wait()
                for b in range(NBUF):
                    nc = base + b + NBUF

                    @pl.when(nc < nchunks)
                    def _():
                        pltpu.async_copy(dst_hbm.at[cbase + nc], idx_d.at[b],
                                         sem_j.at[b])

                return carry

            lax.fori_loop(0, nchunks // NBUF, body, 0)

        @pl.when(c == 0)
        def _():
            run(s * C0, C0)

        if C1 > 0:
            @pl.when(c == 1)
            def _():
                run(NS * C0 + s * C1, C1)

        plsc.subcore_barrier()
        for t in range(rps // K):
            pltpu.sync_copy(acc_sh.at[pl.ds(s * rps + t * K, K)],
                            out_hbm.at[c, pl.ds(s * rps + t * K, K)])

    return scat_k


BR = 400


def _tc_dinv(degp):
    def body(degp_ref, dinv_ref):
        dinv_ref[...] = lax.rsqrt(degp_ref[0] + degp_ref[1] + 1.0)

    return pl.pallas_call(
        body,
        in_specs=[pl.BlockSpec((NC, NPAD), lambda: (0, 0))],
        out_specs=pl.BlockSpec((NPAD,), lambda: (0,)),
        out_shape=jax.ShapeDtypeStruct((NPAD,), jnp.float32),
    )(degp).reshape(NPAD, 1)


def _tc_prep(x, W1, dinv):
    def body(x_ref, w_ref, dinv_ref, g_ref):
        h = lax.dot_general(x_ref[...], w_ref[...], (((1,), (0,)), ((), ())),
                            preferred_element_type=jnp.float32)
        g_ref[...] = h * dinv_ref[...]

    return pl.pallas_call(
        body,
        grid=(N // BR,),
        in_specs=[
            pl.BlockSpec((BR, F), lambda i: (i, 0)),
            pl.BlockSpec((F, F), lambda i: (0, 0)),
            pl.BlockSpec((BR, 1), lambda i: (i, 0)),
        ],
        out_specs=pl.BlockSpec((BR, F), lambda i: (i, 0)),
        out_shape=jax.ShapeDtypeStruct((N, F), jnp.float32),
    )(x, W1, dinv)


def _tc_mid(p, g1, dinv, b1, W2):
    def body(p_ref, g_ref, dinv_ref, b_ref, w_ref, h_ref, g2_ref):
        acc = p_ref[0] + p_ref[1] + g_ref[...]
        dv = dinv_ref[...]
        h1 = jnp.maximum(acc * dv + b_ref[...], 0.0)
        h_ref[...] = h1
        g2 = lax.dot_general(h1, w_ref[...], (((1,), (0,)), ((), ())),
                             preferred_element_type=jnp.float32)
        g2_ref[...] = g2 * dv

    return pl.pallas_call(
        body,
        grid=(N // BR,),
        in_specs=[
            pl.BlockSpec((NC, BR, F), lambda i: (0, i, 0)),
            pl.BlockSpec((BR, F), lambda i: (i, 0)),
            pl.BlockSpec((BR, 1), lambda i: (i, 0)),
            pl.BlockSpec((1, F), lambda i: (0, 0)),
            pl.BlockSpec((F, F), lambda i: (0, 0)),
        ],
        out_specs=[
            pl.BlockSpec((BR, F), lambda i: (i, 0)),
            pl.BlockSpec((BR, F), lambda i: (i, 0)),
        ],
        out_shape=[
            jax.ShapeDtypeStruct((N, F), jnp.float32),
            jax.ShapeDtypeStruct((N, F), jnp.float32),
        ],
    )(p, g1, dinv, b1, W2)


def _tc_final(p, g2, dinv, b2, h1, linw, linb):
    ncls = linw.shape[-1]

    def body(p_ref, g_ref, dinv_ref, b_ref, h1_ref, lw_ref, lb_ref, out_ref):
        acc = p_ref[0] + p_ref[1] + g_ref[...]
        h2 = jnp.maximum(acc * dinv_ref[...] + b_ref[...], 0.0)
        logits = (
            lax.dot_general(h1_ref[...], lw_ref[0], (((1,), (0,)), ((), ())),
                            preferred_element_type=jnp.float32)
            + lax.dot_general(h2, lw_ref[1], (((1,), (0,)), ((), ())),
                              preferred_element_type=jnp.float32)
            + lb_ref[...]
        )
        m = jnp.max(logits, axis=1, keepdims=True)
        ex = jnp.exp(logits - m)
        out_ref[...] = (logits - m) - jnp.log(jnp.sum(ex, axis=1, keepdims=True))

    return pl.pallas_call(
        body,
        grid=(N // BR,),
        in_specs=[
            pl.BlockSpec((NC, BR, F), lambda i: (0, i, 0)),
            pl.BlockSpec((BR, F), lambda i: (i, 0)),
            pl.BlockSpec((BR, 1), lambda i: (i, 0)),
            pl.BlockSpec((1, F), lambda i: (0, 0)),
            pl.BlockSpec((BR, F), lambda i: (i, 0)),
            pl.BlockSpec((2, F, ncls), lambda i: (0, 0, 0)),
            pl.BlockSpec((1, ncls), lambda i: (0, 0)),
        ],
        out_specs=pl.BlockSpec((BR, ncls), lambda i: (i, 0)),
        out_shape=jax.ShapeDtypeStruct((N, ncls), jnp.float32),
    )(p, g2, dinv, b2, h1, linw, linb)


def kernel(x, edge_index, W1, b1, W2, b2, lin_W, lin_b):
    E = edge_index.shape[1]
    src = edge_index[0].astype(jnp.int32)
    dst = edge_index[1].astype(jnp.int32)
    C0, C1 = 150, 10
    assert NS * (C0 + C1) * K >= E
    epad = NS * (C0 + C1) * K
    padn = epad - E
    src = jnp.concatenate([src, jnp.zeros((padn,), jnp.int32)]).reshape(-1, 1, K)
    dst = jnp.concatenate(
        [dst, N + (jnp.arange(padn, dtype=jnp.int32) % K)]).reshape(-1, 1, K)

    degp = _make_deg_kernel(C0, C1)(dst)
    dinv = _tc_dinv(degp)
    g1 = _tc_prep(x, W1, dinv)
    scat = _make_scatter_kernel(C0, C1)
    p1 = scat(src, dst, g1)
    h1, g2 = _tc_mid(p1, g1, dinv, b1.reshape(1, F), W2)
    p2 = scat(src, dst, g2)
    out = _tc_final(p2, g2, dinv, b2.reshape(1, F), h1,
                    lin_W.reshape(2, F, -1), lin_b.reshape(1, -1))
    return out

# --- scband reference (transcript-rebuilt; emitter-appended) ---
"""Pipeline reference for scband-gcnreweighter-5471788335199 (READ-ONLY COPY).

The authoritative reference and input builder live on the scoring server;
editing this copy changes nothing except your own understanding.
"""

import jax, jax.numpy as jnp
import numpy as np

N_NODES = 10000
N_EDGES = 320000
NFEAT = 128
NHID = 128
NCLASS = 40


def setup_inputs(seed: int = 0) -> dict:
    key = jax.random.key(seed)
    ks = jax.random.split(key, 8)
    x = jax.random.normal(ks[0], (N_NODES, NFEAT), dtype=jnp.float32)
    edge_index = jax.random.randint(ks[1], (2, N_EDGES), 0, N_NODES, dtype=jnp.int64)
    # GCNConv layer 1 params (Glorot-like init)
    W1 = jax.random.normal(ks[2], (NFEAT, NHID), dtype=jnp.float32) * (1.0 / np.sqrt(NFEAT))
    b1 = jnp.zeros((NHID,), dtype=jnp.float32)
    # GCNConv layer 2 params
    W2 = jax.random.normal(ks[3], (NHID, NHID), dtype=jnp.float32) * (1.0 / np.sqrt(NHID))
    b2 = jnp.zeros((NHID,), dtype=jnp.float32)
    # final linear over concatenated residual features (nhid * nlayer)
    lin_W = jax.random.normal(ks[4], (NHID * 2, NCLASS), dtype=jnp.float32) * (1.0 / np.sqrt(NHID * 2))
    lin_b = jnp.zeros((NCLASS,), dtype=jnp.float32)
    return {"x": x, "edge_index": edge_index, "W1": W1, "b1": b1, "W2": W2, "b2": b2, "lin_W": lin_W, "lin_b": lin_b}


def _gcn_conv(x, src, dst, W, b, num_nodes):
    # PyG GCNConv with add_self_loops=True, normalize=True, edge_weight=None (ones)
    loop = jnp.arange(num_nodes, dtype=src.dtype)
    s = jnp.concatenate([src, loop])
    d = jnp.concatenate([dst, loop])
    ew = jnp.ones(s.shape[0], dtype=x.dtype)
    deg = jax.ops.segment_sum(ew, d, num_segments=num_nodes)
    dinv = jnp.where(deg > 0, deg ** -0.5, 0.0)
    norm = dinv[s] * ew * dinv[d]
    h = x @ W
    msg = h[s] * norm[:, None]
    out = jax.ops.segment_sum(msg, d, num_segments=num_nodes)
    return out + b


def reference(x, edge_index, W1, b1, W2, b2, lin_W, lin_b):
    src = edge_index[0]
    dst = edge_index[1]
    num_nodes = x.shape[0]
    # layer 1
    h1 = _gcn_conv(x, src, dst, W1, b1, num_nodes)
    h1 = jax.nn.relu(h1)
    # dropout p=0 -> identity
    # layer 2
    h2 = _gcn_conv(h1, src, dst, W2, b2, num_nodes)
    h2 = jax.nn.relu(h2)
    # res=True: concat layer outputs
    h = jnp.concatenate([h1, h2], axis=-1)
    logits = h @ lin_W + lin_b
    return jax.nn.log_softmax(logits, axis=1)

if __name__ == "__main__":
    import jax
    _d = setup_inputs()
    print(jax.jit(kernel)(*tuple(_d.values())))

</pallas_src>

<mosaic_0001>
#map = affine_map<(d0, d1) -> (0, 0, 0)>
#map1 = affine_map<(d0, d1) -> (0, 0)>
module attributes {stable_mosaic.version = 14 : i64} {
  func.func @scat_k(%arg0: i32, %arg1: i32, %arg2: memref<2560x1x128xi32, #tpu.memory_space<hbm>>, %arg3: memref<2560x1x128xi32, #tpu.memory_space<hbm>>, %arg4: memref<10000x128xf32, #tpu.memory_space<hbm>>, %arg5: memref<2x10240x128xf32, #tpu.memory_space<hbm>>, %arg6: memref<2x1x128xi32, #tpu.memory_space<vmem>>, %arg7: memref<2x1x128xi32, #tpu.memory_space<vmem>>, %arg8: memref<2x128x128xf32, #tpu.memory_space<vmem>>, %arg9: memref<10240x128xf32, #tpu.memory_space<vmem_shared>>, %arg10: memref<2x!tpu.dma_semaphore, #tpu.memory_space<semaphore_mem>>, %arg11: memref<2x!tpu.dma_semaphore, #tpu.memory_space<semaphore_mem>>, %arg12: memref<2x!tpu.dma_semaphore, #tpu.memory_space<semaphore_mem>>, %arg13: memref<!tpu.dma_semaphore, #tpu.memory_space<semaphore_mem>>) attributes {dimension_semantics = [#tpu.dimension_semantics<core_parallel>, #tpu.dimension_semantics<subcore_parallel>], iteration_bounds = array<i64: 2, 16>, scalar_prefetch = 0 : i64, scratch_operands = 8 : i64, tpu.core_type = #tpu.core_type<sc_vector_subcore>, window_params = [{transform_indices = #map}, {transform_indices = #map}, {transform_indices = #map1}, {transform_indices = #map}]} {
    %scan3A = arith.constant 0 : i32
    %scan3A_0 = arith.constant 0 : i32
    %scan3A_1 = arith.constant 128 : i32
    %scan3A_2 = arith.addi %scan3A_0, %scan3A_1 : i32
    %scan3A_3 = arith.constant 1 : i32
    scf.for %scan3A_75 = %scan3A_0 to %scan3A_2 step %scan3A_3  : i32 {
      %broadcast_in_dim3A = arith.constant 0.000000e+00 : f32
      %broadcast_in_dim3A_76 = vector.broadcast %broadcast_in_dim3A : f32 to vector<16xf32>
      %swap3A = arith.constant 0 : i32
      %swap3A_77 = arith.index_cast %swap3A : i32 to index
      %swap3A_78 = arith.index_cast %scan3A_75 : i32 to index
      %swap3A_79 = arith.constant 0 : index
      %swap3A_80 = tpu.vector_load %arg8[%swap3A_77, %swap3A_78, %swap3A_79] {strides = array<i32>} : memref<2x128x128xf32, #tpu.memory_space<vmem>>, vector<1x1x16xf32>,
      %swap3A_81 = vector.shape_cast %swap3A_80 : vector<1x1x16xf32> to vector<16xf32>
      %swap3A_82 = vector.shape_cast %broadcast_in_dim3A_76 : vector<16xf32> to vector<1x1x16xf32>
      tpu.vector_store %arg8[%swap3A_77, %swap3A_78, %swap3A_79], %swap3A_82 {strides = array<i32>} : memref<2x128x128xf32, #tpu.memory_space<vmem>>, vector<1x1x16xf32>,
      %broadcast_in_dim3A_83 = arith.constant 0.000000e+00 : f32
      %broadcast_in_dim3A_84 = vector.broadcast %broadcast_in_dim3A_83 : f32 to vector<16xf32>
      %swap3A_85 = arith.constant 0 : i32
      %swap3A_86 = arith.index_cast %swap3A_85 : i32 to index
      %swap3A_87 = arith.index_cast %scan3A_75 : i32 to index
      %swap3A_88 = arith.constant 16 : index
      %swap3A_89 = tpu.vector_load %arg8[%swap3A_86, %swap3A_87, %swap3A_88] {strides = array<i32>} : memref<2x128x128xf32, #tpu.memory_space<vmem>>, vector<1x1x16xf32>,
      %swap3A_90 = vector.shape_cast %swap3A_89 : vector<1x1x16xf32> to vector<16xf32>
      %swap3A_91 = vector.shape_cast %broadcast_in_dim3A_84 : vector<16xf32> to vector<1x1x16xf32>
      tpu.vector_store %arg8[%swap3A_86, %swap3A_87, %swap3A_88], %swap3A_91 {strides = array<i32>} : memref<2x128x128xf32, #tpu.memory_space<vmem>>, vector<1x1x16xf32>,
      %broadcast_in_dim3A_92 = arith.constant 0.000000e+00 : f32
      %broadcast_in_dim3A_93 = vector.broadcast %broadcast_in_dim3A_92 : f32 to vector<16xf32>
      %swap3A_94 = arith.constant 0 : i32
      %swap3A_95 = arith.index_cast %swap3A_94 : i32 to index
      %swap3A_96 = arith.index_cast %scan3A_75 : i32 to index
      %swap3A_97 = arith.constant 32 : index
      %swap3A_98 = tpu.vector_load %arg8[%swap3A_95, %swap3A_96, %swap3A_97] {strides = array<i32>} : memref<2x128x128xf32, #tpu.memory_space<vmem>>, vector<1x1x16xf32>,
      %swap3A_99 = vector.shape_cast %swap3A_98 : vector<1x1x16xf32> to vector<16xf32>
      %swap3A_100 = vector.shape_cast %broadcast_in_dim3A_93 : vector<16xf32> to vector<1x1x16xf32>
      tpu.vector_store %arg8[%swap3A_95, %swap3A_96, %swap3A_97], %swap3A_100 {strides = array<i32>} : memref<2x128x128xf32, #tpu.memory_space<vmem>>, vector<1x1x16xf32>,
      %broadcast_in_dim3A_101 = arith.constant 0.000000e+00 : f32
      %broadcast_in_dim3A_102 = vector.broadcast %broadcast_in_dim3A_101 : f32 to vector<16xf32>
      %swap3A_103 = arith.constant 0 : i32
      %swap3A_104 = arith.index_cast %swap3A_103 : i32 to index
      %swap3A_105 = arith.index_cast %scan3A_75 : i32 to index
      %swap3A_106 = arith.constant 48 : index
      %swap3A_107 = tpu.vector_load %arg8[%swap3A_104, %swap3A_105, %swap3A_106] {strides = array<i32>} : memref<2x128x128xf32, #tpu.memory_space<vmem>>, vector<1x1x16xf32>,
      %swap3A_108 = vector.shape_cast %swap3A_107 : vector<1x1x16xf32> to vector<16xf32>
      %swap3A_109 = vector.shape_cast %broadcast_in_dim3A_102 : vector<16xf32> to vector<1x1x16xf32>
      tpu.vector_store %arg8[%swap3A_104, %swap3A_105, %swap3A_106], %swap3A_109 {strides = array<i32>} : memref<2x128x128xf32, #tpu.memory_space<vmem>>, vector<1x1x16xf32>,
      %broadcast_in_dim3A_110 = arith.constant 0.000000e+00 : f32
      %broadcast_in_dim3A_111 = vector.broadcast %broadcast_in_dim3A_110 : f32 to vector<16xf32>
      %swap3A_112 = arith.constant 0 : i32
      %swap3A_113 = arith.index_cast %swap3A_112 : i32 to index
      %swap3A_114 = arith.index_cast %scan3A_75 : i32 to index
      %swap3A_115 = arith.constant 64 : index
      %swap3A_116 = tpu.vector_load %arg8[%swap3A_113, %swap3A_114, %swap3A_115] {strides = array<i32>} : memref<2x128x128xf32, #tpu.memory_space<vmem>>, vector<1x1x16xf32>,
      %swap3A_117 = vector.shape_cast %swap3A_116 : vector<1x1x16xf32> to vector<16xf32>
      %swap3A_118 = vector.shape_cast %broadcast_in_dim3A_111 : vector<16xf32> to vector<1x1x16xf32>
      tpu.vector_store %arg8[%swap3A_113, %swap3A_114, %swap3A_115], %swap3A_118 {strides = array<i32>} : memref<2x128x128xf32, #tpu.memory_space<vmem>>, vector<1x1x16xf32>,
      %broadcast_in_dim3A_119 = arith.constant 0.000000e+00 : f32
      %broadcast_in_dim3A_120 = vector.broadcast %broadcast_in_dim3A_119 : f32 to vector<16xf32>
      %swap3A_121 = arith.constant 0 : i32
      %swap3A_122 = arith.index_cast %swap3A_121 : i32 to index
      %swap3A_123 = arith.index_cast %scan3A_75 : i32 to index
      %swap3A_124 = arith.constant 80 : index
      %swap3A_125 = tpu.vector_load %arg8[%swap3A_122, %swap3A_123, %swap3A_124] {strides = array<i32>} : memref<2x128x128xf32, #tpu.memory_space<vmem>>, vector<1x1x16xf32>,
      %swap3A_126 = vector.shape_cast %swap3A_125 : vector<1x1x16xf32> to vector<16xf32>
      %swap3A_127 = vector.shape_cast %broadcast_in_dim3A_120 : vector<16xf32> to vector<1x1x16xf32>
      tpu.vector_store %arg8[%swap3A_122, %swap3A_123, %swap3A_124], %swap3A_127 {strides = array<i32>} : memref<2x128x128xf32, #tpu.memory_space<vmem>>, vector<1x1x16xf32>,
      %broadcast_in_dim3A_128 = arith.constant 0.000000e+00 : f32
      %broadcast_in_dim3A_129 = vector.broadcast %broadcast_in_dim3A_128 : f32 to vector<16xf32>
      %swap3A_130 = arith.constant 0 : i32
      %swap3A_131 = arith.index_cast %swap3A_130 : i32 to index
      %swap3A_132 = arith.index_cast %scan3A_75 : i32 to index
      %swap3A_133 = arith.constant 96 : index
      %swap3A_134 = tpu.vector_load %arg8[%swap3A_131, %swap3A_132, %swap3A_133] {strides = array<i32>} : memref<2x128x128xf32, #tpu.memory_space<vmem>>, vector<1x1x16xf32>,
      %swap3A_135 = vector.shape_cast %swap3A_134 : vector<1x1x16xf32> to vector<16xf32>
      %swap3A_136 = vector.shape_cast %broadcast_in_dim3A_129 : vector<16xf32> to vector<1x1x16xf32>
      tpu.vector_store %arg8[%swap3A_131, %swap3A_132, %swap3A_133], %swap3A_136 {strides = array<i32>} : memref<2x128x128xf32, #tpu.memory_space<vmem>>, vector<1x1x16xf32>,
      %broadcast_in_dim3A_137 = arith.constant 0.000000e+00 : f32
      %broadcast_in_dim3A_138 = vector.broadcast %broadcast_in_dim3A_137 : f32 to vector<16xf32>
      %swap3A_139 = arith.constant 0 : i32
      %swap3A_140 = arith.index_cast %swap3A_139 : i32 to index
      %swap3A_141 = arith.index_cast %scan3A_75 : i32 to index
      %swap3A_142 = arith.constant 112 : index
      %swap3A_143 = tpu.vector_load %arg8[%swap3A_140, %swap3A_141, %swap3A_142] {strides = array<i32>} : memref<2x128x128xf32, #tpu.memory_space<vmem>>, vector<1x1x16xf32>,
      %swap3A_144 = vector.shape_cast %swap3A_143 : vector<1x1x16xf32> to vector<16xf32>
      %swap3A_145 = vector.shape_cast %broadcast_in_dim3A_138 : vector<16xf32> to vector<1x1x16xf32>
      tpu.vector_store %arg8[%swap3A_140, %swap3A_141, %swap3A_142], %swap3A_145 {strides = array<i32>} : memref<2x128x128xf32, #tpu.memory_space<vmem>>, vector<1x1x16xf32>,
    }
    %scan3A_4 = arith.constant 128 : i32
    %mul3A = arith.constant 640 : i32
    %mul3A_5 = arith.muli %arg1, %mul3A : i32
    %add3A = arith.constant 0 : i32
    %add3A_6 = arith.addi %mul3A_5, %add3A : i32
    %run_scoped3A = arith.constant 0 : i32
    "tpu.region"() ({
      %run_scoped3A_75 = tpu.sem_alloc : memref<!tpu.dma_semaphore, #tpu.memory_space<semaphore_mem>>
      %dma_start3A = arith.constant 0 : i32
      %dma_start3A_76 = arith.constant 0 : i32
      %dma_start3A_77 = tpu.memref_slice %arg8[%run_scoped3A, %dma_start3A, %dma_start3A_76] : memref<2x128x128xf32, #tpu.memory_space<vmem>> -> memref<1x128x128xf32, #tpu.memory_space<vmem>>
      %dma_start3A_78 = tpu.memref_squeeze %dma_start3A_77 : memref<1x128x128xf32, #tpu.memory_space<vmem>> -> memref<128x128xf32, #tpu.memory_space<vmem>>
      %dma_start3A_79 = arith.constant 0 : i32
      %dma_start3A_80 = tpu.memref_slice %arg9[%add3A_6, %dma_start3A_79] : memref<10240x128xf32, #tpu.memory_space<vmem_shared>> -> memref<128x128xf32, #tpu.memory_space<vmem_shared>>
      %dma_start3A_81 = arith.constant 0 : i32
      %dma_start3A_82 = tpu.memref_slice %arg9[%add3A_6, %dma_start3A_81] : memref<10240x128xf32, #tpu.memory_space<vmem_shared>> -> memref<128x128xf32, #tpu.memory_space<vmem_shared>>
      %dma_start3A_83 = arith.constant 0 : i32
      %dma_start3A_84 = arith.constant 0 : i32
      %dma_start3A_85 = tpu.memref_slice %arg8[%run_scoped3A, %dma_start3A_83, %dma_start3A_84] : memref<2x128x128xf32, #tpu.memory_space<vmem>> -> memref<1x128x128xf32, #tpu.memory_space<vmem>>
      %dma_start3A_86 = tpu.memref_squeeze %dma_start3A_85 : memref<1x128x128xf32, #tpu.memory_space<vmem>> -> memref<128x128xf32, #tpu.memory_space<vmem>>
      tpu.enqueue_dma source(%dma_start3A_86 : memref<128x128xf32, #tpu.memory_space<vmem>>) target(%dma_start3A_82 : memref<128x128xf32, #tpu.memory_space<vmem_shared>>) target_semaphore(%run_scoped3A_75 : memref<!tpu.dma_semaphore, #tpu.memory_space<semaphore_mem>>)
      %dma_wait3A = arith.constant 0 : i32
      %dma_wait3A_87 = arith.constant 0 : i32
      %dma_wait3A_88 = tpu.memref_slice %arg8[%run_scoped3A, %dma_wait3A, %dma_wait3A_87] : memref<2x128x128xf32, #tpu.memory_space<vmem>> -> memref<1x128x128xf32, #tpu.memory_space<vmem>>
      %dma_wait3A_89 = tpu.memref_squeeze %dma_wait3A_88 : memref<1x128x128xf32, #tpu.memory_space<vmem>> -> memref<128x128xf32, #tpu.memory_space<vmem>>
      %dma_wait3A_90 = arith.constant 0 : i32
      %dma_wait3A_91 = tpu.memref_slice %arg9[%add3A_6, %dma_wait3A_90] : memref<10240x128xf32, #tpu.memory_space<vmem_shared>> -> memref<128x128xf32, #tpu.memory_space<vmem_shared>>
      %dma_wait3A_92 = arith.constant 0 : i32
      %dma_wait3A_93 = tpu.memref_slice %arg9[%add3A_6, %dma_wait3A_92] : memref<10240x128xf32, #tpu.memory_space<vmem_shared>> -> memref<128x128xf32, #tpu.memory_space<vmem_shared>>
      %dma_wait3A_94 = arith.constant 0 : i32
      %dma_wait3A_95 = arith.constant 0 : i32
      %dma_wait3A_96 = tpu.memref_slice %arg8[%run_scoped3A, %dma_wait3A_94, %dma_wait3A_95] : memref<2x128x128xf32, #tpu.memory_space<vmem>> -> memref<1x128x128xf32, #tpu.memory_space<vmem>>
      %dma_wait3A_97 = tpu.memref_squeeze %dma_wait3A_96 : memref<1x128x128xf32, #tpu.memory_space<vmem>> -> memref<128x128xf32, #tpu.memory_space<vmem>>
      tpu.wait_dma2 semaphore(%run_scoped3A_75 : memref<!tpu.dma_semaphore, #tpu.memory_space<semaphore_mem>>) src(%dma_wait3A_97 : memref<128x128xf32, #tpu.memory_space<vmem>>) dst(%dma_wait3A_93 : memref<128x128xf32, #tpu.memory_space<vmem_shared>>)
      tpu.yield
    }) : () -> ()
    %mul3A_7 = arith.constant 640 : i32
    %mul3A_8 = arith.muli %arg1, %mul3A_7 : i32
    %add3A_9 = arith.constant 128 : i32
    %add3A_10 = arith.addi %mul3A_8, %add3A_9 : i32
    %run_scoped3A_11 = arith.constant 0 : i32
    "tpu.region"() ({
      %run_scoped3A_75 = tpu.sem_alloc : memref<!tpu.dma_semaphore, #tpu.memory_space<semaphore_mem>>
      %dma_start3A = arith.constant 0 : i32
      %dma_start3A_76 = arith.constant 0 : i32
      %dma_start3A_77 = tpu.memref_slice %arg8[%run_scoped3A_11, %dma_start3A, %dma_start3A_76] : memref<2x128x128xf32, #tpu.memory_space<vmem>> -> memref<1x128x128xf32, #tpu.memory_space<vmem>>
      %dma_start3A_78 = tpu.memref_squeeze %dma_start3A_77 : memref<1x128x128xf32, #tpu.memory_space<vmem>> -> memref<128x128xf32, #tpu.memory_space<vmem>>
      %dma_start3A_79 = arith.constant 0 : i32
      %dma_start3A_80 = tpu.memref_slice %arg9[%add3A_10, %dma_start3A_79] : memref<10240x128xf32, #tpu.memory_space<vmem_shared>> -> memref<128x128xf32, #tpu.memory_space<vmem_shared>>
      %dma_start3A_81 = arith.constant 0 : i32
      %dma_start3A_82 = tpu.memref_slice %arg9[%add3A_10, %dma_start3A_81] : memref<10240x128xf32, #tpu.memory_space<vmem_shared>> -> memref<128x128xf32, #tpu.memory_space<vmem_shared>>
      %dma_start3A_83 = arith.constant 0 : i32
      %dma_start3A_84 = arith.constant 0 : i32
      %dma_start3A_85 = tpu.memref_slice %arg8[%run_scoped3A_11, %dma_start3A_83, %dma_start3A_84] : memref<2x128x128xf32, #tpu.memory_space<vmem>> -> memref<1x128x128xf32, #tpu.memory_space<vmem>>
      %dma_start3A_86 = tpu.memref_squeeze %dma_start3A_85 : memref<1x128x128xf32, #tpu.memory_space<vmem>> -> memref<128x128xf32, #tpu.memory_space<vmem>>
      tpu.enqueue_dma source(%dma_start3A_86 : memref<128x128xf32, #tpu.memory_space<vmem>>) target(%dma_start3A_82 : memref<128x128xf32, #tpu.memory_space<vmem_shared>>) target_semaphore(%run_scoped3A_75 : memref<!tpu.dma_semaphore, #tpu.memory_space<semaphore_mem>>)
      %dma_wait3A = arith.constant 0 : i32
      %dma_wait3A_87 = arith.constant 0 : i32
      %dma_wait3A_88 = tpu.memref_slice %arg8[%run_scoped3A_11, %dma_wait3A, %dma_wait3A_87] : memref<2x128x128xf32, #tpu.memory_space<vmem>> -> memref<1x128x128xf32, #tpu.memory_space<vmem>>
      %dma_wait3A_89 = tpu.memref_squeeze %dma_wait3A_88 : memref<1x128x128xf32, #tpu.memory_space<vmem>> -> memref<128x128xf32, #tpu.memory_space<vmem>>
      %dma_wait3A_90 = arith.constant 0 : i32
      %dma_wait3A_91 = tpu.memref_slice %arg9[%add3A_10, %dma_wait3A_90] : memref<10240x128xf32, #tpu.memory_space<vmem_shared>> -> memref<128x128xf32, #tpu.memory_space<vmem_shared>>
      %dma_wait3A_92 = arith.constant 0 : i32
      %dma_wait3A_93 = tpu.memref_slice %arg9[%add3A_10, %dma_wait3A_92] : memref<10240x128xf32, #tpu.memory_space<vmem_shared>> -> memref<128x128xf32, #tpu.memory_space<vmem_shared>>
      %dma_wait3A_94 = arith.constant 0 : i32
      %dma_wait3A_95 = arith.constant 0 : i32
      %dma_wait3A_96 = tpu.memref_slice %arg8[%run_scoped3A_11, %dma_wait3A_94, %dma_wait3A_95] : memref<2x128x128xf32, #tpu.memory_space<vmem>> -> memref<1x128x128xf32, #tpu.memory_space<vmem>>
      %dma_wait3A_97 = tpu.memref_squeeze %dma_wait3A_96 : memref<1x128x128xf32, #tpu.memory_space<vmem>> -> memref<128x128xf32, #tpu.memory_space<vmem>>
      tpu.wait_dma2 semaphore(%run_scoped3A_75 : memref<!tpu.dma_semaphore, #tpu.memory_space<semaphore_mem>>) src(%dma_wait3A_97 : memref<128x128xf32, #tpu.memory_space<vmem>>) dst(%dma_wait3A_93 : memref<128x128xf32, #tpu.memory_space<vmem_shared>>)
      tpu.yield
    }) : () -> ()
    %mul3A_12 = arith.constant 640 : i32
    %mul3A_13 = arith.muli %arg1, %mul3A_12 : i32
    %add3A_14 = arith.constant 256 : i32
    %add3A_15 = arith.addi %mul3A_13, %add3A_14 : i32
    %run_scoped3A_16 = arith.constant 0 : i32
    "tpu.region"() ({
      %run_scoped3A_75 = tpu.sem_alloc : memref<!tpu.dma_semaphore, #tpu.memory_space<semaphore_mem>>
      %dma_start3A = arith.constant 0 : i32
      %dma_start3A_76 = arith.constant 0 : i32
      %dma_start3A_77 = tpu.memref_slice %arg8[%run_scoped3A_16, %dma_start3A, %dma_start3A_76] : memref<2x128x128xf32, #tpu.memory_space<vmem>> -> memref<1x128x128xf32, #tpu.memory_space<vmem>>
      %dma_start3A_78 = tpu.memref_squeeze %dma_start3A_77 : memref<1x128x128xf32, #tpu.memory_space<vmem>> -> memref<128x128xf32, #tpu.memory_space<vmem>>
      %dma_start3A_79 = arith.constant 0 : i32
      %dma_start3A_80 = tpu.memref_slice %arg9[%add3A_15, %dma_start3A_79] : memref<10240x128xf32, #tpu.memory_space<vmem_shared>> -> memref<128x128xf32, #tpu.memory_space<vmem_shared>>
      %dma_start3A_81 = arith.constant 0 : i32
      %dma_start3A_82 = tpu.memref_slice %arg9[%add3A_15, %dma_start3A_81] : memref<10240x128xf32, #tpu.memory_space<vmem_shared>> -> memref<128x128xf32, #tpu.memory_space<vmem_shared>>
      %dma_start3A_83 = arith.constant 0 : i32
      %dma_start3A_84 = arith.constant 0 : i32
      %dma_start3A_85 = tpu.memref_slice %arg8[%run_scoped3A_16, %dma_start3A_83, %dma_start3A_84] : memref<2x128x128xf32, #tpu.memory_space<vmem>> -> memref<1x128x128xf32, #tpu.memory_space<vmem>>
      %dma_start3A_86 = tpu.memref_squeeze %dma_start3A_85 : memref<1x128x128xf32, #tpu.memory_space<vmem>> -> memref<128x128xf32, #tpu.memory_space<vmem>>
      tpu.enqueue_dma source(%dma_start3A_86 : memref<128x128xf32, #tpu.memory_space<vmem>>) target(%dma_start3A_82 : memref<128x128xf32, #tpu.memory_space<vmem_shared>>) target_semaphore(%run_scoped3A_75 : memref<!tpu.dma_semaphore, #tpu.memory_space<semaphore_mem>>)
      %dma_wait3A = arith.constant 0 : i32
      %dma_wait3A_87 = arith.constant 0 : i32
      %dma_wait3A_88 = tpu.memref_slice %arg8[%run_scoped3A_16, %dma_wait3A, %dma_wait3A_87] : memref<2x128x128xf32, #tpu.memory_space<vmem>> -> memref<1x128x128xf32, #tpu.memory_space<vmem>>
      %dma_wait3A_89 = tpu.memref_squeeze %dma_wait3A_88 : memref<1x128x128xf32, #tpu.memory_space<vmem>> -> memref<128x128xf32, #tpu.memory_space<vmem>>
      %dma_wait3A_90 = arith.constant 0 : i32
      %dma_wait3A_91 = tpu.memref_slice %arg9[%add3A_15, %dma_wait3A_90] : memref<10240x128xf32, #tpu.memory_space<vmem_shared>> -> memref<128x128xf32, #tpu.memory_space<vmem_shared>>
      %dma_wait3A_92 = arith.constant 0 : i32
      %dma_wait3A_93 = tpu.memref_slice %arg9[%add3A_15, %dma_wait3A_92] : memref<10240x128xf32, #tpu.memory_space<vmem_shared>> -> memref<128x128xf32, #tpu.memory_space<vmem_shared>>
      %dma_wait3A_94 = arith.constant 0 : i32
      %dma_wait3A_95 = arith.constant 0 : i32
      %dma_wait3A_96 = tpu.memref_slice %arg8[%run_scoped3A_16, %dma_wait3A_94, %dma_wait3A_95] : memref<2x128x128xf32, #tpu.memory_space<vmem>> -> memref<1x128x128xf32, #tpu.memory_space<vmem>>
      %dma_wait3A_97 = tpu.memref_squeeze %dma_wait3A_96 : memref<1x128x128xf32, #tpu.memory_space<vmem>> -> memref<128x128xf32, #tpu.memory_space<vmem>>
      tpu.wait_dma2 semaphore(%run_scoped3A_75 : memref<!tpu.dma_semaphore, #tpu.memory_space<semaphore_mem>>) src(%dma_wait3A_97 : memref<128x128xf32, #tpu.memory_space<vmem>>) dst(%dma_wait3A_93 : memref<128x128xf32, #tpu.memory_space<vmem_shared>>)
      tpu.yield
    }) : () -> ()
    %mul3A_17 = arith.constant 640 : i32
    %mul3A_18 = arith.muli %arg1, %mul3A_17 : i32
    %add3A_19 = arith.constant 384 : i32
    %add3A_20 = arith.addi %mul3A_18, %add3A_19 : i32
    %run_scoped3A_21 = arith.constant 0 : i32
    "tpu.region"() ({
      %run_scoped3A_75 = tpu.sem_alloc : memref<!tpu.dma_semaphore, #tpu.memory_space<semaphore_mem>>
      %dma_start3A = arith.constant 0 : i32
      %dma_start3A_76 = arith.constant 0 : i32
      %dma_start3A_77 = tpu.memref_slice %arg8[%run_scoped3A_21, %dma_start3A, %dma_start3A_76] : memref<2x128x128xf32, #tpu.memory_space<vmem>> -> memref<1x128x128xf32, #tpu.memory_space<vmem>>
      %dma_start3A_78 = tpu.memref_squeeze %dma_start3A_77 : memref<1x128x128xf32, #tpu.memory_space<vmem>> -> memref<128x128xf32, #tpu.memory_space<vmem>>
      %dma_start3A_79 = arith.constant 0 : i32
      %dma_start3A_80 = tpu.memref_slice %arg9[%add3A_20, %dma_start3A_79] : memref<10240x128xf32, #tpu.memory_space<vmem_shared>> -> memref<128x128xf32, #tpu.memory_space<vmem_shared>>
      %dma_start3A_81 = arith.constant 0 : i32
      %dma_start3A_82 = tpu.memref_slice %arg9[%add3A_20, %dma_start3A_81] : memref<10240x128xf32, #tpu.memory_space<vmem_shared>> -> memref<128x128xf32, #tpu.memory_space<vmem_shared>>
      %dma_start3A_83 = arith.constant 0 : i32
      %dma_start3A_84 = arith.constant 0 : i32
      %dma_start3A_85 = tpu.memref_slice %arg8[%run_scoped3A_21, %dma_start3A_83, %dma_start3A_84] : memref<2x128x128xf32, #tpu.memory_space<vmem>> -> memref<1x128x128xf32, #tpu.memory_space<vmem>>
      %dma_start3A_86 = tpu.memref_squeeze %dma_start3A_85 : memref<1x128x128xf32, #tpu.memory_space<vmem>> -> memref<128x128xf32, #tpu.memory_space<vmem>>
      tpu.enqueue_dma source(%dma_start3A_86 : memref<128x128xf32, #tpu.memory_space<vmem>>) target(%dma_start3A_82 : memref<128x128xf32, #tpu.memory_space<vmem_shared>>) target_semaphore(%run_scoped3A_75 : memref<!tpu.dma_semaphore, #tpu.memory_space<semaphore_mem>>)
      %dma_wait3A = arith.constant 0 : i32
      %dma_wait3A_87 = arith.constant 0 : i32
      %dma_wait3A_88 = tpu.memref_slice %arg8[%run_scoped3A_21, %dma_wait3A, %dma_wait3A_87] : memref<2x128x128xf32, #tpu.memory_space<vmem>> -> memref<1x128x128xf32, #tpu.memory_space<vmem>>
      %dma_wait3A_89 = tpu.memref_squeeze %dma_wait3A_88 : memref<1x128x128xf32, #tpu.memory_space<vmem>> -> memref<128x128xf32, #tpu.memory_space<vmem>>
      %dma_wait3A_90 = arith.constant 0 : i32
      %dma_wait3A_91 = tpu.memref_slice %arg9[%add3A_20, %dma_wait3A_90] : memref<10240x128xf32, #tpu.memory_space<vmem_shared>> -> memref<128x128xf32, #tpu.memory_space<vmem_shared>>
      %dma_wait3A_92 = arith.constant 0 : i32
      %dma_wait3A_93 = tpu.memref_slice %arg9[%add3A_20, %dma_wait3A_92] : memref<10240x128xf32, #tpu.memory_space<vmem_shared>> -> memref<128x128xf32, #tpu.memory_space<vmem_shared>>
      %dma_wait3A_94 = arith.constant 0 : i32
      %dma_wait3A_95 = arith.constant 0 : i32
      %dma_wait3A_96 = tpu.memref_slice %arg8[%run_scoped3A_21, %dma_wait3A_94, %dma_wait3A_95] : memref<2x128x128xf32, #tpu.memory_space<vmem>> -> memref<1x128x128xf32, #tpu.memory_space<vmem>>
      %dma_wait3A_97 = tpu.memref_squeeze %dma_wait3A_96 : memref<1x128x128xf32, #tpu.memory_space<vmem>> -> memref<128x128xf32, #tpu.memory_space<vmem>>
      tpu.wait_dma2 semaphore(%run_scoped3A_75 : memref<!tpu.dma_semaphore, #tpu.memory_space<semaphore_mem>>) src(%dma_wait3A_97 : memref<128x128xf32, #tpu.memory_space<vmem>>) dst(%dma_wait3A_93 : memref<128x128xf32, #tpu.memory_space<vmem_shared>>)
      tpu.yield
    }) : () -> ()
    %mul3A_22 = arith.constant 640 : i32
    %mul3A_23 = arith.muli %arg1, %mul3A_22 : i32
    %add3A_24 = arith.constant 512 : i32
    %add3A_25 = arith.addi %mul3A_23, %add3A_24 : i32
    %run_scoped3A_26 = arith.constant 0 : i32
    "tpu.region"() ({
      %run_scoped3A_75 = tpu.sem_alloc : memref<!tpu.dma_semaphore, #tpu.memory_space<semaphore_mem>>
      %dma_start3A = arith.constant 0 : i32
      %dma_start3A_76 = arith.constant 0 : i32
      %dma_start3A_77 = tpu.memref_slice %arg8[%run_scoped3A_26, %dma_start3A, %dma_start3A_76] : memref<2x128x128xf32, #tpu.memory_space<vmem>> -> memref<1x128x128xf32, #tpu.memory_space<vmem>>
      %dma_start3A_78 = tpu.memref_squeeze %dma_start3A_77 : memref<1x128x128xf32, #tpu.memory_space<vmem>> -> memref<128x128xf32, #tpu.memory_space<vmem>>
      %dma_start3A_79 = arith.constant 0 : i32
      %dma_start3A_80 = tpu.memref_slice %arg9[%add3A_25, %dma_start3A_79] : memref<10240x128xf32, #tpu.memory_space<vmem_shared>> -> memref<128x128xf32, #tpu.memory_space<vmem_shared>>
      %dma_start3A_81 = arith.constant 0 : i32
      %dma_start3A_82 = tpu.memref_slice %arg9[%add3A_25, %dma_start3A_81] : memref<10240x128xf32, #tpu.memory_space<vmem_shared>> -> memref<128x128xf32, #tpu.memory_space<vmem_shared>>
      %dma_start3A_83 = arith.constant 0 : i32
      %dma_start3A_84 = arith.constant 0 : i32
      %dma_start3A_85 = tpu.memref_slice %arg8[%run_scoped3A_26, %dma_start3A_83, %dma_start3A_84] : memref<2x128x128xf32, #tpu.memory_space<vmem>> -> memref<1x128x128xf32, #tpu.memory_space<vmem>>
      %dma_start3A_86 = tpu.memref_squeeze %dma_start3A_85 : memref<1x128x128xf32, #tpu.memory_space<vmem>> -> memref<128x128xf32, #tpu.memory_space<vmem>>
      tpu.enqueue_dma source(%dma_start3A_86 : memref<128x128xf32, #tpu.memory_space<vmem>>) target(%dma_start3A_82 : memref<128x128xf32, #tpu.memory_space<vmem_shared>>) target_semaphore(%run_scoped3A_75 : memref<!tpu.dma_semaphore, #tpu.memory_space<semaphore_mem>>)
      %dma_wait3A = arith.constant 0 : i32
      %dma_wait3A_87 = arith.constant 0 : i32
      %dma_wait3A_88 = tpu.memref_slice %arg8[%run_scoped3A_26, %dma_wait3A, %dma_wait3A_87] : memref<2x128x128xf32, #tpu.memory_space<vmem>> -> memref<1x128x128xf32, #tpu.memory_space<vmem>>
      %dma_wait3A_89 = tpu.memref_squeeze %dma_wait3A_88 : memref<1x128x128xf32, #tpu.memory_space<vmem>> -> memref<128x128xf32, #tpu.memory_space<vmem>>
      %dma_wait3A_90 = arith.constant 0 : i32
      %dma_wait3A_91 = tpu.memref_slice %arg9[%add3A_25, %dma_wait3A_90] : memref<10240x128xf32, #tpu.memory_space<vmem_shared>> -> memref<128x128xf32, #tpu.memory_space<vmem_shared>>
      %dma_wait3A_92 = arith.constant 0 : i32
      %dma_wait3A_93 = tpu.memref_slice %arg9[%add3A_25, %dma_wait3A_92] : memref<10240x128xf32, #tpu.memory_space<vmem_shared>> -> memref<128x128xf32, #tpu.memory_space<vmem_shared>>
      %dma_wait3A_94 = arith.constant 0 : i32
      %dma_wait3A_95 = arith.constant 0 : i32
      %dma_wait3A_96 = tpu.memref_slice %arg8[%run_scoped3A_26, %dma_wait3A_94, %dma_wait3A_95] : memref<2x128x128xf32, #tpu.memory_space<vmem>> -> memref<1x128x128xf32, #tpu.memory_space<vmem>>
      %dma_wait3A_97 = tpu.memref_squeeze %dma_wait3A_96 : memref<1x128x128xf32, #tpu.memory_space<vmem>> -> memref<128x128xf32, #tpu.memory_space<vmem>>
      tpu.wait_dma2 semaphore(%run_scoped3A_75 : memref<!tpu.dma_semaphore, #tpu.memory_space<semaphore_mem>>) src(%dma_wait3A_97 : memref<128x128xf32, #tpu.memory_space<vmem>>) dst(%dma_wait3A_93 : memref<128x128xf32, #tpu.memory_space<vmem_shared>>)
      tpu.yield
    }) : () -> ()
    %barrier3A = arith.constant 0 : index
    tpu.barrier barrier_id(%barrier3A)
    %eq3A = arith.constant 0 : i32
    %eq3A_27 = arith.cmpi eq, %arg0, %eq3A : i32
    %convert_element_type3A = arith.extui %eq3A_27 : i1 to i32
    %cond3A = arith.constant 0 : i32
    %cond3A_28 = arith.cmpi ne, %convert_element_type3A, %cond3A : i32
    scf.if %cond3A_28 {
      %mul3A_75 = arith.constant 150 : i32
      %mul3A_76 = arith.muli %arg1, %mul3A_75 : i32
      %add3A_77 = arith.constant 0 : i32
      %add3A_78 = arith.addi %mul3A_76, %add3A_77 : i32
      %dma_start3A = arith.constant 0 : i32
      %dma_start3A_79 = arith.constant 0 : i32
      %dma_start3A_80 = arith.constant 0 : i32
      %dma_start3A_81 = arith.constant 0 : i32
      %dma_start3A_82 = tpu.memref_slice %arg6[%dma_start3A, %dma_start3A_80, %dma_start3A_81] : memref<2x1x128xi32, #tpu.memory_space<vmem>> -> memref<1x1x128xi32, #tpu.memory_space<vmem>>
      %dma_start3A_83 = tpu.memref_squeeze %dma_start3A_82 : memref<1x1x128xi32, #tpu.memory_space<vmem>> -> memref<1x128xi32, #tpu.memory_space<vmem>>
      %dma_start3A_84 = arith.constant 0 : i32
      %dma_start3A_85 = arith.constant 0 : i32
      %dma_start3A_86 = tpu.memref_slice %arg2[%add3A_78, %dma_start3A_84, %dma_start3A_85] : memref<2560x1x128xi32, #tpu.memory_space<hbm>> -> memref<1x1x128xi32, #tpu.memory_space<hbm>>
      %dma_start3A_87 = tpu.memref_squeeze %dma_start3A_86 : memref<1x1x128xi32, #tpu.memory_space<hbm>> -> memref<1x128xi32, #tpu.memory_space<hbm>>
      %dma_start3A_88 = tpu.memref_slice %arg10[%dma_start3A_79] : memref<2x!tpu.dma_semaphore, #tpu.memory_space<semaphore_mem>> -> memref<1x!tpu.dma_semaphore, #tpu.memory_space<semaphore_mem>>
      %dma_start3A_89 = tpu.memref_squeeze %dma_start3A_88 : memref<1x!tpu.dma_semaphore, #tpu.memory_space<semaphore_mem>> -> memref<!tpu.dma_semaphore, #tpu.memory_space<semaphore_mem>>
      %dma_start3A_90 = arith.constant 0 : i32
      %dma_start3A_91 = arith.constant 0 : i32
      %dma_start3A_92 = tpu.memref_slice %arg6[%dma_start3A, %dma_start3A_90, %dma_start3A_91] : memref<2x1x128xi32, #tpu.memory_space<vmem>> -> memref<1x1x128xi32, #tpu.memory_space<vmem>>
      %dma_start3A_93 = tpu.memref_squeeze %dma_start3A_92 : memref<1x1x128xi32, #tpu.memory_space<vmem>> -> memref<1x128xi32, #tpu.memory_space<vmem>>
      %dma_start3A_94 = arith.constant 0 : i32
      %dma_start3A_95 = arith.constant 0 : i32
      %dma_start3A_96 = tpu.memref_slice %arg2[%add3A_78, %dma_start3A_94, %dma_start3A_95] : memref<2560x1x128xi32, #tpu.memory_space<hbm>> -> memref<1x1x128xi32, #tpu.memory_space<hbm>>
      %dma_start3A_97 = tpu.memref_squeeze %dma_start3A_96 : memref<1x1x128xi32, #tpu.memory_space<hbm>> -> memref<1x128xi32, #tpu.memory_space<hbm>>
      tpu.enqueue_dma source(%dma_start3A_97 : memref<1x128xi32, #tpu.memory_space<hbm>>) target(%dma_start3A_93 : memref<1x128xi32, #tpu.memory_space<vmem>>) target_semaphore(%dma_start3A_89 : memref<!tpu.dma_semaphore, #tpu.memory_space<semaphore_mem>>)
      %add3A_98 = arith.constant 0 : i32
      %add3A_99 = arith.addi %mul3A_76, %add3A_98 : i32
      %dma_start3A_100 = arith.constant 0 : i32
      %dma_start3A_101 = arith.constant 0 : i32
      %dma_start3A_102 = arith.constant 0 : i32
      %dma_start3A_103 = arith.constant 0 : i32
      %dma_start3A_104 = tpu.memref_slice %arg7[%dma_start3A_100, %dma_start3A_102, %dma_start3A_103] : memref<2x1x128xi32, #tpu.memory_space<vmem>> -> memref<1x1x128xi32, #tpu.memory_space<vmem>>
      %dma_start3A_105 = tpu.memref_squeeze %dma_start3A_104 : memref<1x1x128xi32, #tpu.memory_space<vmem>> -> memref<1x128xi32, #tpu.memory_space<vmem>>
      %dma_start3A_106 = arith.constant 0 : i32
      %dma_start3A_107 = arith.constant 0 : i32
      %dma_start3A_108 = tpu.memref_slice %arg3[%add3A_99, %dma_start3A_106, %dma_start3A_107] : memref<2560x1x128xi32, #tpu.memory_space<hbm>> -> memref<1x1x128xi32, #tpu.memory_space<hbm>>
      %dma_start3A_109 = tpu.memref_squeeze %dma_start3A_108 : memref<1x1x128xi32, #tpu.memory_space<hbm>> -> memref<1x128xi32, #tpu.memory_space<hbm>>
      %dma_start3A_110 = tpu.memref_slice %arg11[%dma_start3A_101] : memref<2x!tpu.dma_semaphore, #tpu.memory_space<semaphore_mem>> -> memref<1x!tpu.dma_semaphore, #tpu.memory_space<semaphore_mem>>
      %dma_start3A_111 = tpu.memref_squeeze %dma_start3A_110 : memref<1x!tpu.dma_semaphore, #tpu.memory_space<semaphore_mem>> -> memref<!tpu.dma_semaphore, #tpu.memory_space<semaphore_mem>>
      %dma_start3A_112 = arith.constant 0 : i32
      %dma_start3A_113 = arith.constant 0 : i32
      %dma_start3A_114 = tpu.memref_slice %arg7[%dma_start3A_100, %dma_start3A_112, %dma_start3A_113] : memref<2x1x128xi32, #tpu.memory_space<vmem>> -> memref<1x1x128xi32, #tpu.memory_space<vmem>>
      %dma_start3A_115 = tpu.memref_squeeze %dma_start3A_114 : memref<1x1x128xi32, #tpu.memory_space<vmem>> -> memref<1x128xi32, #tpu.memory_space<vmem>>
      %dma_start3A_116 = arith.constant 0 : i32
      %dma_start3A_117 = arith.constant 0 : i32
      %dma_start3A_118 = tpu.memref_slice %arg3[%add3A_99, %dma_start3A_116, %dma_start3A_117] : memref<2560x1x128xi32, #tpu.memory_space<hbm>> -> memref<1x1x128xi32, #tpu.memory_space<hbm>>
      %dma_start3A_119 = tpu.memref_squeeze %dma_start3A_118 : memref<1x1x128xi32, #tpu.memory_space<hbm>> -> memref<1x128xi32, #tpu.memory_space<hbm>>
      tpu.enqueue_dma source(%dma_start3A_119 : memref<1x128xi32, #tpu.memory_space<hbm>>) target(%dma_start3A_115 : memref<1x128xi32, #tpu.memory_space<vmem>>) target_semaphore(%dma_start3A_111 : memref<!tpu.dma_semaphore, #tpu.memory_space<semaphore_mem>>)
      %add3A_120 = arith.constant 1 : i32
      %add3A_121 = arith.addi %mul3A_76, %add3A_120 : i32
      %dma_start3A_122 = arith.constant 1 : i32
      %dma_start3A_123 = arith.constant 1 : i32
      %dma_start3A_124 = arith.constant 0 : i32
      %dma_start3A_125 = arith.constant 0 : i32
      %dma_start3A_126 = tpu.memref_slice %arg6[%dma_start3A_122, %dma_start3A_124, %dma_start3A_125] : memref<2x1x128xi32, #tpu.memory_space<vmem>> -> memref<1x1x128xi32, #tpu.memory_space<vmem>>
      %dma_start3A_127 = tpu.memref_squeeze %dma_start3A_126 : memref<1x1x128xi32, #tpu.memory_space<vmem>> -> memref<1x128xi32, #tpu.memory_space<vmem>>
      %dma_start3A_128 = arith.constant 0 : i32
      %dma_start3A_129 = arith.constant 0 : i32
      %dma_start3A_130 = tpu.memref_slice %arg2[%add3A_121, %dma_start3A_128, %dma_start3A_129] : memref<2560x1x128xi32, #tpu.memory_space<hbm>> -> memref<1x1x128xi32, #tpu.memory_space<hbm>>
      %dma_start3A_131 = tpu.memref_squeeze %dma_start3A_130 : memref<1x1x128xi32, #tpu.memory_space<hbm>> -> memref<1x128xi32, #tpu.memory_space<hbm>>
      %dma_start3A_132 = tpu.memref_slice %arg10[%dma_start3A_123] : memref<2x!tpu.dma_semaphore, #tpu.memory_space<semaphore_mem>> -> memref<1x!tpu.dma_semaphore, #tpu.memory_space<semaphore_mem>>
      %dma_start3A_133 = tpu.memref_squeeze %dma_start3A_132 : memref<1x!tpu.dma_semaphore, #tpu.memory_space<semaphore_mem>> -> memref<!tpu.dma_semaphore, #tpu.memory_space<semaphore_mem>>
      %dma_start3A_134 = arith.constant 0 : i32
      %dma_start3A_135 = arith.constant 0 : i32
      %dma_start3A_136 = tpu.memref_slice %arg6[%dma_start3A_122, %dma_start3A_134, %dma_start3A_135] : memref<2x1x128xi32, #tpu.memory_space<vmem>> -> memref<1x1x128xi32, #tpu.memory_space<vmem>>
      %dma_start3A_137 = tpu.memref_squeeze %dma_start3A_136 : memref<1x1x128xi32, #tpu.memory_space<vmem>> -> memref<1x128xi32, #tpu.memory_space<vmem>>
      %dma_start3A_138 = arith.constant 0 : i32
      %dma_start3A_139 = arith.constant 0 : i32
      %dma_start3A_140 = tpu.memref_slice %arg2[%add3A_121, %dma_start3A_138, %dma_start3A_139] : memref<2560x1x128xi32, #tpu.memory_space<hbm>> -> memref<1x1x128xi32, #tpu.memory_space<hbm>>
      %dma_start3A_141 = tpu.memref_squeeze %dma_start3A_140 : memref<1x1x128xi32, #tpu.memory_space<hbm>> -> memref<1x128xi32, #tpu.memory_space<hbm>>
      tpu.enqueue_dma source(%dma_start3A_141 : memref<1x128xi32, #tpu.memory_space<hbm>>) target(%dma_start3A_137 : memref<1x128xi32, #tpu.memory_space<vmem>>) target_semaphore(%dma_start3A_133 : memref<!tpu.dma_semaphore, #tpu.memory_space<semaphore_mem>>)
      %add3A_142 = arith.constant 1 : i32
      %add3A_143 = arith.addi %mul3A_76, %add3A_142 : i32
      %dma_start3A_144 = arith.constant 1 : i32
      %dma_start3A_145 = arith.constant 1 : i32
      %dma_start3A_146 = arith.constant 0 : i32
      %dma_start3A_147 = arith.constant 0 : i32
      %dma_start3A_148 = tpu.memref_slice %arg7[%dma_start3A_144, %dma_start3A_146, %dma_start3A_147] : memref<2x1x128xi32, #tpu.memory_space<vmem>> -> memref<1x1x128xi32, #tpu.memory_space<vmem>>
      %dma_start3A_149 = tpu.memref_squeeze %dma_start3A_148 : memref<1x1x128xi32, #tpu.memory_space<vmem>> -> memref<1x128xi32, #tpu.memory_space<vmem>>
      %dma_start3A_150 = arith.constant 0 : i32
      %dma_start3A_151 = arith.constant 0 : i32
      %dma_start3A_152 = tpu.memref_slice %arg3[%add3A_143, %dma_start3A_150, %dma_start3A_151] : memref<2560x1x128xi32, #tpu.memory_space<hbm>> -> memref<1x1x128xi32, #tpu.memory_space<hbm>>
      %dma_start3A_153 = tpu.memref_squeeze %dma_start3A_152 : memref<1x1x128xi32, #tpu.memory_space<hbm>> -> memref<1x128xi32, #tpu.memory_space<hbm>>
      %dma_start3A_154 = tpu.memref_slice %arg11[%dma_start3A_145] : memref<2x!tpu.dma_semaphore, #tpu.memory_space<semaphore_mem>> -> memref<1x!tpu.dma_semaphore, #tpu.memory_space<semaphore_mem>>
      %dma_start3A_155 = tpu.memref_squeeze %dma_start3A_154 : memref<1x!tpu.dma_semaphore, #tpu.memory_space<semaphore_mem>> -> memref<!tpu.dma_semaphore, #tpu.memory_space<semaphore_mem>>
      %dma_start3A_156 = arith.constant 0 : i32
      %dma_start3A_157 = arith.constant 0 : i32
      %dma_start3A_158 = tpu.memref_slice %arg7[%dma_start3A_144, %dma_start3A_156, %dma_start3A_157] : memref<2x1x128xi32, #tpu.memory_space<vmem>> -> memref<1x1x128xi32, #tpu.memory_space<vmem>>
      %dma_start3A_159 = tpu.memref_squeeze %dma_start3A_158 : memref<1x1x128xi32, #tpu.memory_space<vmem>> -> memref<1x128xi32, #tpu.memory_space<vmem>>
      %dma_start3A_160 = arith.constant 0 : i32
      %dma_start3A_161 = arith.constant 0 : i32
      %dma_start3A_162 = tpu.memref_slice %arg3[%add3A_143, %dma_start3A_160, %dma_start3A_161] : memref<2560x1x128xi32, #tpu.memory_space<hbm>> -> memref<1x1x128xi32, #tpu.memory_space<hbm>>
      %dma_start3A_163 = tpu.memref_squeeze %dma_start3A_162 : memref<1x1x128xi32, #tpu.memory_space<hbm>> -> memref<1x128xi32, #tpu.memory_space<hbm>>
      tpu.enqueue_dma source(%dma_start3A_163 : memref<1x128xi32, #tpu.memory_space<hbm>>) target(%dma_start3A_159 : memref<1x128xi32, #tpu.memory_space<vmem>>) target_semaphore(%dma_start3A_155 : memref<!tpu.dma_semaphore, #tpu.memory_space<semaphore_mem>>)
      %scan3A_164 = arith.constant 0 : i32
      %scan3A_165 = arith.constant 0 : i32
      %scan3A_166 = arith.constant 75 : i32
      %scan3A_167 = arith.addi %scan3A_165, %scan3A_166 : i32
      %scan3A_168 = arith.constant 1 : i32
      scf.for %scan3A_170 = %scan3A_165 to %scan3A_167 step %scan3A_168  : i32 {
        %mul3A_171 = arith.constant 2 : i32
        %mul3A_172 = arith.muli %scan3A_170, %mul3A_171 : i32
        %add3A_173 = arith.addi %mul3A_76, %mul3A_172 : i32
        %add3A_174 = arith.constant 0 : i32
        %add3A_175 = arith.addi %add3A_173, %add3A_174 : i32
        %dma_wait3A = arith.constant 0 : i32
        %dma_wait3A_176 = arith.constant 0 : i32
        %dma_wait3A_177 = arith.constant 0 : i32
        %dma_wait3A_178 = arith.constant 0 : i32
        %dma_wait3A_179 = tpu.memref_slice %arg6[%dma_wait3A, %dma_wait3A_177, %dma_wait3A_178] : memref<2x1x128xi32, #tpu.memory_space<vmem>> -> memref<1x1x128xi32, #tpu.memory_space<vmem>>
        %dma_wait3A_180 = tpu.memref_squeeze %dma_wait3A_179 : memref<1x1x128xi32, #tpu.memory_space<vmem>> -> memref<1x128xi32, #tpu.memory_space<vmem>>
        %dma_wait3A_181 = arith.constant 0 : i32
        %dma_wait3A_182 = arith.constant 0 : i32
        %dma_wait3A_183 = tpu.memref_slice %arg2[%add3A_175, %dma_wait3A_181, %dma_wait3A_182] : memref<2560x1x128xi32, #tpu.memory_space<hbm>> -> memref<1x1x128xi32, #tpu.memory_space<hbm>>
        %dma_wait3A_184 = tpu.memref_squeeze %dma_wait3A_183 : memref<1x1x128xi32, #tpu.memory_space<hbm>> -> memref<1x128xi32, #tpu.memory_space<hbm>>
        %dma_wait3A_185 = tpu.memref_slice %arg10[%dma_wait3A_176] : memref<2x!tpu.dma_semaphore, #tpu.memory_space<semaphore_mem>> -> memref<1x!tpu.dma_semaphore, #tpu.memory_space<semaphore_mem>>
        %dma_wait3A_186 = tpu.memref_squeeze %dma_wait3A_185 : memref<1x!tpu.dma_semaphore, #tpu.memory_space<semaphore_mem>> -> memref<!tpu.dma_semaphore, #tpu.memory_space<semaphore_mem>>
        %dma_wait3A_187 = arith.constant 0 : i32
        %dma_wait3A_188 = arith.constant 0 : i32
        %dma_wait3A_189 = tpu.memref_slice %arg6[%dma_wait3A, %dma_wait3A_187, %dma_wait3A_188] : memref<2x1x128xi32, #tpu.memory_space<vmem>> -> memref<1x1x128xi32, #tpu.memory_space<vmem>>
        %dma_wait3A_190 = tpu.memref_squeeze %dma_wait3A_189 : memref<1x1x128xi32, #tpu.memory_space<vmem>> -> memref<1x128xi32, #tpu.memory_space<vmem>>
        %dma_wait3A_191 = arith.constant 0 : i32
        %dma_wait3A_192 = arith.constant 0 : i32
        %dma_wait3A_193 = tpu.memref_slice %arg2[%add3A_175, %dma_wait3A_191, %dma_wait3A_192] : memref<2560x1x128xi32, #tpu.memory_space<hbm>> -> memref<1x1x128xi32, #tpu.memory_space<hbm>>
        %dma_wait3A_194 = tpu.memref_squeeze %dma_wait3A_193 : memref<1x1x128xi32, #tpu.memory_space<hbm>> -> memref<1x128xi32, #tpu.memory_space<hbm>>
        tpu.wait_dma2 semaphore(%dma_wait3A_186 : memref<!tpu.dma_semaphore, #tpu.memory_space<semaphore_mem>>) src(%dma_wait3A_194 : memref<1x128xi32, #tpu.memory_space<hbm>>) dst(%dma_wait3A_190 : memref<1x128xi32, #tpu.memory_space<vmem>>)
        %dma_start3A_195 = arith.constant 0 : i32
        %dma_start3A_196 = arith.constant 0 : i32
        %dma_start3A_197 = arith.constant 0 : i32
        %dma_start3A_198 = arith.constant 0 : i32
        %dma_start3A_199 = arith.constant 0 : i32
        %dma_start3A_200 = arith.constant 0 : i32
        %dma_start3A_201 = tpu.memref_slice %arg8[%dma_start3A_197, %dma_start3A_199, %dma_start3A_200] : memref<2x128x128xf32, #tpu.memory_space<vmem>> -> memref<1x128x128xf32, #tpu.memory_space<vmem>>
        %dma_start3A_202 = tpu.memref_squeeze %dma_start3A_201 : memref<1x128x128xf32, #tpu.memory_space<vmem>> -> memref<128x128xf32, #tpu.memory_space<vmem>>
        %dma_start3A_203 = arith.constant 0 : i32
        %dma_start3A_204 = tpu.memref_slice %arg6[%dma_start3A_195, %dma_start3A_196, %dma_start3A_203] : memref<2x1x128xi32, #tpu.memory_space<vmem>> -> memref<1x1x128xi32, #tpu.memory_space<vmem>>
        %dma_start3A_205 = tpu.memref_squeeze %dma_start3A_204 : memref<1x1x128xi32, #tpu.memory_space<vmem>> -> memref<128xi32, #tpu.memory_space<vmem>>
        %dma_start3A_206 = arith.constant 0 : i32
        %dma_start3A_207 = arith.constant 0 : i32
        %dma_start3A_208 = tpu.memref_slice %arg4[%dma_start3A_206, %dma_start3A_207] : memref<10000x128xf32, #tpu.memory_space<hbm>> -> memref<10000x128xf32, #tpu.memory_space<hbm>>
        %dma_start3A_209 = tpu.memref_slice %arg12[%dma_start3A_198] : memref<2x!tpu.dma_semaphore, #tpu.memory_space<semaphore_mem>> -> memref<1x!tpu.dma_semaphore, #tpu.memory_space<semaphore_mem>>
        %dma_start3A_210 = tpu.memref_squeeze %dma_start3A_209 : memref<1x!tpu.dma_semaphore, #tpu.memory_space<semaphore_mem>> -> memref<!tpu.dma_semaphore, #tpu.memory_space<semaphore_mem>>
        tpu.enqueue_indirect_dma source(%dma_start3A_208 : memref<10000x128xf32, #tpu.memory_space<hbm>>) target(%dma_start3A_202 : memref<128x128xf32, #tpu.memory_space<vmem>>) offsets(%dma_start3A_205 : memref<128xi32, #tpu.memory_space<vmem>>) semaphore(%dma_start3A_210 : memref<!tpu.dma_semaphore, #tpu.memory_space<semaphore_mem>>)
        %add3A_211 = arith.addi %mul3A_76, %mul3A_172 : i32
        %add3A_212 = arith.constant 1 : i32
        %add3A_213 = arith.addi %add3A_211, %add3A_212 : i32
        %dma_wait3A_214 = arith.constant 1 : i32
        %dma_wait3A_215 = arith.constant 1 : i32
        %dma_wait3A_216 = arith.constant 0 : i32
        %dma_wait3A_217 = arith.constant 0 : i32
        %dma_wait3A_218 = tpu.memref_slice %arg6[%dma_wait3A_214, %dma_wait3A_216, %dma_wait3A_217] : memref<2x1x128xi32, #tpu.memory_space<vmem>> -> memref<1x1x128xi32, #tpu.memory_space<vmem>>
        %dma_wait3A_219 = tpu.memref_squeeze %dma_wait3A_218 : memref<1x1x128xi32, #tpu.memory_space<vmem>> -> memref<1x128xi32, #tpu.memory_space<vmem>>
        %dma_wait3A_220 = arith.constant 0 : i32
        %dma_wait3A_221 = arith.constant 0 : i32
        %dma_wait3A_222 = tpu.memref_slice %arg2[%add3A_213, %dma_wait3A_220, %dma_wait3A_221] : memref<2560x1x128xi32, #tpu.memory_space<hbm>> -> memref<1x1x128xi32, #tpu.memory_space<hbm>>
        %dma_wait3A_223 = tpu.memref_squeeze %dma_wait3A_222 : memref<1x1x128xi32, #tpu.memory_space<hbm>> -> memref<1x128xi32, #tpu.memory_space<hbm>>
        %dma_wait3A_224 = tpu.memref_slice %arg10[%dma_wait3A_215] : memref<2x!tpu.dma_semaphore, #tpu.memory_space<semaphore_mem>> -> memref<1x!tpu.dma_semaphore, #tpu.memory_space<semaphore_mem>>
        %dma_wait3A_225 = tpu.memref_squeeze %dma_wait3A_224 : memref<1x!tpu.dma_semaphore, #tpu.memory_space<semaphore_mem>> -> memref<!tpu.dma_semaphore, #tpu.memory_space<semaphore_mem>>
        %dma_wait3A_226 = arith.constant 0 : i32
        %dma_wait3A_227 = arith.constant 0 : i32
        %dma_wait3A_228 = tpu.memref_slice %arg6[%dma_wait3A_214, %dma_wait3A_226, %dma_wait3A_227] : memref<2x1x128xi32, #tpu.memory_space<vmem>> -> memref<1x1x128xi32, #tpu.memory_space<vmem>>
        %dma_wait3A_229 = tpu.memref_squeeze %dma_wait3A_228 : memref<1x1x128xi32, #tpu.memory_space<vmem>> -> memref<1x128xi32, #tpu.memory_space<vmem>>
        %dma_wait3A_230 = arith.constant 0 : i32
        %dma_wait3A_231 = arith.constant 0 : i32
        %dma_wait3A_232 = tpu.memref_slice %arg2[%add3A_213, %dma_wait3A_230, %dma_wait3A_231] : memref<2560x1x128xi32, #tpu.memory_space<hbm>> -> memref<1x1x128xi32, #tpu.memory_space<hbm>>
        %dma_wait3A_233 = tpu.memref_squeeze %dma_wait3A_232 : memref<1x1x128xi32, #tpu.memory_space<hbm>> -> memref<1x128xi32, #tpu.memory_space<hbm>>
        tpu.wait_dma2 semaphore(%dma_wait3A_225 : memref<!tpu.dma_semaphore, #tpu.memory_space<semaphore_mem>>) src(%dma_wait3A_233 : memref<1x128xi32, #tpu.memory_space<hbm>>) dst(%dma_wait3A_229 : memref<1x128xi32, #tpu.memory_space<vmem>>)
        %dma_start3A_234 = arith.constant 1 : i32
        %dma_start3A_235 = arith.constant 0 : i32
        %dma_start3A_236 = arith.constant 1 : i32
        %dma_start3A_237 = arith.constant 1 : i32
        %dma_start3A_238 = arith.constant 0 : i32
        %dma_start3A_239 = arith.constant 0 : i32
        %dma_start3A_240 = tpu.memref_slice %arg8[%dma_start3A_236, %dma_start3A_238, %dma_start3A_239] : memref<2x128x128xf32, #tpu.memory_space<vmem>> -> memref<1x128x128xf32, #tpu.memory_space<vmem>>
        %dma_start3A_241 = tpu.memref_squeeze %dma_start3A_240 : memref<1x128x128xf32, #tpu.memory_space<vmem>> -> memref<128x128xf32, #tpu.memory_space<vmem>>
        %dma_start3A_242 = arith.constant 0 : i32
        %dma_start3A_243 = tpu.memref_slice %arg6[%dma_start3A_234, %dma_start3A_235, %dma_start3A_242] : memref<2x1x128xi32, #tpu.memory_space<vmem>> -> memref<1x1x128xi32, #tpu.memory_space<vmem>>
        %dma_start3A_244 = tpu.memref_squeeze %dma_start3A_243 : memref<1x1x128xi32, #tpu.memory_space<vmem>> -> memref<128xi32, #tpu.memory_space<vmem>>
        %dma_start3A_245 = arith.constant 0 : i32
        %dma_start3A_246 = arith.constant 0 : i32
        %dma_start3A_247 = tpu.memref_slice %arg4[%dma_start3A_245, %dma_start3A_246] : memref<10000x128xf32, #tpu.memory_space<hbm>> -> memref<10000x128xf32, #tpu.memory_space<hbm>>
        %dma_start3A_248 = tpu.memref_slice %arg12[%dma_start3A_237] : memref<2x!tpu.dma_semaphore, #tpu.memory_space<semaphore_mem>> -> memref<1x!tpu.dma_semaphore, #tpu.memory_space<semaphore_mem>>
        %dma_start3A_249 = tpu.memref_squeeze %dma_start3A_248 : memref<1x!tpu.dma_semaphore, #tpu.memory_space<semaphore_mem>> -> memref<!tpu.dma_semaphore, #tpu.memory_space<semaphore_mem>>
        tpu.enqueue_indirect_dma source(%dma_start3A_247 : memref<10000x128xf32, #tpu.memory_space<hbm>>) target(%dma_start3A_241 : memref<128x128xf32, #tpu.memory_space<vmem>>) offsets(%dma_start3A_244 : memref<128xi32, #tpu.memory_space<vmem>>) semaphore(%dma_start3A_249 : memref<!tpu.dma_semaphore, #tpu.memory_space<semaphore_mem>>)
        %dma_wait3A_250 = arith.constant 0 : i32
        %dma_wait3A_251 = arith.constant 0 : i32
        %dma_wait3A_252 = arith.constant 0 : i32
        %dma_wait3A_253 = arith.constant 0 : i32
        %dma_wait3A_254 = arith.constant 0 : i32
        %dma_wait3A_255 = arith.constant 0 : i32
        %dma_wait3A_256 = tpu.memref_slice %arg8[%dma_wait3A_252, %dma_wait3A_254, %dma_wait3A_255] : memref<2x128x128xf32, #tpu.memory_space<vmem>> -> memref<1x128x128xf32, #tpu.memory_space<vmem>>
        %dma_wait3A_257 = tpu.memref_squeeze %dma_wait3A_256 : memref<1x128x128xf32, #tpu.memory_space<vmem>> -> memref<128x128xf32, #tpu.memory_space<vmem>>
        %dma_wait3A_258 = arith.constant 0 : i32
        %dma_wait3A_259 = tpu.memref_slice %arg6[%dma_wait3A_250, %dma_wait3A_251, %dma_wait3A_258] : memref<2x1x128xi32, #tpu.memory_space<vmem>> -> memref<1x1x128xi32, #tpu.memory_space<vmem>>
        %dma_wait3A_260 = tpu.memref_squeeze %dma_wait3A_259 : memref<1x1x128xi32, #tpu.memory_space<vmem>> -> memref<128xi32, #tpu.memory_space<vmem>>
        %dma_wait3A_261 = arith.constant 0 : i32
        %dma_wait3A_262 = arith.constant 0 : i32
        %dma_wait3A_263 = tpu.memref_slice %arg4[%dma_wait3A_261, %dma_wait3A_262] : memref<10000x128xf32, #tpu.memory_space<hbm>> -> memref<10000x128xf32, #tpu.memory_space<hbm>>
        %dma_wait3A_264 = tpu.memref_slice %arg12[%dma_wait3A_253] : memref<2x!tpu.dma_semaphore, #tpu.memory_space<semaphore_mem>> -> memref<1x!tpu.dma_semaphore, #tpu.memory_space<semaphore_mem>>
        %dma_wait3A_265 = tpu.memref_squeeze %dma_wait3A_264 : memref<1x!tpu.dma_semaphore, #tpu.memory_space<semaphore_mem>> -> memref<!tpu.dma_semaphore, #tpu.memory_space<semaphore_mem>>
        tpu.wait_indirect_dma semaphore(%dma_wait3A_265 : memref<!tpu.dma_semaphore, #tpu.memory_space<semaphore_mem>>) src(%dma_wait3A_263 : memref<10000x128xf32, #tpu.memory_space<hbm>>) dst(%dma_wait3A_257 : memref<128x128xf32, #tpu.memory_space<vmem>>)
        %add3A_266 = arith.constant 0 : i32
        %add3A_267 = arith.addi %mul3A_172, %add3A_266 : i32
        %add3A_268 = arith.constant 2 : i32
        %add3A_269 = arith.addi %add3A_267, %add3A_268 : i32
        %lt3A = arith.constant 150 : i32
        %lt3A_270 = arith.cmpi slt, %add3A_269, %lt3A : i32
        %convert_element_type3A_271 = arith.extui %lt3A_270 : i1 to i32
        %cond3A_272 = arith.constant 0 : i32
        %cond3A_273 = arith.cmpi ne, %convert_element_type3A_271, %cond3A_272 : i32
        scf.if %cond3A_273 {
          %add3A_415 = arith.addi %mul3A_76, %add3A_269 : i32
          %dma_start3A_416 = arith.constant 0 : i32
          %dma_start3A_417 = arith.constant 0 : i32
          %dma_start3A_418 = arith.constant 0 : i32
          %dma_start3A_419 = arith.constant 0 : i32
          %dma_start3A_420 = tpu.memref_slice %arg6[%dma_start3A_416, %dma_start3A_418, %dma_start3A_419] : memref<2x1x128xi32, #tpu.memory_space<vmem>> -> memref<1x1x128xi32, #tpu.memory_space<vmem>>
          %dma_start3A_421 = tpu.memref_squeeze %dma_start3A_420 : memref<1x1x128xi32, #tpu.memory_space<vmem>> -> memref<1x128xi32, #tpu.memory_space<vmem>>
          %dma_start3A_422 = arith.constant 0 : i32
          %dma_start3A_423 = arith.constant 0 : i32
          %dma_start3A_424 = tpu.memref_slice %arg2[%add3A_415, %dma_start3A_422, %dma_start3A_423] : memref<2560x1x128xi32, #tpu.memory_space<hbm>> -> memref<1x1x128xi32, #tpu.memory_space<hbm>>
          %dma_start3A_425 = tpu.memref_squeeze %dma_start3A_424 : memref<1x1x128xi32, #tpu.memory_space<hbm>> -> memref<1x128xi32, #tpu.memory_space<hbm>>
          %dma_start3A_426 = tpu.memref_slice %arg10[%dma_start3A_417] : memref<2x!tpu.dma_semaphore, #tpu.memory_space<semaphore_mem>> -> memref<1x!tpu.dma_semaphore, #tpu.memory_space<semaphore_mem>>
          %dma_start3A_427 = tpu.memref_squeeze %dma_start3A_426 : memref<1x!tpu.dma_semaphore, #tpu.memory_space<semaphore_mem>> -> memref<!tpu.dma_semaphore, #tpu.memory_space<semaphore_mem>>
          %dma_start3A_428 = arith.constant 0 : i32
          %dma_start3A_429 = arith.constant 0 : i32
          %dma_start3A_430 = tpu.memref_slice %arg6[%dma_start3A_416, %dma_start3A_428, %dma_start3A_429] : memref<2x1x128xi32, #tpu.memory_space<vmem>> -> memref<1x1x128xi32, #tpu.memory_space<vmem>>
          %dma_start3A_431 = tpu.memref_squeeze %dma_start3A_430 : memref<1x1x128xi32, #tpu.memory_space<vmem>> -> memref<1x128xi32, #tpu.memory_space<vmem>>
          %dma_start3A_432 = arith.constant 0 : i32
          %dma_start3A_433 = arith.constant 0 : i32
          %dma_start3A_434 = tpu.memref_slice %arg2[%add3A_415, %dma_start3A_432, %dma_start3A_433] : memref<2560x1x128xi32, #tpu.memory_space<hbm>> -> memref<1x1x128xi32, #tpu.memory_space<hbm>>
          %dma_start3A_435 = tpu.memref_squeeze %dma_start3A_434 : memref<1x1x128xi32, #tpu.memory_space<hbm>> -> memref<1x128xi32, #tpu.memory_space<hbm>>
          tpu.enqueue_dma source(%dma_start3A_435 : memref<1x128xi32, #tpu.memory_space<hbm>>) target(%dma_start3A_431 : memref<1x128xi32, #tpu.memory_space<vmem>>) target_semaphore(%dma_start3A_427 : memref<!tpu.dma_semaphore, #tpu.memory_space<semaphore_mem>>)
        } else {
        }
        %add3A_274 = arith.addi %mul3A_76, %mul3A_172 : i32
        %add3A_275 = arith.constant 0 : i32
        %add3A_276 = arith.addi %add3A_274, %add3A_275 : i32
        %dma_wait3A_277 = arith.constant 0 : i32
        %dma_wait3A_278 = arith.constant 0 : i32
        %dma_wait3A_279 = arith.constant 0 : i32
        %dma_wait3A_280 = arith.constant 0 : i32
        %dma_wait3A_281 = tpu.memref_slice %arg7[%dma_wait3A_277, %dma_wait3A_279, %dma_wait3A_280] : memref<2x1x128xi32, #tpu.memory_space<vmem>> -> memref<1x1x128xi32, #tpu.memory_space<vmem>>
        %dma_wait3A_282 = tpu.memref_squeeze %dma_wait3A_281 : memref<1x1x128xi32, #tpu.memory_space<vmem>> -> memref<1x128xi32, #tpu.memory_space<vmem>>
        %dma_wait3A_283 = arith.constant 0 : i32
        %dma_wait3A_284 = arith.constant 0 : i32
        %dma_wait3A_285 = tpu.memref_slice %arg3[%add3A_276, %dma_wait3A_283, %dma_wait3A_284] : memref<2560x1x128xi32, #tpu.memory_space<hbm>> -> memref<1x1x128xi32, #tpu.memory_space<hbm>>
        %dma_wait3A_286 = tpu.memref_squeeze %dma_wait3A_285 : memref<1x1x128xi32, #tpu.memory_space<hbm>> -> memref<1x128xi32, #tpu.memory_space<hbm>>
        %dma_wait3A_287 = tpu.memref_slice %arg11[%dma_wait3A_278] : memref<2x!tpu.dma_semaphore, #tpu.memory_space<semaphore_mem>> -> memref<1x!tpu.dma_semaphore, #tpu.memory_space<semaphore_mem>>
        %dma_wait3A_288 = tpu.memref_squeeze %dma_wait3A_287 : memref<1x!tpu.dma_semaphore, #tpu.memory_space<semaphore_mem>> -> memref<!tpu.dma_semaphore, #tpu.memory_space<semaphore_mem>>
        %dma_wait3A_289 = arith.constant 0 : i32
        %dma_wait3A_290 = arith.constant 0 : i32
        %dma_wait3A_291 = tpu.memref_slice %arg7[%dma_wait3A_277, %dma_wait3A_289, %dma_wait3A_290] : memref<2x1x128xi32, #tpu.memory_space<vmem>> -> memref<1x1x128xi32, #tpu.memory_space<vmem>>
        %dma_wait3A_292 = tpu.memref_squeeze %dma_wait3A_291 : memref<1x1x128xi32, #tpu.memory_space<vmem>> -> memref<1x128xi32, #tpu.memory_space<vmem>>
        %dma_wait3A_293 = arith.constant 0 : i32
        %dma_wait3A_294 = arith.constant 0 : i32
        %dma_wait3A_295 = tpu.memref_slice %arg3[%add3A_276, %dma_wait3A_293, %dma_wait3A_294] : memref<2560x1x128xi32, #tpu.memory_space<hbm>> -> memref<1x1x128xi32, #tpu.memory_space<hbm>>
        %dma_wait3A_296 = tpu.memref_squeeze %dma_wait3A_295 : memref<1x1x128xi32, #tpu.memory_space<hbm>> -> memref<1x128xi32, #tpu.memory_space<hbm>>
        tpu.wait_dma2 semaphore(%dma_wait3A_288 : memref<!tpu.dma_semaphore, #tpu.memory_space<semaphore_mem>>) src(%dma_wait3A_296 : memref<1x128xi32, #tpu.memory_space<hbm>>) dst(%dma_wait3A_292 : memref<1x128xi32, #tpu.memory_space<vmem>>)
        %dma_start3A_297 = arith.constant 0 : i32
        %dma_start3A_298 = arith.constant 0 : i32
        %dma_start3A_299 = arith.constant 0 : i32
        %dma_start3A_300 = arith.constant 0 : i32
        %dma_start3A_301 = arith.constant 0 : i32
        %dma_start3A_302 = tpu.memref_slice %arg8[%dma_start3A_297, %dma_start3A_300, %dma_start3A_301] : memref<2x128x128xf32, #tpu.memory_space<vmem>> -> memref<1x128x128xf32, #tpu.memory_space<vmem>>
        %dma_start3A_303 = tpu.memref_squeeze %dma_start3A_302 : memref<1x128x128xf32, #tpu.memory_space<vmem>> -> memref<128x128xf32, #tpu.memory_space<vmem>>
        %dma_start3A_304 = arith.constant 0 : i32
        %dma_start3A_305 = tpu.memref_slice %arg7[%dma_start3A_298, %dma_start3A_299, %dma_start3A_304] : memref<2x1x128xi32, #tpu.memory_space<vmem>> -> memref<1x1x128xi32, #tpu.memory_space<vmem>>
        %dma_start3A_306 = tpu.memref_squeeze %dma_start3A_305 : memref<1x1x128xi32, #tpu.memory_space<vmem>> -> memref<128xi32, #tpu.memory_space<vmem>>
        %dma_start3A_307 = arith.constant 0 : i32
        %dma_start3A_308 = arith.constant 0 : i32
        %dma_start3A_309 = tpu.memref_slice %arg9[%dma_start3A_307, %dma_start3A_308] : memref<10240x128xf32, #tpu.memory_space<vmem_shared>> -> memref<10240x128xf32, #tpu.memory_space<vmem_shared>>
        tpu.enqueue_indirect_dma source(%dma_start3A_303 : memref<128x128xf32, #tpu.memory_space<vmem>>) target(%dma_start3A_309 : memref<10240x128xf32, #tpu.memory_space<vmem_shared>>) offsets(%dma_start3A_306 : memref<128xi32, #tpu.memory_space<vmem>>) semaphore(%arg13 : memref<!tpu.dma_semaphore, #tpu.memory_space<semaphore_mem>>) {add = true}
        %dma_wait3A_310 = arith.constant 1 : i32
        %dma_wait3A_311 = arith.constant 0 : i32
        %dma_wait3A_312 = arith.constant 1 : i32
        %dma_wait3A_313 = arith.constant 1 : i32
        %dma_wait3A_314 = arith.constant 0 : i32
        %dma_wait3A_315 = arith.constant 0 : i32
        %dma_wait3A_316 = tpu.memref_slice %arg8[%dma_wait3A_312, %dma_wait3A_314, %dma_wait3A_315] : memref<2x128x128xf32, #tpu.memory_space<vmem>> -> memref<1x128x128xf32, #tpu.memory_space<vmem>>
        %dma_wait3A_317 = tpu.memref_squeeze %dma_wait3A_316 : memref<1x128x128xf32, #tpu.memory_space<vmem>> -> memref<128x128xf32, #tpu.memory_space<vmem>>
        %dma_wait3A_318 = arith.constant 0 : i32
        %dma_wait3A_319 = tpu.memref_slice %arg6[%dma_wait3A_310, %dma_wait3A_311, %dma_wait3A_318] : memref<2x1x128xi32, #tpu.memory_space<vmem>> -> memref<1x1x128xi32, #tpu.memory_space<vmem>>
        %dma_wait3A_320 = tpu.memref_squeeze %dma_wait3A_319 : memref<1x1x128xi32, #tpu.memory_space<vmem>> -> memref<128xi32, #tpu.memory_space<vmem>>
        %dma_wait3A_321 = arith.constant 0 : i32
        %dma_wait3A_322 = arith.constant 0 : i32
        %dma_wait3A_323 = tpu.memref_slice %arg4[%dma_wait3A_321, %dma_wait3A_322] : memref<10000x128xf32, #tpu.memory_space<hbm>> -> memref<10000x128xf32, #tpu.memory_space<hbm>>
        %dma_wait3A_324 = tpu.memref_slice %arg12[%dma_wait3A_313] : memref<2x!tpu.dma_semaphore, #tpu.memory_space<semaphore_mem>> -> memref<1x!tpu.dma_semaphore, #tpu.memory_space<semaphore_mem>>
        %dma_wait3A_325 = tpu.memref_squeeze %dma_wait3A_324 : memref<1x!tpu.dma_semaphore, #tpu.memory_space<semaphore_mem>> -> memref<!tpu.dma_semaphore, #tpu.memory_space<semaphore_mem>>
        tpu.wait_indirect_dma semaphore(%dma_wait3A_325 : memref<!tpu.dma_semaphore, #tpu.memory_space<semaphore_mem>>) src(%dma_wait3A_323 : memref<10000x128xf32, #tpu.memory_space<hbm>>) dst(%dma_wait3A_317 : memref<128x128xf32, #tpu.memory_space<vmem>>)
        %add3A_326 = arith.constant 1 : i32
        %add3A_327 = arith.addi %mul3A_172, %add3A_326 : i32
        %add3A_328 = arith.constant 2 : i32
        %add3A_329 = arith.addi %add3A_327, %add3A_328 : i32
        %lt3A_330 = arith.constant 150 : i32
        %lt3A_331 = arith.cmpi slt, %add3A_329, %lt3A_330 : i32
        %convert_element_type3A_332 = arith.extui %lt3A_331 : i1 to i32
        %cond3A_333 = arith.constant 0 : i32
        %cond3A_334 = arith.cmpi ne, %convert_element_type3A_332, %cond3A_333 : i32
        scf.if %cond3A_334 {
          %add3A_415 = arith.addi %mul3A_76, %add3A_329 : i32
          %dma_start3A_416 = arith.constant 1 : i32
          %dma_start3A_417 = arith.constant 1 : i32
          %dma_start3A_418 = arith.constant 0 : i32
          %dma_start3A_419 = arith.constant 0 : i32
          %dma_start3A_420 = tpu.memref_slice %arg6[%dma_start3A_416, %dma_start3A_418, %dma_start3A_419] : memref<2x1x128xi32, #tpu.memory_space<vmem>> -> memref<1x1x128xi32, #tpu.memory_space<vmem>>
          %dma_start3A_421 = tpu.memref_squeeze %dma_start3A_420 : memref<1x1x128xi32, #tpu.memory_space<vmem>> -> memref<1x128xi32, #tpu.memory_space<vmem>>
          %dma_start3A_422 = arith.constant 0 : i32
          %dma_start3A_423 = arith.constant 0 : i32
          %dma_start3A_424 = tpu.memref_slice %arg2[%add3A_415, %dma_start3A_422, %dma_start3A_423] : memref<2560x1x128xi32, #tpu.memory_space<hbm>> -> memref<1x1x128xi32, #tpu.memory_space<hbm>>
          %dma_start3A_425 = tpu.memref_squeeze %dma_start3A_424 : memref<1x1x128xi32, #tpu.memory_space<hbm>> -> memref<1x128xi32, #tpu.memory_space<hbm>>
          %dma_start3A_426 = tpu.memref_slice %arg10[%dma_start3A_417] : memref<2x!tpu.dma_semaphore, #tpu.memory_space<semaphore_mem>> -> memref<1x!tpu.dma_semaphore, #tpu.memory_space<semaphore_mem>>
          %dma_start3A_427 = tpu.memref_squeeze %dma_start3A_426 : memref<1x!tpu.dma_semaphore, #tpu.memory_space<semaphore_mem>> -> memref<!tpu.dma_semaphore, #tpu.memory_space<semaphore_mem>>
          %dma_start3A_428 = arith.constant 0 : i32
          %dma_start3A_429 = arith.constant 0 : i32
          %dma_start3A_430 = tpu.memref_slice %arg6[%dma_start3A_416, %dma_start3A_428, %dma_start3A_429] : memref<2x1x128xi32, #tpu.memory_space<vmem>> -> memref<1x1x128xi32, #tpu.memory_space<vmem>>
          %dma_start3A_431 = tpu.memref_squeeze %dma_start3A_430 : memref<1x1x128xi32, #tpu.memory_space<vmem>> -> memref<1x128xi32, #tpu.memory_space<vmem>>
          %dma_start3A_432 = arith.constant 0 : i32
          %dma_start3A_433 = arith.constant 0 : i32
          %dma_start3A_434 = tpu.memref_slice %arg2[%add3A_415, %dma_start3A_432, %dma_start3A_433] : memref<2560x1x128xi32, #tpu.memory_space<hbm>> -> memref<1x1x128xi32, #tpu.memory_space<hbm>>
          %dma_start3A_435 = tpu.memref_squeeze %dma_start3A_434 : memref<1x1x128xi32, #tpu.memory_space<hbm>> -> memref<1x128xi32, #tpu.memory_space<hbm>>
          tpu.enqueue_dma source(%dma_start3A_435 : memref<1x128xi32, #tpu.memory_space<hbm>>) target(%dma_start3A_431 : memref<1x128xi32, #tpu.memory_space<vmem>>) target_semaphore(%dma_start3A_427 : memref<!tpu.dma_semaphore, #tpu.memory_space<semaphore_mem>>)
        } else {
        }
        %add3A_335 = arith.addi %mul3A_76, %mul3A_172 : i32
        %add3A_336 = arith.constant 1 : i32
        %add3A_337 = arith.addi %add3A_335, %add3A_336 : i32
        %dma_wait3A_338 = arith.constant 1 : i32
        %dma_wait3A_339 = arith.constant 1 : i32
        %dma_wait3A_340 = arith.constant 0 : i32
        %dma_wait3A_341 = arith.constant 0 : i32
        %dma_wait3A_342 = tpu.memref_slice %arg7[%dma_wait3A_338, %dma_wait3A_340, %dma_wait3A_341] : memref<2x1x128xi32, #tpu.memory_space<vmem>> -> memref<1x1x128xi32, #tpu.memory_space<vmem>>
        %dma_wait3A_343 = tpu.memref_squeeze %dma_wait3A_342 : memref<1x1x128xi32, #tpu.memory_space<vmem>> -> memref<1x128xi32, #tpu.memory_space<vmem>>
        %dma_wait3A_344 = arith.constant 0 : i32
        %dma_wait3A_345 = arith.constant 0 : i32
        %dma_wait3A_346 = tpu.memref_slice %arg3[%add3A_337, %dma_wait3A_344, %dma_wait3A_345] : memref<2560x1x128xi32, #tpu.memory_space<hbm>> -> memref<1x1x128xi32, #tpu.memory_space<hbm>>
        %dma_wait3A_347 = tpu.memref_squeeze %dma_wait3A_346 : memref<1x1x128xi32, #tpu.memory_space<hbm>> -> memref<1x128xi32, #tpu.memory_space<hbm>>
        %dma_wait3A_348 = tpu.memref_slice %arg11[%dma_wait3A_339] : memref<2x!tpu.dma_semaphore, #tpu.memory_space<semaphore_mem>> -> memref<1x!tpu.dma_semaphore, #tpu.memory_space<semaphore_mem>>
        %dma_wait3A_349 = tpu.memref_squeeze %dma_wait3A_348 : memref<1x!tpu.dma_semaphore, #tpu.memory_space<semaphore_mem>> -> memref<!tpu.dma_semaphore, #tpu.memory_space<semaphore_mem>>
        %dma_wait3A_350 = arith.constant 0 : i32
        %dma_wait3A_351 = arith.constant 0 : i32
        %dma_wait3A_352 = tpu.memref_slice %arg7[%dma_wait3A_338, %dma_wait3A_350, %dma_wait3A_351] : memref<2x1x128xi32, #tpu.memory_space<vmem>> -> memref<1x1x128xi32, #tpu.memory_space<vmem>>
        %dma_wait3A_353 = tpu.memref_squeeze %dma_wait3A_352 : memref<1x1x128xi32, #tpu.memory_space<vmem>> -> memref<1x128xi32, #tpu.memory_space<vmem>>
        %dma_wait3A_354 = arith.constant 0 : i32
        %dma_wait3A_355 = arith.constant 0 : i32
        %dma_wait3A_356 = tpu.memref_slice %arg3[%add3A_337, %dma_wait3A_354, %dma_wait3A_355] : memref<2560x1x128xi32, #tpu.memory_space<hbm>> -> memref<1x1x128xi32, #tpu.memory_space<hbm>>
        %dma_wait3A_357 = tpu.memref_squeeze %dma_wait3A_356 : memref<1x1x128xi32, #tpu.memory_space<hbm>> -> memref<1x128xi32, #tpu.memory_space<hbm>>
        tpu.wait_dma2 semaphore(%dma_wait3A_349 : memref<!tpu.dma_semaphore, #tpu.memory_space<semaphore_mem>>) src(%dma_wait3A_357 : memref<1x128xi32, #tpu.memory_space<hbm>>) dst(%dma_wait3A_353 : memref<1x128xi32, #tpu.memory_space<vmem>>)
        %dma_start3A_358 = arith.constant 1 : i32
        %dma_start3A_359 = arith.constant 1 : i32
        %dma_start3A_360 = arith.constant 0 : i32
        %dma_start3A_361 = arith.constant 0 : i32
        %dma_start3A_362 = arith.constant 0 : i32
        %dma_start3A_363 = tpu.memref_slice %arg8[%dma_start3A_358, %dma_start3A_361, %dma_start3A_362] : memref<2x128x128xf32, #tpu.memory_space<vmem>> -> memref<1x128x128xf32, #tpu.memory_space<vmem>>
        %dma_start3A_364 = tpu.memref_squeeze %dma_start3A_363 : memref<1x128x128xf32, #tpu.memory_space<vmem>> -> memref<128x128xf32, #tpu.memory_space<vmem>>
        %dma_start3A_365 = arith.constant 0 : i32
        %dma_start3A_366 = tpu.memref_slice %arg7[%dma_start3A_359, %dma_start3A_360, %dma_start3A_365] : memref<2x1x128xi32, #tpu.memory_space<vmem>> -> memref<1x1x128xi32, #tpu.memory_space<vmem>>
        %dma_start3A_367 = tpu.memref_squeeze %dma_start3A_366 : memref<1x1x128xi32, #tpu.memory_space<vmem>> -> memref<128xi32, #tpu.memory_space<vmem>>
        %dma_start3A_368 = arith.constant 0 : i32
        %dma_start3A_369 = arith.constant 0 : i32
        %dma_start3A_370 = tpu.memref_slice %arg9[%dma_start3A_368, %dma_start3A_369] : memref<10240x128xf32, #tpu.memory_space<vmem_shared>> -> memref<10240x128xf32, #tpu.memory_space<vmem_shared>>
        tpu.enqueue_indirect_dma source(%dma_start3A_364 : memref<128x128xf32, #tpu.memory_space<vmem>>) target(%dma_start3A_370 : memref<10240x128xf32, #tpu.memory_space<vmem_shared>>) offsets(%dma_start3A_367 : memref<128xi32, #tpu.memory_space<vmem>>) semaphore(%arg13 : memref<!tpu.dma_semaphore, #tpu.memory_space<semaphore_mem>>) {add = true}
        %dma_wait3A_371 = arith.constant 0 : i32
        %dma_wait3A_372 = arith.constant 0 : i32
        %dma_wait3A_373 = arith.constant 0 : i32
        %dma_wait3A_374 = arith.constant 0 : i32
        %dma_wait3A_375 = arith.constant 0 : i32
        %dma_wait3A_376 = tpu.memref_slice %arg8[%dma_wait3A_371, %dma_wait3A_374, %dma_wait3A_375] : memref<2x128x128xf32, #tpu.memory_space<vmem>> -> memref<1x128x128xf32, #tpu.memory_space<vmem>>
        %dma_wait3A_377 = tpu.memref_squeeze %dma_wait3A_376 : memref<1x128x128xf32, #tpu.memory_space<vmem>> -> memref<128x128xf32, #tpu.memory_space<vmem>>
        %dma_wait3A_378 = arith.constant 0 : i32
        %dma_wait3A_379 = tpu.memref_slice %arg7[%dma_wait3A_372, %dma_wait3A_373, %dma_wait3A_378] : memref<2x1x128xi32, #tpu.memory_space<vmem>> -> memref<1x1x128xi32, #tpu.memory_space<vmem>>
        %dma_wait3A_380 = tpu.memref_squeeze %dma_wait3A_379 : memref<1x1x128xi32, #tpu.memory_space<vmem>> -> memref<128xi32, #tpu.memory_space<vmem>>
        %dma_wait3A_381 = arith.constant 0 : i32
        %dma_wait3A_382 = arith.constant 0 : i32
        %dma_wait3A_383 = tpu.memref_slice %arg9[%dma_wait3A_381, %dma_wait3A_382] : memref<10240x128xf32, #tpu.memory_space<vmem_shared>> -> memref<10240x128xf32, #tpu.memory_space<vmem_shared>>
        tpu.wait_indirect_dma semaphore(%arg13 : memref<!tpu.dma_semaphore, #tpu.memory_space<semaphore_mem>>) src(%dma_wait3A_377 : memref<128x128xf32, #tpu.memory_space<vmem>>) dst(%dma_wait3A_383 : memref<10240x128xf32, #tpu.memory_space<vmem_shared>>)
        %dma_wait3A_384 = arith.constant 1 : i32
        %dma_wait3A_385 = arith.constant 1 : i32
        %dma_wait3A_386 = arith.constant 0 : i32
        %dma_wait3A_387 = arith.constant 0 : i32
        %dma_wait3A_388 = arith.constant 0 : i32
        %dma_wait3A_389 = tpu.memref_slice %arg8[%dma_wait3A_384, %dma_wait3A_387, %dma_wait3A_388] : memref<2x128x128xf32, #tpu.memory_space<vmem>> -> memref<1x128x128xf32, #tpu.memory_space<vmem>>
        %dma_wait3A_390 = tpu.memref_squeeze %dma_wait3A_389 : memref<1x128x128xf32, #tpu.memory_space<vmem>> -> memref<128x128xf32, #tpu.memory_space<vmem>>
        %dma_wait3A_391 = arith.constant 0 : i32
        %dma_wait3A_392 = tpu.memref_slice %arg7[%dma_wait3A_385, %dma_wait3A_386, %dma_wait3A_391] : memref<2x1x128xi32, #tpu.memory_space<vmem>> -> memref<1x1x128xi32, #tpu.memory_space<vmem>>
        %dma_wait3A_393 = tpu.memref_squeeze %dma_wait3A_392 : memref<1x1x128xi32, #tpu.memory_space<vmem>> -> memref<128xi32, #tpu.memory_space<vmem>>
        %dma_wait3A_394 = arith.constant 0 : i32
        %dma_wait3A_395 = arith.constant 0 : i32
        %dma_wait3A_396 = tpu.memref_slice %arg9[%dma_wait3A_394, %dma_wait3A_395] : memref<10240x128xf32, #tpu.memory_space<vmem_shared>> -> memref<10240x128xf32, #tpu.memory_space<vmem_shared>>
        tpu.wait_indirect_dma semaphore(%arg13 : memref<!tpu.dma_semaphore, #tpu.memory_space<semaphore_mem>>) src(%dma_wait3A_390 : memref<128x128xf32, #tpu.memory_space<vmem>>) dst(%dma_wait3A_396 : memref<10240x128xf32, #tpu.memory_space<vmem_shared>>)
        %add3A_397 = arith.constant 0 : i32
        %add3A_398 = arith.addi %mul3A_172, %add3A_397 : i32
        %add3A_399 = arith.constant 2 : i32
        %add3A_400 = arith.addi %add3A_398, %add3A_399 : i32
        %lt3A_401 = arith.constant 150 : i32
        %lt3A_402 = arith.cmpi slt, %add3A_400, %lt3A_401 : i32
        %convert_element_type3A_403 = arith.extui %lt3A_402 : i1 to i32
        %cond3A_404 = arith.constant 0 : i32
        %cond3A_405 = arith.cmpi ne, %convert_element_type3A_403, %cond3A_404 : i32
        scf.if %cond3A_405 {
          %add3A_415 = arith.addi %mul3A_76, %add3A_400 : i32
          %dma_start3A_416 = arith.constant 0 : i32
          %dma_start3A_417 = arith.constant 0 : i32
          %dma_start3A_418 = arith.constant 0 : i32
          %dma_start3A_419 = arith.constant 0 : i32
          %dma_start3A_420 = tpu.memref_slice %arg7[%dma_start3A_416, %dma_start3A_418, %dma_start3A_419] : memref<2x1x128xi32, #tpu.memory_space<vmem>> -> memref<1x1x128xi32, #tpu.memory_space<vmem>>
          %dma_start3A_421 = tpu.memref_squeeze %dma_start3A_420 : memref<1x1x128xi32, #tpu.memory_space<vmem>> -> memref<1x128xi32, #tpu.memory_space<vmem>>
          %dma_start3A_422 = arith.constant 0 : i32
          %dma_start3A_423 = arith.constant 0 : i32
          %dma_start3A_424 = tpu.memref_slice %arg3[%add3A_415, %dma_start3A_422, %dma_start3A_423] : memref<2560x1x128xi32, #tpu.memory_space<hbm>> -> memref<1x1x128xi32, #tpu.memory_space<hbm>>
          %dma_start3A_425 = tpu.memref_squeeze %dma_start3A_424 : memref<1x1x128xi32, #tpu.memory_space<hbm>> -> memref<1x128xi32, #tpu.memory_space<hbm>>
          %dma_start3A_426 = tpu.memref_slice %arg11[%dma_start3A_417] : memref<2x!tpu.dma_semaphore, #tpu.memory_space<semaphore_mem>> -> memref<1x!tpu.dma_semaphore, #tpu.memory_space<semaphore_mem>>
          %dma_start3A_427 = tpu.memref_squeeze %dma_start3A_426 : memref<1x!tpu.dma_semaphore, #tpu.memory_space<semaphore_mem>> -> memref<!tpu.dma_semaphore, #tpu.memory_space<semaphore_mem>>
          %dma_start3A_428 = arith.constant 0 : i32
          %dma_start3A_429 = arith.constant 0 : i32
          %dma_start3A_430 = tpu.memref_slice %arg7[%dma_start3A_416, %dma_start3A_428, %dma_start3A_429] : memref<2x1x128xi32, #tpu.memory_space<vmem>> -> memref<1x1x128xi32, #tpu.memory_space<vmem>>
          %dma_start3A_431 = tpu.memref_squeeze %dma_start3A_430 : memref<1x1x128xi32, #tpu.memory_space<vmem>> -> memref<1x128xi32, #tpu.memory_space<vmem>>
          %dma_start3A_432 = arith.constant 0 : i32
          %dma_start3A_433 = arith.constant 0 : i32
          %dma_start3A_434 = tpu.memref_slice %arg3[%add3A_415, %dma_start3A_432, %dma_start3A_433] : memref<2560x1x128xi32, #tpu.memory_space<hbm>> -> memref<1x1x128xi32, #tpu.memory_space<hbm>>
          %dma_start3A_435 = tpu.memref_squeeze %dma_start3A_434 : memref<1x1x128xi32, #tpu.memory_space<hbm>> -> memref<1x128xi32, #tpu.memory_space<hbm>>
          tpu.enqueue_dma source(%dma_start3A_435 : memref<1x128xi32, #tpu.memory_space<hbm>>) target(%dma_start3A_431 : memref<1x128xi32, #tpu.memory_space<vmem>>) target_semaphore(%dma_start3A_427 : memref<!tpu.dma_semaphore, #tpu.memory_space<semaphore_mem>>)
        } else {
        }
        %add3A_406 = arith.constant 1 : i32
        %add3A_407 = arith.addi %mul3A_172, %add3A_406 : i32
        %add3A_408 = arith.constant 2 : i32
        %add3A_409 = arith.addi %add3A_407, %add3A_408 : i32
        %lt3A_410 = arith.constant 150 : i32
        %lt3A_411 = arith.cmpi slt, %add3A_409, %lt3A_410 : i32
        %convert_element_type3A_412 = arith.extui %lt3A_411 : i1 to i32
        %cond3A_413 = arith.constant 0 : i32
        %cond3A_414 = arith.cmpi ne, %convert_element_type3A_412, %cond3A_413 : i32
        scf.if %cond3A_414 {
          %add3A_415 = arith.addi %mul3A_76, %add3A_409 : i32
          %dma_start3A_416 = arith.constant 1 : i32
          %dma_start3A_417 = arith.constant 1 : i32
          %dma_start3A_418 = arith.constant 0 : i32
          %dma_start3A_419 = arith.constant 0 : i32
          %dma_start3A_420 = tpu.memref_slice %arg7[%dma_start3A_416, %dma_start3A_418, %dma_start3A_419] : memref<2x1x128xi32, #tpu.memory_space<vmem>> -> memref<1x1x128xi32, #tpu.memory_space<vmem>>
          %dma_start3A_421 = tpu.memref_squeeze %dma_start3A_420 : memref<1x1x128xi32, #tpu.memory_space<vmem>> -> memref<1x128xi32, #tpu.memory_space<vmem>>
          %dma_start3A_422 = arith.constant 0 : i32
          %dma_start3A_423 = arith.constant 0 : i32
          %dma_start3A_424 = tpu.memref_slice %arg3[%add3A_415, %dma_start3A_422, %dma_start3A_423] : memref<2560x1x128xi32, #tpu.memory_space<hbm>> -> memref<1x1x128xi32, #tpu.memory_space<hbm>>
          %dma_start3A_425 = tpu.memref_squeeze %dma_start3A_424 : memref<1x1x128xi32, #tpu.memory_space<hbm>> -> memref<1x128xi32, #tpu.memory_space<hbm>>
          %dma_start3A_426 = tpu.memref_slice %arg11[%dma_start3A_417] : memref<2x!tpu.dma_semaphore, #tpu.memory_space<semaphore_mem>> -> memref<1x!tpu.dma_semaphore, #tpu.memory_space<semaphore_mem>>
          %dma_start3A_427 = tpu.memref_squeeze %dma_start3A_426 : memref<1x!tpu.dma_semaphore, #tpu.memory_space<semaphore_mem>> -> memref<!tpu.dma_semaphore, #tpu.memory_space<semaphore_mem>>
          %dma_start3A_428 = arith.constant 0 : i32
          %dma_start3A_429 = arith.constant 0 : i32
          %dma_start3A_430 = tpu.memref_slice %arg7[%dma_start3A_416, %dma_start3A_428, %dma_start3A_429] : memref<2x1x128xi32, #tpu.memory_space<vmem>> -> memref<1x1x128xi32, #tpu.memory_space<vmem>>
          %dma_start3A_431 = tpu.memref_squeeze %dma_start3A_430 : memref<1x1x128xi32, #tpu.memory_space<vmem>> -> memref<1x128xi32, #tpu.memory_space<vmem>>
          %dma_start3A_432 = arith.constant 0 : i32
          %dma_start3A_433 = arith.constant 0 : i32
          %dma_start3A_434 = tpu.memref_slice %arg3[%add3A_415, %dma_start3A_432, %dma_start3A_433] : memref<2560x1x128xi32, #tpu.memory_space<hbm>> -> memref<1x1x128xi32, #tpu.memory_space<hbm>>
          %dma_start3A_435 = tpu.memref_squeeze %dma_start3A_434 : memref<1x1x128xi32, #tpu.memory_space<hbm>> -> memref<1x128xi32, #tpu.memory_space<hbm>>
          tpu.enqueue_dma source(%dma_start3A_435 : memref<1x128xi32, #tpu.memory_space<hbm>>) target(%dma_start3A_431 : memref<1x128xi32, #tpu.memory_space<vmem>>) target_semaphore(%dma_start3A_427 : memref<!tpu.dma_semaphore, #tpu.memory_space<semaphore_mem>>)
        } else {
        }
      }
      %scan3A_169 = arith.constant 75 : i32
    } else {
    }
    %eq3A_29 = arith.constant 1 : i32
    %eq3A_30 = arith.cmpi eq, %arg0, %eq3A_29 : i32
    %convert_element_type3A_31 = arith.extui %eq3A_30 : i1 to i32
    %cond3A_32 = arith.constant 0 : i32
    %cond3A_33 = arith.cmpi ne, %convert_element_type3A_31, %cond3A_32 : i32
    scf.if %cond3A_33 {
      %mul3A_75 = arith.constant 10 : i32
      %mul3A_76 = arith.muli %arg1, %mul3A_75 : i32
      %add3A_77 = arith.constant 2400 : i32
      %add3A_78 = arith.addi %add3A_77, %mul3A_76 : i32
      %add3A_79 = arith.constant 0 : i32
      %add3A_80 = arith.addi %add3A_78, %add3A_79 : i32
      %dma_start3A = arith.constant 0 : i32
      %dma_start3A_81 = arith.constant 0 : i32
      %dma_start3A_82 = arith.constant 0 : i32
      %dma_start3A_83 = arith.constant 0 : i32
      %dma_start3A_84 = tpu.memref_slice %arg6[%dma_start3A, %dma_start3A_82, %dma_start3A_83] : memref<2x1x128xi32, #tpu.memory_space<vmem>> -> memref<1x1x128xi32, #tpu.memory_space<vmem>>
      %dma_start3A_85 = tpu.memref_squeeze %dma_start3A_84 : memref<1x1x128xi32, #tpu.memory_space<vmem>> -> memref<1x128xi32, #tpu.memory_space<vmem>>
      %dma_start3A_86 = arith.constant 0 : i32
      %dma_start3A_87 = arith.constant 0 : i32
      %dma_start3A_88 = tpu.memref_slice %arg2[%add3A_80, %dma_start3A_86, %dma_start3A_87] : memref<2560x1x128xi32, #tpu.memory_space<hbm>> -> memref<1x1x128xi32, #tpu.memory_space<hbm>>
      %dma_start3A_89 = tpu.memref_squeeze %dma_start3A_88 : memref<1x1x128xi32, #tpu.memory_space<hbm>> -> memref<1x128xi32, #tpu.memory_space<hbm>>
      %dma_start3A_90 = tpu.memref_slice %arg10[%dma_start3A_81] : memref<2x!tpu.dma_semaphore, #tpu.memory_space<semaphore_mem>> -> memref<1x!tpu.dma_semaphore, #tpu.memory_space<semaphore_mem>>
      %dma_start3A_91 = tpu.memref_squeeze %dma_start3A_90 : memref<1x!tpu.dma_semaphore, #tpu.memory_space<semaphore_mem>> -> memref<!tpu.dma_semaphore, #tpu.memory_space<semaphore_mem>>
      %dma_start3A_92 = arith.constant 0 : i32
      %dma_start3A_93 = arith.constant 0 : i32
      %dma_start3A_94 = tpu.memref_slice %arg6[%dma_start3A, %dma_start3A_92, %dma_start3A_93] : memref<2x1x128xi32, #tpu.memory_space<vmem>> -> memref<1x1x128xi32, #tpu.memory_space<vmem>>
      %dma_start3A_95 = tpu.memref_squeeze %dma_start3A_94 : memref<1x1x128xi32, #tpu.memory_space<vmem>> -> memref<1x128xi32, #tpu.memory_space<vmem>>
      %dma_start3A_96 = arith.constant 0 : i32
      %dma_start3A_97 = arith.constant 0 : i32
      %dma_start3A_98 = tpu.memref_slice %arg2[%add3A_80, %dma_start3A_96, %dma_start3A_97] : memref<2560x1x128xi32, #tpu.memory_space<hbm>> -> memref<1x1x128xi32, #tpu.memory_space<hbm>>
      %dma_start3A_99 = tpu.memref_squeeze %dma_start3A_98 : memref<1x1x128xi32, #tpu.memory_space<hbm>> -> memref<1x128xi32, #tpu.memory_space<hbm>>
      tpu.enqueue_dma source(%dma_start3A_99 : memref<1x128xi32, #tpu.memory_space<hbm>>) target(%dma_start3A_95 : memref<1x128xi32, #tpu.memory_space<vmem>>) target_semaphore(%dma_start3A_91 : memref<!tpu.dma_semaphore, #tpu.memory_space<semaphore_mem>>)
      %add3A_100 = arith.constant 0 : i32
      %add3A_101 = arith.addi %add3A_78, %add3A_100 : i32
      %dma_start3A_102 = arith.constant 0 : i32
      %dma_start3A_103 = arith.constant 0 : i32
      %dma_start3A_104 = arith.constant 0 : i32
      %dma_start3A_105 = arith.constant 0 : i32
      %dma_start3A_106 = tpu.memref_slice %arg7[%dma_start3A_102, %dma_start3A_104, %dma_start3A_105] : memref<2x1x128xi32, #tpu.memory_space<vmem>> -> memref<1x1x128xi32, #tpu.memory_space<vmem>>
      %dma_start3A_107 = tpu.memref_squeeze %dma_start3A_106 : memref<1x1x128xi32, #tpu.memory_space<vmem>> -> memref<1x128xi32, #tpu.memory_space<vmem>>
      %dma_start3A_108 = arith.constant 0 : i32
      %dma_start3A_109 = arith.constant 0 : i32
      %dma_start3A_110 = tpu.memref_slice %arg3[%add3A_101, %dma_start3A_108, %dma_start3A_109] : memref<2560x1x128xi32, #tpu.memory_space<hbm>> -> memref<1x1x128xi32, #tpu.memory_space<hbm>>
      %dma_start3A_111 = tpu.memref_squeeze %dma_start3A_110 : memref<1x1x128xi32, #tpu.memory_space<hbm>> -> memref<1x128xi32, #tpu.memory_space<hbm>>
      %dma_start3A_112 = tpu.memref_slice %arg11[%dma_start3A_103] : memref<2x!tpu.dma_semaphore, #tpu.memory_space<semaphore_mem>> -> memref<1x!tpu.dma_semaphore, #tpu.memory_space<semaphore_mem>>
      %dma_start3A_113 = tpu.memref_squeeze %dma_start3A_112 : memref<1x!tpu.dma_semaphore, #tpu.memory_space<semaphore_mem>> -> memref<!tpu.dma_semaphore, #tpu.memory_space<semaphore_mem>>
      %dma_start3A_114 = arith.constant 0 : i32
      %dma_start3A_115 = arith.constant 0 : i32
      %dma_start3A_116 = tpu.memref_slice %arg7[%dma_start3A_102, %dma_start3A_114, %dma_start3A_115] : memref<2x1x128xi32, #tpu.memory_space<vmem>> -> memref<1x1x128xi32, #tpu.memory_space<vmem>>
      %dma_start3A_117 = tpu.memref_squeeze %dma_start3A_116 : memref<1x1x128xi32, #tpu.memory_space<vmem>> -> memref<1x128xi32, #tpu.memory_space<vmem>>
      %dma_start3A_118 = arith.constant 0 : i32
      %dma_start3A_119 = arith.constant 0 : i32
      %dma_start3A_120 = tpu.memref_slice %arg3[%add3A_101, %dma_start3A_118, %dma_start3A_119] : memref<2560x1x128xi32, #tpu.memory_space<hbm>> -> memref<1x1x128xi32, #tpu.memory_space<hbm>>
      %dma_start3A_121 = tpu.memref_squeeze %dma_start3A_120 : memref<1x1x128xi32, #tpu.memory_space<hbm>> -> memref<1x128xi32, #tpu.memory_space<hbm>>
      tpu.enqueue_dma source(%dma_start3A_121 : memref<1x128xi32, #tpu.memory_space<hbm>>) target(%dma_start3A_117 : memref<1x128xi32, #tpu.memory_space<vmem>>) target_semaphore(%dma_start3A_113 : memref<!tpu.dma_semaphore, #tpu.memory_space<semaphore_mem>>)
      %add3A_122 = arith.constant 1 : i32
      %add3A_123 = arith.addi %add3A_78, %add3A_122 : i32
      %dma_start3A_124 = arith.constant 1 : i32
      %dma_start3A_125 = arith.constant 1 : i32
      %dma_start3A_126 = arith.constant 0 : i32
      %dma_start3A_127 = arith.constant 0 : i32
      %dma_start3A_128 = tpu.memref_slice %arg6[%dma_start3A_124, %dma_start3A_126, %dma_start3A_127] : memref<2x1x128xi32, #tpu.memory_space<vmem>> -> memref<1x1x128xi32, #tpu.memory_space<vmem>>
      %dma_start3A_129 = tpu.memref_squeeze %dma_start3A_128 : memref<1x1x128xi32, #tpu.memory_space<vmem>> -> memref<1x128xi32, #tpu.memory_space<vmem>>
      %dma_start3A_130 = arith.constant 0 : i32
      %dma_start3A_131 = arith.constant 0 : i32
      %dma_start3A_132 = tpu.memref_slice %arg2[%add3A_123, %dma_start3A_130, %dma_start3A_131] : memref<2560x1x128xi32, #tpu.memory_space<hbm>> -> memref<1x1x128xi32, #tpu.memory_space<hbm>>
      %dma_start3A_133 = tpu.memref_squeeze %dma_start3A_132 : memref<1x1x128xi32, #tpu.memory_space<hbm>> -> memref<1x128xi32, #tpu.memory_space<hbm>>
      %dma_start3A_134 = tpu.memref_slice %arg10[%dma_start3A_125] : memref<2x!tpu.dma_semaphore, #tpu.memory_space<semaphore_mem>> -> memref<1x!tpu.dma_semaphore, #tpu.memory_space<semaphore_mem>>
      %dma_start3A_135 = tpu.memref_squeeze %dma_start3A_134 : memref<1x!tpu.dma_semaphore, #tpu.memory_space<semaphore_mem>> -> memref<!tpu.dma_semaphore, #tpu.memory_space<semaphore_mem>>
      %dma_start3A_136 = arith.constant 0 : i32
      %dma_start3A_137 = arith.constant 0 : i32
      %dma_start3A_138 = tpu.memref_slice %arg6[%dma_start3A_124, %dma_start3A_136, %dma_start3A_137] : memref<2x1x128xi32, #tpu.memory_space<vmem>> -> memref<1x1x128xi32, #tpu.memory_space<vmem>>
      %dma_start3A_139 = tpu.memref_squeeze %dma_start3A_138 : memref<1x1x128xi32, #tpu.memory_space<vmem>> -> memref<1x128xi32, #tpu.memory_space<vmem>>
      %dma_start3A_140 = arith.constant 0 : i32
      %dma_start3A_141 = arith.constant 0 : i32
      %dma_start3A_142 = tpu.memref_slice %arg2[%add3A_123, %dma_start3A_140, %dma_start3A_141] : memref<2560x1x128xi32, #tpu.memory_space<hbm>> -> memref<1x1x128xi32, #tpu.memory_space<hbm>>
      %dma_start3A_143 = tpu.memref_squeeze %dma_start3A_142 : memref<1x1x128xi32, #tpu.memory_space<hbm>> -> memref<1x128xi32, #tpu.memory_space<hbm>>
      tpu.enqueue_dma source(%dma_start3A_143 : memref<1x128xi32, #tpu.memory_space<hbm>>) target(%dma_start3A_139 : memref<1x128xi32, #tpu.memory_space<vmem>>) target_semaphore(%dma_start3A_135 : memref<!tpu.dma_semaphore, #tpu.memory_space<semaphore_mem>>)
      %add3A_144 = arith.constant 1 : i32
      %add3A_145 = arith.addi %add3A_78, %add3A_144 : i32
      %dma_start3A_146 = arith.constant 1 : i32
      %dma_start3A_147 = arith.constant 1 : i32
      %dma_start3A_148 = arith.constant 0 : i32
      %dma_start3A_149 = arith.constant 0 : i32
      %dma_start3A_150 = tpu.memref_slice %arg7[%dma_start3A_146, %dma_start3A_148, %dma_start3A_149] : memref<2x1x128xi32, #tpu.memory_space<vmem>> -> memref<1x1x128xi32, #tpu.memory_space<vmem>>
      %dma_start3A_151 = tpu.memref_squeeze %dma_start3A_150 : memref<1x1x128xi32, #tpu.memory_space<vmem>> -> memref<1x128xi32, #tpu.memory_space<vmem>>
      %dma_start3A_152 = arith.constant 0 : i32
      %dma_start3A_153 = arith.constant 0 : i32
      %dma_start3A_154 = tpu.memref_slice %arg3[%add3A_145, %dma_start3A_152, %dma_start3A_153] : memref<2560x1x128xi32, #tpu.memory_space<hbm>> -> memref<1x1x128xi32, #tpu.memory_space<hbm>>
      %dma_start3A_155 = tpu.memref_squeeze %dma_start3A_154 : memref<1x1x128xi32, #tpu.memory_space<hbm>> -> memref<1x128xi32, #tpu.memory_space<hbm>>
      %dma_start3A_156 = tpu.memref_slice %arg11[%dma_start3A_147] : memref<2x!tpu.dma_semaphore, #tpu.memory_space<semaphore_mem>> -> memref<1x!tpu.dma_semaphore, #tpu.memory_space<semaphore_mem>>
      %dma_start3A_157 = tpu.memref_squeeze %dma_start3A_156 : memref<1x!tpu.dma_semaphore, #tpu.memory_space<semaphore_mem>> -> memref<!tpu.dma_semaphore, #tpu.memory_space<semaphore_mem>>
      %dma_start3A_158 = arith.constant 0 : i32
      %dma_start3A_159 = arith.constant 0 : i32
      %dma_start3A_160 = tpu.memref_slice %arg7[%dma_start3A_146, %dma_start3A_158, %dma_start3A_159] : memref<2x1x128xi32, #tpu.memory_space<vmem>> -> memref<1x1x128xi32, #tpu.memory_space<vmem>>
      %dma_start3A_161 = tpu.memref_squeeze %dma_start3A_160 : memref<1x1x128xi32, #tpu.memory_space<vmem>> -> memref<1x128xi32, #tpu.memory_space<vmem>>
      %dma_start3A_162 = arith.constant 0 : i32
      %dma_start3A_163 = arith.constant 0 : i32
      %dma_start3A_164 = tpu.memref_slice %arg3[%add3A_145, %dma_start3A_162, %dma_start3A_163] : memref<2560x1x128xi32, #tpu.memory_space<hbm>> -> memref<1x1x128xi32, #tpu.memory_space<hbm>>
      %dma_start3A_165 = tpu.memref_squeeze %dma_start3A_164 : memref<1x1x128xi32, #tpu.memory_space<hbm>> -> memref<1x128xi32, #tpu.memory_space<hbm>>
      tpu.enqueue_dma source(%dma_start3A_165 : memref<1x128xi32, #tpu.memory_space<hbm>>) target(%dma_start3A_161 : memref<1x128xi32, #tpu.memory_space<vmem>>) target_semaphore(%dma_start3A_157 : memref<!tpu.dma_semaphore, #tpu.memory_space<semaphore_mem>>)
      %scan3A_166 = arith.constant 0 : i32
      %scan3A_167 = arith.constant 0 : i32
      %scan3A_168 = arith.constant 5 : i32
      %scan3A_169 = arith.addi %scan3A_167, %scan3A_168 : i32
      %scan3A_170 = arith.constant 1 : i32
      scf.for %scan3A_172 = %scan3A_167 to %scan3A_169 step %scan3A_170  : i32 {
        %mul3A_173 = arith.constant 2 : i32
        %mul3A_174 = arith.muli %scan3A_172, %mul3A_173 : i32
        %add3A_175 = arith.addi %add3A_78, %mul3A_174 : i32
        %add3A_176 = arith.constant 0 : i32
        %add3A_177 = arith.addi %add3A_175, %add3A_176 : i32
        %dma_wait3A = arith.constant 0 : i32
        %dma_wait3A_178 = arith.constant 0 : i32
        %dma_wait3A_179 = arith.constant 0 : i32
        %dma_wait3A_180 = arith.constant 0 : i32
        %dma_wait3A_181 = tpu.memref_slice %arg6[%dma_wait3A, %dma_wait3A_179, %dma_wait3A_180] : memref<2x1x128xi32, #tpu.memory_space<vmem>> -> memref<1x1x128xi32, #tpu.memory_space<vmem>>
        %dma_wait3A_182 = tpu.memref_squeeze %dma_wait3A_181 : memref<1x1x128xi32, #tpu.memory_space<vmem>> -> memref<1x128xi32, #tpu.memory_space<vmem>>
        %dma_wait3A_183 = arith.constant 0 : i32
        %dma_wait3A_184 = arith.constant 0 : i32
        %dma_wait3A_185 = tpu.memref_slice %arg2[%add3A_177, %dma_wait3A_183, %dma_wait3A_184] : memref<2560x1x128xi32, #tpu.memory_space<hbm>> -> memref<1x1x128xi32, #tpu.memory_space<hbm>>
        %dma_wait3A_186 = tpu.memref_squeeze %dma_wait3A_185 : memref<1x1x128xi32, #tpu.memory_space<hbm>> -> memref<1x128xi32, #tpu.memory_space<hbm>>
        %dma_wait3A_187 = tpu.memref_slice %arg10[%dma_wait3A_178] : memref<2x!tpu.dma_semaphore, #tpu.memory_space<semaphore_mem>> -> memref<1x!tpu.dma_semaphore, #tpu.memory_space<semaphore_mem>>
        %dma_wait3A_188 = tpu.memref_squeeze %dma_wait3A_187 : memref<1x!tpu.dma_semaphore, #tpu.memory_space<semaphore_mem>> -> memref<!tpu.dma_semaphore, #tpu.memory_space<semaphore_mem>>
        %dma_wait3A_189 = arith.constant 0 : i32
        %dma_wait3A_190 = arith.constant 0 : i32
        %dma_wait3A_191 = tpu.memref_slice %arg6[%dma_wait3A, %dma_wait3A_189, %dma_wait3A_190] : memref<2x1x128xi32, #tpu.memory_space<vmem>> -> memref<1x1x128xi32, #tpu.memory_space<vmem>>
        %dma_wait3A_192 = tpu.memref_squeeze %dma_wait3A_191 : memref<1x1x128xi32, #tpu.memory_space<vmem>> -> memref<1x128xi32, #tpu.memory_space<vmem>>
        %dma_wait3A_193 = arith.constant 0 : i32
        %dma_wait3A_194 = arith.constant 0 : i32
        %dma_wait3A_195 = tpu.memref_slice %arg2[%add3A_177, %dma_wait3A_193, %dma_wait3A_194] : memref<2560x1x128xi32, #tpu.memory_space<hbm>> -> memref<1x1x128xi32, #tpu.memory_space<hbm>>
        %dma_wait3A_196 = tpu.memref_squeeze %dma_wait3A_195 : memref<1x1x128xi32, #tpu.memory_space<hbm>> -> memref<1x128xi32, #tpu.memory_space<hbm>>
        tpu.wait_dma2 semaphore(%dma_wait3A_188 : memref<!tpu.dma_semaphore, #tpu.memory_space<semaphore_mem>>) src(%dma_wait3A_196 : memref<1x128xi32, #tpu.memory_space<hbm>>) dst(%dma_wait3A_192 : memref<1x128xi32, #tpu.memory_space<vmem>>)
        %dma_start3A_197 = arith.constant 0 : i32
        %dma_start3A_198 = arith.constant 0 : i32
        %dma_start3A_199 = arith.constant 0 : i32
        %dma_start3A_200 = arith.constant 0 : i32
        %dma_start3A_201 = arith.constant 0 : i32
        %dma_start3A_202 = arith.constant 0 : i32
        %dma_start3A_203 = tpu.memref_slice %arg8[%dma_start3A_199, %dma_start3A_201, %dma_start3A_202] : memref<2x128x128xf32, #tpu.memory_space<vmem>> -> memref<1x128x128xf32, #tpu.memory_space<vmem>>
        %dma_start3A_204 = tpu.memref_squeeze %dma_start3A_203 : memref<1x128x128xf32, #tpu.memory_space<vmem>> -> memref<128x128xf32, #tpu.memory_space<vmem>>
        %dma_start3A_205 = arith.constant 0 : i32
        %dma_start3A_206 = tpu.memref_slice %arg6[%dma_start3A_197, %dma_start3A_198, %dma_start3A_205] : memref<2x1x128xi32, #tpu.memory_space<vmem>> -> memref<1x1x128xi32, #tpu.memory_space<vmem>>
        %dma_start3A_207 = tpu.memref_squeeze %dma_start3A_206 : memref<1x1x128xi32, #tpu.memory_space<vmem>> -> memref<128xi32, #tpu.memory_space<vmem>>
        %dma_start3A_208 = arith.constant 0 : i32
        %dma_start3A_209 = arith.constant 0 : i32
        %dma_start3A_210 = tpu.memref_slice %arg4[%dma_start3A_208, %dma_start3A_209] : memref<10000x128xf32, #tpu.memory_space<hbm>> -> memref<10000x128xf32, #tpu.memory_space<hbm>>
        %dma_start3A_211 = tpu.memref_slice %arg12[%dma_start3A_200] : memref<2x!tpu.dma_semaphore, #tpu.memory_space<semaphore_mem>> -> memref<1x!tpu.dma_semaphore, #tpu.memory_space<semaphore_mem>>
        %dma_start3A_212 = tpu.memref_squeeze %dma_start3A_211 : memref<1x!tpu.dma_semaphore, #tpu.memory_space<semaphore_mem>> -> memref<!tpu.dma_semaphore, #tpu.memory_space<semaphore_mem>>
        tpu.enqueue_indirect_dma source(%dma_start3A_210 : memref<10000x128xf32, #tpu.memory_space<hbm>>) target(%dma_start3A_204 : memref<128x128xf32, #tpu.memory_space<vmem>>) offsets(%dma_start3A_207 : memref<128xi32, #tpu.memory_space<vmem>>) semaphore(%dma_start3A_212 : memref<!tpu.dma_semaphore, #tpu.memory_space<semaphore_mem>>)
        %add3A_213 = arith.addi %add3A_78, %mul3A_174 : i32
        %add3A_214 = arith.constant 1 : i32
        %add3A_215 = arith.addi %add3A_213, %add3A_214 : i32
        %dma_wait3A_216 = arith.constant 1 : i32
        %dma_wait3A_217 = arith.constant 1 : i32
        %dma_wait3A_218 = arith.constant 0 : i32
        %dma_wait3A_219 = arith.constant 0 : i32
        %dma_wait3A_220 = tpu.memref_slice %arg6[%dma_wait3A_216, %dma_wait3A_218, %dma_wait3A_219] : memref<2x1x128xi32, #tpu.memory_space<vmem>> -> memref<1x1x128xi32, #tpu.memory_space<vmem>>
        %dma_wait3A_221 = tpu.memref_squeeze %dma_wait3A_220 : memref<1x1x128xi32, #tpu.memory_space<vmem>> -> memref<1x128xi32, #tpu.memory_space<vmem>>
        %dma_wait3A_222 = arith.constant 0 : i32
        %dma_wait3A_223 = arith.constant 0 : i32
        %dma_wait3A_224 = tpu.memref_slice %arg2[%add3A_215, %dma_wait3A_222, %dma_wait3A_223] : memref<2560x1x128xi32, #tpu.memory_space<hbm>> -> memref<1x1x128xi32, #tpu.memory_space<hbm>>
        %dma_wait3A_225 = tpu.memref_squeeze %dma_wait3A_224 : memref<1x1x128xi32, #tpu.memory_space<hbm>> -> memref<1x128xi32, #tpu.memory_space<hbm>>
        %dma_wait3A_226 = tpu.memref_slice %arg10[%dma_wait3A_217] : memref<2x!tpu.dma_semaphore, #tpu.memory_space<semaphore_mem>> -> memref<1x!tpu.dma_semaphore, #tpu.memory_space<semaphore_mem>>
        %dma_wait3A_227 = tpu.memref_squeeze %dma_wait3A_226 : memref<1x!tpu.dma_semaphore, #tpu.memory_space<semaphore_mem>> -> memref<!tpu.dma_semaphore, #tpu.memory_space<semaphore_mem>>
        %dma_wait3A_228 = arith.constant 0 : i32
        %dma_wait3A_229 = arith.constant 0 : i32
        %dma_wait3A_230 = tpu.memref_slice %arg6[%dma_wait3A_216, %dma_wait3A_228, %dma_wait3A_229] : memref<2x1x128xi32, #tpu.memory_space<vmem>> -> memref<1x1x128xi32, #tpu.memory_space<vmem>>
        %dma_wait3A_231 = tpu.memref_squeeze %dma_wait3A_230 : memref<1x1x128xi32, #tpu.memory_space<vmem>> -> memref<1x128xi32, #tpu.memory_space<vmem>>
        %dma_wait3A_232 = arith.constant 0 : i32
        %dma_wait3A_233 = arith.constant 0 : i32
        %dma_wait3A_234 = tpu.memref_slice %arg2[%add3A_215, %dma_wait3A_232, %dma_wait3A_233] : memref<2560x1x128xi32, #tpu.memory_space<hbm>> -> memref<1x1x128xi32, #tpu.memory_space<hbm>>
        %dma_wait3A_235 = tpu.memref_squeeze %dma_wait3A_234 : memref<1x1x128xi32, #tpu.memory_space<hbm>> -> memref<1x128xi32, #tpu.memory_space<hbm>>
        tpu.wait_dma2 semaphore(%dma_wait3A_227 : memref<!tpu.dma_semaphore, #tpu.memory_space<semaphore_mem>>) src(%dma_wait3A_235 : memref<1x128xi32, #tpu.memory_space<hbm>>) dst(%dma_wait3A_231 : memref<1x128xi32, #tpu.memory_space<vmem>>)
        %dma_start3A_236 = arith.constant 1 : i32
        %dma_start3A_237 = arith.constant 0 : i32
        %dma_start3A_238 = arith.constant 1 : i32
        %dma_start3A_239 = arith.constant 1 : i32
        %dma_start3A_240 = arith.constant 0 : i32
        %dma_start3A_241 = arith.constant 0 : i32
        %dma_start3A_242 = tpu.memref_slice %arg8[%dma_start3A_238, %dma_start3A_240, %dma_start3A_241] : memref<2x128x128xf32, #tpu.memory_space<vmem>> -> memref<1x128x128xf32, #tpu.memory_space<vmem>>
        %dma_start3A_243 = tpu.memref_squeeze %dma_start3A_242 : memref<1x128x128xf32, #tpu.memory_space<vmem>> -> memref<128x128xf32, #tpu.memory_space<vmem>>
        %dma_start3A_244 = arith.constant 0 : i32
        %dma_start3A_245 = tpu.memref_slice %arg6[%dma_start3A_236, %dma_start3A_237, %dma_start3A_244] : memref<2x1x128xi32, #tpu.memory_space<vmem>> -> memref<1x1x128xi32, #tpu.memory_space<vmem>>
        %dma_start3A_246 = tpu.memref_squeeze %dma_start3A_245 : memref<1x1x128xi32, #tpu.memory_space<vmem>> -> memref<128xi32, #tpu.memory_space<vmem>>
        %dma_start3A_247 = arith.constant 0 : i32
        %dma_start3A_248 = arith.constant 0 : i32
        %dma_start3A_249 = tpu.memref_slice %arg4[%dma_start3A_247, %dma_start3A_248] : memref<10000x128xf32, #tpu.memory_space<hbm>> -> memref<10000x128xf32, #tpu.memory_space<hbm>>
        %dma_start3A_250 = tpu.memref_slice %arg12[%dma_start3A_239] : memref<2x!tpu.dma_semaphore, #tpu.memory_space<semaphore_mem>> -> memref<1x!tpu.dma_semaphore, #tpu.memory_space<semaphore_mem>>
        %dma_start3A_251 = tpu.memref_squeeze %dma_start3A_250 : memref<1x!tpu.dma_semaphore, #tpu.memory_space<semaphore_mem>> -> memref<!tpu.dma_semaphore, #tpu.memory_space<semaphore_mem>>
        tpu.enqueue_indirect_dma source(%dma_start3A_249 : memref<10000x128xf32, #tpu.memory_space<hbm>>) target(%dma_start3A_243 : memref<128x128xf32, #tpu.memory_space<vmem>>) offsets(%dma_start3A_246 : memref<128xi32, #tpu.memory_space<vmem>>) semaphore(%dma_start3A_251 : memref<!tpu.dma_semaphore, #tpu.memory_space<semaphore_mem>>)
        %dma_wait3A_252 = arith.constant 0 : i32
        %dma_wait3A_253 = arith.constant 0 : i32
        %dma_wait3A_254 = arith.constant 0 : i32
        %dma_wait3A_255 = arith.constant 0 : i32
        %dma_wait3A_256 = arith.constant 0 : i32
        %dma_wait3A_257 = arith.constant 0 : i32
        %dma_wait3A_258 = tpu.memref_slice %arg8[%dma_wait3A_254, %dma_wait3A_256, %dma_wait3A_257] : memref<2x128x128xf32, #tpu.memory_space<vmem>> -> memref<1x128x128xf32, #tpu.memory_space<vmem>>
        %dma_wait3A_259 = tpu.memref_squeeze %dma_wait3A_258 : memref<1x128x128xf32, #tpu.memory_space<vmem>> -> memref<128x128xf32, #tpu.memory_space<vmem>>
        %dma_wait3A_260 = arith.constant 0 : i32
        %dma_wait3A_261 = tpu.memref_slice %arg6[%dma_wait3A_252, %dma_wait3A_253, %dma_wait3A_260] : memref<2x1x128xi32, #tpu.memory_space<vmem>> -> memref<1x1x128xi32, #tpu.memory_space<vmem>>
        %dma_wait3A_262 = tpu.memref_squeeze %dma_wait3A_261 : memref<1x1x128xi32, #tpu.memory_space<vmem>> -> memref<128xi32, #tpu.memory_space<vmem>>
        %dma_wait3A_263 = arith.constant 0 : i32
        %dma_wait3A_264 = arith.constant 0 : i32
        %dma_wait3A_265 = tpu.memref_slice %arg4[%dma_wait3A_263, %dma_wait3A_264] : memref<10000x128xf32, #tpu.memory_space<hbm>> -> memref<10000x128xf32, #tpu.memory_space<hbm>>
        %dma_wait3A_266 = tpu.memref_slice %arg12[%dma_wait3A_255] : memref<2x!tpu.dma_semaphore, #tpu.memory_space<semaphore_mem>> -> memref<1x!tpu.dma_semaphore, #tpu.memory_space<semaphore_mem>>
        %dma_wait3A_267 = tpu.memref_squeeze %dma_wait3A_266 : memref<1x!tpu.dma_semaphore, #tpu.memory_space<semaphore_mem>> -> memref<!tpu.dma_semaphore, #tpu.memory_space<semaphore_mem>>
        tpu.wait_indirect_dma semaphore(%dma_wait3A_267 : memref<!tpu.dma_semaphore, #tpu.memory_space<semaphore_mem>>) src(%dma_wait3A_265 : memref<10000x128xf32, #tpu.memory_space<hbm>>) dst(%dma_wait3A_259 : memref<128x128xf32, #tpu.memory_space<vmem>>)
        %add3A_268 = arith.constant 0 : i32
        %add3A_269 = arith.addi %mul3A_174, %add3A_268 : i32
        %add3A_270 = arith.constant 2 : i32
        %add3A_271 = arith.addi %add3A_269, %add3A_270 : i32
        %lt3A = arith.constant 10 : i32
        %lt3A_272 = arith.cmpi slt, %add3A_271, %lt3A : i32
        %convert_element_type3A_273 = arith.extui %lt3A_272 : i1 to i32
        %cond3A_274 = arith.constant 0 : i32
        %cond3A_275 = arith.cmpi ne, %convert_element_type3A_273, %cond3A_274 : i32
        scf.if %cond3A_275 {
          %add3A_417 = arith.addi %add3A_78, %add3A_271 : i32
          %dma_start3A_418 = arith.constant 0 : i32
          %dma_start3A_419 = arith.constant 0 : i32
          %dma_start3A_420 = arith.constant 0 : i32
          %dma_start3A_421 = arith.constant 0 : i32
          %dma_start3A_422 = tpu.memref_slice %arg6[%dma_start3A_418, %dma_start3A_420, %dma_start3A_421] : memref<2x1x128xi32, #tpu.memory_space<vmem>> -> memref<1x1x128xi32, #tpu.memory_space<vmem>>
          %dma_start3A_423 = tpu.memref_squeeze %dma_start3A_422 : memref<1x1x128xi32, #tpu.memory_space<vmem>> -> memref<1x128xi32, #tpu.memory_space<vmem>>
          %dma_start3A_424 = arith.constant 0 : i32
          %dma_start3A_425 = arith.constant 0 : i32
          %dma_start3A_426 = tpu.memref_slice %arg2[%add3A_417, %dma_start3A_424, %dma_start3A_425] : memref<2560x1x128xi32, #tpu.memory_space<hbm>> -> memref<1x1x128xi32, #tpu.memory_space<hbm>>
          %dma_start3A_427 = tpu.memref_squeeze %dma_start3A_426 : memref<1x1x128xi32, #tpu.memory_space<hbm>> -> memref<1x128xi32, #tpu.memory_space<hbm>>
          %dma_start3A_428 = tpu.memref_slice %arg10[%dma_start3A_419] : memref<2x!tpu.dma_semaphore, #tpu.memory_space<semaphore_mem>> -> memref<1x!tpu.dma_semaphore, #tpu.memory_space<semaphore_mem>>
          %dma_start3A_429 = tpu.memref_squeeze %dma_start3A_428 : memref<1x!tpu.dma_semaphore, #tpu.memory_space<semaphore_mem>> -> memref<!tpu.dma_semaphore, #tpu.memory_space<semaphore_mem>>
          %dma_start3A_430 = arith.constant 0 : i32
          %dma_start3A_431 = arith.constant 0 : i32
          %dma_start3A_432 = tpu.memref_slice %arg6[%dma_start3A_418, %dma_start3A_430, %dma_start3A_431] : memref<2x1x128xi32, #tpu.memory_space<vmem>> -> memref<1x1x128xi32, #tpu.memory_space<vmem>>
          %dma_start3A_433 = tpu.memref_squeeze %dma_start3A_432 : memref<1x1x128xi32, #tpu.memory_space<vmem>> -> memref<1x128xi32, #tpu.memory_space<vmem>>
          %dma_start3A_434 = arith.constant 0 : i32
          %dma_start3A_435 = arith.constant 0 : i32
          %dma_start3A_436 = tpu.memref_slice %arg2[%add3A_417, %dma_start3A_434, %dma_start3A_435] : memref<2560x1x128xi32, #tpu.memory_space<hbm>> -> memref<1x1x128xi32, #tpu.memory_space<hbm>>
          %dma_start3A_437 = tpu.memref_squeeze %dma_start3A_436 : memref<1x1x128xi32, #tpu.memory_space<hbm>> -> memref<1x128xi32, #tpu.memory_space<hbm>>
          tpu.enqueue_dma source(%dma_start3A_437 : memref<1x128xi32, #tpu.memory_space<hbm>>) target(%dma_start3A_433 : memref<1x128xi32, #tpu.memory_space<vmem>>) target_semaphore(%dma_start3A_429 : memref<!tpu.dma_semaphore, #tpu.memory_space<semaphore_mem>>)
        } else {
        }
        %add3A_276 = arith.addi %add3A_78, %mul3A_174 : i32
        %add3A_277 = arith.constant 0 : i32
        %add3A_278 = arith.addi %add3A_276, %add3A_277 : i32
        %dma_wait3A_279 = arith.constant 0 : i32
        %dma_wait3A_280 = arith.constant 0 : i32
        %dma_wait3A_281 = arith.constant 0 : i32
        %dma_wait3A_282 = arith.constant 0 : i32
        %dma_wait3A_283 = tpu.memref_slice %arg7[%dma_wait3A_279, %dma_wait3A_281, %dma_wait3A_282] : memref<2x1x128xi32, #tpu.memory_space<vmem>> -> memref<1x1x128xi32, #tpu.memory_space<vmem>>
        %dma_wait3A_284 = tpu.memref_squeeze %dma_wait3A_283 : memref<1x1x128xi32, #tpu.memory_space<vmem>> -> memref<1x128xi32, #tpu.memory_space<vmem>>
        %dma_wait3A_285 = arith.constant 0 : i32
        %dma_wait3A_286 = arith.constant 0 : i32
        %dma_wait3A_287 = tpu.memref_slice %arg3[%add3A_278, %dma_wait3A_285, %dma_wait3A_286] : memref<2560x1x128xi32, #tpu.memory_space<hbm>> -> memref<1x1x128xi32, #tpu.memory_space<hbm>>
        %dma_wait3A_288 = tpu.memref_squeeze %dma_wait3A_287 : memref<1x1x128xi32, #tpu.memory_space<hbm>> -> memref<1x128xi32, #tpu.memory_space<hbm>>
        %dma_wait3A_289 = tpu.memref_slice %arg11[%dma_wait3A_280] : memref<2x!tpu.dma_semaphore, #tpu.memory_space<semaphore_mem>> -> memref<1x!tpu.dma_semaphore, #tpu.memory_space<semaphore_mem>>
        %dma_wait3A_290 = tpu.memref_squeeze %dma_wait3A_289 : memref<1x!tpu.dma_semaphore, #tpu.memory_space<semaphore_mem>> -> memref<!tpu.dma_semaphore, #tpu.memory_space<semaphore_mem>>
        %dma_wait3A_291 = arith.constant 0 : i32
        %dma_wait3A_292 = arith.constant 0 : i32
        %dma_wait3A_293 = tpu.memref_slice %arg7[%dma_wait3A_279, %dma_wait3A_291, %dma_wait3A_292] : memref<2x1x128xi32, #tpu.memory_space<vmem>> -> memref<1x1x128xi32, #tpu.memory_space<vmem>>
        %dma_wait3A_294 = tpu.memref_squeeze %dma_wait3A_293 : memref<1x1x128xi32, #tpu.memory_space<vmem>> -> memref<1x128xi32, #tpu.memory_space<vmem>>
        %dma_wait3A_295 = arith.constant 0 : i32
        %dma_wait3A_296 = arith.constant 0 : i32
        %dma_wait3A_297 = tpu.memref_slice %arg3[%add3A_278, %dma_wait3A_295, %dma_wait3A_296] : memref<2560x1x128xi32, #tpu.memory_space<hbm>> -> memref<1x1x128xi32, #tpu.memory_space<hbm>>
        %dma_wait3A_298 = tpu.memref_squeeze %dma_wait3A_297 : memref<1x1x128xi32, #tpu.memory_space<hbm>> -> memref<1x128xi32, #tpu.memory_space<hbm>>
        tpu.wait_dma2 semaphore(%dma_wait3A_290 : memref<!tpu.dma_semaphore, #tpu.memory_space<semaphore_mem>>) src(%dma_wait3A_298 : memref<1x128xi32, #tpu.memory_space<hbm>>) dst(%dma_wait3A_294 : memref<1x128xi32, #tpu.memory_space<vmem>>)
        %dma_start3A_299 = arith.constant 0 : i32
        %dma_start3A_300 = arith.constant 0 : i32
        %dma_start3A_301 = arith.constant 0 : i32
        %dma_start3A_302 = arith.constant 0 : i32
        %dma_start3A_303 = arith.constant 0 : i32
        %dma_start3A_304 = tpu.memref_slice %arg8[%dma_start3A_299, %dma_start3A_302, %dma_start3A_303] : memref<2x128x128xf32, #tpu.memory_space<vmem>> -> memref<1x128x128xf32, #tpu.memory_space<vmem>>
        %dma_start3A_305 = tpu.memref_squeeze %dma_start3A_304 : memref<1x128x128xf32, #tpu.memory_space<vmem>> -> memref<128x128xf32, #tpu.memory_space<vmem>>
        %dma_start3A_306 = arith.constant 0 : i32
        %dma_start3A_307 = tpu.memref_slice %arg7[%dma_start3A_300, %dma_start3A_301, %dma_start3A_306] : memref<2x1x128xi32, #tpu.memory_space<vmem>> -> memref<1x1x128xi32, #tpu.memory_space<vmem>>
        %dma_start3A_308 = tpu.memref_squeeze %dma_start3A_307 : memref<1x1x128xi32, #tpu.memory_space<vmem>> -> memref<128xi32, #tpu.memory_space<vmem>>
        %dma_start3A_309 = arith.constant 0 : i32
        %dma_start3A_310 = arith.constant 0 : i32
        %dma_start3A_311 = tpu.memref_slice %arg9[%dma_start3A_309, %dma_start3A_310] : memref<10240x128xf32, #tpu.memory_space<vmem_shared>> -> memref<10240x128xf32, #tpu.memory_space<vmem_shared>>
        tpu.enqueue_indirect_dma source(%dma_start3A_305 : memref<128x128xf32, #tpu.memory_space<vmem>>) target(%dma_start3A_311 : memref<10240x128xf32, #tpu.memory_space<vmem_shared>>) offsets(%dma_start3A_308 : memref<128xi32, #tpu.memory_space<vmem>>) semaphore(%arg13 : memref<!tpu.dma_semaphore, #tpu.memory_space<semaphore_mem>>) {add = true}
        %dma_wait3A_312 = arith.constant 1 : i32
        %dma_wait3A_313 = arith.constant 0 : i32
        %dma_wait3A_314 = arith.constant 1 : i32
        %dma_wait3A_315 = arith.constant 1 : i32
        %dma_wait3A_316 = arith.constant 0 : i32
        %dma_wait3A_317 = arith.constant 0 : i32
        %dma_wait3A_318 = tpu.memref_slice %arg8[%dma_wait3A_314, %dma_wait3A_316, %dma_wait3A_317] : memref<2x128x128xf32, #tpu.memory_space<vmem>> -> memref<1x128x128xf32, #tpu.memory_space<vmem>>
        %dma_wait3A_319 = tpu.memref_squeeze %dma_wait3A_318 : memref<1x128x128xf32, #tpu.memory_space<vmem>> -> memref<128x128xf32, #tpu.memory_space<vmem>>
        %dma_wait3A_320 = arith.constant 0 : i32
        %dma_wait3A_321 = tpu.memref_slice %arg6[%dma_wait3A_312, %dma_wait3A_313, %dma_wait3A_320] : memref<2x1x128xi32, #tpu.memory_space<vmem>> -> memref<1x1x128xi32, #tpu.memory_space<vmem>>
        %dma_wait3A_322 = tpu.memref_squeeze %dma_wait3A_321 : memref<1x1x128xi32, #tpu.memory_space<vmem>> -> memref<128xi32, #tpu.memory_space<vmem>>
        %dma_wait3A_323 = arith.constant 0 : i32
        %dma_wait3A_324 = arith.constant 0 : i32
        %dma_wait3A_325 = tpu.memref_slice %arg4[%dma_wait3A_323, %dma_wait3A_324] : memref<10000x128xf32, #tpu.memory_space<hbm>> -> memref<10000x128xf32, #tpu.memory_space<hbm>>
        %dma_wait3A_326 = tpu.memref_slice %arg12[%dma_wait3A_315] : memref<2x!tpu.dma_semaphore, #tpu.memory_space<semaphore_mem>> -> memref<1x!tpu.dma_semaphore, #tpu.memory_space<semaphore_mem>>
        %dma_wait3A_327 = tpu.memref_squeeze %dma_wait3A_326 : memref<1x!tpu.dma_semaphore, #tpu.memory_space<semaphore_mem>> -> memref<!tpu.dma_semaphore, #tpu.memory_space<semaphore_mem>>
        tpu.wait_indirect_dma semaphore(%dma_wait3A_327 : memref<!tpu.dma_semaphore, #tpu.memory_space<semaphore_mem>>) src(%dma_wait3A_325 : memref<10000x128xf32, #tpu.memory_space<hbm>>) dst(%dma_wait3A_319 : memref<128x128xf32, #tpu.memory_space<vmem>>)
        %add3A_328 = arith.constant 1 : i32
        %add3A_329 = arith.addi %mul3A_174, %add3A_328 : i32
        %add3A_330 = arith.constant 2 : i32
        %add3A_331 = arith.addi %add3A_329, %add3A_330 : i32
        %lt3A_332 = arith.constant 10 : i32
        %lt3A_333 = arith.cmpi slt, %add3A_331, %lt3A_332 : i32
        %convert_element_type3A_334 = arith.extui %lt3A_333 : i1 to i32
        %cond3A_335 = arith.constant 0 : i32
        %cond3A_336 = arith.cmpi ne, %convert_element_type3A_334, %cond3A_335 : i32
        scf.if %cond3A_336 {
          %add3A_417 = arith.addi %add3A_78, %add3A_331 : i32
          %dma_start3A_418 = arith.constant 1 : i32
          %dma_start3A_419 = arith.constant 1 : i32
          %dma_start3A_420 = arith.constant 0 : i32
          %dma_start3A_421 = arith.constant 0 : i32
          %dma_start3A_422 = tpu.memref_slice %arg6[%dma_start3A_418, %dma_start3A_420, %dma_start3A_421] : memref<2x1x128xi32, #tpu.memory_space<vmem>> -> memref<1x1x128xi32, #tpu.memory_space<vmem>>
          %dma_start3A_423 = tpu.memref_squeeze %dma_start3A_422 : memref<1x1x128xi32, #tpu.memory_space<vmem>> -> memref<1x128xi32, #tpu.memory_space<vmem>>
          %dma_start3A_424 = arith.constant 0 : i32
          %dma_start3A_425 = arith.constant 0 : i32
          %dma_start3A_426 = tpu.memref_slice %arg2[%add3A_417, %dma_start3A_424, %dma_start3A_425] : memref<2560x1x128xi32, #tpu.memory_space<hbm>> -> memref<1x1x128xi32, #tpu.memory_space<hbm>>
          %dma_start3A_427 = tpu.memref_squeeze %dma_start3A_426 : memref<1x1x128xi32, #tpu.memory_space<hbm>> -> memref<1x128xi32, #tpu.memory_space<hbm>>
          %dma_start3A_428 = tpu.memref_slice %arg10[%dma_start3A_419] : memref<2x!tpu.dma_semaphore, #tpu.memory_space<semaphore_mem>> -> memref<1x!tpu.dma_semaphore, #tpu.memory_space<semaphore_mem>>
          %dma_start3A_429 = tpu.memref_squeeze %dma_start3A_428 : memref<1x!tpu.dma_semaphore, #tpu.memory_space<semaphore_mem>> -> memref<!tpu.dma_semaphore, #tpu.memory_space<semaphore_mem>>
          %dma_start3A_430 = arith.constant 0 : i32
          %dma_start3A_431 = arith.constant 0 : i32
          %dma_start3A_432 = tpu.memref_slice %arg6[%dma_start3A_418, %dma_start3A_430, %dma_start3A_431] : memref<2x1x128xi32, #tpu.memory_space<vmem>> -> memref<1x1x128xi32, #tpu.memory_space<vmem>>
          %dma_start3A_433 = tpu.memref_squeeze %dma_start3A_432 : memref<1x1x128xi32, #tpu.memory_space<vmem>> -> memref<1x128xi32, #tpu.memory_space<vmem>>
          %dma_start3A_434 = arith.constant 0 : i32
          %dma_start3A_435 = arith.constant 0 : i32
          %dma_start3A_436 = tpu.memref_slice %arg2[%add3A_417, %dma_start3A_434, %dma_start3A_435] : memref<2560x1x128xi32, #tpu.memory_space<hbm>> -> memref<1x1x128xi32, #tpu.memory_space<hbm>>
          %dma_start3A_437 = tpu.memref_squeeze %dma_start3A_436 : memref<1x1x128xi32, #tpu.memory_space<hbm>> -> memref<1x128xi32, #tpu.memory_space<hbm>>
          tpu.enqueue_dma source(%dma_start3A_437 : memref<1x128xi32, #tpu.memory_space<hbm>>) target(%dma_start3A_433 : memref<1x128xi32, #tpu.memory_space<vmem>>) target_semaphore(%dma_start3A_429 : memref<!tpu.dma_semaphore, #tpu.memory_space<semaphore_mem>>)
        } else {
        }
        %add3A_337 = arith.addi %add3A_78, %mul3A_174 : i32
        %add3A_338 = arith.constant 1 : i32
        %add3A_339 = arith.addi %add3A_337, %add3A_338 : i32
        %dma_wait3A_340 = arith.constant 1 : i32
        %dma_wait3A_341 = arith.constant 1 : i32
        %dma_wait3A_342 = arith.constant 0 : i32
        %dma_wait3A_343 = arith.constant 0 : i32
        %dma_wait3A_344 = tpu.memref_slice %arg7[%dma_wait3A_340, %dma_wait3A_342, %dma_wait3A_343] : memref<2x1x128xi32, #tpu.memory_space<vmem>> -> memref<1x1x128xi32, #tpu.memory_space<vmem>>
        %dma_wait3A_345 = tpu.memref_squeeze %dma_wait3A_344 : memref<1x1x128xi32, #tpu.memory_space<vmem>> -> memref<1x128xi32, #tpu.memory_space<vmem>>
        %dma_wait3A_346 = arith.constant 0 : i32
        %dma_wait3A_347 = arith.constant 0 : i32
        %dma_wait3A_348 = tpu.memref_slice %arg3[%add3A_339, %dma_wait3A_346, %dma_wait3A_347] : memref<2560x1x128xi32, #tpu.memory_space<hbm>> -> memref<1x1x128xi32, #tpu.memory_space<hbm>>
        %dma_wait3A_349 = tpu.memref_squeeze %dma_wait3A_348 : memref<1x1x128xi32, #tpu.memory_space<hbm>> -> memref<1x128xi32, #tpu.memory_space<hbm>>
        %dma_wait3A_350 = tpu.memref_slice %arg11[%dma_wait3A_341] : memref<2x!tpu.dma_semaphore, #tpu.memory_space<semaphore_mem>> -> memref<1x!tpu.dma_semaphore, #tpu.memory_space<semaphore_mem>>
        %dma_wait3A_351 = tpu.memref_squeeze %dma_wait3A_350 : memref<1x!tpu.dma_semaphore, #tpu.memory_space<semaphore_mem>> -> memref<!tpu.dma_semaphore, #tpu.memory_space<semaphore_mem>>
        %dma_wait3A_352 = arith.constant 0 : i32
        %dma_wait3A_353 = arith.constant 0 : i32
        %dma_wait3A_354 = tpu.memref_slice %arg7[%dma_wait3A_340, %dma_wait3A_352, %dma_wait3A_353] : memref<2x1x128xi32, #tpu.memory_space<vmem>> -> memref<1x1x128xi32, #tpu.memory_space<vmem>>
        %dma_wait3A_355 = tpu.memref_squeeze %dma_wait3A_354 : memref<1x1x128xi32, #tpu.memory_space<vmem>> -> memref<1x128xi32, #tpu.memory_space<vmem>>
        %dma_wait3A_356 = arith.constant 0 : i32
        %dma_wait3A_357 = arith.constant 0 : i32
        %dma_wait3A_358 = tpu.memref_slice %arg3[%add3A_339, %dma_wait3A_356, %dma_wait3A_357] : memref<2560x1x128xi32, #tpu.memory_space<hbm>> -> memref<1x1x128xi32, #tpu.memory_space<hbm>>
        %dma_wait3A_359 = tpu.memref_squeeze %dma_wait3A_358 : memref<1x1x128xi32, #tpu.memory_space<hbm>> -> memref<1x128xi32, #tpu.memory_space<hbm>>
        tpu.wait_dma2 semaphore(%dma_wait3A_351 : memref<!tpu.dma_semaphore, #tpu.memory_space<semaphore_mem>>) src(%dma_wait3A_359 : memref<1x128xi32, #tpu.memory_space<hbm>>) dst(%dma_wait3A_355 : memref<1x128xi32, #tpu.memory_space<vmem>>)
        %dma_start3A_360 = arith.constant 1 : i32
        %dma_start3A_361 = arith.constant 1 : i32
        %dma_start3A_362 = arith.constant 0 : i32
        %dma_start3A_363 = arith.constant 0 : i32
        %dma_start3A_364 = arith.constant 0 : i32
        %dma_start3A_365 = tpu.memref_slice %arg8[%dma_start3A_360, %dma_start3A_363, %dma_start3A_364] : memref<2x128x128xf32, #tpu.memory_space<vmem>> -> memref<1x128x128xf32, #tpu.memory_space<vmem>>
        %dma_start3A_366 = tpu.memref_squeeze %dma_start3A_365 : memref<1x128x128xf32, #tpu.memory_space<vmem>> -> memref<128x128xf32, #tpu.memory_space<vmem>>
        %dma_start3A_367 = arith.constant 0 : i32
        %dma_start3A_368 = tpu.memref_slice %arg7[%dma_start3A_361, %dma_start3A_362, %dma_start3A_367] : memref<2x1x128xi32, #tpu.memory_space<vmem>> -> memref<1x1x128xi32, #tpu.memory_space<vmem>>
        %dma_start3A_369 = tpu.memref_squeeze %dma_start3A_368 : memref<1x1x128xi32, #tpu.memory_space<vmem>> -> memref<128xi32, #tpu.memory_space<vmem>>
        %dma_start3A_370 = arith.constant 0 : i32
        %dma_start3A_371 = arith.constant 0 : i32
        %dma_start3A_372 = tpu.memref_slice %arg9[%dma_start3A_370, %dma_start3A_371] : memref<10240x128xf32, #tpu.memory_space<vmem_shared>> -> memref<10240x128xf32, #tpu.memory_space<vmem_shared>>
        tpu.enqueue_indirect_dma source(%dma_start3A_366 : memref<128x128xf32, #tpu.memory_space<vmem>>) target(%dma_start3A_372 : memref<10240x128xf32, #tpu.memory_space<vmem_shared>>) offsets(%dma_start3A_369 : memref<128xi32, #tpu.memory_space<vmem>>) semaphore(%arg13 : memref<!tpu.dma_semaphore, #tpu.memory_space<semaphore_mem>>) {add = true}
        %dma_wait3A_373 = arith.constant 0 : i32
        %dma_wait3A_374 = arith.constant 0 : i32
        %dma_wait3A_375 = arith.constant 0 : i32
        %dma_wait3A_376 = arith.constant 0 : i32
        %dma_wait3A_377 = arith.constant 0 : i32
        %dma_wait3A_378 = tpu.memref_slice %arg8[%dma_wait3A_373, %dma_wait3A_376, %dma_wait3A_377] : memref<2x128x128xf32, #tpu.memory_space<vmem>> -> memref<1x128x128xf32, #tpu.memory_space<vmem>>
        %dma_wait3A_379 = tpu.memref_squeeze %dma_wait3A_378 : memref<1x128x128xf32, #tpu.memory_space<vmem>> -> memref<128x128xf32, #tpu.memory_space<vmem>>
        %dma_wait3A_380 = arith.constant 0 : i32
        %dma_wait3A_381 = tpu.memref_slice %arg7[%dma_wait3A_374, %dma_wait3A_375, %dma_wait3A_380] : memref<2x1x128xi32, #tpu.memory_space<vmem>> -> memref<1x1x128xi32, #tpu.memory_space<vmem>>
        %dma_wait3A_382 = tpu.memref_squeeze %dma_wait3A_381 : memref<1x1x128xi32, #tpu.memory_space<vmem>> -> memref<128xi32, #tpu.memory_space<vmem>>
        %dma_wait3A_383 = arith.constant 0 : i32
        %dma_wait3A_384 = arith.constant 0 : i32
        %dma_wait3A_385 = tpu.memref_slice %arg9[%dma_wait3A_383, %dma_wait3A_384] : memref<10240x128xf32, #tpu.memory_space<vmem_shared>> -> memref<10240x128xf32, #tpu.memory_space<vmem_shared>>
        tpu.wait_indirect_dma semaphore(%arg13 : memref<!tpu.dma_semaphore, #tpu.memory_space<semaphore_mem>>) src(%dma_wait3A_379 : memref<128x128xf32, #tpu.memory_space<vmem>>) dst(%dma_wait3A_385 : memref<10240x128xf32, #tpu.memory_space<vmem_shared>>)
        %dma_wait3A_386 = arith.constant 1 : i32
        %dma_wait3A_387 = arith.constant 1 : i32
        %dma_wait3A_388 = arith.constant 0 : i32
        %dma_wait3A_389 = arith.constant 0 : i32
        %dma_wait3A_390 = arith.constant 0 : i32
        %dma_wait3A_391 = tpu.memref_slice %arg8[%dma_wait3A_386, %dma_wait3A_389, %dma_wait3A_390] : memref<2x128x128xf32, #tpu.memory_space<vmem>> -> memref<1x128x128xf32, #tpu.memory_space<vmem>>
        %dma_wait3A_392 = tpu.memref_squeeze %dma_wait3A_391 : memref<1x128x128xf32, #tpu.memory_space<vmem>> -> memref<128x128xf32, #tpu.memory_space<vmem>>
        %dma_wait3A_393 = arith.constant 0 : i32
        %dma_wait3A_394 = tpu.memref_slice %arg7[%dma_wait3A_387, %dma_wait3A_388, %dma_wait3A_393] : memref<2x1x128xi32, #tpu.memory_space<vmem>> -> memref<1x1x128xi32, #tpu.memory_space<vmem>>
        %dma_wait3A_395 = tpu.memref_squeeze %dma_wait3A_394 : memref<1x1x128xi32, #tpu.memory_space<vmem>> -> memref<128xi32, #tpu.memory_space<vmem>>
        %dma_wait3A_396 = arith.constant 0 : i32
        %dma_wait3A_397 = arith.constant 0 : i32
        %dma_wait3A_398 = tpu.memref_slice %arg9[%dma_wait3A_396, %dma_wait3A_397] : memref<10240x128xf32, #tpu.memory_space<vmem_shared>> -> memref<10240x128xf32, #tpu.memory_space<vmem_shared>>
        tpu.wait_indirect_dma semaphore(%arg13 : memref<!tpu.dma_semaphore, #tpu.memory_space<semaphore_mem>>) src(%dma_wait3A_392 : memref<128x128xf32, #tpu.memory_space<vmem>>) dst(%dma_wait3A_398 : memref<10240x128xf32, #tpu.memory_space<vmem_shared>>)
        %add3A_399 = arith.constant 0 : i32
        %add3A_400 = arith.addi %mul3A_174, %add3A_399 : i32
        %add3A_401 = arith.constant 2 : i32
        %add3A_402 = arith.addi %add3A_400, %add3A_401 : i32
        %lt3A_403 = arith.constant 10 : i32
        %lt3A_404 = arith.cmpi slt, %add3A_402, %lt3A_403 : i32
        %convert_element_type3A_405 = arith.extui %lt3A_404 : i1 to i32
        %cond3A_406 = arith.constant 0 : i32
        %cond3A_407 = arith.cmpi ne, %convert_element_type3A_405, %cond3A_406 : i32
        scf.if %cond3A_407 {
          %add3A_417 = arith.addi %add3A_78, %add3A_402 : i32
          %dma_start3A_418 = arith.constant 0 : i32
          %dma_start3A_419 = arith.constant 0 : i32
          %dma_start3A_420 = arith.constant 0 : i32
          %dma_start3A_421 = arith.constant 0 : i32
          %dma_start3A_422 = tpu.memref_slice %arg7[%dma_start3A_418, %dma_start3A_420, %dma_start3A_421] : memref<2x1x128xi32, #tpu.memory_space<vmem>> -> memref<1x1x128xi32, #tpu.memory_space<vmem>>
          %dma_start3A_423 = tpu.memref_squeeze %dma_start3A_422 : memref<1x1x128xi32, #tpu.memory_space<vmem>> -> memref<1x128xi32, #tpu.memory_space<vmem>>
          %dma_start3A_424 = arith.constant 0 : i32
          %dma_start3A_425 = arith.constant 0 : i32
          %dma_start3A_426 = tpu.memref_slice %arg3[%add3A_417, %dma_start3A_424, %dma_start3A_425] : memref<2560x1x128xi32, #tpu.memory_space<hbm>> -> memref<1x1x128xi32, #tpu.memory_space<hbm>>
          %dma_start3A_427 = tpu.memref_squeeze %dma_start3A_426 : memref<1x1x128xi32, #tpu.memory_space<hbm>> -> memref<1x128xi32, #tpu.memory_space<hbm>>
          %dma_start3A_428 = tpu.memref_slice %arg11[%dma_start3A_419] : memref<2x!tpu.dma_semaphore, #tpu.memory_space<semaphore_mem>> -> memref<1x!tpu.dma_semaphore, #tpu.memory_space<semaphore_mem>>
          %dma_start3A_429 = tpu.memref_squeeze %dma_start3A_428 : memref<1x!tpu.dma_semaphore, #tpu.memory_space<semaphore_mem>> -> memref<!tpu.dma_semaphore, #tpu.memory_space<semaphore_mem>>
          %dma_start3A_430 = arith.constant 0 : i32
          %dma_start3A_431 = arith.constant 0 : i32
          %dma_start3A_432 = tpu.memref_slice %arg7[%dma_start3A_418, %dma_start3A_430, %dma_start3A_431] : memref<2x1x128xi32, #tpu.memory_space<vmem>> -> memref<1x1x128xi32, #tpu.memory_space<vmem>>
          %dma_start3A_433 = tpu.memref_squeeze %dma_start3A_432 : memref<1x1x128xi32, #tpu.memory_space<vmem>> -> memref<1x128xi32, #tpu.memory_space<vmem>>
          %dma_start3A_434 = arith.constant 0 : i32
          %dma_start3A_435 = arith.constant 0 : i32
          %dma_start3A_436 = tpu.memref_slice %arg3[%add3A_417, %dma_start3A_434, %dma_start3A_435] : memref<2560x1x128xi32, #tpu.memory_space<hbm>> -> memref<1x1x128xi32, #tpu.memory_space<hbm>>
          %dma_start3A_437 = tpu.memref_squeeze %dma_start3A_436 : memref<1x1x128xi32, #tpu.memory_space<hbm>> -> memref<1x128xi32, #tpu.memory_space<hbm>>
          tpu.enqueue_dma source(%dma_start3A_437 : memref<1x128xi32, #tpu.memory_space<hbm>>) target(%dma_start3A_433 : memref<1x128xi32, #tpu.memory_space<vmem>>) target_semaphore(%dma_start3A_429 : memref<!tpu.dma_semaphore, #tpu.memory_space<semaphore_mem>>)
        } else {
        }
        %add3A_408 = arith.constant 1 : i32
        %add3A_409 = arith.addi %mul3A_174, %add3A_408 : i32
        %add3A_410 = arith.constant 2 : i32
        %add3A_411 = arith.addi %add3A_409, %add3A_410 : i32
        %lt3A_412 = arith.constant 10 : i32
        %lt3A_413 = arith.cmpi slt, %add3A_411, %lt3A_412 : i32
        %convert_element_type3A_414 = arith.extui %lt3A_413 : i1 to i32
        %cond3A_415 = arith.constant 0 : i32
        %cond3A_416 = arith.cmpi ne, %convert_element_type3A_414, %cond3A_415 : i32
        scf.if %cond3A_416 {
          %add3A_417 = arith.addi %add3A_78, %add3A_411 : i32
          %dma_start3A_418 = arith.constant 1 : i32
          %dma_start3A_419 = arith.constant 1 : i32
          %dma_start3A_420 = arith.constant 0 : i32
          %dma_start3A_421 = arith.constant 0 : i32
          %dma_start3A_422 = tpu.memref_slice %arg7[%dma_start3A_418, %dma_start3A_420, %dma_start3A_421] : memref<2x1x128xi32, #tpu.memory_space<vmem>> -> memref<1x1x128xi32, #tpu.memory_space<vmem>>
          %dma_start3A_423 = tpu.memref_squeeze %dma_start3A_422 : memref<1x1x128xi32, #tpu.memory_space<vmem>> -> memref<1x128xi32, #tpu.memory_space<vmem>>
          %dma_start3A_424 = arith.constant 0 : i32
          %dma_start3A_425 = arith.constant 0 : i32
          %dma_start3A_426 = tpu.memref_slice %arg3[%add3A_417, %dma_start3A_424, %dma_start3A_425] : memref<2560x1x128xi32, #tpu.memory_space<hbm>> -> memref<1x1x128xi32, #tpu.memory_space<hbm>>
          %dma_start3A_427 = tpu.memref_squeeze %dma_start3A_426 : memref<1x1x128xi32, #tpu.memory_space<hbm>> -> memref<1x128xi32, #tpu.memory_space<hbm>>
          %dma_start3A_428 = tpu.memref_slice %arg11[%dma_start3A_419] : memref<2x!tpu.dma_semaphore, #tpu.memory_space<semaphore_mem>> -> memref<1x!tpu.dma_semaphore, #tpu.memory_space<semaphore_mem>>
          %dma_start3A_429 = tpu.memref_squeeze %dma_start3A_428 : memref<1x!tpu.dma_semaphore, #tpu.memory_space<semaphore_mem>> -> memref<!tpu.dma_semaphore, #tpu.memory_space<semaphore_mem>>
          %dma_start3A_430 = arith.constant 0 : i32
          %dma_start3A_431 = arith.constant 0 : i32
          %dma_start3A_432 = tpu.memref_slice %arg7[%dma_start3A_418, %dma_start3A_430, %dma_start3A_431] : memref<2x1x128xi32, #tpu.memory_space<vmem>> -> memref<1x1x128xi32, #tpu.memory_space<vmem>>
          %dma_start3A_433 = tpu.memref_squeeze %dma_start3A_432 : memref<1x1x128xi32, #tpu.memory_space<vmem>> -> memref<1x128xi32, #tpu.memory_space<vmem>>
          %dma_start3A_434 = arith.constant 0 : i32
          %dma_start3A_435 = arith.constant 0 : i32
          %dma_start3A_436 = tpu.memref_slice %arg3[%add3A_417, %dma_start3A_434, %dma_start3A_435] : memref<2560x1x128xi32, #tpu.memory_space<hbm>> -> memref<1x1x128xi32, #tpu.memory_space<hbm>>
          %dma_start3A_437 = tpu.memref_squeeze %dma_start3A_436 : memref<1x1x128xi32, #tpu.memory_space<hbm>> -> memref<1x128xi32, #tpu.memory_space<hbm>>
          tpu.enqueue_dma source(%dma_start3A_437 : memref<1x128xi32, #tpu.memory_space<hbm>>) target(%dma_start3A_433 : memref<1x128xi32, #tpu.memory_space<vmem>>) target_semaphore(%dma_start3A_429 : memref<!tpu.dma_semaphore, #tpu.memory_space<semaphore_mem>>)
        } else {
        }
      }
      %scan3A_171 = arith.constant 5 : i32
    } else {
    }
    %barrier3A_34 = arith.constant 0 : index
    tpu.barrier barrier_id(%barrier3A_34)
    %mul3A_35 = arith.constant 640 : i32
    %mul3A_36 = arith.muli %arg1, %mul3A_35 : i32
    %add3A_37 = arith.constant 0 : i32
    %add3A_38 = arith.addi %mul3A_36, %add3A_37 : i32
    %mul3A_39 = arith.constant 640 : i32
    %mul3A_40 = arith.muli %arg1, %mul3A_39 : i32
    %add3A_41 = arith.constant 0 : i32
    %add3A_42 = arith.addi %mul3A_40, %add3A_41 : i32
    "tpu.region"() ({
      %run_scoped3A_75 = tpu.sem_alloc : memref<!tpu.dma_semaphore, #tpu.memory_space<semaphore_mem>>
      %dma_start3A = arith.constant 0 : i32
      %dma_start3A_76 = tpu.memref_slice %arg5[%arg0, %add3A_42, %dma_start3A] : memref<2x10240x128xf32, #tpu.memory_space<hbm>> -> memref<1x128x128xf32, #tpu.memory_space<hbm>>
      %dma_start3A_77 = tpu.memref_squeeze %dma_start3A_76 : memref<1x128x128xf32, #tpu.memory_space<hbm>> -> memref<128x128xf32, #tpu.memory_space<hbm>>
      %dma_start3A_78 = arith.constant 0 : i32
      %dma_start3A_79 = tpu.memref_slice %arg9[%add3A_38, %dma_start3A_78] : memref<10240x128xf32, #tpu.memory_space<vmem_shared>> -> memref<128x128xf32, #tpu.memory_space<vmem_shared>>
      tpu.enqueue_dma source(%dma_start3A_79 : memref<128x128xf32, #tpu.memory_space<vmem_shared>>) target(%dma_start3A_77 : memref<128x128xf32, #tpu.memory_space<hbm>>) target_semaphore(%run_scoped3A_75 : memref<!tpu.dma_semaphore, #tpu.memory_space<semaphore_mem>>)
      %dma_wait3A = arith.constant 0 : i32
      %dma_wait3A_80 = tpu.memref_slice %arg5[%arg0, %add3A_42, %dma_wait3A] : memref<2x10240x128xf32, #tpu.memory_space<hbm>> -> memref<1x128x128xf32, #tpu.memory_space<hbm>>
      %dma_wait3A_81 = tpu.memref_squeeze %dma_wait3A_80 : memref<1x128x128xf32, #tpu.memory_space<hbm>> -> memref<128x128xf32, #tpu.memory_space<hbm>>
      %dma_wait3A_82 = arith.constant 0 : i32
      %dma_wait3A_83 = tpu.memref_slice %arg9[%add3A_38, %dma_wait3A_82] : memref<10240x128xf32, #tpu.memory_space<vmem_shared>> -> memref<128x128xf32, #tpu.memory_space<vmem_shared>>
      tpu.wait_dma2 semaphore(%run_scoped3A_75 : memref<!tpu.dma_semaphore, #tpu.memory_space<semaphore_mem>>) src(%dma_wait3A_83 : memref<128x128xf32, #tpu.memory_space<vmem_shared>>) dst(%dma_wait3A_81 : memref<128x128xf32, #tpu.memory_space<hbm>>)
      tpu.yield
    }) : () -> ()
    %mul3A_43 = arith.constant 640 : i32
    %mul3A_44 = arith.muli %arg1, %mul3A_43 : i32
    %add3A_45 = arith.constant 128 : i32
    %add3A_46 = arith.addi %mul3A_44, %add3A_45 : i32
    %mul3A_47 = arith.constant 640 : i32
    %mul3A_48 = arith.muli %arg1, %mul3A_47 : i32
    %add3A_49 = arith.constant 128 : i32
    %add3A_50 = arith.addi %mul3A_48, %add3A_49 : i32
    "tpu.region"() ({
      %run_scoped3A_75 = tpu.sem_alloc : memref<!tpu.dma_semaphore, #tpu.memory_space<semaphore_mem>>
      %dma_start3A = arith.constant 0 : i32
      %dma_start3A_76 = tpu.memref_slice %arg5[%arg0, %add3A_50, %dma_start3A] : memref<2x10240x128xf32, #tpu.memory_space<hbm>> -> memref<1x128x128xf32, #tpu.memory_space<hbm>>
      %dma_start3A_77 = tpu.memref_squeeze %dma_start3A_76 : memref<1x128x128xf32, #tpu.memory_space<hbm>> -> memref<128x128xf32, #tpu.memory_space<hbm>>
      %dma_start3A_78 = arith.constant 0 : i32
      %dma_start3A_79 = tpu.memref_slice %arg9[%add3A_46, %dma_start3A_78] : memref<10240x128xf32, #tpu.memory_space<vmem_shared>> -> memref<128x128xf32, #tpu.memory_space<vmem_shared>>
      tpu.enqueue_dma source(%dma_start3A_79 : memref<128x128xf32, #tpu.memory_space<vmem_shared>>) target(%dma_start3A_77 : memref<128x128xf32, #tpu.memory_space<hbm>>) target_semaphore(%run_scoped3A_75 : memref<!tpu.dma_semaphore, #tpu.memory_space<semaphore_mem>>)
      %dma_wait3A = arith.constant 0 : i32
      %dma_wait3A_80 = tpu.memref_slice %arg5[%arg0, %add3A_50, %dma_wait3A] : memref<2x10240x128xf32, #tpu.memory_space<hbm>> -> memref<1x128x128xf32, #tpu.memory_space<hbm>>
      %dma_wait3A_81 = tpu.memref_squeeze %dma_wait3A_80 : memref<1x128x128xf32, #tpu.memory_space<hbm>> -> memref<128x128xf32, #tpu.memory_space<hbm>>
      %dma_wait3A_82 = arith.constant 0 : i32
      %dma_wait3A_83 = tpu.memref_slice %arg9[%add3A_46, %dma_wait3A_82] : memref<10240x128xf32, #tpu.memory_space<vmem_shared>> -> memref<128x128xf32, #tpu.memory_space<vmem_shared>>
      tpu.wait_dma2 semaphore(%run_scoped3A_75 : memref<!tpu.dma_semaphore, #tpu.memory_space<semaphore_mem>>) src(%dma_wait3A_83 : memref<128x128xf32, #tpu.memory_space<vmem_shared>>) dst(%dma_wait3A_81 : memref<128x128xf32, #tpu.memory_space<hbm>>)
      tpu.yield
    }) : () -> ()
    %mul3A_51 = arith.constant 640 : i32
    %mul3A_52 = arith.muli %arg1, %mul3A_51 : i32
    %add3A_53 = arith.constant 256 : i32
    %add3A_54 = arith.addi %mul3A_52, %add3A_53 : i32
    %mul3A_55 = arith.constant 640 : i32
    %mul3A_56 = arith.muli %arg1, %mul3A_55 : i32
    %add3A_57 = arith.constant 256 : i32
    %add3A_58 = arith.addi %mul3A_56, %add3A_57 : i32
    "tpu.region"() ({
      %run_scoped3A_75 = tpu.sem_alloc : memref<!tpu.dma_semaphore, #tpu.memory_space<semaphore_mem>>
      %dma_start3A = arith.constant 0 : i32
      %dma_start3A_76 = tpu.memref_slice %arg5[%arg0, %add3A_58, %dma_start3A] : memref<2x10240x128xf32, #tpu.memory_space<hbm>> -> memref<1x128x128xf32, #tpu.memory_space<hbm>>
      %dma_start3A_77 = tpu.memref_squeeze %dma_start3A_76 : memref<1x128x128xf32, #tpu.memory_space<hbm>> -> memref<128x128xf32, #tpu.memory_space<hbm>>
      %dma_start3A_78 = arith.constant 0 : i32
      %dma_start3A_79 = tpu.memref_slice %arg9[%add3A_54, %dma_start3A_78] : memref<10240x128xf32, #tpu.memory_space<vmem_shared>> -> memref<128x128xf32, #tpu.memory_space<vmem_shared>>
      tpu.enqueue_dma source(%dma_start3A_79 : memref<128x128xf32, #tpu.memory_space<vmem_shared>>) target(%dma_start3A_77 : memref<128x128xf32, #tpu.memory_space<hbm>>) target_semaphore(%run_scoped3A_75 : memref<!tpu.dma_semaphore, #tpu.memory_space<semaphore_mem>>)
      %dma_wait3A = arith.constant 0 : i32
      %dma_wait3A_80 = tpu.memref_slice %arg5[%arg0, %add3A_58, %dma_wait3A] : memref<2x10240x128xf32, #tpu.memory_space<hbm>> -> memref<1x128x128xf32, #tpu.memory_space<hbm>>
      %dma_wait3A_81 = tpu.memref_squeeze %dma_wait3A_80 : memref<1x128x128xf32, #tpu.memory_space<hbm>> -> memref<128x128xf32, #tpu.memory_space<hbm>>
      %dma_wait3A_82 = arith.constant 0 : i32
      %dma_wait3A_83 = tpu.memref_slice %arg9[%add3A_54, %dma_wait3A_82] : memref<10240x128xf32, #tpu.memory_space<vmem_shared>> -> memref<128x128xf32, #tpu.memory_space<vmem_shared>>
      tpu.wait_dma2 semaphore(%run_scoped3A_75 : memref<!tpu.dma_semaphore, #tpu.memory_space<semaphore_mem>>) src(%dma_wait3A_83 : memref<128x128xf32, #tpu.memory_space<vmem_shared>>) dst(%dma_wait3A_81 : memref<128x128xf32, #tpu.memory_space<hbm>>)
      tpu.yield
    }) : () -> ()
    %mul3A_59 = arith.constant 640 : i32
    %mul3A_60 = arith.muli %arg1, %mul3A_59 : i32
    %add3A_61 = arith.constant 384 : i32
    %add3A_62 = arith.addi %mul3A_60, %add3A_61 : i32
    %mul3A_63 = arith.constant 640 : i32
    %mul3A_64 = arith.muli %arg1, %mul3A_63 : i32
    %add3A_65 = arith.constant 384 : i32
    %add3A_66 = arith.addi %mul3A_64, %add3A_65 : i32
    "tpu.region"() ({
      %run_scoped3A_75 = tpu.sem_alloc : memref<!tpu.dma_semaphore, #tpu.memory_space<semaphore_mem>>
      %dma_start3A = arith.constant 0 : i32
      %dma_start3A_76 = tpu.memref_slice %arg5[%arg0, %add3A_66, %dma_start3A] : memref<2x10240x128xf32, #tpu.memory_space<hbm>> -> memref<1x128x128xf32, #tpu.memory_space<hbm>>
      %dma_start3A_77 = tpu.memref_squeeze %dma_start3A_76 : memref<1x128x128xf32, #tpu.memory_space<hbm>> -> memref<128x128xf32, #tpu.memory_space<hbm>>
      %dma_start3A_78 = arith.constant 0 : i32
      %dma_start3A_79 = tpu.memref_slice %arg9[%add3A_62, %dma_start3A_78] : memref<10240x128xf32, #tpu.memory_space<vmem_shared>> -> memref<128x128xf32, #tpu.memory_space<vmem_shared>>
      tpu.enqueue_dma source(%dma_start3A_79 : memref<128x128xf32, #tpu.memory_space<vmem_shared>>) target(%dma_start3A_77 : memref<128x128xf32, #tpu.memory_space<hbm>>) target_semaphore(%run_scoped3A_75 : memref<!tpu.dma_semaphore, #tpu.memory_space<semaphore_mem>>)
      %dma_wait3A = arith.constant 0 : i32
      %dma_wait3A_80 = tpu.memref_slice %arg5[%arg0, %add3A_66, %dma_wait3A] : memref<2x10240x128xf32, #tpu.memory_space<hbm>> -> memref<1x128x128xf32, #tpu.memory_space<hbm>>
      %dma_wait3A_81 = tpu.memref_squeeze %dma_wait3A_80 : memref<1x128x128xf32, #tpu.memory_space<hbm>> -> memref<128x128xf32, #tpu.memory_space<hbm>>
      %dma_wait3A_82 = arith.constant 0 : i32
      %dma_wait3A_83 = tpu.memref_slice %arg9[%add3A_62, %dma_wait3A_82] : memref<10240x128xf32, #tpu.memory_space<vmem_shared>> -> memref<128x128xf32, #tpu.memory_space<vmem_shared>>
      tpu.wait_dma2 semaphore(%run_scoped3A_75 : memref<!tpu.dma_semaphore, #tpu.memory_space<semaphore_mem>>) src(%dma_wait3A_83 : memref<128x128xf32, #tpu.memory_space<vmem_shared>>) dst(%dma_wait3A_81 : memref<128x128xf32, #tpu.memory_space<hbm>>)
      tpu.yield
    }) : () -> ()
    %mul3A_67 = arith.constant 640 : i32
    %mul3A_68 = arith.muli %arg1, %mul3A_67 : i32
    %add3A_69 = arith.constant 512 : i32
    %add3A_70 = arith.addi %mul3A_68, %add3A_69 : i32
    %mul3A_71 = arith.constant 640 : i32
    %mul3A_72 = arith.muli %arg1, %mul3A_71 : i32
    %add3A_73 = arith.constant 512 : i32
    %add3A_74 = arith.addi %mul3A_72, %add3A_73 : i32
    "tpu.region"() ({
      %run_scoped3A_75 = tpu.sem_alloc : memref<!tpu.dma_semaphore, #tpu.memory_space<semaphore_mem>>
      %dma_start3A = arith.constant 0 : i32
      %dma_start3A_76 = tpu.memref_slice %arg5[%arg0, %add3A_74, %dma_start3A] : memref<2x10240x128xf32, #tpu.memory_space<hbm>> -> memref<1x128x128xf32, #tpu.memory_space<hbm>>
      %dma_start3A_77 = tpu.memref_squeeze %dma_start3A_76 : memref<1x128x128xf32, #tpu.memory_space<hbm>> -> memref<128x128xf32, #tpu.memory_space<hbm>>
      %dma_start3A_78 = arith.constant 0 : i32
      %dma_start3A_79 = tpu.memref_slice %arg9[%add3A_70, %dma_start3A_78] : memref<10240x128xf32, #tpu.memory_space<vmem_shared>> -> memref<128x128xf32, #tpu.memory_space<vmem_shared>>
      tpu.enqueue_dma source(%dma_start3A_79 : memref<128x128xf32, #tpu.memory_space<vmem_shared>>) target(%dma_start3A_77 : memref<128x128xf32, #tpu.memory_space<hbm>>) target_semaphore(%run_scoped3A_75 : memref<!tpu.dma_semaphore, #tpu.memory_space<semaphore_mem>>)
      %dma_wait3A = arith.constant 0 : i32
      %dma_wait3A_80 = tpu.memref_slice %arg5[%arg0, %add3A_74, %dma_wait3A] : memref<2x10240x128xf32, #tpu.memory_space<hbm>> -> memref<1x128x128xf32, #tpu.memory_space<hbm>>
      %dma_wait3A_81 = tpu.memref_squeeze %dma_wait3A_80 : memref<1x128x128xf32, #tpu.memory_space<hbm>> -> memref<128x128xf32, #tpu.memory_space<hbm>>
      %dma_wait3A_82 = arith.constant 0 : i32
      %dma_wait3A_83 = tpu.memref_slice %arg9[%add3A_70, %dma_wait3A_82] : memref<10240x128xf32, #tpu.memory_space<vmem_shared>> -> memref<128x128xf32, #tpu.memory_space<vmem_shared>>
      tpu.wait_dma2 semaphore(%run_scoped3A_75 : memref<!tpu.dma_semaphore, #tpu.memory_space<semaphore_mem>>) src(%dma_wait3A_83 : memref<128x128xf32, #tpu.memory_space<vmem_shared>>) dst(%dma_wait3A_81 : memref<128x128xf32, #tpu.memory_space<hbm>>)
      tpu.yield
    }) : () -> ()
    return
  }
}

#map = affine_map<(d0, d1) -> (0, 0, 0)>
#map1 = affine_map<(d0, d1) -> (0, 0)>
module attributes {stable_mosaic.version = 14 : i64} {
  func.func @deg_k(%arg0: i32, %arg1: i32, %arg2: memref<2560x1x128xi32, #tpu.memory_space<hbm>>, %arg3: memref<2x10240xf32, #tpu.memory_space<hbm>>, %arg4: memref<150x1x128xi32, #tpu.memory_space<vmem>>, %arg5: memref<128xf32, #tpu.memory_space<vmem>>, %arg6: memref<640xf32, #tpu.memory_space<vmem>>, %arg7: memref<10240xf32, #tpu.memory_space<vmem_shared>>, %arg8: memref<!tpu.dma_semaphore, #tpu.memory_space<semaphore_mem>>) attributes {dimension_semantics = [#tpu.dimension_semantics<core_parallel>, #tpu.dimension_semantics<subcore_parallel>], iteration_bounds = array<i64: 2, 16>, scalar_prefetch = 0 : i64, scratch_operands = 5 : i64, tpu.core_type = #tpu.core_type<sc_vector_subcore>, window_params = [{transform_indices = #map}, {transform_indices = #map1}]} {
    %broadcast_in_dim3A = arith.constant 1.000000e+00 : f32
    %broadcast_in_dim3A_0 = vector.broadcast %broadcast_in_dim3A : f32 to vector<16xf32>
    %swap3A = arith.constant 0 : index
    %swap3A_1 = tpu.vector_load %arg5[%swap3A] {strides = array<i32>} : memref<128xf32, #tpu.memory_space<vmem>>, vector<16xf32>,
    %swap3A_2 = vector.shape_cast %swap3A_1 : vector<16xf32> to vector<16xf32>
    %swap3A_3 = vector.shape_cast %broadcast_in_dim3A_0 : vector<16xf32> to vector<16xf32>
    tpu.vector_store %arg5[%swap3A], %swap3A_3 {strides = array<i32>} : memref<128xf32, #tpu.memory_space<vmem>>, vector<16xf32>,
    %broadcast_in_dim3A_4 = arith.constant 1.000000e+00 : f32
    %broadcast_in_dim3A_5 = vector.broadcast %broadcast_in_dim3A_4 : f32 to vector<16xf32>
    %swap3A_6 = arith.constant 16 : index
    %swap3A_7 = tpu.vector_load %arg5[%swap3A_6] {strides = array<i32>} : memref<128xf32, #tpu.memory_space<vmem>>, vector<16xf32>,
    %swap3A_8 = vector.shape_cast %swap3A_7 : vector<16xf32> to vector<16xf32>
    %swap3A_9 = vector.shape_cast %broadcast_in_dim3A_5 : vector<16xf32> to vector<16xf32>
    tpu.vector_store %arg5[%swap3A_6], %swap3A_9 {strides = array<i32>} : memref<128xf32, #tpu.memory_space<vmem>>, vector<16xf32>,
    %broadcast_in_dim3A_10 = arith.constant 1.000000e+00 : f32
    %broadcast_in_dim3A_11 = vector.broadcast %broadcast_in_dim3A_10 : f32 to vector<16xf32>
    %swap3A_12 = arith.constant 32 : index
    %swap3A_13 = tpu.vector_load %arg5[%swap3A_12] {strides = array<i32>} : memref<128xf32, #tpu.memory_space<vmem>>, vector<16xf32>,
    %swap3A_14 = vector.shape_cast %swap3A_13 : vector<16xf32> to vector<16xf32>
    %swap3A_15 = vector.shape_cast %broadcast_in_dim3A_11 : vector<16xf32> to vector<16xf32>
    tpu.vector_store %arg5[%swap3A_12], %swap3A_15 {strides = array<i32>} : memref<128xf32, #tpu.memory_space<vmem>>, vector<16xf32>,
    %broadcast_in_dim3A_16 = arith.constant 1.000000e+00 : f32
    %broadcast_in_dim3A_17 = vector.broadcast %broadcast_in_dim3A_16 : f32 to vector<16xf32>
    %swap3A_18 = arith.constant 48 : index
    %swap3A_19 = tpu.vector_load %arg5[%swap3A_18] {strides = array<i32>} : memref<128xf32, #tpu.memory_space<vmem>>, vector<16xf32>,
    %swap3A_20 = vector.shape_cast %swap3A_19 : vector<16xf32> to vector<16xf32>
    %swap3A_21 = vector.shape_cast %broadcast_in_dim3A_17 : vector<16xf32> to vector<16xf32>
    tpu.vector_store %arg5[%swap3A_18], %swap3A_21 {strides = array<i32>} : memref<128xf32, #tpu.memory_space<vmem>>, vector<16xf32>,
    %broadcast_in_dim3A_22 = arith.constant 1.000000e+00 : f32
    %broadcast_in_dim3A_23 = vector.broadcast %broadcast_in_dim3A_22 : f32 to vector<16xf32>
    %swap3A_24 = arith.constant 64 : index
    %swap3A_25 = tpu.vector_load %arg5[%swap3A_24] {strides = array<i32>} : memref<128xf32, #tpu.memory_space<vmem>>, vector<16xf32>,
    %swap3A_26 = vector.shape_cast %swap3A_25 : vector<16xf32> to vector<16xf32>
    %swap3A_27 = vector.shape_cast %broadcast_in_dim3A_23 : vector<16xf32> to vector<16xf32>
    tpu.vector_store %arg5[%swap3A_24], %swap3A_27 {strides = array<i32>} : memref<128xf32, #tpu.memory_space<vmem>>, vector<16xf32>,
    %broadcast_in_dim3A_28 = arith.constant 1.000000e+00 : f32
    %broadcast_in_dim3A_29 = vector.broadcast %broadcast_in_dim3A_28 : f32 to vector<16xf32>
    %swap3A_30 = arith.constant 80 : index
    %swap3A_31 = tpu.vector_load %arg5[%swap3A_30] {strides = array<i32>} : memref<128xf32, #tpu.memory_space<vmem>>, vector<16xf32>,
    %swap3A_32 = vector.shape_cast %swap3A_31 : vector<16xf32> to vector<16xf32>
    %swap3A_33 = vector.shape_cast %broadcast_in_dim3A_29 : vector<16xf32> to vector<16xf32>
    tpu.vector_store %arg5[%swap3A_30], %swap3A_33 {strides = array<i32>} : memref<128xf32, #tpu.memory_space<vmem>>, vector<16xf32>,
    %broadcast_in_dim3A_34 = arith.constant 1.000000e+00 : f32
    %broadcast_in_dim3A_35 = vector.broadcast %broadcast_in_dim3A_34 : f32 to vector<16xf32>
    %swap3A_36 = arith.constant 96 : index
    %swap3A_37 = tpu.vector_load %arg5[%swap3A_36] {strides = array<i32>} : memref<128xf32, #tpu.memory_space<vmem>>, vector<16xf32>,
    %swap3A_38 = vector.shape_cast %swap3A_37 : vector<16xf32> to vector<16xf32>
    %swap3A_39 = vector.shape_cast %broadcast_in_dim3A_35 : vector<16xf32> to vector<16xf32>
    tpu.vector_store %arg5[%swap3A_36], %swap3A_39 {strides = array<i32>} : memref<128xf32, #tpu.memory_space<vmem>>, vector<16xf32>,
    %broadcast_in_dim3A_40 = arith.constant 1.000000e+00 : f32
    %broadcast_in_dim3A_41 = vector.broadcast %broadcast_in_dim3A_40 : f32 to vector<16xf32>
    %swap3A_42 = arith.constant 112 : index
    %swap3A_43 = tpu.vector_load %arg5[%swap3A_42] {strides = array<i32>} : memref<128xf32, #tpu.memory_space<vmem>>, vector<16xf32>,
    %swap3A_44 = vector.shape_cast %swap3A_43 : vector<16xf32> to vector<16xf32>
    %swap3A_45 = vector.shape_cast %broadcast_in_dim3A_41 : vector<16xf32> to vector<16xf32>
    tpu.vector_store %arg5[%swap3A_42], %swap3A_45 {strides = array<i32>} : memref<128xf32, #tpu.memory_space<vmem>>, vector<16xf32>,
    %broadcast_in_dim3A_46 = arith.constant 0.000000e+00 : f32
    %broadcast_in_dim3A_47 = vector.broadcast %broadcast_in_dim3A_46 : f32 to vector<16xf32>
    %swap3A_48 = arith.constant 0 : index
    %swap3A_49 = tpu.vector_load %arg6[%swap3A_48] {strides = array<i32>} : memref<640xf32, #tpu.memory_space<vmem>>, vector<16xf32>,
    %swap3A_50 = vector.shape_cast %swap3A_49 : vector<16xf32> to vector<16xf32>
    %swap3A_51 = vector.shape_cast %broadcast_in_dim3A_47 : vector<16xf32> to vector<16xf32>
    tpu.vector_store %arg6[%swap3A_48], %swap3A_51 {strides = array<i32>} : memref<640xf32, #tpu.memory_space<vmem>>, vector<16xf32>,
    %broadcast_in_dim3A_52 = arith.constant 0.000000e+00 : f32
    %broadcast_in_dim3A_53 = vector.broadcast %broadcast_in_dim3A_52 : f32 to vector<16xf32>
    %swap3A_54 = arith.constant 16 : index
    %swap3A_55 = tpu.vector_load %arg6[%swap3A_54] {strides = array<i32>} : memref<640xf32, #tpu.memory_space<vmem>>, vector<16xf32>,
    %swap3A_56 = vector.shape_cast %swap3A_55 : vector<16xf32> to vector<16xf32>
    %swap3A_57 = vector.shape_cast %broadcast_in_dim3A_53 : vector<16xf32> to vector<16xf32>
    tpu.vector_store %arg6[%swap3A_54], %swap3A_57 {strides = array<i32>} : memref<640xf32, #tpu.memory_space<vmem>>, vector<16xf32>,
    %broadcast_in_dim3A_58 = arith.constant 0.000000e+00 : f32
    %broadcast_in_dim3A_59 = vector.broadcast %broadcast_in_dim3A_58 : f32 to vector<16xf32>
    %swap3A_60 = arith.constant 32 : index
    %swap3A_61 = tpu.vector_load %arg6[%swap3A_60] {strides = array<i32>} : memref<640xf32, #tpu.memory_space<vmem>>, vector<16xf32>,
    %swap3A_62 = vector.shape_cast %swap3A_61 : vector<16xf32> to vector<16xf32>
    %swap3A_63 = vector.shape_cast %broadcast_in_dim3A_59 : vector<16xf32> to vector<16xf32>
    tpu.vector_store %arg6[%swap3A_60], %swap3A_63 {strides = array<i32>} : memref<640xf32, #tpu.memory_space<vmem>>, vector<16xf32>,
    %broadcast_in_dim3A_64 = arith.constant 0.000000e+00 : f32
    %broadcast_in_dim3A_65 = vector.broadcast %broadcast_in_dim3A_64 : f32 to vector<16xf32>
    %swap3A_66 = arith.constant 48 : index
    %swap3A_67 = tpu.vector_load %arg6[%swap3A_66] {strides = array<i32>} : memref<640xf32, #tpu.memory_space<vmem>>, vector<16xf32>,
    %swap3A_68 = vector.shape_cast %swap3A_67 : vector<16xf32> to vector<16xf32>
    %swap3A_69 = vector.shape_cast %broadcast_in_dim3A_65 : vector<16xf32> to vector<16xf32>
    tpu.vector_store %arg6[%swap3A_66], %swap3A_69 {strides = array<i32>} : memref<640xf32, #tpu.memory_space<vmem>>, vector<16xf32>,
    %broadcast_in_dim3A_70 = arith.constant 0.000000e+00 : f32
    %broadcast_in_dim3A_71 = vector.broadcast %broadcast_in_dim3A_70 : f32 to vector<16xf32>
    %swap3A_72 = arith.constant 64 : index
    %swap3A_73 = tpu.vector_load %arg6[%swap3A_72] {strides = array<i32>} : memref<640xf32, #tpu.memory_space<vmem>>, vector<16xf32>,
    %swap3A_74 = vector.shape_cast %swap3A_73 : vector<16xf32> to vector<16xf32>
    %swap3A_75 = vector.shape_cast %broadcast_in_dim3A_71 : vector<16xf32> to vector<16xf32>
    tpu.vector_store %arg6[%swap3A_72], %swap3A_75 {strides = array<i32>} : memref<640xf32, #tpu.memory_space<vmem>>, vector<16xf32>,
    %broadcast_in_dim3A_76 = arith.constant 0.000000e+00 : f32
    %broadcast_in_dim3A_77 = vector.broadcast %broadcast_in_dim3A_76 : f32 to vector<16xf32>
    %swap3A_78 = arith.constant 80 : index
    %swap3A_79 = tpu.vector_load %arg6[%swap3A_78] {strides = array<i32>} : memref<640xf32, #tpu.memory_space<vmem>>, vector<16xf32>,
    %swap3A_80 = vector.shape_cast %swap3A_79 : vector<16xf32> to vector<16xf32>
    %swap3A_81 = vector.shape_cast %broadcast_in_dim3A_77 : vector<16xf32> to vector<16xf32>
    tpu.vector_store %arg6[%swap3A_78], %swap3A_81 {strides = array<i32>} : memref<640xf32, #tpu.memory_space<vmem>>, vector<16xf32>,
    %broadcast_in_dim3A_82 = arith.constant 0.000000e+00 : f32
    %broadcast_in_dim3A_83 = vector.broadcast %broadcast_in_dim3A_82 : f32 to vector<16xf32>
    %swap3A_84 = arith.constant 96 : index
    %swap3A_85 = tpu.vector_load %arg6[%swap3A_84] {strides = array<i32>} : memref<640xf32, #tpu.memory_space<vmem>>, vector<16xf32>,
    %swap3A_86 = vector.shape_cast %swap3A_85 : vector<16xf32> to vector<16xf32>
    %swap3A_87 = vector.shape_cast %broadcast_in_dim3A_83 : vector<16xf32> to vector<16xf32>
    tpu.vector_store %arg6[%swap3A_84], %swap3A_87 {strides = array<i32>} : memref<640xf32, #tpu.memory_space<vmem>>, vector<16xf32>,
    %broadcast_in_dim3A_88 = arith.constant 0.000000e+00 : f32
    %broadcast_in_dim3A_89 = vector.broadcast %broadcast_in_dim3A_88 : f32 to vector<16xf32>
    %swap3A_90 = arith.constant 112 : index
    %swap3A_91 = tpu.vector_load %arg6[%swap3A_90] {strides = array<i32>} : memref<640xf32, #tpu.memory_space<vmem>>, vector<16xf32>,
    %swap3A_92 = vector.shape_cast %swap3A_91 : vector<16xf32> to vector<16xf32>
    %swap3A_93 = vector.shape_cast %broadcast_in_dim3A_89 : vector<16xf32> to vector<16xf32>
    tpu.vector_store %arg6[%swap3A_90], %swap3A_93 {strides = array<i32>} : memref<640xf32, #tpu.memory_space<vmem>>, vector<16xf32>,
    %broadcast_in_dim3A_94 = arith.constant 0.000000e+00 : f32
    %broadcast_in_dim3A_95 = vector.broadcast %broadcast_in_dim3A_94 : f32 to vector<16xf32>
    %swap3A_96 = arith.constant 128 : index
    %swap3A_97 = tpu.vector_load %arg6[%swap3A_96] {strides = array<i32>} : memref<640xf32, #tpu.memory_space<vmem>>, vector<16xf32>,
    %swap3A_98 = vector.shape_cast %swap3A_97 : vector<16xf32> to vector<16xf32>
    %swap3A_99 = vector.shape_cast %broadcast_in_dim3A_95 : vector<16xf32> to vector<16xf32>
    tpu.vector_store %arg6[%swap3A_96], %swap3A_99 {strides = array<i32>} : memref<640xf32, #tpu.memory_space<vmem>>, vector<16xf32>,
    %broadcast_in_dim3A_100 = arith.constant 0.000000e+00 : f32
    %broadcast_in_dim3A_101 = vector.broadcast %broadcast_in_dim3A_100 : f32 to vector<16xf32>
    %swap3A_102 = arith.constant 144 : index
    %swap3A_103 = tpu.vector_load %arg6[%swap3A_102] {strides = array<i32>} : memref<640xf32, #tpu.memory_space<vmem>>, vector<16xf32>,
    %swap3A_104 = vector.shape_cast %swap3A_103 : vector<16xf32> to vector<16xf32>
    %swap3A_105 = vector.shape_cast %broadcast_in_dim3A_101 : vector<16xf32> to vector<16xf32>
    tpu.vector_store %arg6[%swap3A_102], %swap3A_105 {strides = array<i32>} : memref<640xf32, #tpu.memory_space<vmem>>, vector<16xf32>,
    %broadcast_in_dim3A_106 = arith.constant 0.000000e+00 : f32
    %broadcast_in_dim3A_107 = vector.broadcast %broadcast_in_dim3A_106 : f32 to vector<16xf32>
    %swap3A_108 = arith.constant 160 : index
    %swap3A_109 = tpu.vector_load %arg6[%swap3A_108] {strides = array<i32>} : memref<640xf32, #tpu.memory_space<vmem>>, vector<16xf32>,
    %swap3A_110 = vector.shape_cast %swap3A_109 : vector<16xf32> to vector<16xf32>
    %swap3A_111 = vector.shape_cast %broadcast_in_dim3A_107 : vector<16xf32> to vector<16xf32>
    tpu.vector_store %arg6[%swap3A_108], %swap3A_111 {strides = array<i32>} : memref<640xf32, #tpu.memory_space<vmem>>, vector<16xf32>,
    %broadcast_in_dim3A_112 = arith.constant 0.000000e+00 : f32
    %broadcast_in_dim3A_113 = vector.broadcast %broadcast_in_dim3A_112 : f32 to vector<16xf32>
    %swap3A_114 = arith.constant 176 : index
    %swap3A_115 = tpu.vector_load %arg6[%swap3A_114] {strides = array<i32>} : memref<640xf32, #tpu.memory_space<vmem>>, vector<16xf32>,
    %swap3A_116 = vector.shape_cast %swap3A_115 : vector<16xf32> to vector<16xf32>
    %swap3A_117 = vector.shape_cast %broadcast_in_dim3A_113 : vector<16xf32> to vector<16xf32>
    tpu.vector_store %arg6[%swap3A_114], %swap3A_117 {strides = array<i32>} : memref<640xf32, #tpu.memory_space<vmem>>, vector<16xf32>,
    %broadcast_in_dim3A_118 = arith.constant 0.000000e+00 : f32
    %broadcast_in_dim3A_119 = vector.broadcast %broadcast_in_dim3A_118 : f32 to vector<16xf32>
    %swap3A_120 = arith.constant 192 : index
    %swap3A_121 = tpu.vector_load %arg6[%swap3A_120] {strides = array<i32>} : memref<640xf32, #tpu.memory_space<vmem>>, vector<16xf32>,
    %swap3A_122 = vector.shape_cast %swap3A_121 : vector<16xf32> to vector<16xf32>
    %swap3A_123 = vector.shape_cast %broadcast_in_dim3A_119 : vector<16xf32> to vector<16xf32>
    tpu.vector_store %arg6[%swap3A_120], %swap3A_123 {strides = array<i32>} : memref<640xf32, #tpu.memory_space<vmem>>, vector<16xf32>,
    %broadcast_in_dim3A_124 = arith.constant 0.000000e+00 : f32
    %broadcast_in_dim3A_125 = vector.broadcast %broadcast_in_dim3A_124 : f32 to vector<16xf32>
    %swap3A_126 = arith.constant 208 : index
    %swap3A_127 = tpu.vector_load %arg6[%swap3A_126] {strides = array<i32>} : memref<640xf32, #tpu.memory_space<vmem>>, vector<16xf32>,
    %swap3A_128 = vector.shape_cast %swap3A_127 : vector<16xf32> to vector<16xf32>
    %swap3A_129 = vector.shape_cast %broadcast_in_dim3A_125 : vector<16xf32> to vector<16xf32>
    tpu.vector_store %arg6[%swap3A_126], %swap3A_129 {strides = array<i32>} : memref<640xf32, #tpu.memory_space<vmem>>, vector<16xf32>,
    %broadcast_in_dim3A_130 = arith.constant 0.000000e+00 : f32
    %broadcast_in_dim3A_131 = vector.broadcast %broadcast_in_dim3A_130 : f32 to vector<16xf32>
    %swap3A_132 = arith.constant 224 : index
    %swap3A_133 = tpu.vector_load %arg6[%swap3A_132] {strides = array<i32>} : memref<640xf32, #tpu.memory_space<vmem>>, vector<16xf32>,
    %swap3A_134 = vector.shape_cast %swap3A_133 : vector<16xf32> to vector<16xf32>
    %swap3A_135 = vector.shape_cast %broadcast_in_dim3A_131 : vector<16xf32> to vector<16xf32>
    tpu.vector_store %arg6[%swap3A_132], %swap3A_135 {strides = array<i32>} : memref<640xf32, #tpu.memory_space<vmem>>, vector<16xf32>,
    %broadcast_in_dim3A_136 = arith.constant 0.000000e+00 : f32
    %broadcast_in_dim3A_137 = vector.broadcast %broadcast_in_dim3A_136 : f32 to vector<16xf32>
    %swap3A_138 = arith.constant 240 : index
    %swap3A_139 = tpu.vector_load %arg6[%swap3A_138] {strides = array<i32>} : memref<640xf32, #tpu.memory_space<vmem>>, vector<16xf32>,
    %swap3A_140 = vector.shape_cast %swap3A_139 : vector<16xf32> to vector<16xf32>
    %swap3A_141 = vector.shape_cast %broadcast_in_dim3A_137 : vector<16xf32> to vector<16xf32>
    tpu.vector_store %arg6[%swap3A_138], %swap3A_141 {strides = array<i32>} : memref<640xf32, #tpu.memory_space<vmem>>, vector<16xf32>,
    %broadcast_in_dim3A_142 = arith.constant 0.000000e+00 : f32
    %broadcast_in_dim3A_143 = vector.broadcast %broadcast_in_dim3A_142 : f32 to vector<16xf32>
    %swap3A_144 = arith.constant 256 : index
    %swap3A_145 = tpu.vector_load %arg6[%swap3A_144] {strides = array<i32>} : memref<640xf32, #tpu.memory_space<vmem>>, vector<16xf32>,
    %swap3A_146 = vector.shape_cast %swap3A_145 : vector<16xf32> to vector<16xf32>
    %swap3A_147 = vector.shape_cast %broadcast_in_dim3A_143 : vector<16xf32> to vector<16xf32>
    tpu.vector_store %arg6[%swap3A_144], %swap3A_147 {strides = array<i32>} : memref<640xf32, #tpu.memory_space<vmem>>, vector<16xf32>,
    %broadcast_in_dim3A_148 = arith.constant 0.000000e+00 : f32
    %broadcast_in_dim3A_149 = vector.broadcast %broadcast_in_dim3A_148 : f32 to vector<16xf32>
    %swap3A_150 = arith.constant 272 : index
    %swap3A_151 = tpu.vector_load %arg6[%swap3A_150] {strides = array<i32>} : memref<640xf32, #tpu.memory_space<vmem>>, vector<16xf32>,
    %swap3A_152 = vector.shape_cast %swap3A_151 : vector<16xf32> to vector<16xf32>
    %swap3A_153 = vector.shape_cast %broadcast_in_dim3A_149 : vector<16xf32> to vector<16xf32>
    tpu.vector_store %arg6[%swap3A_150], %swap3A_153 {strides = array<i32>} : memref<640xf32, #tpu.memory_space<vmem>>, vector<16xf32>,
    %broadcast_in_dim3A_154 = arith.constant 0.000000e+00 : f32
    %broadcast_in_dim3A_155 = vector.broadcast %broadcast_in_dim3A_154 : f32 to vector<16xf32>
    %swap3A_156 = arith.constant 288 : index
    %swap3A_157 = tpu.vector_load %arg6[%swap3A_156] {strides = array<i32>} : memref<640xf32, #tpu.memory_space<vmem>>, vector<16xf32>,
    %swap3A_158 = vector.shape_cast %swap3A_157 : vector<16xf32> to vector<16xf32>
    %swap3A_159 = vector.shape_cast %broadcast_in_dim3A_155 : vector<16xf32> to vector<16xf32>
    tpu.vector_store %arg6[%swap3A_156], %swap3A_159 {strides = array<i32>} : memref<640xf32, #tpu.memory_space<vmem>>, vector<16xf32>,
    %broadcast_in_dim3A_160 = arith.constant 0.000000e+00 : f32
    %broadcast_in_dim3A_161 = vector.broadcast %broadcast_in_dim3A_160 : f32 to vector<16xf32>
    %swap3A_162 = arith.constant 304 : index
    %swap3A_163 = tpu.vector_load %arg6[%swap3A_162] {strides = array<i32>} : memref<640xf32, #tpu.memory_space<vmem>>, vector<16xf32>,
    %swap3A_164 = vector.shape_cast %swap3A_163 : vector<16xf32> to vector<16xf32>
    %swap3A_165 = vector.shape_cast %broadcast_in_dim3A_161 : vector<16xf32> to vector<16xf32>
    tpu.vector_store %arg6[%swap3A_162], %swap3A_165 {strides = array<i32>} : memref<640xf32, #tpu.memory_space<vmem>>, vector<16xf32>,
    %broadcast_in_dim3A_166 = arith.constant 0.000000e+00 : f32
    %broadcast_in_dim3A_167 = vector.broadcast %broadcast_in_dim3A_166 : f32 to vector<16xf32>
    %swap3A_168 = arith.constant 320 : index
    %swap3A_169 = tpu.vector_load %arg6[%swap3A_168] {strides = array<i32>} : memref<640xf32, #tpu.memory_space<vmem>>, vector<16xf32>,
    %swap3A_170 = vector.shape_cast %swap3A_169 : vector<16xf32> to vector<16xf32>
    %swap3A_171 = vector.shape_cast %broadcast_in_dim3A_167 : vector<16xf32> to vector<16xf32>
    tpu.vector_store %arg6[%swap3A_168], %swap3A_171 {strides = array<i32>} : memref<640xf32, #tpu.memory_space<vmem>>, vector<16xf32>,
    %broadcast_in_dim3A_172 = arith.constant 0.000000e+00 : f32
    %broadcast_in_dim3A_173 = vector.broadcast %broadcast_in_dim3A_172 : f32 to vector<16xf32>
    %swap3A_174 = arith.constant 336 : index
    %swap3A_175 = tpu.vector_load %arg6[%swap3A_174] {strides = array<i32>} : memref<640xf32, #tpu.memory_space<vmem>>, vector<16xf32>,
    %swap3A_176 = vector.shape_cast %swap3A_175 : vector<16xf32> to vector<16xf32>
    %swap3A_177 = vector.shape_cast %broadcast_in_dim3A_173 : vector<16xf32> to vector<16xf32>
    tpu.vector_store %arg6[%swap3A_174], %swap3A_177 {strides = array<i32>} : memref<640xf32, #tpu.memory_space<vmem>>, vector<16xf32>,
    %broadcast_in_dim3A_178 = arith.constant 0.000000e+00 : f32
    %broadcast_in_dim3A_179 = vector.broadcast %broadcast_in_dim3A_178 : f32 to vector<16xf32>
    %swap3A_180 = arith.constant 352 : index
    %swap3A_181 = tpu.vector_load %arg6[%swap3A_180] {strides = array<i32>} : memref<640xf32, #tpu.memory_space<vmem>>, vector<16xf32>,
    %swap3A_182 = vector.shape_cast %swap3A_181 : vector<16xf32> to vector<16xf32>
    %swap3A_183 = vector.shape_cast %broadcast_in_dim3A_179 : vector<16xf32> to vector<16xf32>
    tpu.vector_store %arg6[%swap3A_180], %swap3A_183 {strides = array<i32>} : memref<640xf32, #tpu.memory_space<vmem>>, vector<16xf32>,
    %broadcast_in_dim3A_184 = arith.constant 0.000000e+00 : f32
    %broadcast_in_dim3A_185 = vector.broadcast %broadcast_in_dim3A_184 : f32 to vector<16xf32>
    %swap3A_186 = arith.constant 368 : index
    %swap3A_187 = tpu.vector_load %arg6[%swap3A_186] {strides = array<i32>} : memref<640xf32, #tpu.memory_space<vmem>>, vector<16xf32>,
    %swap3A_188 = vector.shape_cast %swap3A_187 : vector<16xf32> to vector<16xf32>
    %swap3A_189 = vector.shape_cast %broadcast_in_dim3A_185 : vector<16xf32> to vector<16xf32>
    tpu.vector_store %arg6[%swap3A_186], %swap3A_189 {strides = array<i32>} : memref<640xf32, #tpu.memory_space<vmem>>, vector<16xf32>,
    %broadcast_in_dim3A_190 = arith.constant 0.000000e+00 : f32
    %broadcast_in_dim3A_191 = vector.broadcast %broadcast_in_dim3A_190 : f32 to vector<16xf32>
    %swap3A_192 = arith.constant 384 : index
    %swap3A_193 = tpu.vector_load %arg6[%swap3A_192] {strides = array<i32>} : memref<640xf32, #tpu.memory_space<vmem>>, vector<16xf32>,
    %swap3A_194 = vector.shape_cast %swap3A_193 : vector<16xf32> to vector<16xf32>
    %swap3A_195 = vector.shape_cast %broadcast_in_dim3A_191 : vector<16xf32> to vector<16xf32>
    tpu.vector_store %arg6[%swap3A_192], %swap3A_195 {strides = array<i32>} : memref<640xf32, #tpu.memory_space<vmem>>, vector<16xf32>,
    %broadcast_in_dim3A_196 = arith.constant 0.000000e+00 : f32
    %broadcast_in_dim3A_197 = vector.broadcast %broadcast_in_dim3A_196 : f32 to vector<16xf32>
    %swap3A_198 = arith.constant 400 : index
    %swap3A_199 = tpu.vector_load %arg6[%swap3A_198] {strides = array<i32>} : memref<640xf32, #tpu.memory_space<vmem>>, vector<16xf32>,
    %swap3A_200 = vector.shape_cast %swap3A_199 : vector<16xf32> to vector<16xf32>
    %swap3A_201 = vector.shape_cast %broadcast_in_dim3A_197 : vector<16xf32> to vector<16xf32>
    tpu.vector_store %arg6[%swap3A_198], %swap3A_201 {strides = array<i32>} : memref<640xf32, #tpu.memory_space<vmem>>, vector<16xf32>,
    %broadcast_in_dim3A_202 = arith.constant 0.000000e+00 : f32
    %broadcast_in_dim3A_203 = vector.broadcast %broadcast_in_dim3A_202 : f32 to vector<16xf32>
    %swap3A_204 = arith.constant 416 : index
    %swap3A_205 = tpu.vector_load %arg6[%swap3A_204] {strides = array<i32>} : memref<640xf32, #tpu.memory_space<vmem>>, vector<16xf32>,
    %swap3A_206 = vector.shape_cast %swap3A_205 : vector<16xf32> to vector<16xf32>
    %swap3A_207 = vector.shape_cast %broadcast_in_dim3A_203 : vector<16xf32> to vector<16xf32>
    tpu.vector_store %arg6[%swap3A_204], %swap3A_207 {strides = array<i32>} : memref<640xf32, #tpu.memory_space<vmem>>, vector<16xf32>,
    %broadcast_in_dim3A_208 = arith.constant 0.000000e+00 : f32
    %broadcast_in_dim3A_209 = vector.broadcast %broadcast_in_dim3A_208 : f32 to vector<16xf32>
    %swap3A_210 = arith.constant 432 : index
    %swap3A_211 = tpu.vector_load %arg6[%swap3A_210] {strides = array<i32>} : memref<640xf32, #tpu.memory_space<vmem>>, vector<16xf32>,
    %swap3A_212 = vector.shape_cast %swap3A_211 : vector<16xf32> to vector<16xf32>
    %swap3A_213 = vector.shape_cast %broadcast_in_dim3A_209 : vector<16xf32> to vector<16xf32>
    tpu.vector_store %arg6[%swap3A_210], %swap3A_213 {strides = array<i32>} : memref<640xf32, #tpu.memory_space<vmem>>, vector<16xf32>,
    %broadcast_in_dim3A_214 = arith.constant 0.000000e+00 : f32
    %broadcast_in_dim3A_215 = vector.broadcast %broadcast_in_dim3A_214 : f32 to vector<16xf32>
    %swap3A_216 = arith.constant 448 : index
    %swap3A_217 = tpu.vector_load %arg6[%swap3A_216] {strides = array<i32>} : memref<640xf32, #tpu.memory_space<vmem>>, vector<16xf32>,
    %swap3A_218 = vector.shape_cast %swap3A_217 : vector<16xf32> to vector<16xf32>
    %swap3A_219 = vector.shape_cast %broadcast_in_dim3A_215 : vector<16xf32> to vector<16xf32>
    tpu.vector_store %arg6[%swap3A_216], %swap3A_219 {strides = array<i32>} : memref<640xf32, #tpu.memory_space<vmem>>, vector<16xf32>,
    %broadcast_in_dim3A_220 = arith.constant 0.000000e+00 : f32
    %broadcast_in_dim3A_221 = vector.broadcast %broadcast_in_dim3A_220 : f32 to vector<16xf32>
    %swap3A_222 = arith.constant 464 : index
    %swap3A_223 = tpu.vector_load %arg6[%swap3A_222] {strides = array<i32>} : memref<640xf32, #tpu.memory_space<vmem>>, vector<16xf32>,
    %swap3A_224 = vector.shape_cast %swap3A_223 : vector<16xf32> to vector<16xf32>
    %swap3A_225 = vector.shape_cast %broadcast_in_dim3A_221 : vector<16xf32> to vector<16xf32>
    tpu.vector_store %arg6[%swap3A_222], %swap3A_225 {strides = array<i32>} : memref<640xf32, #tpu.memory_space<vmem>>, vector<16xf32>,
    %broadcast_in_dim3A_226 = arith.constant 0.000000e+00 : f32
    %broadcast_in_dim3A_227 = vector.broadcast %broadcast_in_dim3A_226 : f32 to vector<16xf32>
    %swap3A_228 = arith.constant 480 : index
    %swap3A_229 = tpu.vector_load %arg6[%swap3A_228] {strides = array<i32>} : memref<640xf32, #tpu.memory_space<vmem>>, vector<16xf32>,
    %swap3A_230 = vector.shape_cast %swap3A_229 : vector<16xf32> to vector<16xf32>
    %swap3A_231 = vector.shape_cast %broadcast_in_dim3A_227 : vector<16xf32> to vector<16xf32>
    tpu.vector_store %arg6[%swap3A_228], %swap3A_231 {strides = array<i32>} : memref<640xf32, #tpu.memory_space<vmem>>, vector<16xf32>,
    %broadcast_in_dim3A_232 = arith.constant 0.000000e+00 : f32
    %broadcast_in_dim3A_233 = vector.broadcast %broadcast_in_dim3A_232 : f32 to vector<16xf32>
    %swap3A_234 = arith.constant 496 : index
    %swap3A_235 = tpu.vector_load %arg6[%swap3A_234] {strides = array<i32>} : memref<640xf32, #tpu.memory_space<vmem>>, vector<16xf32>,
    %swap3A_236 = vector.shape_cast %swap3A_235 : vector<16xf32> to vector<16xf32>
    %swap3A_237 = vector.shape_cast %broadcast_in_dim3A_233 : vector<16xf32> to vector<16xf32>
    tpu.vector_store %arg6[%swap3A_234], %swap3A_237 {strides = array<i32>} : memref<640xf32, #tpu.memory_space<vmem>>, vector<16xf32>,
    %broadcast_in_dim3A_238 = arith.constant 0.000000e+00 : f32
    %broadcast_in_dim3A_239 = vector.broadcast %broadcast_in_dim3A_238 : f32 to vector<16xf32>
    %swap3A_240 = arith.constant 512 : index
    %swap3A_241 = tpu.vector_load %arg6[%swap3A_240] {strides = array<i32>} : memref<640xf32, #tpu.memory_space<vmem>>, vector<16xf32>,
    %swap3A_242 = vector.shape_cast %swap3A_241 : vector<16xf32> to vector<16xf32>
    %swap3A_243 = vector.shape_cast %broadcast_in_dim3A_239 : vector<16xf32> to vector<16xf32>
    tpu.vector_store %arg6[%swap3A_240], %swap3A_243 {strides = array<i32>} : memref<640xf32, #tpu.memory_space<vmem>>, vector<16xf32>,
    %broadcast_in_dim3A_244 = arith.constant 0.000000e+00 : f32
    %broadcast_in_dim3A_245 = vector.broadcast %broadcast_in_dim3A_244 : f32 to vector<16xf32>
    %swap3A_246 = arith.constant 528 : index
    %swap3A_247 = tpu.vector_load %arg6[%swap3A_246] {strides = array<i32>} : memref<640xf32, #tpu.memory_space<vmem>>, vector<16xf32>,
    %swap3A_248 = vector.shape_cast %swap3A_247 : vector<16xf32> to vector<16xf32>
    %swap3A_249 = vector.shape_cast %broadcast_in_dim3A_245 : vector<16xf32> to vector<16xf32>
    tpu.vector_store %arg6[%swap3A_246], %swap3A_249 {strides = array<i32>} : memref<640xf32, #tpu.memory_space<vmem>>, vector<16xf32>,
    %broadcast_in_dim3A_250 = arith.constant 0.000000e+00 : f32
    %broadcast_in_dim3A_251 = vector.broadcast %broadcast_in_dim3A_250 : f32 to vector<16xf32>
    %swap3A_252 = arith.constant 544 : index
    %swap3A_253 = tpu.vector_load %arg6[%swap3A_252] {strides = array<i32>} : memref<640xf32, #tpu.memory_space<vmem>>, vector<16xf32>,
    %swap3A_254 = vector.shape_cast %swap3A_253 : vector<16xf32> to vector<16xf32>
    %swap3A_255 = vector.shape_cast %broadcast_in_dim3A_251 : vector<16xf32> to vector<16xf32>
    tpu.vector_store %arg6[%swap3A_252], %swap3A_255 {strides = array<i32>} : memref<640xf32, #tpu.memory_space<vmem>>, vector<16xf32>,
    %broadcast_in_dim3A_256 = arith.constant 0.000000e+00 : f32
    %broadcast_in_dim3A_257 = vector.broadcast %broadcast_in_dim3A_256 : f32 to vector<16xf32>
    %swap3A_258 = arith.constant 560 : index
    %swap3A_259 = tpu.vector_load %arg6[%swap3A_258] {strides = array<i32>} : memref<640xf32, #tpu.memory_space<vmem>>, vector<16xf32>,
    %swap3A_260 = vector.shape_cast %swap3A_259 : vector<16xf32> to vector<16xf32>
    %swap3A_261 = vector.shape_cast %broadcast_in_dim3A_257 : vector<16xf32> to vector<16xf32>
    tpu.vector_store %arg6[%swap3A_258], %swap3A_261 {strides = array<i32>} : memref<640xf32, #tpu.memory_space<vmem>>, vector<16xf32>,
    %broadcast_in_dim3A_262 = arith.constant 0.000000e+00 : f32
    %broadcast_in_dim3A_263 = vector.broadcast %broadcast_in_dim3A_262 : f32 to vector<16xf32>
    %swap3A_264 = arith.constant 576 : index
    %swap3A_265 = tpu.vector_load %arg6[%swap3A_264] {strides = array<i32>} : memref<640xf32, #tpu.memory_space<vmem>>, vector<16xf32>,
    %swap3A_266 = vector.shape_cast %swap3A_265 : vector<16xf32> to vector<16xf32>
    %swap3A_267 = vector.shape_cast %broadcast_in_dim3A_263 : vector<16xf32> to vector<16xf32>
    tpu.vector_store %arg6[%swap3A_264], %swap3A_267 {strides = array<i32>} : memref<640xf32, #tpu.memory_space<vmem>>, vector<16xf32>,
    %broadcast_in_dim3A_268 = arith.constant 0.000000e+00 : f32
    %broadcast_in_dim3A_269 = vector.broadcast %broadcast_in_dim3A_268 : f32 to vector<16xf32>
    %swap3A_270 = arith.constant 592 : index
    %swap3A_271 = tpu.vector_load %arg6[%swap3A_270] {strides = array<i32>} : memref<640xf32, #tpu.memory_space<vmem>>, vector<16xf32>,
    %swap3A_272 = vector.shape_cast %swap3A_271 : vector<16xf32> to vector<16xf32>
    %swap3A_273 = vector.shape_cast %broadcast_in_dim3A_269 : vector<16xf32> to vector<16xf32>
    tpu.vector_store %arg6[%swap3A_270], %swap3A_273 {strides = array<i32>} : memref<640xf32, #tpu.memory_space<vmem>>, vector<16xf32>,
    %broadcast_in_dim3A_274 = arith.constant 0.000000e+00 : f32
    %broadcast_in_dim3A_275 = vector.broadcast %broadcast_in_dim3A_274 : f32 to vector<16xf32>
    %swap3A_276 = arith.constant 608 : index
    %swap3A_277 = tpu.vector_load %arg6[%swap3A_276] {strides = array<i32>} : memref<640xf32, #tpu.memory_space<vmem>>, vector<16xf32>,
    %swap3A_278 = vector.shape_cast %swap3A_277 : vector<16xf32> to vector<16xf32>
    %swap3A_279 = vector.shape_cast %broadcast_in_dim3A_275 : vector<16xf32> to vector<16xf32>
    tpu.vector_store %arg6[%swap3A_276], %swap3A_279 {strides = array<i32>} : memref<640xf32, #tpu.memory_space<vmem>>, vector<16xf32>,
    %broadcast_in_dim3A_280 = arith.constant 0.000000e+00 : f32
    %broadcast_in_dim3A_281 = vector.broadcast %broadcast_in_dim3A_280 : f32 to vector<16xf32>
    %swap3A_282 = arith.constant 624 : index
    %swap3A_283 = tpu.vector_load %arg6[%swap3A_282] {strides = array<i32>} : memref<640xf32, #tpu.memory_space<vmem>>, vector<16xf32>,
    %swap3A_284 = vector.shape_cast %swap3A_283 : vector<16xf32> to vector<16xf32>
    %swap3A_285 = vector.shape_cast %broadcast_in_dim3A_281 : vector<16xf32> to vector<16xf32>
    tpu.vector_store %arg6[%swap3A_282], %swap3A_285 {strides = array<i32>} : memref<640xf32, #tpu.memory_space<vmem>>, vector<16xf32>,
    %mul3A = arith.constant 640 : i32
    %mul3A_286 = arith.muli %arg1, %mul3A : i32
    "tpu.region"() ({
      %run_scoped3A = tpu.sem_alloc : memref<!tpu.dma_semaphore, #tpu.memory_space<semaphore_mem>>
      %dma_start3A = tpu.memref_slice %arg7[%mul3A_286] : memref<10240xf32, #tpu.memory_space<vmem_shared>> -> memref<640xf32, #tpu.memory_space<vmem_shared>>
      %dma_start3A_299 = tpu.memref_slice %arg7[%mul3A_286] : memref<10240xf32, #tpu.memory_space<vmem_shared>> -> memref<640xf32, #tpu.memory_space<vmem_shared>>
      tpu.enqueue_dma source(%arg6 : memref<640xf32, #tpu.memory_space<vmem>>) target(%dma_start3A_299 : memref<640xf32, #tpu.memory_space<vmem_shared>>) target_semaphore(%run_scoped3A : memref<!tpu.dma_semaphore, #tpu.memory_space<semaphore_mem>>)
      %dma_wait3A = tpu.memref_slice %arg7[%mul3A_286] : memref<10240xf32, #tpu.memory_space<vmem_shared>> -> memref<640xf32, #tpu.memory_space<vmem_shared>>
      %dma_wait3A_300 = tpu.memref_slice %arg7[%mul3A_286] : memref<10240xf32, #tpu.memory_space<vmem_shared>> -> memref<640xf32, #tpu.memory_space<vmem_shared>>
      tpu.wait_dma2 semaphore(%run_scoped3A : memref<!tpu.dma_semaphore, #tpu.memory_space<semaphore_mem>>) src(%arg6 : memref<640xf32, #tpu.memory_space<vmem>>) dst(%dma_wait3A_300 : memref<640xf32, #tpu.memory_space<vmem_shared>>)
      tpu.yield
    }) : () -> ()
    %barrier3A = arith.constant 0 : index
    tpu.barrier barrier_id(%barrier3A)
    %eq3A = arith.constant 0 : i32
    %eq3A_287 = arith.cmpi eq, %arg0, %eq3A : i32
    %convert_element_type3A = arith.extui %eq3A_287 : i1 to i32
    %cond3A = arith.constant 0 : i32
    %cond3A_288 = arith.cmpi ne, %convert_element_type3A, %cond3A : i32
    scf.if %cond3A_288 {
      %mul3A_299 = arith.constant 150 : i32
      %mul3A_300 = arith.muli %arg1, %mul3A_299 : i32
      %multiple_of3A = tpu.assume_multiple %mul3A_300, 2 : i32
      "tpu.region"() ({
        %run_scoped3A = tpu.sem_alloc : memref<!tpu.dma_semaphore, #tpu.memory_space<semaphore_mem>>
        %dma_start3A = arith.constant 0 : i32
        %dma_start3A_306 = arith.constant 0 : i32
        %dma_start3A_307 = arith.constant 0 : i32
        %dma_start3A_308 = tpu.memref_slice %arg4[%dma_start3A, %dma_start3A_306, %dma_start3A_307] : memref<150x1x128xi32, #tpu.memory_space<vmem>> -> memref<150x1x128xi32, #tpu.memory_space<vmem>>
        %dma_start3A_309 = arith.constant 0 : i32
        %dma_start3A_310 = arith.constant 0 : i32
        %dma_start3A_311 = tpu.memref_slice %arg2[%multiple_of3A, %dma_start3A_309, %dma_start3A_310] : memref<2560x1x128xi32, #tpu.memory_space<hbm>> -> memref<150x1x128xi32, #tpu.memory_space<hbm>>
        %dma_start3A_312 = arith.constant 0 : i32
        %dma_start3A_313 = arith.constant 0 : i32
        %dma_start3A_314 = arith.constant 0 : i32
        %dma_start3A_315 = tpu.memref_slice %arg4[%dma_start3A_312, %dma_start3A_313, %dma_start3A_314] : memref<150x1x128xi32, #tpu.memory_space<vmem>> -> memref<150x1x128xi32, #tpu.memory_space<vmem>>
        %dma_start3A_316 = arith.constant 0 : i32
        %dma_start3A_317 = arith.constant 0 : i32
        %dma_start3A_318 = tpu.memref_slice %arg2[%multiple_of3A, %dma_start3A_316, %dma_start3A_317] : memref<2560x1x128xi32, #tpu.memory_space<hbm>> -> memref<150x1x128xi32, #tpu.memory_space<hbm>>
        tpu.enqueue_dma source(%dma_start3A_318 : memref<150x1x128xi32, #tpu.memory_space<hbm>>) target(%dma_start3A_315 : memref<150x1x128xi32, #tpu.memory_space<vmem>>) target_semaphore(%run_scoped3A : memref<!tpu.dma_semaphore, #tpu.memory_space<semaphore_mem>>)
        %dma_wait3A = arith.constant 0 : i32
        %dma_wait3A_319 = arith.constant 0 : i32
        %dma_wait3A_320 = arith.constant 0 : i32
        %dma_wait3A_321 = tpu.memref_slice %arg4[%dma_wait3A, %dma_wait3A_319, %dma_wait3A_320] : memref<150x1x128xi32, #tpu.memory_space<vmem>> -> memref<150x1x128xi32, #tpu.memory_space<vmem>>
        %dma_wait3A_322 = arith.constant 0 : i32
        %dma_wait3A_323 = arith.constant 0 : i32
        %dma_wait3A_324 = tpu.memref_slice %arg2[%multiple_of3A, %dma_wait3A_322, %dma_wait3A_323] : memref<2560x1x128xi32, #tpu.memory_space<hbm>> -> memref<150x1x128xi32, #tpu.memory_space<hbm>>
        %dma_wait3A_325 = arith.constant 0 : i32
        %dma_wait3A_326 = arith.constant 0 : i32
        %dma_wait3A_327 = arith.constant 0 : i32
        %dma_wait3A_328 = tpu.memref_slice %arg4[%dma_wait3A_325, %dma_wait3A_326, %dma_wait3A_327] : memref<150x1x128xi32, #tpu.memory_space<vmem>> -> memref<150x1x128xi32, #tpu.memory_space<vmem>>
        %dma_wait3A_329 = arith.constant 0 : i32
        %dma_wait3A_330 = arith.constant 0 : i32
        %dma_wait3A_331 = tpu.memref_slice %arg2[%multiple_of3A, %dma_wait3A_329, %dma_wait3A_330] : memref<2560x1x128xi32, #tpu.memory_space<hbm>> -> memref<150x1x128xi32, #tpu.memory_space<hbm>>
        tpu.wait_dma2 semaphore(%run_scoped3A : memref<!tpu.dma_semaphore, #tpu.memory_space<semaphore_mem>>) src(%dma_wait3A_331 : memref<150x1x128xi32, #tpu.memory_space<hbm>>) dst(%dma_wait3A_328 : memref<150x1x128xi32, #tpu.memory_space<vmem>>)
        tpu.yield
      }) : () -> ()
      %scan3A = arith.constant 0 : i32
      %scan3A_301 = arith.constant 0 : i32
      %scan3A_302 = arith.constant 15 : i32
      %scan3A_303 = arith.addi %scan3A_301, %scan3A_302 : i32
      %scan3A_304 = arith.constant 1 : i32
      scf.for %scan3A_306 = %scan3A_301 to %scan3A_303 step %scan3A_304  : i32 {
        %mul3A_307 = arith.constant 10 : i32
        %mul3A_308 = arith.muli %scan3A_306, %mul3A_307 : i32
        %add3A = arith.constant 0 : i32
        %add3A_309 = arith.addi %mul3A_308, %add3A : i32
        %dma_start3A = arith.constant 0 : i32
        %dma_start3A_310 = arith.constant 0 : i32
        %dma_start3A_311 = tpu.memref_slice %arg4[%add3A_309, %dma_start3A, %dma_start3A_310] : memref<150x1x128xi32, #tpu.memory_space<vmem>> -> memref<1x1x128xi32, #tpu.memory_space<vmem>>
        %dma_start3A_312 = tpu.memref_squeeze %dma_start3A_311 : memref<1x1x128xi32, #tpu.memory_space<vmem>> -> memref<128xi32, #tpu.memory_space<vmem>>
        %dma_start3A_313 = arith.constant 0 : i32
        %dma_start3A_314 = tpu.memref_slice %arg7[%dma_start3A_313] : memref<10240xf32, #tpu.memory_space<vmem_shared>> -> memref<10240xf32, #tpu.memory_space<vmem_shared>>
        tpu.enqueue_indirect_dma source(%arg5 : memref<128xf32, #tpu.memory_space<vmem>>) target(%dma_start3A_314 : memref<10240xf32, #tpu.memory_space<vmem_shared>>) offsets(%dma_start3A_312 : memref<128xi32, #tpu.memory_space<vmem>>) semaphore(%arg8 : memref<!tpu.dma_semaphore, #tpu.memory_space<semaphore_mem>>) {add = true}
        %mul3A_315 = arith.constant 10 : i32
        %mul3A_316 = arith.muli %scan3A_306, %mul3A_315 : i32
        %add3A_317 = arith.constant 1 : i32
        %add3A_318 = arith.addi %mul3A_316, %add3A_317 : i32
        %dma_start3A_319 = arith.constant 0 : i32
        %dma_start3A_320 = arith.constant 0 : i32
        %dma_start3A_321 = tpu.memref_slice %arg4[%add3A_318, %dma_start3A_319, %dma_start3A_320] : memref<150x1x128xi32, #tpu.memory_space<vmem>> -> memref<1x1x128xi32, #tpu.memory_space<vmem>>
        %dma_start3A_322 = tpu.memref_squeeze %dma_start3A_321 : memref<1x1x128xi32, #tpu.memory_space<vmem>> -> memref<128xi32, #tpu.memory_space<vmem>>
        %dma_start3A_323 = arith.constant 0 : i32
        %dma_start3A_324 = tpu.memref_slice %arg7[%dma_start3A_323] : memref<10240xf32, #tpu.memory_space<vmem_shared>> -> memref<10240xf32, #tpu.memory_space<vmem_shared>>
        tpu.enqueue_indirect_dma source(%arg5 : memref<128xf32, #tpu.memory_space<vmem>>) target(%dma_start3A_324 : memref<10240xf32, #tpu.memory_space<vmem_shared>>) offsets(%dma_start3A_322 : memref<128xi32, #tpu.memory_space<vmem>>) semaphore(%arg8 : memref<!tpu.dma_semaphore, #tpu.memory_space<semaphore_mem>>) {add = true}
        %mul3A_325 = arith.constant 10 : i32
        %mul3A_326 = arith.muli %scan3A_306, %mul3A_325 : i32
        %add3A_327 = arith.constant 2 : i32
        %add3A_328 = arith.addi %mul3A_326, %add3A_327 : i32
        %dma_start3A_329 = arith.constant 0 : i32
        %dma_start3A_330 = arith.constant 0 : i32
        %dma_start3A_331 = tpu.memref_slice %arg4[%add3A_328, %dma_start3A_329, %dma_start3A_330] : memref<150x1x128xi32, #tpu.memory_space<vmem>> -> memref<1x1x128xi32, #tpu.memory_space<vmem>>
        %dma_start3A_332 = tpu.memref_squeeze %dma_start3A_331 : memref<1x1x128xi32, #tpu.memory_space<vmem>> -> memref<128xi32, #tpu.memory_space<vmem>>
        %dma_start3A_333 = arith.constant 0 : i32
        %dma_start3A_334 = tpu.memref_slice %arg7[%dma_start3A_333] : memref<10240xf32, #tpu.memory_space<vmem_shared>> -> memref<10240xf32, #tpu.memory_space<vmem_shared>>
        tpu.enqueue_indirect_dma source(%arg5 : memref<128xf32, #tpu.memory_space<vmem>>) target(%dma_start3A_334 : memref<10240xf32, #tpu.memory_space<vmem_shared>>) offsets(%dma_start3A_332 : memref<128xi32, #tpu.memory_space<vmem>>) semaphore(%arg8 : memref<!tpu.dma_semaphore, #tpu.memory_space<semaphore_mem>>) {add = true}
        %mul3A_335 = arith.constant 10 : i32
        %mul3A_336 = arith.muli %scan3A_306, %mul3A_335 : i32
        %add3A_337 = arith.constant 3 : i32
        %add3A_338 = arith.addi %mul3A_336, %add3A_337 : i32
        %dma_start3A_339 = arith.constant 0 : i32
        %dma_start3A_340 = arith.constant 0 : i32
        %dma_start3A_341 = tpu.memref_slice %arg4[%add3A_338, %dma_start3A_339, %dma_start3A_340] : memref<150x1x128xi32, #tpu.memory_space<vmem>> -> memref<1x1x128xi32, #tpu.memory_space<vmem>>
        %dma_start3A_342 = tpu.memref_squeeze %dma_start3A_341 : memref<1x1x128xi32, #tpu.memory_space<vmem>> -> memref<128xi32, #tpu.memory_space<vmem>>
        %dma_start3A_343 = arith.constant 0 : i32
        %dma_start3A_344 = tpu.memref_slice %arg7[%dma_start3A_343] : memref<10240xf32, #tpu.memory_space<vmem_shared>> -> memref<10240xf32, #tpu.memory_space<vmem_shared>>
        tpu.enqueue_indirect_dma source(%arg5 : memref<128xf32, #tpu.memory_space<vmem>>) target(%dma_start3A_344 : memref<10240xf32, #tpu.memory_space<vmem_shared>>) offsets(%dma_start3A_342 : memref<128xi32, #tpu.memory_space<vmem>>) semaphore(%arg8 : memref<!tpu.dma_semaphore, #tpu.memory_space<semaphore_mem>>) {add = true}
        %mul3A_345 = arith.constant 10 : i32
        %mul3A_346 = arith.muli %scan3A_306, %mul3A_345 : i32
        %add3A_347 = arith.constant 4 : i32
        %add3A_348 = arith.addi %mul3A_346, %add3A_347 : i32
        %dma_start3A_349 = arith.constant 0 : i32
        %dma_start3A_350 = arith.constant 0 : i32
        %dma_start3A_351 = tpu.memref_slice %arg4[%add3A_348, %dma_start3A_349, %dma_start3A_350] : memref<150x1x128xi32, #tpu.memory_space<vmem>> -> memref<1x1x128xi32, #tpu.memory_space<vmem>>
        %dma_start3A_352 = tpu.memref_squeeze %dma_start3A_351 : memref<1x1x128xi32, #tpu.memory_space<vmem>> -> memref<128xi32, #tpu.memory_space<vmem>>
        %dma_start3A_353 = arith.constant 0 : i32
        %dma_start3A_354 = tpu.memref_slice %arg7[%dma_start3A_353] : memref<10240xf32, #tpu.memory_space<vmem_shared>> -> memref<10240xf32, #tpu.memory_space<vmem_shared>>
        tpu.enqueue_indirect_dma source(%arg5 : memref<128xf32, #tpu.memory_space<vmem>>) target(%dma_start3A_354 : memref<10240xf32, #tpu.memory_space<vmem_shared>>) offsets(%dma_start3A_352 : memref<128xi32, #tpu.memory_space<vmem>>) semaphore(%arg8 : memref<!tpu.dma_semaphore, #tpu.memory_space<semaphore_mem>>) {add = true}
        %mul3A_355 = arith.constant 10 : i32
        %mul3A_356 = arith.muli %scan3A_306, %mul3A_355 : i32
        %add3A_357 = arith.constant 5 : i32
        %add3A_358 = arith.addi %mul3A_356, %add3A_357 : i32
        %dma_start3A_359 = arith.constant 0 : i32
        %dma_start3A_360 = arith.constant 0 : i32
        %dma_start3A_361 = tpu.memref_slice %arg4[%add3A_358, %dma_start3A_359, %dma_start3A_360] : memref<150x1x128xi32, #tpu.memory_space<vmem>> -> memref<1x1x128xi32, #tpu.memory_space<vmem>>
        %dma_start3A_362 = tpu.memref_squeeze %dma_start3A_361 : memref<1x1x128xi32, #tpu.memory_space<vmem>> -> memref<128xi32, #tpu.memory_space<vmem>>
        %dma_start3A_363 = arith.constant 0 : i32
        %dma_start3A_364 = tpu.memref_slice %arg7[%dma_start3A_363] : memref<10240xf32, #tpu.memory_space<vmem_shared>> -> memref<10240xf32, #tpu.memory_space<vmem_shared>>
        tpu.enqueue_indirect_dma source(%arg5 : memref<128xf32, #tpu.memory_space<vmem>>) target(%dma_start3A_364 : memref<10240xf32, #tpu.memory_space<vmem_shared>>) offsets(%dma_start3A_362 : memref<128xi32, #tpu.memory_space<vmem>>) semaphore(%arg8 : memref<!tpu.dma_semaphore, #tpu.memory_space<semaphore_mem>>) {add = true}
        %mul3A_365 = arith.constant 10 : i32
        %mul3A_366 = arith.muli %scan3A_306, %mul3A_365 : i32
        %add3A_367 = arith.constant 6 : i32
        %add3A_368 = arith.addi %mul3A_366, %add3A_367 : i32
        %dma_start3A_369 = arith.constant 0 : i32
        %dma_start3A_370 = arith.constant 0 : i32
        %dma_start3A_371 = tpu.memref_slice %arg4[%add3A_368, %dma_start3A_369, %dma_start3A_370] : memref<150x1x128xi32, #tpu.memory_space<vmem>> -> memref<1x1x128xi32, #tpu.memory_space<vmem>>
        %dma_start3A_372 = tpu.memref_squeeze %dma_start3A_371 : memref<1x1x128xi32, #tpu.memory_space<vmem>> -> memref<128xi32, #tpu.memory_space<vmem>>
        %dma_start3A_373 = arith.constant 0 : i32
        %dma_start3A_374 = tpu.memref_slice %arg7[%dma_start3A_373] : memref<10240xf32, #tpu.memory_space<vmem_shared>> -> memref<10240xf32, #tpu.memory_space<vmem_shared>>
        tpu.enqueue_indirect_dma source(%arg5 : memref<128xf32, #tpu.memory_space<vmem>>) target(%dma_start3A_374 : memref<10240xf32, #tpu.memory_space<vmem_shared>>) offsets(%dma_start3A_372 : memref<128xi32, #tpu.memory_space<vmem>>) semaphore(%arg8 : memref<!tpu.dma_semaphore, #tpu.memory_space<semaphore_mem>>) {add = true}
        %mul3A_375 = arith.constant 10 : i32
        %mul3A_376 = arith.muli %scan3A_306, %mul3A_375 : i32
        %add3A_377 = arith.constant 7 : i32
        %add3A_378 = arith.addi %mul3A_376, %add3A_377 : i32
        %dma_start3A_379 = arith.constant 0 : i32
        %dma_start3A_380 = arith.constant 0 : i32
        %dma_start3A_381 = tpu.memref_slice %arg4[%add3A_378, %dma_start3A_379, %dma_start3A_380] : memref<150x1x128xi32, #tpu.memory_space<vmem>> -> memref<1x1x128xi32, #tpu.memory_space<vmem>>
        %dma_start3A_382 = tpu.memref_squeeze %dma_start3A_381 : memref<1x1x128xi32, #tpu.memory_space<vmem>> -> memref<128xi32, #tpu.memory_space<vmem>>
        %dma_start3A_383 = arith.constant 0 : i32
        %dma_start3A_384 = tpu.memref_slice %arg7[%dma_start3A_383] : memref<10240xf32, #tpu.memory_space<vmem_shared>> -> memref<10240xf32, #tpu.memory_space<vmem_shared>>
        tpu.enqueue_indirect_dma source(%arg5 : memref<128xf32, #tpu.memory_space<vmem>>) target(%dma_start3A_384 : memref<10240xf32, #tpu.memory_space<vmem_shared>>) offsets(%dma_start3A_382 : memref<128xi32, #tpu.memory_space<vmem>>) semaphore(%arg8 : memref<!tpu.dma_semaphore, #tpu.memory_space<semaphore_mem>>) {add = true}
        %mul3A_385 = arith.constant 10 : i32
        %mul3A_386 = arith.muli %scan3A_306, %mul3A_385 : i32
        %add3A_387 = arith.constant 8 : i32
        %add3A_388 = arith.addi %mul3A_386, %add3A_387 : i32
        %dma_start3A_389 = arith.constant 0 : i32
        %dma_start3A_390 = arith.constant 0 : i32
        %dma_start3A_391 = tpu.memref_slice %arg4[%add3A_388, %dma_start3A_389, %dma_start3A_390] : memref<150x1x128xi32, #tpu.memory_space<vmem>> -> memref<1x1x128xi32, #tpu.memory_space<vmem>>
        %dma_start3A_392 = tpu.memref_squeeze %dma_start3A_391 : memref<1x1x128xi32, #tpu.memory_space<vmem>> -> memref<128xi32, #tpu.memory_space<vmem>>
        %dma_start3A_393 = arith.constant 0 : i32
        %dma_start3A_394 = tpu.memref_slice %arg7[%dma_start3A_393] : memref<10240xf32, #tpu.memory_space<vmem_shared>> -> memref<10240xf32, #tpu.memory_space<vmem_shared>>
        tpu.enqueue_indirect_dma source(%arg5 : memref<128xf32, #tpu.memory_space<vmem>>) target(%dma_start3A_394 : memref<10240xf32, #tpu.memory_space<vmem_shared>>) offsets(%dma_start3A_392 : memref<128xi32, #tpu.memory_space<vmem>>) semaphore(%arg8 : memref<!tpu.dma_semaphore, #tpu.memory_space<semaphore_mem>>) {add = true}
        %mul3A_395 = arith.constant 10 : i32
        %mul3A_396 = arith.muli %scan3A_306, %mul3A_395 : i32
        %add3A_397 = arith.constant 9 : i32
        %add3A_398 = arith.addi %mul3A_396, %add3A_397 : i32
        %dma_start3A_399 = arith.constant 0 : i32
        %dma_start3A_400 = arith.constant 0 : i32
        %dma_start3A_401 = tpu.memref_slice %arg4[%add3A_398, %dma_start3A_399, %dma_start3A_400] : memref<150x1x128xi32, #tpu.memory_space<vmem>> -> memref<1x1x128xi32, #tpu.memory_space<vmem>>
        %dma_start3A_402 = tpu.memref_squeeze %dma_start3A_401 : memref<1x1x128xi32, #tpu.memory_space<vmem>> -> memref<128xi32, #tpu.memory_space<vmem>>
        %dma_start3A_403 = arith.constant 0 : i32
        %dma_start3A_404 = tpu.memref_slice %arg7[%dma_start3A_403] : memref<10240xf32, #tpu.memory_space<vmem_shared>> -> memref<10240xf32, #tpu.memory_space<vmem_shared>>
        tpu.enqueue_indirect_dma source(%arg5 : memref<128xf32, #tpu.memory_space<vmem>>) target(%dma_start3A_404 : memref<10240xf32, #tpu.memory_space<vmem_shared>>) offsets(%dma_start3A_402 : memref<128xi32, #tpu.memory_space<vmem>>) semaphore(%arg8 : memref<!tpu.dma_semaphore, #tpu.memory_space<semaphore_mem>>) {add = true}
        %dma_wait3A = arith.constant 0 : i32
        %dma_wait3A_405 = arith.constant 0 : i32
        %dma_wait3A_406 = tpu.memref_slice %arg4[%add3A_309, %dma_wait3A, %dma_wait3A_405] : memref<150x1x128xi32, #tpu.memory_space<vmem>> -> memref<1x1x128xi32, #tpu.memory_space<vmem>>
        %dma_wait3A_407 = tpu.memref_squeeze %dma_wait3A_406 : memref<1x1x128xi32, #tpu.memory_space<vmem>> -> memref<128xi32, #tpu.memory_space<vmem>>
        %dma_wait3A_408 = arith.constant 0 : i32
        %dma_wait3A_409 = tpu.memref_slice %arg7[%dma_wait3A_408] : memref<10240xf32, #tpu.memory_space<vmem_shared>> -> memref<10240xf32, #tpu.memory_space<vmem_shared>>
        tpu.wait_indirect_dma semaphore(%arg8 : memref<!tpu.dma_semaphore, #tpu.memory_space<semaphore_mem>>) src(%arg5 : memref<128xf32, #tpu.memory_space<vmem>>) dst(%dma_wait3A_409 : memref<10240xf32, #tpu.memory_space<vmem_shared>>)
        %dma_wait3A_410 = arith.constant 0 : i32
        %dma_wait3A_411 = arith.constant 0 : i32
        %dma_wait3A_412 = tpu.memref_slice %arg4[%add3A_318, %dma_wait3A_410, %dma_wait3A_411] : memref<150x1x128xi32, #tpu.memory_space<vmem>> -> memref<1x1x128xi32, #tpu.memory_space<vmem>>
        %dma_wait3A_413 = tpu.memref_squeeze %dma_wait3A_412 : memref<1x1x128xi32, #tpu.memory_space<vmem>> -> memref<128xi32, #tpu.memory_space<vmem>>
        %dma_wait3A_414 = arith.constant 0 : i32
        %dma_wait3A_415 = tpu.memref_slice %arg7[%dma_wait3A_414] : memref<10240xf32, #tpu.memory_space<vmem_shared>> -> memref<10240xf32, #tpu.memory_space<vmem_shared>>
        tpu.wait_indirect_dma semaphore(%arg8 : memref<!tpu.dma_semaphore, #tpu.memory_space<semaphore_mem>>) src(%arg5 : memref<128xf32, #tpu.memory_space<vmem>>) dst(%dma_wait3A_415 : memref<10240xf32, #tpu.memory_space<vmem_shared>>)
        %dma_wait3A_416 = arith.constant 0 : i32
        %dma_wait3A_417 = arith.constant 0 : i32
        %dma_wait3A_418 = tpu.memref_slice %arg4[%add3A_328, %dma_wait3A_416, %dma_wait3A_417] : memref<150x1x128xi32, #tpu.memory_space<vmem>> -> memref<1x1x128xi32, #tpu.memory_space<vmem>>
        %dma_wait3A_419 = tpu.memref_squeeze %dma_wait3A_418 : memref<1x1x128xi32, #tpu.memory_space<vmem>> -> memref<128xi32, #tpu.memory_space<vmem>>
        %dma_wait3A_420 = arith.constant 0 : i32
        %dma_wait3A_421 = tpu.memref_slice %arg7[%dma_wait3A_420] : memref<10240xf32, #tpu.memory_space<vmem_shared>> -> memref<10240xf32, #tpu.memory_space<vmem_shared>>
        tpu.wait_indirect_dma semaphore(%arg8 : memref<!tpu.dma_semaphore, #tpu.memory_space<semaphore_mem>>) src(%arg5 : memref<128xf32, #tpu.memory_space<vmem>>) dst(%dma_wait3A_421 : memref<10240xf32, #tpu.memory_space<vmem_shared>>)
        %dma_wait3A_422 = arith.constant 0 : i32
        %dma_wait3A_423 = arith.constant 0 : i32
        %dma_wait3A_424 = tpu.memref_slice %arg4[%add3A_338, %dma_wait3A_422, %dma_wait3A_423] : memref<150x1x128xi32, #tpu.memory_space<vmem>> -> memref<1x1x128xi32, #tpu.memory_space<vmem>>
        %dma_wait3A_425 = tpu.memref_squeeze %dma_wait3A_424 : memref<1x1x128xi32, #tpu.memory_space<vmem>> -> memref<128xi32, #tpu.memory_space<vmem>>
        %dma_wait3A_426 = arith.constant 0 : i32
        %dma_wait3A_427 = tpu.memref_slice %arg7[%dma_wait3A_426] : memref<10240xf32, #tpu.memory_space<vmem_shared>> -> memref<10240xf32, #tpu.memory_space<vmem_shared>>
        tpu.wait_indirect_dma semaphore(%arg8 : memref<!tpu.dma_semaphore, #tpu.memory_space<semaphore_mem>>) src(%arg5 : memref<128xf32, #tpu.memory_space<vmem>>) dst(%dma_wait3A_427 : memref<10240xf32, #tpu.memory_space<vmem_shared>>)
        %dma_wait3A_428 = arith.constant 0 : i32
        %dma_wait3A_429 = arith.constant 0 : i32
        %dma_wait3A_430 = tpu.memref_slice %arg4[%add3A_348, %dma_wait3A_428, %dma_wait3A_429] : memref<150x1x128xi32, #tpu.memory_space<vmem>> -> memref<1x1x128xi32, #tpu.memory_space<vmem>>
        %dma_wait3A_431 = tpu.memref_squeeze %dma_wait3A_430 : memref<1x1x128xi32, #tpu.memory_space<vmem>> -> memref<128xi32, #tpu.memory_space<vmem>>
        %dma_wait3A_432 = arith.constant 0 : i32
        %dma_wait3A_433 = tpu.memref_slice %arg7[%dma_wait3A_432] : memref<10240xf32, #tpu.memory_space<vmem_shared>> -> memref<10240xf32, #tpu.memory_space<vmem_shared>>
        tpu.wait_indirect_dma semaphore(%arg8 : memref<!tpu.dma_semaphore, #tpu.memory_space<semaphore_mem>>) src(%arg5 : memref<128xf32, #tpu.memory_space<vmem>>) dst(%dma_wait3A_433 : memref<10240xf32, #tpu.memory_space<vmem_shared>>)
        %dma_wait3A_434 = arith.constant 0 : i32
        %dma_wait3A_435 = arith.constant 0 : i32
        %dma_wait3A_436 = tpu.memref_slice %arg4[%add3A_358, %dma_wait3A_434, %dma_wait3A_435] : memref<150x1x128xi32, #tpu.memory_space<vmem>> -> memref<1x1x128xi32, #tpu.memory_space<vmem>>
        %dma_wait3A_437 = tpu.memref_squeeze %dma_wait3A_436 : memref<1x1x128xi32, #tpu.memory_space<vmem>> -> memref<128xi32, #tpu.memory_space<vmem>>
        %dma_wait3A_438 = arith.constant 0 : i32
        %dma_wait3A_439 = tpu.memref_slice %arg7[%dma_wait3A_438] : memref<10240xf32, #tpu.memory_space<vmem_shared>> -> memref<10240xf32, #tpu.memory_space<vmem_shared>>
        tpu.wait_indirect_dma semaphore(%arg8 : memref<!tpu.dma_semaphore, #tpu.memory_space<semaphore_mem>>) src(%arg5 : memref<128xf32, #tpu.memory_space<vmem>>) dst(%dma_wait3A_439 : memref<10240xf32, #tpu.memory_space<vmem_shared>>)
        %dma_wait3A_440 = arith.constant 0 : i32
        %dma_wait3A_441 = arith.constant 0 : i32
        %dma_wait3A_442 = tpu.memref_slice %arg4[%add3A_368, %dma_wait3A_440, %dma_wait3A_441] : memref<150x1x128xi32, #tpu.memory_space<vmem>> -> memref<1x1x128xi32, #tpu.memory_space<vmem>>
        %dma_wait3A_443 = tpu.memref_squeeze %dma_wait3A_442 : memref<1x1x128xi32, #tpu.memory_space<vmem>> -> memref<128xi32, #tpu.memory_space<vmem>>
        %dma_wait3A_444 = arith.constant 0 : i32
        %dma_wait3A_445 = tpu.memref_slice %arg7[%dma_wait3A_444] : memref<10240xf32, #tpu.memory_space<vmem_shared>> -> memref<10240xf32, #tpu.memory_space<vmem_shared>>
        tpu.wait_indirect_dma semaphore(%arg8 : memref<!tpu.dma_semaphore, #tpu.memory_space<semaphore_mem>>) src(%arg5 : memref<128xf32, #tpu.memory_space<vmem>>) dst(%dma_wait3A_445 : memref<10240xf32, #tpu.memory_space<vmem_shared>>)
        %dma_wait3A_446 = arith.constant 0 : i32
        %dma_wait3A_447 = arith.constant 0 : i32
        %dma_wait3A_448 = tpu.memref_slice %arg4[%add3A_378, %dma_wait3A_446, %dma_wait3A_447] : memref<150x1x128xi32, #tpu.memory_space<vmem>> -> memref<1x1x128xi32, #tpu.memory_space<vmem>>
        %dma_wait3A_449 = tpu.memref_squeeze %dma_wait3A_448 : memref<1x1x128xi32, #tpu.memory_space<vmem>> -> memref<128xi32, #tpu.memory_space<vmem>>
        %dma_wait3A_450 = arith.constant 0 : i32
        %dma_wait3A_451 = tpu.memref_slice %arg7[%dma_wait3A_450] : memref<10240xf32, #tpu.memory_space<vmem_shared>> -> memref<10240xf32, #tpu.memory_space<vmem_shared>>
        tpu.wait_indirect_dma semaphore(%arg8 : memref<!tpu.dma_semaphore, #tpu.memory_space<semaphore_mem>>) src(%arg5 : memref<128xf32, #tpu.memory_space<vmem>>) dst(%dma_wait3A_451 : memref<10240xf32, #tpu.memory_space<vmem_shared>>)
        %dma_wait3A_452 = arith.constant 0 : i32
        %dma_wait3A_453 = arith.constant 0 : i32
        %dma_wait3A_454 = tpu.memref_slice %arg4[%add3A_388, %dma_wait3A_452, %dma_wait3A_453] : memref<150x1x128xi32, #tpu.memory_space<vmem>> -> memref<1x1x128xi32, #tpu.memory_space<vmem>>
        %dma_wait3A_455 = tpu.memref_squeeze %dma_wait3A_454 : memref<1x1x128xi32, #tpu.memory_space<vmem>> -> memref<128xi32, #tpu.memory_space<vmem>>
        %dma_wait3A_456 = arith.constant 0 : i32
        %dma_wait3A_457 = tpu.memref_slice %arg7[%dma_wait3A_456] : memref<10240xf32, #tpu.memory_space<vmem_shared>> -> memref<10240xf32, #tpu.memory_space<vmem_shared>>
        tpu.wait_indirect_dma semaphore(%arg8 : memref<!tpu.dma_semaphore, #tpu.memory_space<semaphore_mem>>) src(%arg5 : memref<128xf32, #tpu.memory_space<vmem>>) dst(%dma_wait3A_457 : memref<10240xf32, #tpu.memory_space<vmem_shared>>)
        %dma_wait3A_458 = arith.constant 0 : i32
        %dma_wait3A_459 = arith.constant 0 : i32
        %dma_wait3A_460 = tpu.memref_slice %arg4[%add3A_398, %dma_wait3A_458, %dma_wait3A_459] : memref<150x1x128xi32, #tpu.memory_space<vmem>> -> memref<1x1x128xi32, #tpu.memory_space<vmem>>
        %dma_wait3A_461 = tpu.memref_squeeze %dma_wait3A_460 : memref<1x1x128xi32, #tpu.memory_space<vmem>> -> memref<128xi32, #tpu.memory_space<vmem>>
        %dma_wait3A_462 = arith.constant 0 : i32
        %dma_wait3A_463 = tpu.memref_slice %arg7[%dma_wait3A_462] : memref<10240xf32, #tpu.memory_space<vmem_shared>> -> memref<10240xf32, #tpu.memory_space<vmem_shared>>
        tpu.wait_indirect_dma semaphore(%arg8 : memref<!tpu.dma_semaphore, #tpu.memory_space<semaphore_mem>>) src(%arg5 : memref<128xf32, #tpu.memory_space<vmem>>) dst(%dma_wait3A_463 : memref<10240xf32, #tpu.memory_space<vmem_shared>>)
      }
      %scan3A_305 = arith.constant 15 : i32
    } else {
    }
    %eq3A_289 = arith.constant 1 : i32
    %eq3A_290 = arith.cmpi eq, %arg0, %eq3A_289 : i32
    %convert_element_type3A_291 = arith.extui %eq3A_290 : i1 to i32
    %cond3A_292 = arith.constant 0 : i32
    %cond3A_293 = arith.cmpi ne, %convert_element_type3A_291, %cond3A_292 : i32
    scf.if %cond3A_293 {
      %mul3A_299 = arith.constant 10 : i32
      %mul3A_300 = arith.muli %arg1, %mul3A_299 : i32
      %add3A = arith.constant 2400 : i32
      %add3A_301 = arith.addi %add3A, %mul3A_300 : i32
      %multiple_of3A = tpu.assume_multiple %add3A_301, 2 : i32
      "tpu.region"() ({
        %run_scoped3A = tpu.sem_alloc : memref<!tpu.dma_semaphore, #tpu.memory_space<semaphore_mem>>
        %dma_start3A_462 = arith.constant 0 : i32
        %dma_start3A_463 = arith.constant 0 : i32
        %dma_start3A_464 = arith.constant 0 : i32
        %dma_start3A_465 = tpu.memref_slice %arg4[%dma_start3A_462, %dma_start3A_463, %dma_start3A_464] : memref<150x1x128xi32, #tpu.memory_space<vmem>> -> memref<10x1x128xi32, #tpu.memory_space<vmem>>
        %dma_start3A_466 = arith.constant 0 : i32
        %dma_start3A_467 = arith.constant 0 : i32
        %dma_start3A_468 = tpu.memref_slice %arg2[%multiple_of3A, %dma_start3A_466, %dma_start3A_467] : memref<2560x1x128xi32, #tpu.memory_space<hbm>> -> memref<10x1x128xi32, #tpu.memory_space<hbm>>
        %dma_start3A_469 = arith.constant 0 : i32
        %dma_start3A_470 = arith.constant 0 : i32
        %dma_start3A_471 = arith.constant 0 : i32
        %dma_start3A_472 = tpu.memref_slice %arg4[%dma_start3A_469, %dma_start3A_470, %dma_start3A_471] : memref<150x1x128xi32, #tpu.memory_space<vmem>> -> memref<10x1x128xi32, #tpu.memory_space<vmem>>
        %dma_start3A_473 = arith.constant 0 : i32
        %dma_start3A_474 = arith.constant 0 : i32
        %dma_start3A_475 = tpu.memref_slice %arg2[%multiple_of3A, %dma_start3A_473, %dma_start3A_474] : memref<2560x1x128xi32, #tpu.memory_space<hbm>> -> memref<10x1x128xi32, #tpu.memory_space<hbm>>
        tpu.enqueue_dma source(%dma_start3A_475 : memref<10x1x128xi32, #tpu.memory_space<hbm>>) target(%dma_start3A_472 : memref<10x1x128xi32, #tpu.memory_space<vmem>>) target_semaphore(%run_scoped3A : memref<!tpu.dma_semaphore, #tpu.memory_space<semaphore_mem>>)
        %dma_wait3A_476 = arith.constant 0 : i32
        %dma_wait3A_477 = arith.constant 0 : i32
        %dma_wait3A_478 = arith.constant 0 : i32
        %dma_wait3A_479 = tpu.memref_slice %arg4[%dma_wait3A_476, %dma_wait3A_477, %dma_wait3A_478] : memref<150x1x128xi32, #tpu.memory_space<vmem>> -> memref<10x1x128xi32, #tpu.memory_space<vmem>>
        %dma_wait3A_480 = arith.constant 0 : i32
        %dma_wait3A_481 = arith.constant 0 : i32
        %dma_wait3A_482 = tpu.memref_slice %arg2[%multiple_of3A, %dma_wait3A_480, %dma_wait3A_481] : memref<2560x1x128xi32, #tpu.memory_space<hbm>> -> memref<10x1x128xi32, #tpu.memory_space<hbm>>
        %dma_wait3A_483 = arith.constant 0 : i32
        %dma_wait3A_484 = arith.constant 0 : i32
        %dma_wait3A_485 = arith.constant 0 : i32
        %dma_wait3A_486 = tpu.memref_slice %arg4[%dma_wait3A_483, %dma_wait3A_484, %dma_wait3A_485] : memref<150x1x128xi32, #tpu.memory_space<vmem>> -> memref<10x1x128xi32, #tpu.memory_space<vmem>>
        %dma_wait3A_487 = arith.constant 0 : i32
        %dma_wait3A_488 = arith.constant 0 : i32
        %dma_wait3A_489 = tpu.memref_slice %arg2[%multiple_of3A, %dma_wait3A_487, %dma_wait3A_488] : memref<2560x1x128xi32, #tpu.memory_space<hbm>> -> memref<10x1x128xi32, #tpu.memory_space<hbm>>
        tpu.wait_dma2 semaphore(%run_scoped3A : memref<!tpu.dma_semaphore, #tpu.memory_space<semaphore_mem>>) src(%dma_wait3A_489 : memref<10x1x128xi32, #tpu.memory_space<hbm>>) dst(%dma_wait3A_486 : memref<10x1x128xi32, #tpu.memory_space<vmem>>)
        tpu.yield
      }) : () -> ()
      %scan3A = arith.constant 0 : i32
      %scan3A_302 = arith.constant 0 : i32
      %mul3A_303 = arith.constant 10 : i32
      %mul3A_304 = arith.muli %scan3A_302, %mul3A_303 : i32
      %add3A_305 = arith.constant 0 : i32
      %add3A_306 = arith.addi %mul3A_304, %add3A_305 : i32
      %dma_start3A = arith.constant 0 : i32
      %dma_start3A_307 = arith.constant 0 : i32
      %dma_start3A_308 = tpu.memref_slice %arg4[%add3A_306, %dma_start3A, %dma_start3A_307] : memref<150x1x128xi32, #tpu.memory_space<vmem>> -> memref<1x1x128xi32, #tpu.memory_space<vmem>>
      %dma_start3A_309 = tpu.memref_squeeze %dma_start3A_308 : memref<1x1x128xi32, #tpu.memory_space<vmem>> -> memref<128xi32, #tpu.memory_space<vmem>>
      %dma_start3A_310 = arith.constant 0 : i32
      %dma_start3A_311 = tpu.memref_slice %arg7[%dma_start3A_310] : memref<10240xf32, #tpu.memory_space<vmem_shared>> -> memref<10240xf32, #tpu.memory_space<vmem_shared>>
      tpu.enqueue_indirect_dma source(%arg5 : memref<128xf32, #tpu.memory_space<vmem>>) target(%dma_start3A_311 : memref<10240xf32, #tpu.memory_space<vmem_shared>>) offsets(%dma_start3A_309 : memref<128xi32, #tpu.memory_space<vmem>>) semaphore(%arg8 : memref<!tpu.dma_semaphore, #tpu.memory_space<semaphore_mem>>) {add = true}
      %mul3A_312 = arith.constant 10 : i32
      %mul3A_313 = arith.muli %scan3A_302, %mul3A_312 : i32
      %add3A_314 = arith.constant 1 : i32
      %add3A_315 = arith.addi %mul3A_313, %add3A_314 : i32
      %dma_start3A_316 = arith.constant 0 : i32
      %dma_start3A_317 = arith.constant 0 : i32
      %dma_start3A_318 = tpu.memref_slice %arg4[%add3A_315, %dma_start3A_316, %dma_start3A_317] : memref<150x1x128xi32, #tpu.memory_space<vmem>> -> memref<1x1x128xi32, #tpu.memory_space<vmem>>
      %dma_start3A_319 = tpu.memref_squeeze %dma_start3A_318 : memref<1x1x128xi32, #tpu.memory_space<vmem>> -> memref<128xi32, #tpu.memory_space<vmem>>
      %dma_start3A_320 = arith.constant 0 : i32
      %dma_start3A_321 = tpu.memref_slice %arg7[%dma_start3A_320] : memref<10240xf32, #tpu.memory_space<vmem_shared>> -> memref<10240xf32, #tpu.memory_space<vmem_shared>>
      tpu.enqueue_indirect_dma source(%arg5 : memref<128xf32, #tpu.memory_space<vmem>>) target(%dma_start3A_321 : memref<10240xf32, #tpu.memory_space<vmem_shared>>) offsets(%dma_start3A_319 : memref<128xi32, #tpu.memory_space<vmem>>) semaphore(%arg8 : memref<!tpu.dma_semaphore, #tpu.memory_space<semaphore_mem>>) {add = true}
      %mul3A_322 = arith.constant 10 : i32
      %mul3A_323 = arith.muli %scan3A_302, %mul3A_322 : i32
      %add3A_324 = arith.constant 2 : i32
      %add3A_325 = arith.addi %mul3A_323, %add3A_324 : i32
      %dma_start3A_326 = arith.constant 0 : i32
      %dma_start3A_327 = arith.constant 0 : i32
      %dma_start3A_328 = tpu.memref_slice %arg4[%add3A_325, %dma_start3A_326, %dma_start3A_327] : memref<150x1x128xi32, #tpu.memory_space<vmem>> -> memref<1x1x128xi32, #tpu.memory_space<vmem>>
      %dma_start3A_329 = tpu.memref_squeeze %dma_start3A_328 : memref<1x1x128xi32, #tpu.memory_space<vmem>> -> memref<128xi32, #tpu.memory_space<vmem>>
      %dma_start3A_330 = arith.constant 0 : i32
      %dma_start3A_331 = tpu.memref_slice %arg7[%dma_start3A_330] : memref<10240xf32, #tpu.memory_space<vmem_shared>> -> memref<10240xf32, #tpu.memory_space<vmem_shared>>
      tpu.enqueue_indirect_dma source(%arg5 : memref<128xf32, #tpu.memory_space<vmem>>) target(%dma_start3A_331 : memref<10240xf32, #tpu.memory_space<vmem_shared>>) offsets(%dma_start3A_329 : memref<128xi32, #tpu.memory_space<vmem>>) semaphore(%arg8 : memref<!tpu.dma_semaphore, #tpu.memory_space<semaphore_mem>>) {add = true}
      %mul3A_332 = arith.constant 10 : i32
      %mul3A_333 = arith.muli %scan3A_302, %mul3A_332 : i32
      %add3A_334 = arith.constant 3 : i32
      %add3A_335 = arith.addi %mul3A_333, %add3A_334 : i32
      %dma_start3A_336 = arith.constant 0 : i32
      %dma_start3A_337 = arith.constant 0 : i32
      %dma_start3A_338 = tpu.memref_slice %arg4[%add3A_335, %dma_start3A_336, %dma_start3A_337] : memref<150x1x128xi32, #tpu.memory_space<vmem>> -> memref<1x1x128xi32, #tpu.memory_space<vmem>>
      %dma_start3A_339 = tpu.memref_squeeze %dma_start3A_338 : memref<1x1x128xi32, #tpu.memory_space<vmem>> -> memref<128xi32, #tpu.memory_space<vmem>>
      %dma_start3A_340 = arith.constant 0 : i32
      %dma_start3A_341 = tpu.memref_slice %arg7[%dma_start3A_340] : memref<10240xf32, #tpu.memory_space<vmem_shared>> -> memref<10240xf32, #tpu.memory_space<vmem_shared>>
      tpu.enqueue_indirect_dma source(%arg5 : memref<128xf32, #tpu.memory_space<vmem>>) target(%dma_start3A_341 : memref<10240xf32, #tpu.memory_space<vmem_shared>>) offsets(%dma_start3A_339 : memref<128xi32, #tpu.memory_space<vmem>>) semaphore(%arg8 : memref<!tpu.dma_semaphore, #tpu.memory_space<semaphore_mem>>) {add = true}
      %mul3A_342 = arith.constant 10 : i32
      %mul3A_343 = arith.muli %scan3A_302, %mul3A_342 : i32
      %add3A_344 = arith.constant 4 : i32
      %add3A_345 = arith.addi %mul3A_343, %add3A_344 : i32
      %dma_start3A_346 = arith.constant 0 : i32
      %dma_start3A_347 = arith.constant 0 : i32
      %dma_start3A_348 = tpu.memref_slice %arg4[%add3A_345, %dma_start3A_346, %dma_start3A_347] : memref<150x1x128xi32, #tpu.memory_space<vmem>> -> memref<1x1x128xi32, #tpu.memory_space<vmem>>
      %dma_start3A_349 = tpu.memref_squeeze %dma_start3A_348 : memref<1x1x128xi32, #tpu.memory_space<vmem>> -> memref<128xi32, #tpu.memory_space<vmem>>
      %dma_start3A_350 = arith.constant 0 : i32
      %dma_start3A_351 = tpu.memref_slice %arg7[%dma_start3A_350] : memref<10240xf32, #tpu.memory_space<vmem_shared>> -> memref<10240xf32, #tpu.memory_space<vmem_shared>>
      tpu.enqueue_indirect_dma source(%arg5 : memref<128xf32, #tpu.memory_space<vmem>>) target(%dma_start3A_351 : memref<10240xf32, #tpu.memory_space<vmem_shared>>) offsets(%dma_start3A_349 : memref<128xi32, #tpu.memory_space<vmem>>) semaphore(%arg8 : memref<!tpu.dma_semaphore, #tpu.memory_space<semaphore_mem>>) {add = true}
      %mul3A_352 = arith.constant 10 : i32
      %mul3A_353 = arith.muli %scan3A_302, %mul3A_352 : i32
      %add3A_354 = arith.constant 5 : i32
      %add3A_355 = arith.addi %mul3A_353, %add3A_354 : i32
      %dma_start3A_356 = arith.constant 0 : i32
      %dma_start3A_357 = arith.constant 0 : i32
      %dma_start3A_358 = tpu.memref_slice %arg4[%add3A_355, %dma_start3A_356, %dma_start3A_357] : memref<150x1x128xi32, #tpu.memory_space<vmem>> -> memref<1x1x128xi32, #tpu.memory_space<vmem>>
      %dma_start3A_359 = tpu.memref_squeeze %dma_start3A_358 : memref<1x1x128xi32, #tpu.memory_space<vmem>> -> memref<128xi32, #tpu.memory_space<vmem>>
      %dma_start3A_360 = arith.constant 0 : i32
      %dma_start3A_361 = tpu.memref_slice %arg7[%dma_start3A_360] : memref<10240xf32, #tpu.memory_space<vmem_shared>> -> memref<10240xf32, #tpu.memory_space<vmem_shared>>
      tpu.enqueue_indirect_dma source(%arg5 : memref<128xf32, #tpu.memory_space<vmem>>) target(%dma_start3A_361 : memref<10240xf32, #tpu.memory_space<vmem_shared>>) offsets(%dma_start3A_359 : memref<128xi32, #tpu.memory_space<vmem>>) semaphore(%arg8 : memref<!tpu.dma_semaphore, #tpu.memory_space<semaphore_mem>>) {add = true}
      %mul3A_362 = arith.constant 10 : i32
      %mul3A_363 = arith.muli %scan3A_302, %mul3A_362 : i32
      %add3A_364 = arith.constant 6 : i32
      %add3A_365 = arith.addi %mul3A_363, %add3A_364 : i32
      %dma_start3A_366 = arith.constant 0 : i32
      %dma_start3A_367 = arith.constant 0 : i32
      %dma_start3A_368 = tpu.memref_slice %arg4[%add3A_365, %dma_start3A_366, %dma_start3A_367] : memref<150x1x128xi32, #tpu.memory_space<vmem>> -> memref<1x1x128xi32, #tpu.memory_space<vmem>>
      %dma_start3A_369 = tpu.memref_squeeze %dma_start3A_368 : memref<1x1x128xi32, #tpu.memory_space<vmem>> -> memref<128xi32, #tpu.memory_space<vmem>>
      %dma_start3A_370 = arith.constant 0 : i32
      %dma_start3A_371 = tpu.memref_slice %arg7[%dma_start3A_370] : memref<10240xf32, #tpu.memory_space<vmem_shared>> -> memref<10240xf32, #tpu.memory_space<vmem_shared>>
      tpu.enqueue_indirect_dma source(%arg5 : memref<128xf32, #tpu.memory_space<vmem>>) target(%dma_start3A_371 : memref<10240xf32, #tpu.memory_space<vmem_shared>>) offsets(%dma_start3A_369 : memref<128xi32, #tpu.memory_space<vmem>>) semaphore(%arg8 : memref<!tpu.dma_semaphore, #tpu.memory_space<semaphore_mem>>) {add = true}
      %mul3A_372 = arith.constant 10 : i32
      %mul3A_373 = arith.muli %scan3A_302, %mul3A_372 : i32
      %add3A_374 = arith.constant 7 : i32
      %add3A_375 = arith.addi %mul3A_373, %add3A_374 : i32
      %dma_start3A_376 = arith.constant 0 : i32
      %dma_start3A_377 = arith.constant 0 : i32
      %dma_start3A_378 = tpu.memref_slice %arg4[%add3A_375, %dma_start3A_376, %dma_start3A_377] : memref<150x1x128xi32, #tpu.memory_space<vmem>> -> memref<1x1x128xi32, #tpu.memory_space<vmem>>
      %dma_start3A_379 = tpu.memref_squeeze %dma_start3A_378 : memref<1x1x128xi32, #tpu.memory_space<vmem>> -> memref<128xi32, #tpu.memory_space<vmem>>
      %dma_start3A_380 = arith.constant 0 : i32
      %dma_start3A_381 = tpu.memref_slice %arg7[%dma_start3A_380] : memref<10240xf32, #tpu.memory_space<vmem_shared>> -> memref<10240xf32, #tpu.memory_space<vmem_shared>>
      tpu.enqueue_indirect_dma source(%arg5 : memref<128xf32, #tpu.memory_space<vmem>>) target(%dma_start3A_381 : memref<10240xf32, #tpu.memory_space<vmem_shared>>) offsets(%dma_start3A_379 : memref<128xi32, #tpu.memory_space<vmem>>) semaphore(%arg8 : memref<!tpu.dma_semaphore, #tpu.memory_space<semaphore_mem>>) {add = true}
      %mul3A_382 = arith.constant 10 : i32
      %mul3A_383 = arith.muli %scan3A_302, %mul3A_382 : i32
      %add3A_384 = arith.constant 8 : i32
      %add3A_385 = arith.addi %mul3A_383, %add3A_384 : i32
      %dma_start3A_386 = arith.constant 0 : i32
      %dma_start3A_387 = arith.constant 0 : i32
      %dma_start3A_388 = tpu.memref_slice %arg4[%add3A_385, %dma_start3A_386, %dma_start3A_387] : memref<150x1x128xi32, #tpu.memory_space<vmem>> -> memref<1x1x128xi32, #tpu.memory_space<vmem>>
      %dma_start3A_389 = tpu.memref_squeeze %dma_start3A_388 : memref<1x1x128xi32, #tpu.memory_space<vmem>> -> memref<128xi32, #tpu.memory_space<vmem>>
      %dma_start3A_390 = arith.constant 0 : i32
      %dma_start3A_391 = tpu.memref_slice %arg7[%dma_start3A_390] : memref<10240xf32, #tpu.memory_space<vmem_shared>> -> memref<10240xf32, #tpu.memory_space<vmem_shared>>
      tpu.enqueue_indirect_dma source(%arg5 : memref<128xf32, #tpu.memory_space<vmem>>) target(%dma_start3A_391 : memref<10240xf32, #tpu.memory_space<vmem_shared>>) offsets(%dma_start3A_389 : memref<128xi32, #tpu.memory_space<vmem>>) semaphore(%arg8 : memref<!tpu.dma_semaphore, #tpu.memory_space<semaphore_mem>>) {add = true}
      %mul3A_392 = arith.constant 10 : i32
      %mul3A_393 = arith.muli %scan3A_302, %mul3A_392 : i32
      %add3A_394 = arith.constant 9 : i32
      %add3A_395 = arith.addi %mul3A_393, %add3A_394 : i32
      %dma_start3A_396 = arith.constant 0 : i32
      %dma_start3A_397 = arith.constant 0 : i32
      %dma_start3A_398 = tpu.memref_slice %arg4[%add3A_395, %dma_start3A_396, %dma_start3A_397] : memref<150x1x128xi32, #tpu.memory_space<vmem>> -> memref<1x1x128xi32, #tpu.memory_space<vmem>>
      %dma_start3A_399 = tpu.memref_squeeze %dma_start3A_398 : memref<1x1x128xi32, #tpu.memory_space<vmem>> -> memref<128xi32, #tpu.memory_space<vmem>>
      %dma_start3A_400 = arith.constant 0 : i32
      %dma_start3A_401 = tpu.memref_slice %arg7[%dma_start3A_400] : memref<10240xf32, #tpu.memory_space<vmem_shared>> -> memref<10240xf32, #tpu.memory_space<vmem_shared>>
      tpu.enqueue_indirect_dma source(%arg5 : memref<128xf32, #tpu.memory_space<vmem>>) target(%dma_start3A_401 : memref<10240xf32, #tpu.memory_space<vmem_shared>>) offsets(%dma_start3A_399 : memref<128xi32, #tpu.memory_space<vmem>>) semaphore(%arg8 : memref<!tpu.dma_semaphore, #tpu.memory_space<semaphore_mem>>) {add = true}
      %dma_wait3A = arith.constant 0 : i32
      %dma_wait3A_402 = arith.constant 0 : i32
      %dma_wait3A_403 = tpu.memref_slice %arg4[%add3A_306, %dma_wait3A, %dma_wait3A_402] : memref<150x1x128xi32, #tpu.memory_space<vmem>> -> memref<1x1x128xi32, #tpu.memory_space<vmem>>
      %dma_wait3A_404 = tpu.memref_squeeze %dma_wait3A_403 : memref<1x1x128xi32, #tpu.memory_space<vmem>> -> memref<128xi32, #tpu.memory_space<vmem>>
      %dma_wait3A_405 = arith.constant 0 : i32
      %dma_wait3A_406 = tpu.memref_slice %arg7[%dma_wait3A_405] : memref<10240xf32, #tpu.memory_space<vmem_shared>> -> memref<10240xf32, #tpu.memory_space<vmem_shared>>
      tpu.wait_indirect_dma semaphore(%arg8 : memref<!tpu.dma_semaphore, #tpu.memory_space<semaphore_mem>>) src(%arg5 : memref<128xf32, #tpu.memory_space<vmem>>) dst(%dma_wait3A_406 : memref<10240xf32, #tpu.memory_space<vmem_shared>>)
      %dma_wait3A_407 = arith.constant 0 : i32
      %dma_wait3A_408 = arith.constant 0 : i32
      %dma_wait3A_409 = tpu.memref_slice %arg4[%add3A_315, %dma_wait3A_407, %dma_wait3A_408] : memref<150x1x128xi32, #tpu.memory_space<vmem>> -> memref<1x1x128xi32, #tpu.memory_space<vmem>>
      %dma_wait3A_410 = tpu.memref_squeeze %dma_wait3A_409 : memref<1x1x128xi32, #tpu.memory_space<vmem>> -> memref<128xi32, #tpu.memory_space<vmem>>
      %dma_wait3A_411 = arith.constant 0 : i32
      %dma_wait3A_412 = tpu.memref_slice %arg7[%dma_wait3A_411] : memref<10240xf32, #tpu.memory_space<vmem_shared>> -> memref<10240xf32, #tpu.memory_space<vmem_shared>>
      tpu.wait_indirect_dma semaphore(%arg8 : memref<!tpu.dma_semaphore, #tpu.memory_space<semaphore_mem>>) src(%arg5 : memref<128xf32, #tpu.memory_space<vmem>>) dst(%dma_wait3A_412 : memref<10240xf32, #tpu.memory_space<vmem_shared>>)
      %dma_wait3A_413 = arith.constant 0 : i32
      %dma_wait3A_414 = arith.constant 0 : i32
      %dma_wait3A_415 = tpu.memref_slice %arg4[%add3A_325, %dma_wait3A_413, %dma_wait3A_414] : memref<150x1x128xi32, #tpu.memory_space<vmem>> -> memref<1x1x128xi32, #tpu.memory_space<vmem>>
      %dma_wait3A_416 = tpu.memref_squeeze %dma_wait3A_415 : memref<1x1x128xi32, #tpu.memory_space<vmem>> -> memref<128xi32, #tpu.memory_space<vmem>>
      %dma_wait3A_417 = arith.constant 0 : i32
      %dma_wait3A_418 = tpu.memref_slice %arg7[%dma_wait3A_417] : memref<10240xf32, #tpu.memory_space<vmem_shared>> -> memref<10240xf32, #tpu.memory_space<vmem_shared>>
      tpu.wait_indirect_dma semaphore(%arg8 : memref<!tpu.dma_semaphore, #tpu.memory_space<semaphore_mem>>) src(%arg5 : memref<128xf32, #tpu.memory_space<vmem>>) dst(%dma_wait3A_418 : memref<10240xf32, #tpu.memory_space<vmem_shared>>)
      %dma_wait3A_419 = arith.constant 0 : i32
      %dma_wait3A_420 = arith.constant 0 : i32
      %dma_wait3A_421 = tpu.memref_slice %arg4[%add3A_335, %dma_wait3A_419, %dma_wait3A_420] : memref<150x1x128xi32, #tpu.memory_space<vmem>> -> memref<1x1x128xi32, #tpu.memory_space<vmem>>
      %dma_wait3A_422 = tpu.memref_squeeze %dma_wait3A_421 : memref<1x1x128xi32, #tpu.memory_space<vmem>> -> memref<128xi32, #tpu.memory_space<vmem>>
      %dma_wait3A_423 = arith.constant 0 : i32
      %dma_wait3A_424 = tpu.memref_slice %arg7[%dma_wait3A_423] : memref<10240xf32, #tpu.memory_space<vmem_shared>> -> memref<10240xf32, #tpu.memory_space<vmem_shared>>
      tpu.wait_indirect_dma semaphore(%arg8 : memref<!tpu.dma_semaphore, #tpu.memory_space<semaphore_mem>>) src(%arg5 : memref<128xf32, #tpu.memory_space<vmem>>) dst(%dma_wait3A_424 : memref<10240xf32, #tpu.memory_space<vmem_shared>>)
      %dma_wait3A_425 = arith.constant 0 : i32
      %dma_wait3A_426 = arith.constant 0 : i32
      %dma_wait3A_427 = tpu.memref_slice %arg4[%add3A_345, %dma_wait3A_425, %dma_wait3A_426] : memref<150x1x128xi32, #tpu.memory_space<vmem>> -> memref<1x1x128xi32, #tpu.memory_space<vmem>>
      %dma_wait3A_428 = tpu.memref_squeeze %dma_wait3A_427 : memref<1x1x128xi32, #tpu.memory_space<vmem>> -> memref<128xi32, #tpu.memory_space<vmem>>
      %dma_wait3A_429 = arith.constant 0 : i32
      %dma_wait3A_430 = tpu.memref_slice %arg7[%dma_wait3A_429] : memref<10240xf32, #tpu.memory_space<vmem_shared>> -> memref<10240xf32, #tpu.memory_space<vmem_shared>>
      tpu.wait_indirect_dma semaphore(%arg8 : memref<!tpu.dma_semaphore, #tpu.memory_space<semaphore_mem>>) src(%arg5 : memref<128xf32, #tpu.memory_space<vmem>>) dst(%dma_wait3A_430 : memref<10240xf32, #tpu.memory_space<vmem_shared>>)
      %dma_wait3A_431 = arith.constant 0 : i32
      %dma_wait3A_432 = arith.constant 0 : i32
      %dma_wait3A_433 = tpu.memref_slice %arg4[%add3A_355, %dma_wait3A_431, %dma_wait3A_432] : memref<150x1x128xi32, #tpu.memory_space<vmem>> -> memref<1x1x128xi32, #tpu.memory_space<vmem>>
      %dma_wait3A_434 = tpu.memref_squeeze %dma_wait3A_433 : memref<1x1x128xi32, #tpu.memory_space<vmem>> -> memref<128xi32, #tpu.memory_space<vmem>>
      %dma_wait3A_435 = arith.constant 0 : i32
      %dma_wait3A_436 = tpu.memref_slice %arg7[%dma_wait3A_435] : memref<10240xf32, #tpu.memory_space<vmem_shared>> -> memref<10240xf32, #tpu.memory_space<vmem_shared>>
      tpu.wait_indirect_dma semaphore(%arg8 : memref<!tpu.dma_semaphore, #tpu.memory_space<semaphore_mem>>) src(%arg5 : memref<128xf32, #tpu.memory_space<vmem>>) dst(%dma_wait3A_436 : memref<10240xf32, #tpu.memory_space<vmem_shared>>)
      %dma_wait3A_437 = arith.constant 0 : i32
      %dma_wait3A_438 = arith.constant 0 : i32
      %dma_wait3A_439 = tpu.memref_slice %arg4[%add3A_365, %dma_wait3A_437, %dma_wait3A_438] : memref<150x1x128xi32, #tpu.memory_space<vmem>> -> memref<1x1x128xi32, #tpu.memory_space<vmem>>
      %dma_wait3A_440 = tpu.memref_squeeze %dma_wait3A_439 : memref<1x1x128xi32, #tpu.memory_space<vmem>> -> memref<128xi32, #tpu.memory_space<vmem>>
      %dma_wait3A_441 = arith.constant 0 : i32
      %dma_wait3A_442 = tpu.memref_slice %arg7[%dma_wait3A_441] : memref<10240xf32, #tpu.memory_space<vmem_shared>> -> memref<10240xf32, #tpu.memory_space<vmem_shared>>
      tpu.wait_indirect_dma semaphore(%arg8 : memref<!tpu.dma_semaphore, #tpu.memory_space<semaphore_mem>>) src(%arg5 : memref<128xf32, #tpu.memory_space<vmem>>) dst(%dma_wait3A_442 : memref<10240xf32, #tpu.memory_space<vmem_shared>>)
      %dma_wait3A_443 = arith.constant 0 : i32
      %dma_wait3A_444 = arith.constant 0 : i32
      %dma_wait3A_445 = tpu.memref_slice %arg4[%add3A_375, %dma_wait3A_443, %dma_wait3A_444] : memref<150x1x128xi32, #tpu.memory_space<vmem>> -> memref<1x1x128xi32, #tpu.memory_space<vmem>>
      %dma_wait3A_446 = tpu.memref_squeeze %dma_wait3A_445 : memref<1x1x128xi32, #tpu.memory_space<vmem>> -> memref<128xi32, #tpu.memory_space<vmem>>
      %dma_wait3A_447 = arith.constant 0 : i32
      %dma_wait3A_448 = tpu.memref_slice %arg7[%dma_wait3A_447] : memref<10240xf32, #tpu.memory_space<vmem_shared>> -> memref<10240xf32, #tpu.memory_space<vmem_shared>>
      tpu.wait_indirect_dma semaphore(%arg8 : memref<!tpu.dma_semaphore, #tpu.memory_space<semaphore_mem>>) src(%arg5 : memref<128xf32, #tpu.memory_space<vmem>>) dst(%dma_wait3A_448 : memref<10240xf32, #tpu.memory_space<vmem_shared>>)
      %dma_wait3A_449 = arith.constant 0 : i32
      %dma_wait3A_450 = arith.constant 0 : i32
      %dma_wait3A_451 = tpu.memref_slice %arg4[%add3A_385, %dma_wait3A_449, %dma_wait3A_450] : memref<150x1x128xi32, #tpu.memory_space<vmem>> -> memref<1x1x128xi32, #tpu.memory_space<vmem>>
      %dma_wait3A_452 = tpu.memref_squeeze %dma_wait3A_451 : memref<1x1x128xi32, #tpu.memory_space<vmem>> -> memref<128xi32, #tpu.memory_space<vmem>>
      %dma_wait3A_453 = arith.constant 0 : i32
      %dma_wait3A_454 = tpu.memref_slice %arg7[%dma_wait3A_453] : memref<10240xf32, #tpu.memory_space<vmem_shared>> -> memref<10240xf32, #tpu.memory_space<vmem_shared>>
      tpu.wait_indirect_dma semaphore(%arg8 : memref<!tpu.dma_semaphore, #tpu.memory_space<semaphore_mem>>) src(%arg5 : memref<128xf32, #tpu.memory_space<vmem>>) dst(%dma_wait3A_454 : memref<10240xf32, #tpu.memory_space<vmem_shared>>)
      %dma_wait3A_455 = arith.constant 0 : i32
      %dma_wait3A_456 = arith.constant 0 : i32
      %dma_wait3A_457 = tpu.memref_slice %arg4[%add3A_395, %dma_wait3A_455, %dma_wait3A_456] : memref<150x1x128xi32, #tpu.memory_space<vmem>> -> memref<1x1x128xi32, #tpu.memory_space<vmem>>
      %dma_wait3A_458 = tpu.memref_squeeze %dma_wait3A_457 : memref<1x1x128xi32, #tpu.memory_space<vmem>> -> memref<128xi32, #tpu.memory_space<vmem>>
      %dma_wait3A_459 = arith.constant 0 : i32
      %dma_wait3A_460 = tpu.memref_slice %arg7[%dma_wait3A_459] : memref<10240xf32, #tpu.memory_space<vmem_shared>> -> memref<10240xf32, #tpu.memory_space<vmem_shared>>
      tpu.wait_indirect_dma semaphore(%arg8 : memref<!tpu.dma_semaphore, #tpu.memory_space<semaphore_mem>>) src(%arg5 : memref<128xf32, #tpu.memory_space<vmem>>) dst(%dma_wait3A_460 : memref<10240xf32, #tpu.memory_space<vmem_shared>>)
      %scan3A_461 = arith.constant 1 : i32
    } else {
    }
    %barrier3A_294 = arith.constant 0 : index
    tpu.barrier barrier_id(%barrier3A_294)
    %mul3A_295 = arith.constant 640 : i32
    %mul3A_296 = arith.muli %arg1, %mul3A_295 : i32
    %mul3A_297 = arith.constant 640 : i32
    %mul3A_298 = arith.muli %arg1, %mul3A_297 : i32
    "tpu.region"() ({
      %run_scoped3A = tpu.sem_alloc : memref<!tpu.dma_semaphore, #tpu.memory_space<semaphore_mem>>
      %dma_start3A = tpu.memref_slice %arg3[%arg0, %mul3A_298] : memref<2x10240xf32, #tpu.memory_space<hbm>> -> memref<1x640xf32, #tpu.memory_space<hbm>>
      %dma_start3A_299 = tpu.memref_squeeze %dma_start3A : memref<1x640xf32, #tpu.memory_space<hbm>> -> memref<640xf32, #tpu.memory_space<hbm>>
      %dma_start3A_300 = tpu.memref_slice %arg7[%mul3A_296] : memref<10240xf32, #tpu.memory_space<vmem_shared>> -> memref<640xf32, #tpu.memory_space<vmem_shared>>
      tpu.enqueue_dma source(%dma_start3A_300 : memref<640xf32, #tpu.memory_space<vmem_shared>>) target(%dma_start3A_299 : memref<640xf32, #tpu.memory_space<hbm>>) target_semaphore(%run_scoped3A : memref<!tpu.dma_semaphore, #tpu.memory_space<semaphore_mem>>)
      %dma_wait3A = tpu.memref_slice %arg3[%arg0, %mul3A_298] : memref<2x10240xf32, #tpu.memory_space<hbm>> -> memref<1x640xf32, #tpu.memory_space<hbm>>
      %dma_wait3A_301 = tpu.memref_squeeze %dma_wait3A : memref<1x640xf32, #tpu.memory_space<hbm>> -> memref<640xf32, #tpu.memory_space<hbm>>
      %dma_wait3A_302 = tpu.memref_slice %arg7[%mul3A_296] : memref<10240xf32, #tpu.memory_space<vmem_shared>> -> memref<640xf32, #tpu.memory_space<vmem_shared>>
      tpu.wait_dma2 semaphore(%run_scoped3A : memref<!tpu.dma_semaphore, #tpu.memory_space<semaphore_mem>>) src(%dma_wait3A_302 : memref<640xf32, #tpu.memory_space<vmem_shared>>) dst(%dma_wait3A_301 : memref<640xf32, #tpu.memory_space<hbm>>)
      tpu.yield
    }) : () -> ()
    return
  }
}

#map = affine_map<(d0, d1) -> (0, 0, 0)>
#map1 = affine_map<(d0, d1) -> (0, 0)>
module attributes {stable_mosaic.version = 14 : i64} {
  func.func @scat_k(%arg0: i32, %arg1: i32, %arg2: memref<2560x1x128xi32, #tpu.memory_space<hbm>>, %arg3: memref<2560x1x128xi32, #tpu.memory_space<hbm>>, %arg4: memref<10000x128xf32, #tpu.memory_space<hbm>>, %arg5: memref<2x10240x128xf32, #tpu.memory_space<hbm>>, %arg6: memref<2x1x128xi32, #tpu.memory_space<vmem>>, %arg7: memref<2x1x128xi32, #tpu.memory_space<vmem>>, %arg8: memref<2x128x128xf32, #tpu.memory_space<vmem>>, %arg9: memref<10240x128xf32, #tpu.memory_space<vmem_shared>>, %arg10: memref<2x!tpu.dma_semaphore, #tpu.memory_space<semaphore_mem>>, %arg11: memref<2x!tpu.dma_semaphore, #tpu.memory_space<semaphore_mem>>, %arg12: memref<2x!tpu.dma_semaphore, #tpu.memory_space<semaphore_mem>>, %arg13: memref<!tpu.dma_semaphore, #tpu.memory_space<semaphore_mem>>) attributes {dimension_semantics = [#tpu.dimension_semantics<core_parallel>, #tpu.dimension_semantics<subcore_parallel>], iteration_bounds = array<i64: 2, 16>, scalar_prefetch = 0 : i64, scratch_operands = 8 : i64, tpu.core_type = #tpu.core_type<sc_vector_subcore>, window_params = [{transform_indices = #map}, {transform_indices = #map}, {transform_indices = #map1}, {transform_indices = #map}]} {
    %scan3A = arith.constant 0 : i32
    %scan3A_0 = arith.constant 0 : i32
    %scan3A_1 = arith.constant 128 : i32
    %scan3A_2 = arith.addi %scan3A_0, %scan3A_1 : i32
    %scan3A_3 = arith.constant 1 : i32
    scf.for %scan3A_75 = %scan3A_0 to %scan3A_2 step %scan3A_3  : i32 {
      %broadcast_in_dim3A = arith.constant 0.000000e+00 : f32
      %broadcast_in_dim3A_76 = vector.broadcast %broadcast_in_dim3A : f32 to vector<16xf32>
      %swap3A = arith.constant 0 : i32
      %swap3A_77 = arith.index_cast %swap3A : i32 to index
      %swap3A_78 = arith.index_cast %scan3A_75 : i32 to index
      %swap3A_79 = arith.constant 0 : index
      %swap3A_80 = tpu.vector_load %arg8[%swap3A_77, %swap3A_78, %swap3A_79] {strides = array<i32>} : memref<2x128x128xf32, #tpu.memory_space<vmem>>, vector<1x1x16xf32>,
      %swap3A_81 = vector.shape_cast %swap3A_80 : vector<1x1x16xf32> to vector<16xf32>
      %swap3A_82 = vector.shape_cast %broadcast_in_dim3A_76 : vector<16xf32> to vector<1x1x16xf32>
      tpu.vector_store %arg8[%swap3A_77, %swap3A_78, %swap3A_79], %swap3A_82 {strides = array<i32>} : memref<2x128x128xf32, #tpu.memory_space<vmem>>, vector<1x1x16xf32>,
      %broadcast_in_dim3A_83 = arith.constant 0.000000e+00 : f32
      %broadcast_in_dim3A_84 = vector.broadcast %broadcast_in_dim3A_83 : f32 to vector<16xf32>
      %swap3A_85 = arith.constant 0 : i32
      %swap3A_86 = arith.index_cast %swap3A_85 : i32 to index
      %swap3A_87 = arith.index_cast %scan3A_75 : i32 to index
      %swap3A_88 = arith.constant 16 : index
      %swap3A_89 = tpu.vector_load %arg8[%swap3A_86, %swap3A_87, %swap3A_88] {strides = array<i32>} : memref<2x128x128xf32, #tpu.memory_space<vmem>>, vector<1x1x16xf32>,
      %swap3A_90 = vector.shape_cast %swap3A_89 : vector<1x1x16xf32> to vector<16xf32>
      %swap3A_91 = vector.shape_cast %broadcast_in_dim3A_84 : vector<16xf32> to vector<1x1x16xf32>
      tpu.vector_store %arg8[%swap3A_86, %swap3A_87, %swap3A_88], %swap3A_91 {strides = array<i32>} : memref<2x128x128xf32, #tpu.memory_space<vmem>>, vector<1x1x16xf32>,
      %broadcast_in_dim3A_92 = arith.constant 0.000000e+00 : f32
      %broadcast_in_dim3A_93 = vector.broadcast %broadcast_in_dim3A_92 : f32 to vector<16xf32>
      %swap3A_94 = arith.constant 0 : i32
      %swap3A_95 = arith.index_cast %swap3A_94 : i32 to index
      %swap3A_96 = arith.index_cast %scan3A_75 : i32 to index
      %swap3A_97 = arith.constant 32 : index
      %swap3A_98 = tpu.vector_load %arg8[%swap3A_95, %swap3A_96, %swap3A_97] {strides = array<i32>} : memref<2x128x128xf32, #tpu.memory_space<vmem>>, vector<1x1x16xf32>,
      %swap3A_99 = vector.shape_cast %swap3A_98 : vector<1x1x16xf32> to vector<16xf32>
      %swap3A_100 = vector.shape_cast %broadcast_in_dim3A_93 : vector<16xf32> to vector<1x1x16xf32>
      tpu.vector_store %arg8[%swap3A_95, %swap3A_96, %swap3A_97], %swap3A_100 {strides = array<i32>} : memref<2x128x128xf32, #tpu.memory_space<vmem>>, vector<1x1x16xf32>,
      %broadcast_in_dim3A_101 = arith.constant 0.000000e+00 : f32
      %broadcast_in_dim3A_102 = vector.broadcast %broadcast_in_dim3A_101 : f32 to vector<16xf32>
      %swap3A_103 = arith.constant 0 : i32
      %swap3A_104 = arith.index_cast %swap3A_103 : i32 to index
      %swap3A_105 = arith.index_cast %scan3A_75 : i32 to index
      %swap3A_106 = arith.constant 48 : index
      %swap3A_107 = tpu.vector_load %arg8[%swap3A_104, %swap3A_105, %swap3A_106] {strides = array<i32>} : memref<2x128x128xf32, #tpu.memory_space<vmem>>, vector<1x1x16xf32>,
      %swap3A_108 = vector.shape_cast %swap3A_107 : vector<1x1x16xf32> to vector<16xf32>
      %swap3A_109 = vector.shape_cast %broadcast_in_dim3A_102 : vector<16xf32> to vector<1x1x16xf32>
      tpu.vector_store %arg8[%swap3A_104, %swap3A_105, %swap3A_106], %swap3A_109 {strides = array<i32>} : memref<2x128x128xf32, #tpu.memory_space<vmem>>, vector<1x1x16xf32>,
      %broadcast_in_dim3A_110 = arith.constant 0.000000e+00 : f32
      %broadcast_in_dim3A_111 = vector.broadcast %broadcast_in_dim3A_110 : f32 to vector<16xf32>
      %swap3A_112 = arith.constant 0 : i32
      %swap3A_113 = arith.index_cast %swap3A_112 : i32 to index
      %swap3A_114 = arith.index_cast %scan3A_75 : i32 to index
      %swap3A_115 = arith.constant 64 : index
      %swap3A_116 = tpu.vector_load %arg8[%swap3A_113, %swap3A_114, %swap3A_115] {strides = array<i32>} : memref<2x128x128xf32, #tpu.memory_space<vmem>>, vector<1x1x16xf32>,
      %swap3A_117 = vector.shape_cast %swap3A_116 : vector<1x1x16xf32> to vector<16xf32>
      %swap3A_118 = vector.shape_cast %broadcast_in_dim3A_111 : vector<16xf32> to vector<1x1x16xf32>
      tpu.vector_store %arg8[%swap3A_113, %swap3A_114, %swap3A_115], %swap3A_118 {strides = array<i32>} : memref<2x128x128xf32, #tpu.memory_space<vmem>>, vector<1x1x16xf32>,
      %broadcast_in_dim3A_119 = arith.constant 0.000000e+00 : f32
      %broadcast_in_dim3A_120 = vector.broadcast %broadcast_in_dim3A_119 : f32 to vector<16xf32>
      %swap3A_121 = arith.constant 0 : i32
      %swap3A_122 = arith.index_cast %swap3A_121 : i32 to index
      %swap3A_123 = arith.index_cast %scan3A_75 : i32 to index
      %swap3A_124 = arith.constant 80 : index
      %swap3A_125 = tpu.vector_load %arg8[%swap3A_122, %swap3A_123, %swap3A_124] {strides = array<i32>} : memref<2x128x128xf32, #tpu.memory_space<vmem>>, vector<1x1x16xf32>,
      %swap3A_126 = vector.shape_cast %swap3A_125 : vector<1x1x16xf32> to vector<16xf32>
      %swap3A_127 = vector.shape_cast %broadcast_in_dim3A_120 : vector<16xf32> to vector<1x1x16xf32>
      tpu.vector_store %arg8[%swap3A_122, %swap3A_123, %swap3A_124], %swap3A_127 {strides = array<i32>} : memref<2x128x128xf32, #tpu.memory_space<vmem>>, vector<1x1x16xf32>,
      %broadcast_in_dim3A_128 = arith.constant 0.000000e+00 : f32
      %broadcast_in_dim3A_129 = vector.broadcast %broadcast_in_dim3A_128 : f32 to vector<16xf32>
      %swap3A_130 = arith.constant 0 : i32
      %swap3A_131 = arith.index_cast %swap3A_130 : i32 to index
      %swap3A_132 = arith.index_cast %scan3A_75 : i32 to index
      %swap3A_133 = arith.constant 96 : index
      %swap3A_134 = tpu.vector_load %arg8[%swap3A_131, %swap3A_132, %swap3A_133] {strides = array<i32>} : memref<2x128x128xf32, #tpu.memory_space<vmem>>, vector<1x1x16xf32>,
      %swap3A_135 = vector.shape_cast %swap3A_134 : vector<1x1x16xf32> to vector<16xf32>
      %swap3A_136 = vector.shape_cast %broadcast_in_dim3A_129 : vector<16xf32> to vector<1x1x16xf32>
      tpu.vector_store %arg8[%swap3A_131, %swap3A_132, %swap3A_133], %swap3A_136 {strides = array<i32>} : memref<2x128x128xf32, #tpu.memory_space<vmem>>, vector<1x1x16xf32>,
      %broadcast_in_dim3A_137 = arith.constant 0.000000e+00 : f32
      %broadcast_in_dim3A_138 = vector.broadcast %broadcast_in_dim3A_137 : f32 to vector<16xf32>
      %swap3A_139 = arith.constant 0 : i32
      %swap3A_140 = arith.index_cast %swap3A_139 : i32 to index
      %swap3A_141 = arith.index_cast %scan3A_75 : i32 to index
      %swap3A_142 = arith.constant 112 : index
      %swap3A_143 = tpu.vector_load %arg8[%swap3A_140, %swap3A_141, %swap3A_142] {strides = array<i32>} : memref<2x128x128xf32, #tpu.memory_space<vmem>>, vector<1x1x16xf32>,
      %swap3A_144 = vector.shape_cast %swap3A_143 : vector<1x1x16xf32> to vector<16xf32>
      %swap3A_145 = vector.shape_cast %broadcast_in_dim3A_138 : vector<16xf32> to vector<1x1x16xf32>
      tpu.vector_store %arg8[%swap3A_140, %swap3A_141, %swap3A_142], %swap3A_145 {strides = array<i32>} : memref<2x128x128xf32, #tpu.memory_space<vmem>>, vector<1x1x16xf32>,
    }
    %scan3A_4 = arith.constant 128 : i32
    %mul3A = arith.constant 640 : i32
    %mul3A_5 = arith.muli %arg1, %mul3A : i32
    %add3A = arith.constant 0 : i32
    %add3A_6 = arith.addi %mul3A_5, %add3A : i32
    %run_scoped3A = arith.constant 0 : i32
    "tpu.region"() ({
      %run_scoped3A_75 = tpu.sem_alloc : memref<!tpu.dma_semaphore, #tpu.memory_space<semaphore_mem>>
      %dma_start3A = arith.constant 0 : i32
      %dma_start3A_76 = arith.constant 0 : i32
      %dma_start3A_77 = tpu.memref_slice %arg8[%run_scoped3A, %dma_start3A, %dma_start3A_76] : memref<2x128x128xf32, #tpu.memory_space<vmem>> -> memref<1x128x128xf32, #tpu.memory_space<vmem>>
      %dma_start3A_78 = tpu.memref_squeeze %dma_start3A_77 : memref<1x128x128xf32, #tpu.memory_space<vmem>> -> memref<128x128xf32, #tpu.memory_space<vmem>>
      %dma_start3A_79 = arith.constant 0 : i32
      %dma_start3A_80 = tpu.memref_slice %arg9[%add3A_6, %dma_start3A_79] : memref<10240x128xf32, #tpu.memory_space<vmem_shared>> -> memref<128x128xf32, #tpu.memory_space<vmem_shared>>
      %dma_start3A_81 = arith.constant 0 : i32
      %dma_start3A_82 = tpu.memref_slice %arg9[%add3A_6, %dma_start3A_81] : memref<10240x128xf32, #tpu.memory_space<vmem_shared>> -> memref<128x128xf32, #tpu.memory_space<vmem_shared>>
      %dma_start3A_83 = arith.constant 0 : i32
      %dma_start3A_84 = arith.constant 0 : i32
      %dma_start3A_85 = tpu.memref_slice %arg8[%run_scoped3A, %dma_start3A_83, %dma_start3A_84] : memref<2x128x128xf32, #tpu.memory_space<vmem>> -> memref<1x128x128xf32, #tpu.memory_space<vmem>>
      %dma_start3A_86 = tpu.memref_squeeze %dma_start3A_85 : memref<1x128x128xf32, #tpu.memory_space<vmem>> -> memref<128x128xf32, #tpu.memory_space<vmem>>
      tpu.enqueue_dma source(%dma_start3A_86 : memref<128x128xf32, #tpu.memory_space<vmem>>) target(%dma_start3A_82 : memref<128x128xf32, #tpu.memory_space<vmem_shared>>) target_semaphore(%run_scoped3A_75 : memref<!tpu.dma_semaphore, #tpu.memory_space<semaphore_mem>>)
      %dma_wait3A = arith.constant 0 : i32
      %dma_wait3A_87 = arith.constant 0 : i32
      %dma_wait3A_88 = tpu.memref_slice %arg8[%run_scoped3A, %dma_wait3A, %dma_wait3A_87] : memref<2x128x128xf32, #tpu.memory_space<vmem>> -> memref<1x128x128xf32, #tpu.memory_space<vmem>>
      %dma_wait3A_89 = tpu.memref_squeeze %dma_wait3A_88 : memref<1x128x128xf32, #tpu.memory_space<vmem>> -> memref<128x128xf32, #tpu.memory_space<vmem>>
      %dma_wait3A_90 = arith.constant 0 : i32
      %dma_wait3A_91 = tpu.memref_slice %arg9[%add3A_6, %dma_wait3A_90] : memref<10240x128xf32, #tpu.memory_space<vmem_shared>> -> memref<128x128xf32, #tpu.memory_space<vmem_shared>>
      %dma_wait3A_92 = arith.constant 0 : i32
      %dma_wait3A_93 = tpu.memref_slice %arg9[%add3A_6, %dma_wait3A_92] : memref<10240x128xf32, #tpu.memory_space<vmem_shared>> -> memref<128x128xf32, #tpu.memory_space<vmem_shared>>
      %dma_wait3A_94 = arith.constant 0 : i32
      %dma_wait3A_95 = arith.constant 0 : i32
      %dma_wait3A_96 = tpu.memref_slice %arg8[%run_scoped3A, %dma_wait3A_94, %dma_wait3A_95] : memref<2x128x128xf32, #tpu.memory_space<vmem>> -> memref<1x128x128xf32, #tpu.memory_space<vmem>>
      %dma_wait3A_97 = tpu.memref_squeeze %dma_wait3A_96 : memref<1x128x128xf32, #tpu.memory_space<vmem>> -> memref<128x128xf32, #tpu.memory_space<vmem>>
      tpu.wait_dma2 semaphore(%run_scoped3A_75 : memref<!tpu.dma_semaphore, #tpu.memory_space<semaphore_mem>>) src(%dma_wait3A_97 : memref<128x128xf32, #tpu.memory_space<vmem>>) dst(%dma_wait3A_93 : memref<128x128xf32, #tpu.memory_space<vmem_shared>>)
      tpu.yield
    }) : () -> ()
    %mul3A_7 = arith.constant 640 : i32
    %mul3A_8 = arith.muli %arg1, %mul3A_7 : i32
    %add3A_9 = arith.constant 128 : i32
    %add3A_10 = arith.addi %mul3A_8, %add3A_9 : i32
    %run_scoped3A_11 = arith.constant 0 : i32
    "tpu.region"() ({
      %run_scoped3A_75 = tpu.sem_alloc : memref<!tpu.dma_semaphore, #tpu.memory_space<semaphore_mem>>
      %dma_start3A = arith.constant 0 : i32
      %dma_start3A_76 = arith.constant 0 : i32
      %dma_start3A_77 = tpu.memref_slice %arg8[%run_scoped3A_11, %dma_start3A, %dma_start3A_76] : memref<2x128x128xf32, #tpu.memory_space<vmem>> -> memref<1x128x128xf32, #tpu.memory_space<vmem>>
      %dma_start3A_78 = tpu.memref_squeeze %dma_start3A_77 : memref<1x128x128xf32, #tpu.memory_space<vmem>> -> memref<128x128xf32, #tpu.memory_space<vmem>>
      %dma_start3A_79 = arith.constant 0 : i32
      %dma_start3A_80 = tpu.memref_slice %arg9[%add3A_10, %dma_start3A_79] : memref<10240x128xf32, #tpu.memory_space<vmem_shared>> -> memref<128x128xf32, #tpu.memory_space<vmem_shared>>
      %dma_start3A_81 = arith.constant 0 : i32
      %dma_start3A_82 = tpu.memref_slice %arg9[%add3A_10, %dma_start3A_81] : memref<10240x128xf32, #tpu.memory_space<vmem_shared>> -> memref<128x128xf32, #tpu.memory_space<vmem_shared>>
      %dma_start3A_83 = arith.constant 0 : i32
      %dma_start3A_84 = arith.constant 0 : i32
      %dma_start3A_85 = tpu.memref_slice %arg8[%run_scoped3A_11, %dma_start3A_83, %dma_start3A_84] : memref<2x128x128xf32, #tpu.memory_space<vmem>> -> memref<1x128x128xf32, #tpu.memory_space<vmem>>
      %dma_start3A_86 = tpu.memref_squeeze %dma_start3A_85 : memref<1x128x128xf32, #tpu.memory_space<vmem>> -> memref<128x128xf32, #tpu.memory_space<vmem>>
      tpu.enqueue_dma source(%dma_start3A_86 : memref<128x128xf32, #tpu.memory_space<vmem>>) target(%dma_start3A_82 : memref<128x128xf32, #tpu.memory_space<vmem_shared>>) target_semaphore(%run_scoped3A_75 : memref<!tpu.dma_semaphore, #tpu.memory_space<semaphore_mem>>)
      %dma_wait3A = arith.constant 0 : i32
      %dma_wait3A_87 = arith.constant 0 : i32
      %dma_wait3A_88 = tpu.memref_slice %arg8[%run_scoped3A_11, %dma_wait3A, %dma_wait3A_87] : memref<2x128x128xf32, #tpu.memory_space<vmem>> -> memref<1x128x128xf32, #tpu.memory_space<vmem>>
      %dma_wait3A_89 = tpu.memref_squeeze %dma_wait3A_88 : memref<1x128x128xf32, #tpu.memory_space<vmem>> -> memref<128x128xf32, #tpu.memory_space<vmem>>
      %dma_wait3A_90 = arith.constant 0 : i32
      %dma_wait3A_91 = tpu.memref_slice %arg9[%add3A_10, %dma_wait3A_90] : memref<10240x128xf32, #tpu.memory_space<vmem_shared>> -> memref<128x128xf32, #tpu.memory_space<vmem_shared>>
      %dma_wait3A_92 = arith.constant 0 : i32
      %dma_wait3A_93 = tpu.memref_slice %arg9[%add3A_10, %dma_wait3A_92] : memref<10240x128xf32, #tpu.memory_space<vmem_shared>> -> memref<128x128xf32, #tpu.memory_space<vmem_shared>>
      %dma_wait3A_94 = arith.constant 0 : i32
      %dma_wait3A_95 = arith.constant 0 : i32
      %dma_wait3A_96 = tpu.memref_slice %arg8[%run_scoped3A_11, %dma_wait3A_94, %dma_wait3A_95] : memref<2x128x128xf32, #tpu.memory_space<vmem>> -> memref<1x128x128xf32, #tpu.memory_space<vmem>>
      %dma_wait3A_97 = tpu.memref_squeeze %dma_wait3A_96 : memref<1x128x128xf32, #tpu.memory_space<vmem>> -> memref<128x128xf32, #tpu.memory_space<vmem>>
      tpu.wait_dma2 semaphore(%run_scoped3A_75 : memref<!tpu.dma_semaphore, #tpu.memory_space<semaphore_mem>>) src(%dma_wait3A_97 : memref<128x128xf32, #tpu.memory_space<vmem>>) dst(%dma_wait3A_93 : memref<128x128xf32, #tpu.memory_space<vmem_shared>>)
      tpu.yield
    }) : () -> ()
    %mul3A_12 = arith.constant 640 : i32
    %mul3A_13 = arith.muli %arg1, %mul3A_12 : i32
    %add3A_14 = arith.constant 256 : i32
    %add3A_15 = arith.addi %mul3A_13, %add3A_14 : i32
    %run_scoped3A_16 = arith.constant 0 : i32
    "tpu.region"() ({
      %run_scoped3A_75 = tpu.sem_alloc : memref<!tpu.dma_semaphore, #tpu.memory_space<semaphore_mem>>
      %dma_start3A = arith.constant 0 : i32
      %dma_start3A_76 = arith.constant 0 : i32
      %dma_start3A_77 = tpu.memref_slice %arg8[%run_scoped3A_16, %dma_start3A, %dma_start3A_76] : memref<2x128x128xf32, #tpu.memory_space<vmem>> -> memref<1x128x128xf32, #tpu.memory_space<vmem>>
      %dma_start3A_78 = tpu.memref_squeeze %dma_start3A_77 : memref<1x128x128xf32, #tpu.memory_space<vmem>> -> memref<128x128xf32, #tpu.memory_space<vmem>>
      %dma_start3A_79 = arith.constant 0 : i32
      %dma_start3A_80 = tpu.memref_slice %arg9[%add3A_15, %dma_start3A_79] : memref<10240x128xf32, #tpu.memory_space<vmem_shared>> -> memref<128x128xf32, #tpu.memory_space<vmem_shared>>
      %dma_start3A_81 = arith.constant 0 : i32
      %dma_start3A_82 = tpu.memref_slice %arg9[%add3A_15, %dma_start3A_81] : memref<10240x128xf32, #tpu.memory_space<vmem_shared>> -> memref<128x128xf32, #tpu.memory_space<vmem_shared>>
      %dma_start3A_83 = arith.constant 0 : i32
      %dma_start3A_84 = arith.constant 0 : i32
      %dma_start3A_85 = tpu.memref_slice %arg8[%run_scoped3A_16, %dma_start3A_83, %dma_start3A_84] : memref<2x128x128xf32, #tpu.memory_space<vmem>> -> memref<1x128x128xf32, #tpu.memory_space<vmem>>
      %dma_start3A_86 = tpu.memref_squeeze %dma_start3A_85 : memref<1x128x128xf32, #tpu.memory_space<vmem>> -> memref<128x128xf32, #tpu.memory_space<vmem>>
      tpu.enqueue_dma source(%dma_start3A_86 : memref<128x128xf32, #tpu.memory_space<vmem>>) target(%dma_start3A_82 : memref<128x128xf32, #tpu.memory_space<vmem_shared>>) target_semaphore(%run_scoped3A_75 : memref<!tpu.dma_semaphore, #tpu.memory_space<semaphore_mem>>)
      %dma_wait3A = arith.constant 0 : i32
      %dma_wait3A_87 = arith.constant 0 : i32
      %dma_wait3A_88 = tpu.memref_slice %arg8[%run_scoped3A_16, %dma_wait3A, %dma_wait3A_87] : memref<2x128x128xf32, #tpu.memory_space<vmem>> -> memref<1x128x128xf32, #tpu.memory_space<vmem>>
      %dma_wait3A_89 = tpu.memref_squeeze %dma_wait3A_88 : memref<1x128x128xf32, #tpu.memory_space<vmem>> -> memref<128x128xf32, #tpu.memory_space<vmem>>
      %dma_wait3A_90 = arith.constant 0 : i32
      %dma_wait3A_91 = tpu.memref_slice %arg9[%add3A_15, %dma_wait3A_90] : memref<10240x128xf32, #tpu.memory_space<vmem_shared>> -> memref<128x128xf32, #tpu.memory_space<vmem_shared>>
      %dma_wait3A_92 = arith.constant 0 : i32
      %dma_wait3A_93 = tpu.memref_slice %arg9[%add3A_15, %dma_wait3A_92] : memref<10240x128xf32, #tpu.memory_space<vmem_shared>> -> memref<128x128xf32, #tpu.memory_space<vmem_shared>>
      %dma_wait3A_94 = arith.constant 0 : i32
      %dma_wait3A_95 = arith.constant 0 : i32
      %dma_wait3A_96 = tpu.memref_slice %arg8[%run_scoped3A_16, %dma_wait3A_94, %dma_wait3A_95] : memref<2x128x128xf32, #tpu.memory_space<vmem>> -> memref<1x128x128xf32, #tpu.memory_space<vmem>>
      %dma_wait3A_97 = tpu.memref_squeeze %dma_wait3A_96 : memref<1x128x128xf32, #tpu.memory_space<vmem>> -> memref<128x128xf32, #tpu.memory_space<vmem>>
      tpu.wait_dma2 semaphore(%run_scoped3A_75 : memref<!tpu.dma_semaphore, #tpu.memory_space<semaphore_mem>>) src(%dma_wait3A_97 : memref<128x128xf32, #tpu.memory_space<vmem>>) dst(%dma_wait3A_93 : memref<128x128xf32, #tpu.memory_space<vmem_shared>>)
      tpu.yield
    }) : () -> ()
    %mul3A_17 = arith.constant 640 : i32
    %mul3A_18 = arith.muli %arg1, %mul3A_17 : i32
    %add3A_19 = arith.constant 384 : i32
    %add3A_20 = arith.addi %mul3A_18, %add3A_19 : i32
    %run_scoped3A_21 = arith.constant 0 : i32
    "tpu.region"() ({
      %run_scoped3A_75 = tpu.sem_alloc : memref<!tpu.dma_semaphore, #tpu.memory_space<semaphore_mem>>
      %dma_start3A = arith.constant 0 : i32
      %dma_start3A_76 = arith.constant 0 : i32
      %dma_start3A_77 = tpu.memref_slice %arg8[%run_scoped3A_21, %dma_start3A, %dma_start3A_76] : memref<2x128x128xf32, #tpu.memory_space<vmem>> -> memref<1x128x128xf32, #tpu.memory_space<vmem>>
      %dma_start3A_78 = tpu.memref_squeeze %dma_start3A_77 : memref<1x128x128xf32, #tpu.memory_space<vmem>> -> memref<128x128xf32, #tpu.memory_space<vmem>>
      %dma_start3A_79 = arith.constant 0 : i32
      %dma_start3A_80 = tpu.memref_slice %arg9[%add3A_20, %dma_start3A_79] : memref<10240x128xf32, #tpu.memory_space<vmem_shared>> -> memref<128x128xf32, #tpu.memory_space<vmem_shared>>
      %dma_start3A_81 = arith.constant 0 : i32
      %dma_start3A_82 = tpu.memref_slice %arg9[%add3A_20, %dma_start3A_81] : memref<10240x128xf32, #tpu.memory_space<vmem_shared>> -> memref<128x128xf32, #tpu.memory_space<vmem_shared>>
      %dma_start3A_83 = arith.constant 0 : i32
      %dma_start3A_84 = arith.constant 0 : i32
      %dma_start3A_85 = tpu.memref_slice %arg8[%run_scoped3A_21, %dma_start3A_83, %dma_start3A_84] : memref<2x128x128xf32, #tpu.memory_space<vmem>> -> memref<1x128x128xf32, #tpu.memory_space<vmem>>
      %dma_start3A_86 = tpu.memref_squeeze %dma_start3A_85 : memref<1x128x128xf32, #tpu.memory_space<vmem>> -> memref<128x128xf32, #tpu.memory_space<vmem>>
      tpu.enqueue_dma source(%dma_start3A_86 : memref<128x128xf32, #tpu.memory_space<vmem>>) target(%dma_start3A_82 : memref<128x128xf32, #tpu.memory_space<vmem_shared>>) target_semaphore(%run_scoped3A_75 : memref<!tpu.dma_semaphore, #tpu.memory_space<semaphore_mem>>)
      %dma_wait3A = arith.constant 0 : i32
      %dma_wait3A_87 = arith.constant 0 : i32
      %dma_wait3A_88 = tpu.memref_slice %arg8[%run_scoped3A_21, %dma_wait3A, %dma_wait3A_87] : memref<2x128x128xf32, #tpu.memory_space<vmem>> -> memref<1x128x128xf32, #tpu.memory_space<vmem>>
      %dma_wait3A_89 = tpu.memref_squeeze %dma_wait3A_88 : memref<1x128x128xf32, #tpu.memory_space<vmem>> -> memref<128x128xf32, #tpu.memory_space<vmem>>
      %dma_wait3A_90 = arith.constant 0 : i32
      %dma_wait3A_91 = tpu.memref_slice %arg9[%add3A_20, %dma_wait3A_90] : memref<10240x128xf32, #tpu.memory_space<vmem_shared>> -> memref<128x128xf32, #tpu.memory_space<vmem_shared>>
      %dma_wait3A_92 = arith.constant 0 : i32
      %dma_wait3A_93 = tpu.memref_slice %arg9[%add3A_20, %dma_wait3A_92] : memref<10240x128xf32, #tpu.memory_space<vmem_shared>> -> memref<128x128xf32, #tpu.memory_space<vmem_shared>>
      %dma_wait3A_94 = arith.constant 0 : i32
      %dma_wait3A_95 = arith.constant 0 : i32
      %dma_wait3A_96 = tpu.memref_slice %arg8[%run_scoped3A_21, %dma_wait3A_94, %dma_wait3A_95] : memref<2x128x128xf32, #tpu.memory_space<vmem>> -> memref<1x128x128xf32, #tpu.memory_space<vmem>>
      %dma_wait3A_97 = tpu.memref_squeeze %dma_wait3A_96 : memref<1x128x128xf32, #tpu.memory_space<vmem>> -> memref<128x128xf32, #tpu.memory_space<vmem>>
      tpu.wait_dma2 semaphore(%run_scoped3A_75 : memref<!tpu.dma_semaphore, #tpu.memory_space<semaphore_mem>>) src(%dma_wait3A_97 : memref<128x128xf32, #tpu.memory_space<vmem>>) dst(%dma_wait3A_93 : memref<128x128xf32, #tpu.memory_space<vmem_shared>>)
      tpu.yield
    }) : () -> ()
    %mul3A_22 = arith.constant 640 : i32
    %mul3A_23 = arith.muli %arg1, %mul3A_22 : i32
    %add3A_24 = arith.constant 512 : i32
    %add3A_25 = arith.addi %mul3A_23, %add3A_24 : i32
    %run_scoped3A_26 = arith.constant 0 : i32
    "tpu.region"() ({
      %run_scoped3A_75 = tpu.sem_alloc : memref<!tpu.dma_semaphore, #tpu.memory_space<semaphore_mem>>
      %dma_start3A = arith.constant 0 : i32
      %dma_start3A_76 = arith.constant 0 : i32
      %dma_start3A_77 = tpu.memref_slice %arg8[%run_scoped3A_26, %dma_start3A, %dma_start3A_76] : memref<2x128x128xf32, #tpu.memory_space<vmem>> -> memref<1x128x128xf32, #tpu.memory_space<vmem>>
      %dma_start3A_78 = tpu.memref_squeeze %dma_start3A_77 : memref<1x128x128xf32, #tpu.memory_space<vmem>> -> memref<128x128xf32, #tpu.memory_space<vmem>>
      %dma_start3A_79 = arith.constant 0 : i32
      %dma_start3A_80 = tpu.memref_slice %arg9[%add3A_25, %dma_start3A_79] : memref<10240x128xf32, #tpu.memory_space<vmem_shared>> -> memref<128x128xf32, #tpu.memory_space<vmem_shared>>
      %dma_start3A_81 = arith.constant 0 : i32
      %dma_start3A_82 = tpu.memref_slice %arg9[%add3A_25, %dma_start3A_81] : memref<10240x128xf32, #tpu.memory_space<vmem_shared>> -> memref<128x128xf32, #tpu.memory_space<vmem_shared>>
      %dma_start3A_83 = arith.constant 0 : i32
      %dma_start3A_84 = arith.constant 0 : i32
      %dma_start3A_85 = tpu.memref_slice %arg8[%run_scoped3A_26, %dma_start3A_83, %dma_start3A_84] : memref<2x128x128xf32, #tpu.memory_space<vmem>> -> memref<1x128x128xf32, #tpu.memory_space<vmem>>
      %dma_start3A_86 = tpu.memref_squeeze %dma_start3A_85 : memref<1x128x128xf32, #tpu.memory_space<vmem>> -> memref<128x128xf32, #tpu.memory_space<vmem>>
      tpu.enqueue_dma source(%dma_start3A_86 : memref<128x128xf32, #tpu.memory_space<vmem>>) target(%dma_start3A_82 : memref<128x128xf32, #tpu.memory_space<vmem_shared>>) target_semaphore(%run_scoped3A_75 : memref<!tpu.dma_semaphore, #tpu.memory_space<semaphore_mem>>)
      %dma_wait3A = arith.constant 0 : i32
      %dma_wait3A_87 = arith.constant 0 : i32
      %dma_wait3A_88 = tpu.memref_slice %arg8[%run_scoped3A_26, %dma_wait3A, %dma_wait3A_87] : memref<2x128x128xf32, #tpu.memory_space<vmem>> -> memref<1x128x128xf32, #tpu.memory_space<vmem>>
      %dma_wait3A_89 = tpu.memref_squeeze %dma_wait3A_88 : memref<1x128x128xf32, #tpu.memory_space<vmem>> -> memref<128x128xf32, #tpu.memory_space<vmem>>
      %dma_wait3A_90 = arith.constant 0 : i32
      %dma_wait3A_91 = tpu.memref_slice %arg9[%add3A_25, %dma_wait3A_90] : memref<10240x128xf32, #tpu.memory_space<vmem_shared>> -> memref<128x128xf32, #tpu.memory_space<vmem_shared>>
      %dma_wait3A_92 = arith.constant 0 : i32
      %dma_wait3A_93 = tpu.memref_slice %arg9[%add3A_25, %dma_wait3A_92] : memref<10240x128xf32, #tpu.memory_space<vmem_shared>> -> memref<128x128xf32, #tpu.memory_space<vmem_shared>>
      %dma_wait3A_94 = arith.constant 0 : i32
      %dma_wait3A_95 = arith.constant 0 : i32
      %dma_wait3A_96 = tpu.memref_slice %arg8[%run_scoped3A_26, %dma_wait3A_94, %dma_wait3A_95] : memref<2x128x128xf32, #tpu.memory_space<vmem>> -> memref<1x128x128xf32, #tpu.memory_space<vmem>>
      %dma_wait3A_97 = tpu.memref_squeeze %dma_wait3A_96 : memref<1x128x128xf32, #tpu.memory_space<vmem>> -> memref<128x128xf32, #tpu.memory_space<vmem>>
      tpu.wait_dma2 semaphore(%run_scoped3A_75 : memref<!tpu.dma_semaphore, #tpu.memory_space<semaphore_mem>>) src(%dma_wait3A_97 : memref<128x128xf32, #tpu.memory_space<vmem>>) dst(%dma_wait3A_93 : memref<128x128xf32, #tpu.memory_space<vmem_shared>>)
      tpu.yield
    }) : () -> ()
    %barrier3A = arith.constant 0 : index
    tpu.barrier barrier_id(%barrier3A)
    %eq3A = arith.constant 0 : i32
    %eq3A_27 = arith.cmpi eq, %arg0, %eq3A : i32
    %convert_element_type3A = arith.extui %eq3A_27 : i1 to i32
    %cond3A = arith.constant 0 : i32
    %cond3A_28 = arith.cmpi ne, %convert_element_type3A, %cond3A : i32
    scf.if %cond3A_28 {
      %mul3A_75 = arith.constant 150 : i32
      %mul3A_76 = arith.muli %arg1, %mul3A_75 : i32
      %add3A_77 = arith.constant 0 : i32
      %add3A_78 = arith.addi %mul3A_76, %add3A_77 : i32
      %dma_start3A = arith.constant 0 : i32
      %dma_start3A_79 = arith.constant 0 : i32
      %dma_start3A_80 = arith.constant 0 : i32
      %dma_start3A_81 = arith.constant 0 : i32
      %dma_start3A_82 = tpu.memref_slice %arg6[%dma_start3A, %dma_start3A_80, %dma_start3A_81] : memref<2x1x128xi32, #tpu.memory_space<vmem>> -> memref<1x1x128xi32, #tpu.memory_space<vmem>>
      %dma_start3A_83 = tpu.memref_squeeze %dma_start3A_82 : memref<1x1x128xi32, #tpu.memory_space<vmem>> -> memref<1x128xi32, #tpu.memory_space<vmem>>
      %dma_start3A_84 = arith.constant 0 : i32
      %dma_start3A_85 = arith.constant 0 : i32
      %dma_start3A_86 = tpu.memref_slice %arg2[%add3A_78, %dma_start3A_84, %dma_start3A_85] : memref<2560x1x128xi32, #tpu.memory_space<hbm>> -> memref<1x1x128xi32, #tpu.memory_space<hbm>>
      %dma_start3A_87 = tpu.memref_squeeze %dma_start3A_86 : memref<1x1x128xi32, #tpu.memory_space<hbm>> -> memref<1x128xi32, #tpu.memory_space<hbm>>
      %dma_start3A_88 = tpu.memref_slice %arg10[%dma_start3A_79] : memref<2x!tpu.dma_semaphore, #tpu.memory_space<semaphore_mem>> -> memref<1x!tpu.dma_semaphore, #tpu.memory_space<semaphore_mem>>
      %dma_start3A_89 = tpu.memref_squeeze %dma_start3A_88 : memref<1x!tpu.dma_semaphore, #tpu.memory_space<semaphore_mem>> -> memref<!tpu.dma_semaphore, #tpu.memory_space<semaphore_mem>>
      %dma_start3A_90 = arith.constant 0 : i32
      %dma_start3A_91 = arith.constant 0 : i32
      %dma_start3A_92 = tpu.memref_slice %arg6[%dma_start3A, %dma_start3A_90, %dma_start3A_91] : memref<2x1x128xi32, #tpu.memory_space<vmem>> -> memref<1x1x128xi32, #tpu.memory_space<vmem>>
      %dma_start3A_93 = tpu.memref_squeeze %dma_start3A_92 : memref<1x1x128xi32, #tpu.memory_space<vmem>> -> memref<1x128xi32, #tpu.memory_space<vmem>>
      %dma_start3A_94 = arith.constant 0 : i32
      %dma_start3A_95 = arith.constant 0 : i32
      %dma_start3A_96 = tpu.memref_slice %arg2[%add3A_78, %dma_start3A_94, %dma_start3A_95] : memref<2560x1x128xi32, #tpu.memory_space<hbm>> -> memref<1x1x128xi32, #tpu.memory_space<hbm>>
      %dma_start3A_97 = tpu.memref_squeeze %dma_start3A_96 : memref<1x1x128xi32, #tpu.memory_space<hbm>> -> memref<1x128xi32, #tpu.memory_space<hbm>>
      tpu.enqueue_dma source(%dma_start3A_97 : memref<1x128xi32, #tpu.memory_space<hbm>>) target(%dma_start3A_93 : memref<1x128xi32, #tpu.memory_space<vmem>>) target_semaphore(%dma_start3A_89 : memref<!tpu.dma_semaphore, #tpu.memory_space<semaphore_mem>>)
      %add3A_98 = arith.constant 0 : i32
      %add3A_99 = arith.addi %mul3A_76, %add3A_98 : i32
      %dma_start3A_100 = arith.constant 0 : i32
      %dma_start3A_101 = arith.constant 0 : i32
      %dma_start3A_102 = arith.constant 0 : i32
      %dma_start3A_103 = arith.constant 0 : i32
      %dma_start3A_104 = tpu.memref_slice %arg7[%dma_start3A_100, %dma_start3A_102, %dma_start3A_103] : memref<2x1x128xi32, #tpu.memory_space<vmem>> -> memref<1x1x128xi32, #tpu.memory_space<vmem>>
      %dma_start3A_105 = tpu.memref_squeeze %dma_start3A_104 : memref<1x1x128xi32, #tpu.memory_space<vmem>> -> memref<1x128xi32, #tpu.memory_space<vmem>>
      %dma_start3A_106 = arith.constant 0 : i32
      %dma_start3A_107 = arith.constant 0 : i32
      %dma_start3A_108 = tpu.memref_slice %arg3[%add3A_99, %dma_start3A_106, %dma_start3A_107] : memref<2560x1x128xi32, #tpu.memory_space<hbm>> -> memref<1x1x128xi32, #tpu.memory_space<hbm>>
      %dma_start3A_109 = tpu.memref_squeeze %dma_start3A_108 : memref<1x1x128xi32, #tpu.memory_space<hbm>> -> memref<1x128xi32, #tpu.memory_space<hbm>>
      %dma_start3A_110 = tpu.memref_slice %arg11[%dma_start3A_101] : memref<2x!tpu.dma_semaphore, #tpu.memory_space<semaphore_mem>> -> memref<1x!tpu.dma_semaphore, #tpu.memory_space<semaphore_mem>>
      %dma_start3A_111 = tpu.memref_squeeze %dma_start3A_110 : memref<1x!tpu.dma_semaphore, #tpu.memory_space<semaphore_mem>> -> memref<!tpu.dma_semaphore, #tpu.memory_space<semaphore_mem>>
      %dma_start3A_112 = arith.constant 0 : i32
      %dma_start3A_113 = arith.constant 0 : i32
      %dma_start3A_114 = tpu.memref_slice %arg7[%dma_start3A_100, %dma_start3A_112, %dma_start3A_113] : memref<2x1x128xi32, #tpu.memory_space<vmem>> -> memref<1x1x128xi32, #tpu.memory_space<vmem>>
      %dma_start3A_115 = tpu.memref_squeeze %dma_start3A_114 : memref<1x1x128xi32, #tpu.memory_space<vmem>> -> memref<1x128xi32, #tpu.memory_space<vmem>>
      %dma_start3A_116 = arith.constant 0 : i32
      %dma_start3A_117 = arith.constant 0 : i32
      %dma_start3A_118 = tpu.memref_slice %arg3[%add3A_99, %dma_start3A_116, %dma_start3A_117] : memref<2560x1x128xi32, #tpu.memory_space<hbm>> -> memref<1x1x128xi32, #tpu.memory_space<hbm>>
      %dma_start3A_119 = tpu.memref_squeeze %dma_start3A_118 : memref<1x1x128xi32, #tpu.memory_space<hbm>> -> memref<1x128xi32, #tpu.memory_space<hbm>>
      tpu.enqueue_dma source(%dma_start3A_119 : memref<1x128xi32, #tpu.memory_space<hbm>>) target(%dma_start3A_115 : memref<1x128xi32, #tpu.memory_space<vmem>>) target_semaphore(%dma_start3A_111 : memref<!tpu.dma_semaphore, #tpu.memory_space<semaphore_mem>>)
      %add3A_120 = arith.constant 1 : i32
      %add3A_121 = arith.addi %mul3A_76, %add3A_120 : i32
      %dma_start3A_122 = arith.constant 1 : i32
      %dma_start3A_123 = arith.constant 1 : i32
      %dma_start3A_124 = arith.constant 0 : i32
      %dma_start3A_125 = arith.constant 0 : i32
      %dma_start3A_126 = tpu.memref_slice %arg6[%dma_start3A_122, %dma_start3A_124, %dma_start3A_125] : memref<2x1x128xi32, #tpu.memory_space<vmem>> -> memref<1x1x128xi32, #tpu.memory_space<vmem>>
      %dma_start3A_127 = tpu.memref_squeeze %dma_start3A_126 : memref<1x1x128xi32, #tpu.memory_space<vmem>> -> memref<1x128xi32, #tpu.memory_space<vmem>>
      %dma_start3A_128 = arith.constant 0 : i32
      %dma_start3A_129 = arith.constant 0 : i32
      %dma_start3A_130 = tpu.memref_slice %arg2[%add3A_121, %dma_start3A_128, %dma_start3A_129] : memref<2560x1x128xi32, #tpu.memory_space<hbm>> -> memref<1x1x128xi32, #tpu.memory_space<hbm>>
      %dma_start3A_131 = tpu.memref_squeeze %dma_start3A_130 : memref<1x1x128xi32, #tpu.memory_space<hbm>> -> memref<1x128xi32, #tpu.memory_space<hbm>>
      %dma_start3A_132 = tpu.memref_slice %arg10[%dma_start3A_123] : memref<2x!tpu.dma_semaphore, #tpu.memory_space<semaphore_mem>> -> memref<1x!tpu.dma_semaphore, #tpu.memory_space<semaphore_mem>>
      %dma_start3A_133 = tpu.memref_squeeze %dma_start3A_132 : memref<1x!tpu.dma_semaphore, #tpu.memory_space<semaphore_mem>> -> memref<!tpu.dma_semaphore, #tpu.memory_space<semaphore_mem>>
      %dma_start3A_134 = arith.constant 0 : i32
      %dma_start3A_135 = arith.constant 0 : i32
      %dma_start3A_136 = tpu.memref_slice %arg6[%dma_start3A_122, %dma_start3A_134, %dma_start3A_135] : memref<2x1x128xi32, #tpu.memory_space<vmem>> -> memref<1x1x128xi32, #tpu.memory_space<vmem>>
      %dma_start3A_137 = tpu.memref_squeeze %dma_start3A_136 : memref<1x1x128xi32, #tpu.memory_space<vmem>> -> memref<1x128xi32, #tpu.memory_space<vmem>>
      %dma_start3A_138 = arith.constant 0 : i32
      %dma_start3A_139 = arith.constant 0 : i32
      %dma_start3A_140 = tpu.memref_slice %arg2[%add3A_121, %dma_start3A_138, %dma_start3A_139] : memref<2560x1x128xi32, #tpu.memory_space<hbm>> -> memref<1x1x128xi32, #tpu.memory_space<hbm>>
      %dma_start3A_141 = tpu.memref_squeeze %dma_start3A_140 : memref<1x1x128xi32, #tpu.memory_space<hbm>> -> memref<1x128xi32, #tpu.memory_space<hbm>>
      tpu.enqueue_dma source(%dma_start3A_141 : memref<1x128xi32, #tpu.memory_space<hbm>>) target(%dma_start3A_137 : memref<1x128xi32, #tpu.memory_space<vmem>>) target_semaphore(%dma_start3A_133 : memref<!tpu.dma_semaphore, #tpu.memory_space<semaphore_mem>>)
      %add3A_142 = arith.constant 1 : i32
      %add3A_143 = arith.addi %mul3A_76, %add3A_142 : i32
      %dma_start3A_144 = arith.constant 1 : i32
      %dma_start3A_145 = arith.constant 1 : i32
      %dma_start3A_146 = arith.constant 0 : i32
      %dma_start3A_147 = arith.constant 0 : i32
      %dma_start3A_148 = tpu.memref_slice %arg7[%dma_start3A_144, %dma_start3A_146, %dma_start3A_147] : memref<2x1x128xi32, #tpu.memory_space<vmem>> -> memref<1x1x128xi32, #tpu.memory_space<vmem>>
      %dma_start3A_149 = tpu.memref_squeeze %dma_start3A_148 : memref<1x1x128xi32, #tpu.memory_space<vmem>> -> memref<1x128xi32, #tpu.memory_space<vmem>>
      %dma_start3A_150 = arith.constant 0 : i32
      %dma_start3A_151 = arith.constant 0 : i32
      %dma_start3A_152 = tpu.memref_slice %arg3[%add3A_143, %dma_start3A_150, %dma_start3A_151] : memref<2560x1x128xi32, #tpu.memory_space<hbm>> -> memref<1x1x128xi32, #tpu.memory_space<hbm>>
      %dma_start3A_153 = tpu.memref_squeeze %dma_start3A_152 : memref<1x1x128xi32, #tpu.memory_space<hbm>> -> memref<1x128xi32, #tpu.memory_space<hbm>>
      %dma_start3A_154 = tpu.memref_slice %arg11[%dma_start3A_145] : memref<2x!tpu.dma_semaphore, #tpu.memory_space<semaphore_mem>> -> memref<1x!tpu.dma_semaphore, #tpu.memory_space<semaphore_mem>>
      %dma_start3A_155 = tpu.memref_squeeze %dma_start3A_154 : memref<1x!tpu.dma_semaphore, #tpu.memory_space<semaphore_mem>> -> memref<!tpu.dma_semaphore, #tpu.memory_space<semaphore_mem>>
      %dma_start3A_156 = arith.constant 0 : i32
      %dma_start3A_157 = arith.constant 0 : i32
      %dma_start3A_158 = tpu.memref_slice %arg7[%dma_start3A_144, %dma_start3A_156, %dma_start3A_157] : memref<2x1x128xi32, #tpu.memory_space<vmem>> -> memref<1x1x128xi32, #tpu.memory_space<vmem>>
      %dma_start3A_159 = tpu.memref_squeeze %dma_start3A_158 : memref<1x1x128xi32, #tpu.memory_space<vmem>> -> memref<1x128xi32, #tpu.memory_space<vmem>>
      %dma_start3A_160 = arith.constant 0 : i32
      %dma_start3A_161 = arith.constant 0 : i32
      %dma_start3A_162 = tpu.memref_slice %arg3[%add3A_143, %dma_start3A_160, %dma_start3A_161] : memref<2560x1x128xi32, #tpu.memory_space<hbm>> -> memref<1x1x128xi32, #tpu.memory_space<hbm>>
      %dma_start3A_163 = tpu.memref_squeeze %dma_start3A_162 : memref<1x1x128xi32, #tpu.memory_space<hbm>> -> memref<1x128xi32, #tpu.memory_space<hbm>>
      tpu.enqueue_dma source(%dma_start3A_163 : memref<1x128xi32, #tpu.memory_space<hbm>>) target(%dma_start3A_159 : memref<1x128xi32, #tpu.memory_space<vmem>>) target_semaphore(%dma_start3A_155 : memref<!tpu.dma_semaphore, #tpu.memory_space<semaphore_mem>>)
      %scan3A_164 = arith.constant 0 : i32
      %scan3A_165 = arith.constant 0 : i32
      %scan3A_166 = arith.constant 75 : i32
      %scan3A_167 = arith.addi %scan3A_165, %scan3A_166 : i32
      %scan3A_168 = arith.constant 1 : i32
      scf.for %scan3A_170 = %scan3A_165 to %scan3A_167 step %scan3A_168  : i32 {
        %mul3A_171 = arith.constant 2 : i32
        %mul3A_172 = arith.muli %scan3A_170, %mul3A_171 : i32
        %add3A_173 = arith.addi %mul3A_76, %mul3A_172 : i32
        %add3A_174 = arith.constant 0 : i32
        %add3A_175 = arith.addi %add3A_173, %add3A_174 : i32
        %dma_wait3A = arith.constant 0 : i32
        %dma_wait3A_176 = arith.constant 0 : i32
        %dma_wait3A_177 = arith.constant 0 : i32
        %dma_wait3A_178 = arith.constant 0 : i32
        %dma_wait3A_179 = tpu.memref_slice %arg6[%dma_wait3A, %dma_wait3A_177, %dma_wait3A_178] : memref<2x1x128xi32, #tpu.memory_space<vmem>> -> memref<1x1x128xi32, #tpu.memory_space<vmem>>
        %dma_wait3A_180 = tpu.memref_squeeze %dma_wait3A_179 : memref<1x1x128xi32, #tpu.memory_space<vmem>> -> memref<1x128xi32, #tpu.memory_space<vmem>>
        %dma_wait3A_181 = arith.constant 0 : i32
        %dma_wait3A_182 = arith.constant 0 : i32
        %dma_wait3A_183 = tpu.memref_slice %arg2[%add3A_175, %dma_wait3A_181, %dma_wait3A_182] : memref<2560x1x128xi32, #tpu.memory_space<hbm>> -> memref<1x1x128xi32, #tpu.memory_space<hbm>>
        %dma_wait3A_184 = tpu.memref_squeeze %dma_wait3A_183 : memref<1x1x128xi32, #tpu.memory_space<hbm>> -> memref<1x128xi32, #tpu.memory_space<hbm>>
        %dma_wait3A_185 = tpu.memref_slice %arg10[%dma_wait3A_176] : memref<2x!tpu.dma_semaphore, #tpu.memory_space<semaphore_mem>> -> memref<1x!tpu.dma_semaphore, #tpu.memory_space<semaphore_mem>>
        %dma_wait3A_186 = tpu.memref_squeeze %dma_wait3A_185 : memref<1x!tpu.dma_semaphore, #tpu.memory_space<semaphore_mem>> -> memref<!tpu.dma_semaphore, #tpu.memory_space<semaphore_mem>>
        %dma_wait3A_187 = arith.constant 0 : i32
        %dma_wait3A_188 = arith.constant 0 : i32
        %dma_wait3A_189 = tpu.memref_slice %arg6[%dma_wait3A, %dma_wait3A_187, %dma_wait3A_188] : memref<2x1x128xi32, #tpu.memory_space<vmem>> -> memref<1x1x128xi32, #tpu.memory_space<vmem>>
        %dma_wait3A_190 = tpu.memref_squeeze %dma_wait3A_189 : memref<1x1x128xi32, #tpu.memory_space<vmem>> -> memref<1x128xi32, #tpu.memory_space<vmem>>
        %dma_wait3A_191 = arith.constant 0 : i32
        %dma_wait3A_192 = arith.constant 0 : i32
        %dma_wait3A_193 = tpu.memref_slice %arg2[%add3A_175, %dma_wait3A_191, %dma_wait3A_192] : memref<2560x1x128xi32, #tpu.memory_space<hbm>> -> memref<1x1x128xi32, #tpu.memory_space<hbm>>
        %dma_wait3A_194 = tpu.memref_squeeze %dma_wait3A_193 : memref<1x1x128xi32, #tpu.memory_space<hbm>> -> memref<1x128xi32, #tpu.memory_space<hbm>>
        tpu.wait_dma2 semaphore(%dma_wait3A_186 : memref<!tpu.dma_semaphore, #tpu.memory_space<semaphore_mem>>) src(%dma_wait3A_194 : memref<1x128xi32, #tpu.memory_space<hbm>>) dst(%dma_wait3A_190 : memref<1x128xi32, #tpu.memory_space<vmem>>)
        %dma_start3A_195 = arith.constant 0 : i32
        %dma_start3A_196 = arith.constant 0 : i32
        %dma_start3A_197 = arith.constant 0 : i32
        %dma_start3A_198 = arith.constant 0 : i32
        %dma_start3A_199 = arith.constant 0 : i32
        %dma_start3A_200 = arith.constant 0 : i32
        %dma_start3A_201 = tpu.memref_slice %arg8[%dma_start3A_197, %dma_start3A_199, %dma_start3A_200] : memref<2x128x128xf32, #tpu.memory_space<vmem>> -> memref<1x128x128xf32, #tpu.memory_space<vmem>>
        %dma_start3A_202 = tpu.memref_squeeze %dma_start3A_201 : memref<1x128x128xf32, #tpu.memory_space<vmem>> -> memref<128x128xf32, #tpu.memory_space<vmem>>
        %dma_start3A_203 = arith.constant 0 : i32
        %dma_start3A_204 = tpu.memref_slice %arg6[%dma_start3A_195, %dma_start3A_196, %dma_start3A_203] : memref<2x1x128xi32, #tpu.memory_space<vmem>> -> memref<1x1x128xi32, #tpu.memory_space<vmem>>
        %dma_start3A_205 = tpu.memref_squeeze %dma_start3A_204 : memref<1x1x128xi32, #tpu.memory_space<vmem>> -> memref<128xi32, #tpu.memory_space<vmem>>
        %dma_start3A_206 = arith.constant 0 : i32
        %dma_start3A_207 = arith.constant 0 : i32
        %dma_start3A_208 = tpu.memref_slice %arg4[%dma_start3A_206, %dma_start3A_207] : memref<10000x128xf32, #tpu.memory_space<hbm>> -> memref<10000x128xf32, #tpu.memory_space<hbm>>
        %dma_start3A_209 = tpu.memref_slice %arg12[%dma_start3A_198] : memref<2x!tpu.dma_semaphore, #tpu.memory_space<semaphore_mem>> -> memref<1x!tpu.dma_semaphore, #tpu.memory_space<semaphore_mem>>
        %dma_start3A_210 = tpu.memref_squeeze %dma_start3A_209 : memref<1x!tpu.dma_semaphore, #tpu.memory_space<semaphore_mem>> -> memref<!tpu.dma_semaphore, #tpu.memory_space<semaphore_mem>>
        tpu.enqueue_indirect_dma source(%dma_start3A_208 : memref<10000x128xf32, #tpu.memory_space<hbm>>) target(%dma_start3A_202 : memref<128x128xf32, #tpu.memory_space<vmem>>) offsets(%dma_start3A_205 : memref<128xi32, #tpu.memory_space<vmem>>) semaphore(%dma_start3A_210 : memref<!tpu.dma_semaphore, #tpu.memory_space<semaphore_mem>>)
        %add3A_211 = arith.addi %mul3A_76, %mul3A_172 : i32
        %add3A_212 = arith.constant 1 : i32
        %add3A_213 = arith.addi %add3A_211, %add3A_212 : i32
        %dma_wait3A_214 = arith.constant 1 : i32
        %dma_wait3A_215 = arith.constant 1 : i32
        %dma_wait3A_216 = arith.constant 0 : i32
        %dma_wait3A_217 = arith.constant 0 : i32
        %dma_wait3A_218 = tpu.memref_slice %arg6[%dma_wait3A_214, %dma_wait3A_216, %dma_wait3A_217] : memref<2x1x128xi32, #tpu.memory_space<vmem>> -> memref<1x1x128xi32, #tpu.memory_space<vmem>>
        %dma_wait3A_219 = tpu.memref_squeeze %dma_wait3A_218 : memref<1x1x128xi32, #tpu.memory_space<vmem>> -> memref<1x128xi32, #tpu.memory_space<vmem>>
        %dma_wait3A_220 = arith.constant 0 : i32
        %dma_wait3A_221 = arith.constant 0 : i32
        %dma_wait3A_222 = tpu.memref_slice %arg2[%add3A_213, %dma_wait3A_220, %dma_wait3A_221] : memref<2560x1x128xi32, #tpu.memory_space<hbm>> -> memref<1x1x128xi32, #tpu.memory_space<hbm>>
        %dma_wait3A_223 = tpu.memref_squeeze %dma_wait3A_222 : memref<1x1x128xi32, #tpu.memory_space<hbm>> -> memref<1x128xi32, #tpu.memory_space<hbm>>
        %dma_wait3A_224 = tpu.memref_slice %arg10[%dma_wait3A_215] : memref<2x!tpu.dma_semaphore, #tpu.memory_space<semaphore_mem>> -> memref<1x!tpu.dma_semaphore, #tpu.memory_space<semaphore_mem>>
        %dma_wait3A_225 = tpu.memref_squeeze %dma_wait3A_224 : memref<1x!tpu.dma_semaphore, #tpu.memory_space<semaphore_mem>> -> memref<!tpu.dma_semaphore, #tpu.memory_space<semaphore_mem>>
        %dma_wait3A_226 = arith.constant 0 : i32
        %dma_wait3A_227 = arith.constant 0 : i32
        %dma_wait3A_228 = tpu.memref_slice %arg6[%dma_wait3A_214, %dma_wait3A_226, %dma_wait3A_227] : memref<2x1x128xi32, #tpu.memory_space<vmem>> -> memref<1x1x128xi32, #tpu.memory_space<vmem>>
        %dma_wait3A_229 = tpu.memref_squeeze %dma_wait3A_228 : memref<1x1x128xi32, #tpu.memory_space<vmem>> -> memref<1x128xi32, #tpu.memory_space<vmem>>
        %dma_wait3A_230 = arith.constant 0 : i32
        %dma_wait3A_231 = arith.constant 0 : i32
        %dma_wait3A_232 = tpu.memref_slice %arg2[%add3A_213, %dma_wait3A_230, %dma_wait3A_231] : memref<2560x1x128xi32, #tpu.memory_space<hbm>> -> memref<1x1x128xi32, #tpu.memory_space<hbm>>
        %dma_wait3A_233 = tpu.memref_squeeze %dma_wait3A_232 : memref<1x1x128xi32, #tpu.memory_space<hbm>> -> memref<1x128xi32, #tpu.memory_space<hbm>>
        tpu.wait_dma2 semaphore(%dma_wait3A_225 : memref<!tpu.dma_semaphore, #tpu.memory_space<semaphore_mem>>) src(%dma_wait3A_233 : memref<1x128xi32, #tpu.memory_space<hbm>>) dst(%dma_wait3A_229 : memref<1x128xi32, #tpu.memory_space<vmem>>)
        %dma_start3A_234 = arith.constant 1 : i32
        %dma_start3A_235 = arith.constant 0 : i32
        %dma_start3A_236 = arith.constant 1 : i32
        %dma_start3A_237 = arith.constant 1 : i32
        %dma_start3A_238 = arith.constant 0 : i32
        %dma_start3A_239 = arith.constant 0 : i32
        %dma_start3A_240 = tpu.memref_slice %arg8[%dma_start3A_236, %dma_start3A_238, %dma_start3A_239] : memref<2x128x128xf32, #tpu.memory_space<vmem>> -> memref<1x128x128xf32, #tpu.memory_space<vmem>>
        %dma_start3A_241 = tpu.memref_squeeze %dma_start3A_240 : memref<1x128x128xf32, #tpu.memory_space<vmem>> -> memref<128x128xf32, #tpu.memory_space<vmem>>
        %dma_start3A_242 = arith.constant 0 : i32
        %dma_start3A_243 = tpu.memref_slice %arg6[%dma_start3A_234, %dma_start3A_235, %dma_start3A_242] : memref<2x1x128xi32, #tpu.memory_space<vmem>> -> memref<1x1x128xi32, #tpu.memory_space<vmem>>
        %dma_start3A_244 = tpu.memref_squeeze %dma_start3A_243 : memref<1x1x128xi32, #tpu.memory_space<vmem>> -> memref<128xi32, #tpu.memory_space<vmem>>
        %dma_start3A_245 = arith.constant 0 : i32
        %dma_start3A_246 = arith.constant 0 : i32
        %dma_start3A_247 = tpu.memref_slice %arg4[%dma_start3A_245, %dma_start3A_246] : memref<10000x128xf32, #tpu.memory_space<hbm>> -> memref<10000x128xf32, #tpu.memory_space<hbm>>
        %dma_start3A_248 = tpu.memref_slice %arg12[%dma_start3A_237] : memref<2x!tpu.dma_semaphore, #tpu.memory_space<semaphore_mem>> -> memref<1x!tpu.dma_semaphore, #tpu.memory_space<semaphore_mem>>
        %dma_start3A_249 = tpu.memref_squeeze %dma_start3A_248 : memref<1x!tpu.dma_semaphore, #tpu.memory_space<semaphore_mem>> -> memref<!tpu.dma_semaphore, #tpu.memory_space<semaphore_mem>>
        tpu.enqueue_indirect_dma source(%dma_start3A_247 : memref<10000x128xf32, #tpu.memory_space<hbm>>) target(%dma_start3A_241 : memref<128x128xf32, #tpu.memory_space<vmem>>) offsets(%dma_start3A_244 : memref<128xi32, #tpu.memory_space<vmem>>) semaphore(%dma_start3A_249 : memref<!tpu.dma_semaphore, #tpu.memory_space<semaphore_mem>>)
        %dma_wait3A_250 = arith.constant 0 : i32
        %dma_wait3A_251 = arith.constant 0 : i32
        %dma_wait3A_252 = arith.constant 0 : i32
        %dma_wait3A_253 = arith.constant 0 : i32
        %dma_wait3A_254 = arith.constant 0 : i32
        %dma_wait3A_255 = arith.constant 0 : i32
        %dma_wait3A_256 = tpu.memref_slice %arg8[%dma_wait3A_252, %dma_wait3A_254, %dma_wait3A_255] : memref<2x128x128xf32, #tpu.memory_space<vmem>> -> memref<1x128x128xf32, #tpu.memory_space<vmem>>
        %dma_wait3A_257 = tpu.memref_squeeze %dma_wait3A_256 : memref<1x128x128xf32, #tpu.memory_space<vmem>> -> memref<128x128xf32, #tpu.memory_space<vmem>>
        %dma_wait3A_258 = arith.constant 0 : i32
        %dma_wait3A_259 = tpu.memref_slice %arg6[%dma_wait3A_250, %dma_wait3A_251, %dma_wait3A_258] : memref<2x1x128xi32, #tpu.memory_space<vmem>> -> memref<1x1x128xi32, #tpu.memory_space<vmem>>
        %dma_wait3A_260 = tpu.memref_squeeze %dma_wait3A_259 : memref<1x1x128xi32, #tpu.memory_space<vmem>> -> memref<128xi32, #tpu.memory_space<vmem>>
        %dma_wait3A_261 = arith.constant 0 : i32
        %dma_wait3A_262 = arith.constant 0 : i32
        %dma_wait3A_263 = tpu.memref_slice %arg4[%dma_wait3A_261, %dma_wait3A_262] : memref<10000x128xf32, #tpu.memory_space<hbm>> -> memref<10000x128xf32, #tpu.memory_space<hbm>>
        %dma_wait3A_264 = tpu.memref_slice %arg12[%dma_wait3A_253] : memref<2x!tpu.dma_semaphore, #tpu.memory_space<semaphore_mem>> -> memref<1x!tpu.dma_semaphore, #tpu.memory_space<semaphore_mem>>
        %dma_wait3A_265 = tpu.memref_squeeze %dma_wait3A_264 : memref<1x!tpu.dma_semaphore, #tpu.memory_space<semaphore_mem>> -> memref<!tpu.dma_semaphore, #tpu.memory_space<semaphore_mem>>
        tpu.wait_indirect_dma semaphore(%dma_wait3A_265 : memref<!tpu.dma_semaphore, #tpu.memory_space<semaphore_mem>>) src(%dma_wait3A_263 : memref<10000x128xf32, #tpu.memory_space<hbm>>) dst(%dma_wait3A_257 : memref<128x128xf32, #tpu.memory_space<vmem>>)
        %add3A_266 = arith.constant 0 : i32
        %add3A_267 = arith.addi %mul3A_172, %add3A_266 : i32
        %add3A_268 = arith.constant 2 : i32
        %add3A_269 = arith.addi %add3A_267, %add3A_268 : i32
        %lt3A = arith.constant 150 : i32
        %lt3A_270 = arith.cmpi slt, %add3A_269, %lt3A : i32
        %convert_element_type3A_271 = arith.extui %lt3A_270 : i1 to i32
        %cond3A_272 = arith.constant 0 : i32
        %cond3A_273 = arith.cmpi ne, %convert_element_type3A_271, %cond3A_272 : i32
        scf.if %cond3A_273 {
          %add3A_415 = arith.addi %mul3A_76, %add3A_269 : i32
          %dma_start3A_416 = arith.constant 0 : i32
          %dma_start3A_417 = arith.constant 0 : i32
          %dma_start3A_418 = arith.constant 0 : i32
          %dma_start3A_419 = arith.constant 0 : i32
          %dma_start3A_420 = tpu.memref_slice %arg6[%dma_start3A_416, %dma_start3A_418, %dma_start3A_419] : memref<2x1x128xi32, #tpu.memory_space<vmem>> -> memref<1x1x128xi32, #tpu.memory_space<vmem>>
          %dma_start3A_421 = tpu.memref_squeeze %dma_start3A_420 : memref<1x1x128xi32, #tpu.memory_space<vmem>> -> memref<1x128xi32, #tpu.memory_space<vmem>>
          %dma_start3A_422 = arith.constant 0 : i32
          %dma_start3A_423 = arith.constant 0 : i32
          %dma_start3A_424 = tpu.memref_slice %arg2[%add3A_415, %dma_start3A_422, %dma_start3A_423] : memref<2560x1x128xi32, #tpu.memory_space<hbm>> -> memref<1x1x128xi32, #tpu.memory_space<hbm>>
          %dma_start3A_425 = tpu.memref_squeeze %dma_start3A_424 : memref<1x1x128xi32, #tpu.memory_space<hbm>> -> memref<1x128xi32, #tpu.memory_space<hbm>>
          %dma_start3A_426 = tpu.memref_slice %arg10[%dma_start3A_417] : memref<2x!tpu.dma_semaphore, #tpu.memory_space<semaphore_mem>> -> memref<1x!tpu.dma_semaphore, #tpu.memory_space<semaphore_mem>>
          %dma_start3A_427 = tpu.memref_squeeze %dma_start3A_426 : memref<1x!tpu.dma_semaphore, #tpu.memory_space<semaphore_mem>> -> memref<!tpu.dma_semaphore, #tpu.memory_space<semaphore_mem>>
          %dma_start3A_428 = arith.constant 0 : i32
          %dma_start3A_429 = arith.constant 0 : i32
          %dma_start3A_430 = tpu.memref_slice %arg6[%dma_start3A_416, %dma_start3A_428, %dma_start3A_429] : memref<2x1x128xi32, #tpu.memory_space<vmem>> -> memref<1x1x128xi32, #tpu.memory_space<vmem>>
          %dma_start3A_431 = tpu.memref_squeeze %dma_start3A_430 : memref<1x1x128xi32, #tpu.memory_space<vmem>> -> memref<1x128xi32, #tpu.memory_space<vmem>>
          %dma_start3A_432 = arith.constant 0 : i32
          %dma_start3A_433 = arith.constant 0 : i32
          %dma_start3A_434 = tpu.memref_slice %arg2[%add3A_415, %dma_start3A_432, %dma_start3A_433] : memref<2560x1x128xi32, #tpu.memory_space<hbm>> -> memref<1x1x128xi32, #tpu.memory_space<hbm>>
          %dma_start3A_435 = tpu.memref_squeeze %dma_start3A_434 : memref<1x1x128xi32, #tpu.memory_space<hbm>> -> memref<1x128xi32, #tpu.memory_space<hbm>>
          tpu.enqueue_dma source(%dma_start3A_435 : memref<1x128xi32, #tpu.memory_space<hbm>>) target(%dma_start3A_431 : memref<1x128xi32, #tpu.memory_space<vmem>>) target_semaphore(%dma_start3A_427 : memref<!tpu.dma_semaphore, #tpu.memory_space<semaphore_mem>>)
        } else {
        }
        %add3A_274 = arith.addi %mul3A_76, %mul3A_172 : i32
        %add3A_275 = arith.constant 0 : i32
        %add3A_276 = arith.addi %add3A_274, %add3A_275 : i32
        %dma_wait3A_277 = arith.constant 0 : i32
        %dma_wait3A_278 = arith.constant 0 : i32
        %dma_wait3A_279 = arith.constant 0 : i32
        %dma_wait3A_280 = arith.constant 0 : i32
        %dma_wait3A_281 = tpu.memref_slice %arg7[%dma_wait3A_277, %dma_wait3A_279, %dma_wait3A_280] : memref<2x1x128xi32, #tpu.memory_space<vmem>> -> memref<1x1x128xi32, #tpu.memory_space<vmem>>
        %dma_wait3A_282 = tpu.memref_squeeze %dma_wait3A_281 : memref<1x1x128xi32, #tpu.memory_space<vmem>> -> memref<1x128xi32, #tpu.memory_space<vmem>>
        %dma_wait3A_283 = arith.constant 0 : i32
        %dma_wait3A_284 = arith.constant 0 : i32
        %dma_wait3A_285 = tpu.memref_slice %arg3[%add3A_276, %dma_wait3A_283, %dma_wait3A_284] : memref<2560x1x128xi32, #tpu.memory_space<hbm>> -> memref<1x1x128xi32, #tpu.memory_space<hbm>>
        %dma_wait3A_286 = tpu.memref_squeeze %dma_wait3A_285 : memref<1x1x128xi32, #tpu.memory_space<hbm>> -> memref<1x128xi32, #tpu.memory_space<hbm>>
        %dma_wait3A_287 = tpu.memref_slice %arg11[%dma_wait3A_278] : memref<2x!tpu.dma_semaphore, #tpu.memory_space<semaphore_mem>> -> memref<1x!tpu.dma_semaphore, #tpu.memory_space<semaphore_mem>>
        %dma_wait3A_288 = tpu.memref_squeeze %dma_wait3A_287 : memref<1x!tpu.dma_semaphore, #tpu.memory_space<semaphore_mem>> -> memref<!tpu.dma_semaphore, #tpu.memory_space<semaphore_mem>>
        %dma_wait3A_289 = arith.constant 0 : i32
        %dma_wait3A_290 = arith.constant 0 : i32
        %dma_wait3A_291 = tpu.memref_slice %arg7[%dma_wait3A_277, %dma_wait3A_289, %dma_wait3A_290] : memref<2x1x128xi32, #tpu.memory_space<vmem>> -> memref<1x1x128xi32, #tpu.memory_space<vmem>>
        %dma_wait3A_292 = tpu.memref_squeeze %dma_wait3A_291 : memref<1x1x128xi32, #tpu.memory_space<vmem>> -> memref<1x128xi32, #tpu.memory_space<vmem>>
        %dma_wait3A_293 = arith.constant 0 : i32
        %dma_wait3A_294 = arith.constant 0 : i32
        %dma_wait3A_295 = tpu.memref_slice %arg3[%add3A_276, %dma_wait3A_293, %dma_wait3A_294] : memref<2560x1x128xi32, #tpu.memory_space<hbm>> -> memref<1x1x128xi32, #tpu.memory_space<hbm>>
        %dma_wait3A_296 = tpu.memref_squeeze %dma_wait3A_295 : memref<1x1x128xi32, #tpu.memory_space<hbm>> -> memref<1x128xi32, #tpu.memory_space<hbm>>
        tpu.wait_dma2 semaphore(%dma_wait3A_288 : memref<!tpu.dma_semaphore, #tpu.memory_space<semaphore_mem>>) src(%dma_wait3A_296 : memref<1x128xi32, #tpu.memory_space<hbm>>) dst(%dma_wait3A_292 : memref<1x128xi32, #tpu.memory_space<vmem>>)
        %dma_start3A_297 = arith.constant 0 : i32
        %dma_start3A_298 = arith.constant 0 : i32
        %dma_start3A_299 = arith.constant 0 : i32
        %dma_start3A_300 = arith.constant 0 : i32
        %dma_start3A_301 = arith.constant 0 : i32
        %dma_start3A_302 = tpu.memref_slice %arg8[%dma_start3A_297, %dma_start3A_300, %dma_start3A_301] : memref<2x128x128xf32, #tpu.memory_space<vmem>> -> memref<1x128x128xf32, #tpu.memory_space<vmem>>
        %dma_start3A_303 = tpu.memref_squeeze %dma_start3A_302 : memref<1x128x128xf32, #tpu.memory_space<vmem>> -> memref<128x128xf32, #tpu.memory_space<vmem>>
        %dma_start3A_304 = arith.constant 0 : i32
        %dma_start3A_305 = tpu.memref_slice %arg7[%dma_start3A_298, %dma_start3A_299, %dma_start3A_304] : memref<2x1x128xi32, #tpu.memory_space<vmem>> -> memref<1x1x128xi32, #tpu.memory_space<vmem>>
        %dma_start3A_306 = tpu.memref_squeeze %dma_start3A_305 : memref<1x1x128xi32, #tpu.memory_space<vmem>> -> memref<128xi32, #tpu.memory_space<vmem>>
        %dma_start3A_307 = arith.constant 0 : i32
        %dma_start3A_308 = arith.constant 0 : i32
        %dma_start3A_309 = tpu.memref_slice %arg9[%dma_start3A_307, %dma_start3A_308] : memref<10240x128xf32, #tpu.memory_space<vmem_shared>> -> memref<10240x128xf32, #tpu.memory_space<vmem_shared>>
        tpu.enqueue_indirect_dma source(%dma_start3A_303 : memref<128x128xf32, #tpu.memory_space<vmem>>) target(%dma_start3A_309 : memref<10240x128xf32, #tpu.memory_space<vmem_shared>>) offsets(%dma_start3A_306 : memref<128xi32, #tpu.memory_space<vmem>>) semaphore(%arg13 : memref<!tpu.dma_semaphore, #tpu.memory_space<semaphore_mem>>) {add = true}
        %dma_wait3A_310 = arith.constant 1 : i32
        %dma_wait3A_311 = arith.constant 0 : i32
        %dma_wait3A_312 = arith.constant 1 : i32
        %dma_wait3A_313 = arith.constant 1 : i32
        %dma_wait3A_314 = arith.constant 0 : i32
        %dma_wait3A_315 = arith.constant 0 : i32
        %dma_wait3A_316 = tpu.memref_slice %arg8[%dma_wait3A_312, %dma_wait3A_314, %dma_wait3A_315] : memref<2x128x128xf32, #tpu.memory_space<vmem>> -> memref<1x128x128xf32, #tpu.memory_space<vmem>>
        %dma_wait3A_317 = tpu.memref_squeeze %dma_wait3A_316 : memref<1x128x128xf32, #tpu.memory_space<vmem>> -> memref<128x128xf32, #tpu.memory_space<vmem>>
        %dma_wait3A_318 = arith.constant 0 : i32
        %dma_wait3A_319 = tpu.memref_slice %arg6[%dma_wait3A_310, %dma_wait3A_311, %dma_wait3A_318] : memref<2x1x128xi32, #tpu.memory_space<vmem>> -> memref<1x1x128xi32, #tpu.memory_space<vmem>>
        %dma_wait3A_320 = tpu.memref_squeeze %dma_wait3A_319 : memref<1x1x128xi32, #tpu.memory_space<vmem>> -> memref<128xi32, #tpu.memory_space<vmem>>
        %dma_wait3A_321 = arith.constant 0 : i32
        %dma_wait3A_322 = arith.constant 0 : i32
        %dma_wait3A_323 = tpu.memref_slice %arg4[%dma_wait3A_321, %dma_wait3A_322] : memref<10000x128xf32, #tpu.memory_space<hbm>> -> memref<10000x128xf32, #tpu.memory_space<hbm>>
        %dma_wait3A_324 = tpu.memref_slice %arg12[%dma_wait3A_313] : memref<2x!tpu.dma_semaphore, #tpu.memory_space<semaphore_mem>> -> memref<1x!tpu.dma_semaphore, #tpu.memory_space<semaphore_mem>>
        %dma_wait3A_325 = tpu.memref_squeeze %dma_wait3A_324 : memref<1x!tpu.dma_semaphore, #tpu.memory_space<semaphore_mem>> -> memref<!tpu.dma_semaphore, #tpu.memory_space<semaphore_mem>>
        tpu.wait_indirect_dma semaphore(%dma_wait3A_325 : memref<!tpu.dma_semaphore, #tpu.memory_space<semaphore_mem>>) src(%dma_wait3A_323 : memref<10000x128xf32, #tpu.memory_space<hbm>>) dst(%dma_wait3A_317 : memref<128x128xf32, #tpu.memory_space<vmem>>)
        %add3A_326 = arith.constant 1 : i32
        %add3A_327 = arith.addi %mul3A_172, %add3A_326 : i32
        %add3A_328 = arith.constant 2 : i32
        %add3A_329 = arith.addi %add3A_327, %add3A_328 : i32
        %lt3A_330 = arith.constant 150 : i32
        %lt3A_331 = arith.cmpi slt, %add3A_329, %lt3A_330 : i32
        %convert_element_type3A_332 = arith.extui %lt3A_331 : i1 to i32
        %cond3A_333 = arith.constant 0 : i32
        %cond3A_334 = arith.cmpi ne, %convert_element_type3A_332, %cond3A_333 : i32
        scf.if %cond3A_334 {
          %add3A_415 = arith.addi %mul3A_76, %add3A_329 : i32
          %dma_start3A_416 = arith.constant 1 : i32
          %dma_start3A_417 = arith.constant 1 : i32
          %dma_start3A_418 = arith.constant 0 : i32
          %dma_start3A_419 = arith.constant 0 : i32
          %dma_start3A_420 = tpu.memref_slice %arg6[%dma_start3A_416, %dma_start3A_418, %dma_start3A_419] : memref<2x1x128xi32, #tpu.memory_space<vmem>> -> memref<1x1x128xi32, #tpu.memory_space<vmem>>
          %dma_start3A_421 = tpu.memref_squeeze %dma_start3A_420 : memref<1x1x128xi32, #tpu.memory_space<vmem>> -> memref<1x128xi32, #tpu.memory_space<vmem>>
          %dma_start3A_422 = arith.constant 0 : i32
          %dma_start3A_423 = arith.constant 0 : i32
          %dma_start3A_424 = tpu.memref_slice %arg2[%add3A_415, %dma_start3A_422, %dma_start3A_423] : memref<2560x1x128xi32, #tpu.memory_space<hbm>> -> memref<1x1x128xi32, #tpu.memory_space<hbm>>
          %dma_start3A_425 = tpu.memref_squeeze %dma_start3A_424 : memref<1x1x128xi32, #tpu.memory_space<hbm>> -> memref<1x128xi32, #tpu.memory_space<hbm>>
          %dma_start3A_426 = tpu.memref_slice %arg10[%dma_start3A_417] : memref<2x!tpu.dma_semaphore, #tpu.memory_space<semaphore_mem>> -> memref<1x!tpu.dma_semaphore, #tpu.memory_space<semaphore_mem>>
          %dma_start3A_427 = tpu.memref_squeeze %dma_start3A_426 : memref<1x!tpu.dma_semaphore, #tpu.memory_space<semaphore_mem>> -> memref<!tpu.dma_semaphore, #tpu.memory_space<semaphore_mem>>
          %dma_start3A_428 = arith.constant 0 : i32
          %dma_start3A_429 = arith.constant 0 : i32
          %dma_start3A_430 = tpu.memref_slice %arg6[%dma_start3A_416, %dma_start3A_428, %dma_start3A_429] : memref<2x1x128xi32, #tpu.memory_space<vmem>> -> memref<1x1x128xi32, #tpu.memory_space<vmem>>
          %dma_start3A_431 = tpu.memref_squeeze %dma_start3A_430 : memref<1x1x128xi32, #tpu.memory_space<vmem>> -> memref<1x128xi32, #tpu.memory_space<vmem>>
          %dma_start3A_432 = arith.constant 0 : i32
          %dma_start3A_433 = arith.constant 0 : i32
          %dma_start3A_434 = tpu.memref_slice %arg2[%add3A_415, %dma_start3A_432, %dma_start3A_433] : memref<2560x1x128xi32, #tpu.memory_space<hbm>> -> memref<1x1x128xi32, #tpu.memory_space<hbm>>
          %dma_start3A_435 = tpu.memref_squeeze %dma_start3A_434 : memref<1x1x128xi32, #tpu.memory_space<hbm>> -> memref<1x128xi32, #tpu.memory_space<hbm>>
          tpu.enqueue_dma source(%dma_start3A_435 : memref<1x128xi32, #tpu.memory_space<hbm>>) target(%dma_start3A_431 : memref<1x128xi32, #tpu.memory_space<vmem>>) target_semaphore(%dma_start3A_427 : memref<!tpu.dma_semaphore, #tpu.memory_space<semaphore_mem>>)
        } else {
        }
        %add3A_335 = arith.addi %mul3A_76, %mul3A_172 : i32
        %add3A_336 = arith.constant 1 : i32
        %add3A_337 = arith.addi %add3A_335, %add3A_336 : i32
        %dma_wait3A_338 = arith.constant 1 : i32
        %dma_wait3A_339 = arith.constant 1 : i32
        %dma_wait3A_340 = arith.constant 0 : i32
        %dma_wait3A_341 = arith.constant 0 : i32
        %dma_wait3A_342 = tpu.memref_slice %arg7[%dma_wait3A_338, %dma_wait3A_340, %dma_wait3A_341] : memref<2x1x128xi32, #tpu.memory_space<vmem>> -> memref<1x1x128xi32, #tpu.memory_space<vmem>>
        %dma_wait3A_343 = tpu.memref_squeeze %dma_wait3A_342 : memref<1x1x128xi32, #tpu.memory_space<vmem>> -> memref<1x128xi32, #tpu.memory_space<vmem>>
        %dma_wait3A_344 = arith.constant 0 : i32
        %dma_wait3A_345 = arith.constant 0 : i32
        %dma_wait3A_346 = tpu.memref_slice %arg3[%add3A_337, %dma_wait3A_344, %dma_wait3A_345] : memref<2560x1x128xi32, #tpu.memory_space<hbm>> -> memref<1x1x128xi32, #tpu.memory_space<hbm>>
        %dma_wait3A_347 = tpu.memref_squeeze %dma_wait3A_346 : memref<1x1x128xi32, #tpu.memory_space<hbm>> -> memref<1x128xi32, #tpu.memory_space<hbm>>
        %dma_wait3A_348 = tpu.memref_slice %arg11[%dma_wait3A_339] : memref<2x!tpu.dma_semaphore, #tpu.memory_space<semaphore_mem>> -> memref<1x!tpu.dma_semaphore, #tpu.memory_space<semaphore_mem>>
        %dma_wait3A_349 = tpu.memref_squeeze %dma_wait3A_348 : memref<1x!tpu.dma_semaphore, #tpu.memory_space<semaphore_mem>> -> memref<!tpu.dma_semaphore, #tpu.memory_space<semaphore_mem>>
        %dma_wait3A_350 = arith.constant 0 : i32
        %dma_wait3A_351 = arith.constant 0 : i32
        %dma_wait3A_352 = tpu.memref_slice %arg7[%dma_wait3A_338, %dma_wait3A_350, %dma_wait3A_351] : memref<2x1x128xi32, #tpu.memory_space<vmem>> -> memref<1x1x128xi32, #tpu.memory_space<vmem>>
        %dma_wait3A_353 = tpu.memref_squeeze %dma_wait3A_352 : memref<1x1x128xi32, #tpu.memory_space<vmem>> -> memref<1x128xi32, #tpu.memory_space<vmem>>
        %dma_wait3A_354 = arith.constant 0 : i32
        %dma_wait3A_355 = arith.constant 0 : i32
        %dma_wait3A_356 = tpu.memref_slice %arg3[%add3A_337, %dma_wait3A_354, %dma_wait3A_355] : memref<2560x1x128xi32, #tpu.memory_space<hbm>> -> memref<1x1x128xi32, #tpu.memory_space<hbm>>
        %dma_wait3A_357 = tpu.memref_squeeze %dma_wait3A_356 : memref<1x1x128xi32, #tpu.memory_space<hbm>> -> memref<1x128xi32, #tpu.memory_space<hbm>>
        tpu.wait_dma2 semaphore(%dma_wait3A_349 : memref<!tpu.dma_semaphore, #tpu.memory_space<semaphore_mem>>) src(%dma_wait3A_357 : memref<1x128xi32, #tpu.memory_space<hbm>>) dst(%dma_wait3A_353 : memref<1x128xi32, #tpu.memory_space<vmem>>)
        %dma_start3A_358 = arith.constant 1 : i32
        %dma_start3A_359 = arith.constant 1 : i32
        %dma_start3A_360 = arith.constant 0 : i32
        %dma_start3A_361 = arith.constant 0 : i32
        %dma_start3A_362 = arith.constant 0 : i32
        %dma_start3A_363 = tpu.memref_slice %arg8[%dma_start3A_358, %dma_start3A_361, %dma_start3A_362] : memref<2x128x128xf32, #tpu.memory_space<vmem>> -> memref<1x128x128xf32, #tpu.memory_space<vmem>>
        %dma_start3A_364 = tpu.memref_squeeze %dma_start3A_363 : memref<1x128x128xf32, #tpu.memory_space<vmem>> -> memref<128x128xf32, #tpu.memory_space<vmem>>
        %dma_start3A_365 = arith.constant 0 : i32
        %dma_start3A_366 = tpu.memref_slice %arg7[%dma_start3A_359, %dma_start3A_360, %dma_start3A_365] : memref<2x1x128xi32, #tpu.memory_space<vmem>> -> memref<1x1x128xi32, #tpu.memory_space<vmem>>
        %dma_start3A_367 = tpu.memref_squeeze %dma_start3A_366 : memref<1x1x128xi32, #tpu.memory_space<vmem>> -> memref<128xi32, #tpu.memory_space<vmem>>
        %dma_start3A_368 = arith.constant 0 : i32
        %dma_start3A_369 = arith.constant 0 : i32
        %dma_start3A_370 = tpu.memref_slice %arg9[%dma_start3A_368, %dma_start3A_369] : memref<10240x128xf32, #tpu.memory_space<vmem_shared>> -> memref<10240x128xf32, #tpu.memory_space<vmem_shared>>
        tpu.enqueue_indirect_dma source(%dma_start3A_364 : memref<128x128xf32, #tpu.memory_space<vmem>>) target(%dma_start3A_370 : memref<10240x128xf32, #tpu.memory_space<vmem_shared>>) offsets(%dma_start3A_367 : memref<128xi32, #tpu.memory_space<vmem>>) semaphore(%arg13 : memref<!tpu.dma_semaphore, #tpu.memory_space<semaphore_mem>>) {add = true}
        %dma_wait3A_371 = arith.constant 0 : i32
        %dma_wait3A_372 = arith.constant 0 : i32
        %dma_wait3A_373 = arith.constant 0 : i32
        %dma_wait3A_374 = arith.constant 0 : i32
        %dma_wait3A_375 = arith.constant 0 : i32
        %dma_wait3A_376 = tpu.memref_slice %arg8[%dma_wait3A_371, %dma_wait3A_374, %dma_wait3A_375] : memref<2x128x128xf32, #tpu.memory_space<vmem>> -> memref<1x128x128xf32, #tpu.memory_space<vmem>>
        %dma_wait3A_377 = tpu.memref_squeeze %dma_wait3A_376 : memref<1x128x128xf32, #tpu.memory_space<vmem>> -> memref<128x128xf32, #tpu.memory_space<vmem>>
        %dma_wait3A_378 = arith.constant 0 : i32
        %dma_wait3A_379 = tpu.memref_slice %arg7[%dma_wait3A_372, %dma_wait3A_373, %dma_wait3A_378] : memref<2x1x128xi32, #tpu.memory_space<vmem>> -> memref<1x1x128xi32, #tpu.memory_space<vmem>>
        %dma_wait3A_380 = tpu.memref_squeeze %dma_wait3A_379 : memref<1x1x128xi32, #tpu.memory_space<vmem>> -> memref<128xi32, #tpu.memory_space<vmem>>
        %dma_wait3A_381 = arith.constant 0 : i32
        %dma_wait3A_382 = arith.constant 0 : i32
        %dma_wait3A_383 = tpu.memref_slice %arg9[%dma_wait3A_381, %dma_wait3A_382] : memref<10240x128xf32, #tpu.memory_space<vmem_shared>> -> memref<10240x128xf32, #tpu.memory_space<vmem_shared>>
        tpu.wait_indirect_dma semaphore(%arg13 : memref<!tpu.dma_semaphore, #tpu.memory_space<semaphore_mem>>) src(%dma_wait3A_377 : memref<128x128xf32, #tpu.memory_space<vmem>>) dst(%dma_wait3A_383 : memref<10240x128xf32, #tpu.memory_space<vmem_shared>>)
        %dma_wait3A_384 = arith.constant 1 : i32
        %dma_wait3A_385 = arith.constant 1 : i32
        %dma_wait3A_386 = arith.constant 0 : i32
        %dma_wait3A_387 = arith.constant 0 : i32
        %dma_wait3A_388 = arith.constant 0 : i32
        %dma_wait3A_389 = tpu.memref_slice %arg8[%dma_wait3A_384, %dma_wait3A_387, %dma_wait3A_388] : memref<2x128x128xf32, #tpu.memory_space<vmem>> -> memref<1x128x128xf32, #tpu.memory_space<vmem>>
        %dma_wait3A_390 = tpu.memref_squeeze %dma_wait3A_389 : memref<1x128x128xf32, #tpu.memory_space<vmem>> -> memref<128x128xf32, #tpu.memory_space<vmem>>
        %dma_wait3A_391 = arith.constant 0 : i32
        %dma_wait3A_392 = tpu.memref_slice %arg7[%dma_wait3A_385, %dma_wait3A_386, %dma_wait3A_391] : memref<2x1x128xi32, #tpu.memory_space<vmem>> -> memref<1x1x128xi32, #tpu.memory_space<vmem>>
        %dma_wait3A_393 = tpu.memref_squeeze %dma_wait3A_392 : memref<1x1x128xi32, #tpu.memory_space<vmem>> -> memref<128xi32, #tpu.memory_space<vmem>>
        %dma_wait3A_394 = arith.constant 0 : i32
        %dma_wait3A_395 = arith.constant 0 : i32
        %dma_wait3A_396 = tpu.memref_slice %arg9[%dma_wait3A_394, %dma_wait3A_395] : memref<10240x128xf32, #tpu.memory_space<vmem_shared>> -> memref<10240x128xf32, #tpu.memory_space<vmem_shared>>
        tpu.wait_indirect_dma semaphore(%arg13 : memref<!tpu.dma_semaphore, #tpu.memory_space<semaphore_mem>>) src(%dma_wait3A_390 : memref<128x128xf32, #tpu.memory_space<vmem>>) dst(%dma_wait3A_396 : memref<10240x128xf32, #tpu.memory_space<vmem_shared>>)
        %add3A_397 = arith.constant 0 : i32
        %add3A_398 = arith.addi %mul3A_172, %add3A_397 : i32
        %add3A_399 = arith.constant 2 : i32
        %add3A_400 = arith.addi %add3A_398, %add3A_399 : i32
        %lt3A_401 = arith.constant 150 : i32
        %lt3A_402 = arith.cmpi slt, %add3A_400, %lt3A_401 : i32
        %convert_element_type3A_403 = arith.extui %lt3A_402 : i1 to i32
        %cond3A_404 = arith.constant 0 : i32
        %cond3A_405 = arith.cmpi ne, %convert_element_type3A_403, %cond3A_404 : i32
        scf.if %cond3A_405 {
          %add3A_415 = arith.addi %mul3A_76, %add3A_400 : i32
          %dma_start3A_416 = arith.constant 0 : i32
          %dma_start3A_417 = arith.constant 0 : i32
          %dma_start3A_418 = arith.constant 0 : i32
          %dma_start3A_419 = arith.constant 0 : i32
          %dma_start3A_420 = tpu.memref_slice %arg7[%dma_start3A_416, %dma_start3A_418, %dma_start3A_419] : memref<2x1x128xi32, #tpu.memory_space<vmem>> -> memref<1x1x128xi32, #tpu.memory_space<vmem>>
          %dma_start3A_421 = tpu.memref_squeeze %dma_start3A_420 : memref<1x1x128xi32, #tpu.memory_space<vmem>> -> memref<1x128xi32, #tpu.memory_space<vmem>>
          %dma_start3A_422 = arith.constant 0 : i32
          %dma_start3A_423 = arith.constant 0 : i32
          %dma_start3A_424 = tpu.memref_slice %arg3[%add3A_415, %dma_start3A_422, %dma_start3A_423] : memref<2560x1x128xi32, #tpu.memory_space<hbm>> -> memref<1x1x128xi32, #tpu.memory_space<hbm>>
          %dma_start3A_425 = tpu.memref_squeeze %dma_start3A_424 : memref<1x1x128xi32, #tpu.memory_space<hbm>> -> memref<1x128xi32, #tpu.memory_space<hbm>>
          %dma_start3A_426 = tpu.memref_slice %arg11[%dma_start3A_417] : memref<2x!tpu.dma_semaphore, #tpu.memory_space<semaphore_mem>> -> memref<1x!tpu.dma_semaphore, #tpu.memory_space<semaphore_mem>>
          %dma_start3A_427 = tpu.memref_squeeze %dma_start3A_426 : memref<1x!tpu.dma_semaphore, #tpu.memory_space<semaphore_mem>> -> memref<!tpu.dma_semaphore, #tpu.memory_space<semaphore_mem>>
          %dma_start3A_428 = arith.constant 0 : i32
          %dma_start3A_429 = arith.constant 0 : i32
          %dma_start3A_430 = tpu.memref_slice %arg7[%dma_start3A_416, %dma_start3A_428, %dma_start3A_429] : memref<2x1x128xi32, #tpu.memory_space<vmem>> -> memref<1x1x128xi32, #tpu.memory_space<vmem>>
          %dma_start3A_431 = tpu.memref_squeeze %dma_start3A_430 : memref<1x1x128xi32, #tpu.memory_space<vmem>> -> memref<1x128xi32, #tpu.memory_space<vmem>>
          %dma_start3A_432 = arith.constant 0 : i32
          %dma_start3A_433 = arith.constant 0 : i32
          %dma_start3A_434 = tpu.memref_slice %arg3[%add3A_415, %dma_start3A_432, %dma_start3A_433] : memref<2560x1x128xi32, #tpu.memory_space<hbm>> -> memref<1x1x128xi32, #tpu.memory_space<hbm>>
          %dma_start3A_435 = tpu.memref_squeeze %dma_start3A_434 : memref<1x1x128xi32, #tpu.memory_space<hbm>> -> memref<1x128xi32, #tpu.memory_space<hbm>>
          tpu.enqueue_dma source(%dma_start3A_435 : memref<1x128xi32, #tpu.memory_space<hbm>>) target(%dma_start3A_431 : memref<1x128xi32, #tpu.memory_space<vmem>>) target_semaphore(%dma_start3A_427 : memref<!tpu.dma_semaphore, #tpu.memory_space<semaphore_mem>>)
        } else {
        }
        %add3A_406 = arith.constant 1 : i32
        %add3A_407 = arith.addi %mul3A_172, %add3A_406 : i32
        %add3A_408 = arith.constant 2 : i32
        %add3A_409 = arith.addi %add3A_407, %add3A_408 : i32
        %lt3A_410 = arith.constant 150 : i32
        %lt3A_411 = arith.cmpi slt, %add3A_409, %lt3A_410 : i32
        %convert_element_type3A_412 = arith.extui %lt3A_411 : i1 to i32
        %cond3A_413 = arith.constant 0 : i32
        %cond3A_414 = arith.cmpi ne, %convert_element_type3A_412, %cond3A_413 : i32
        scf.if %cond3A_414 {
          %add3A_415 = arith.addi %mul3A_76, %add3A_409 : i32
          %dma_start3A_416 = arith.constant 1 : i32
          %dma_start3A_417 = arith.constant 1 : i32
          %dma_start3A_418 = arith.constant 0 : i32
          %dma_start3A_419 = arith.constant 0 : i32
          %dma_start3A_420 = tpu.memref_slice %arg7[%dma_start3A_416, %dma_start3A_418, %dma_start3A_419] : memref<2x1x128xi32, #tpu.memory_space<vmem>> -> memref<1x1x128xi32, #tpu.memory_space<vmem>>
          %dma_start3A_421 = tpu.memref_squeeze %dma_start3A_420 : memref<1x1x128xi32, #tpu.memory_space<vmem>> -> memref<1x128xi32, #tpu.memory_space<vmem>>
          %dma_start3A_422 = arith.constant 0 : i32
          %dma_start3A_423 = arith.constant 0 : i32
          %dma_start3A_424 = tpu.memref_slice %arg3[%add3A_415, %dma_start3A_422, %dma_start3A_423] : memref<2560x1x128xi32, #tpu.memory_space<hbm>> -> memref<1x1x128xi32, #tpu.memory_space<hbm>>
          %dma_start3A_425 = tpu.memref_squeeze %dma_start3A_424 : memref<1x1x128xi32, #tpu.memory_space<hbm>> -> memref<1x128xi32, #tpu.memory_space<hbm>>
          %dma_start3A_426 = tpu.memref_slice %arg11[%dma_start3A_417] : memref<2x!tpu.dma_semaphore, #tpu.memory_space<semaphore_mem>> -> memref<1x!tpu.dma_semaphore, #tpu.memory_space<semaphore_mem>>
          %dma_start3A_427 = tpu.memref_squeeze %dma_start3A_426 : memref<1x!tpu.dma_semaphore, #tpu.memory_space<semaphore_mem>> -> memref<!tpu.dma_semaphore, #tpu.memory_space<semaphore_mem>>
          %dma_start3A_428 = arith.constant 0 : i32
          %dma_start3A_429 = arith.constant 0 : i32
          %dma_start3A_430 = tpu.memref_slice %arg7[%dma_start3A_416, %dma_start3A_428, %dma_start3A_429] : memref<2x1x128xi32, #tpu.memory_space<vmem>> -> memref<1x1x128xi32, #tpu.memory_space<vmem>>
          %dma_start3A_431 = tpu.memref_squeeze %dma_start3A_430 : memref<1x1x128xi32, #tpu.memory_space<vmem>> -> memref<1x128xi32, #tpu.memory_space<vmem>>
          %dma_start3A_432 = arith.constant 0 : i32
          %dma_start3A_433 = arith.constant 0 : i32
          %dma_start3A_434 = tpu.memref_slice %arg3[%add3A_415, %dma_start3A_432, %dma_start3A_433] : memref<2560x1x128xi32, #tpu.memory_space<hbm>> -> memref<1x1x128xi32, #tpu.memory_space<hbm>>
          %dma_start3A_435 = tpu.memref_squeeze %dma_start3A_434 : memref<1x1x128xi32, #tpu.memory_space<hbm>> -> memref<1x128xi32, #tpu.memory_space<hbm>>
          tpu.enqueue_dma source(%dma_start3A_435 : memref<1x128xi32, #tpu.memory_space<hbm>>) target(%dma_start3A_431 : memref<1x128xi32, #tpu.memory_space<vmem>>) target_semaphore(%dma_start3A_427 : memref<!tpu.dma_semaphore, #tpu.memory_space<semaphore_mem>>)
        } else {
        }
      }
      %scan3A_169 = arith.constant 75 : i32
    } else {
    }
    %eq3A_29 = arith.constant 1 : i32
    %eq3A_30 = arith.cmpi eq, %arg0, %eq3A_29 : i32
    %convert_element_type3A_31 = arith.extui %eq3A_30 : i1 to i32
    %cond3A_32 = arith.constant 0 : i32
    %cond3A_33 = arith.cmpi ne, %convert_element_type3A_31, %cond3A_32 : i32
    scf.if %cond3A_33 {
      %mul3A_75 = arith.constant 10 : i32
      %mul3A_76 = arith.muli %arg1, %mul3A_75 : i32
      %add3A_77 = arith.constant 2400 : i32
      %add3A_78 = arith.addi %add3A_77, %mul3A_76 : i32
      %add3A_79 = arith.constant 0 : i32
      %add3A_80 = arith.addi %add3A_78, %add3A_79 : i32
      %dma_start3A = arith.constant 0 : i32
      %dma_start3A_81 = arith.constant 0 : i32
      %dma_start3A_82 = arith.constant 0 : i32
      %dma_start3A_83 = arith.constant 0 : i32
      %dma_start3A_84 = tpu.memref_slice %arg6[%dma_start3A, %dma_start3A_82, %dma_start3A_83] : memref<2x1x128xi32, #tpu.memory_space<vmem>> -> memref<1x1x128xi32, #tpu.memory_space<vmem>>
      %dma_start3A_85 = tpu.memref_squeeze %dma_start3A_84 : memref<1x1x128xi32, #tpu.memory_space<vmem>> -> memref<1x128xi32, #tpu.memory_space<vmem>>
      %dma_start3A_86 = arith.constant 0 : i32
      %dma_start3A_87 = arith.constant 0 : i32
      %dma_start3A_88 = tpu.memref_slice %arg2[%add3A_80, %dma_start3A_86, %dma_start3A_87] : memref<2560x1x128xi32, #tpu.memory_space<hbm>> -> memref<1x1x128xi32, #tpu.memory_space<hbm>>
      %dma_start3A_89 = tpu.memref_squeeze %dma_start3A_88 : memref<1x1x128xi32, #tpu.memory_space<hbm>> -> memref<1x128xi32, #tpu.memory_space<hbm>>
      %dma_start3A_90 = tpu.memref_slice %arg10[%dma_start3A_81] : memref<2x!tpu.dma_semaphore, #tpu.memory_space<semaphore_mem>> -> memref<1x!tpu.dma_semaphore, #tpu.memory_space<semaphore_mem>>
      %dma_start3A_91 = tpu.memref_squeeze %dma_start3A_90 : memref<1x!tpu.dma_semaphore, #tpu.memory_space<semaphore_mem>> -> memref<!tpu.dma_semaphore, #tpu.memory_space<semaphore_mem>>
      %dma_start3A_92 = arith.constant 0 : i32
      %dma_start3A_93 = arith.constant 0 : i32
      %dma_start3A_94 = tpu.memref_slice %arg6[%dma_start3A, %dma_start3A_92, %dma_start3A_93] : memref<2x1x128xi32, #tpu.memory_space<vmem>> -> memref<1x1x128xi32, #tpu.memory_space<vmem>>
      %dma_start3A_95 = tpu.memref_squeeze %dma_start3A_94 : memref<1x1x128xi32, #tpu.memory_space<vmem>> -> memref<1x128xi32, #tpu.memory_space<vmem>>
      %dma_start3A_96 = arith.constant 0 : i32
      %dma_start3A_97 = arith.constant 0 : i32
      %dma_start3A_98 = tpu.memref_slice %arg2[%add3A_80, %dma_start3A_96, %dma_start3A_97] : memref<2560x1x128xi32, #tpu.memory_space<hbm>> -> memref<1x1x128xi32, #tpu.memory_space<hbm>>
      %dma_start3A_99 = tpu.memref_squeeze %dma_start3A_98 : memref<1x1x128xi32, #tpu.memory_space<hbm>> -> memref<1x128xi32, #tpu.memory_space<hbm>>
      tpu.enqueue_dma source(%dma_start3A_99 : memref<1x128xi32, #tpu.memory_space<hbm>>) target(%dma_start3A_95 : memref<1x128xi32, #tpu.memory_space<vmem>>) target_semaphore(%dma_start3A_91 : memref<!tpu.dma_semaphore, #tpu.memory_space<semaphore_mem>>)
      %add3A_100 = arith.constant 0 : i32
      %add3A_101 = arith.addi %add3A_78, %add3A_100 : i32
      %dma_start3A_102 = arith.constant 0 : i32
      %dma_start3A_103 = arith.constant 0 : i32
      %dma_start3A_104 = arith.constant 0 : i32
      %dma_start3A_105 = arith.constant 0 : i32
      %dma_start3A_106 = tpu.memref_slice %arg7[%dma_start3A_102, %dma_start3A_104, %dma_start3A_105] : memref<2x1x128xi32, #tpu.memory_space<vmem>> -> memref<1x1x128xi32, #tpu.memory_space<vmem>>
      %dma_start3A_107 = tpu.memref_squeeze %dma_start3A_106 : memref<1x1x128xi32, #tpu.memory_space<vmem>> -> memref<1x128xi32, #tpu.memory_space<vmem>>
      %dma_start3A_108 = arith.constant 0 : i32
      %dma_start3A_109 = arith.constant 0 : i32
      %dma_start3A_110 = tpu.memref_slice %arg3[%add3A_101, %dma_start3A_108, %dma_start3A_109] : memref<2560x1x128xi32, #tpu.memory_space<hbm>> -> memref<1x1x128xi32, #tpu.memory_space<hbm>>
      %dma_start3A_111 = tpu.memref_squeeze %dma_start3A_110 : memref<1x1x128xi32, #tpu.memory_space<hbm>> -> memref<1x128xi32, #tpu.memory_space<hbm>>
      %dma_start3A_112 = tpu.memref_slice %arg11[%dma_start3A_103] : memref<2x!tpu.dma_semaphore, #tpu.memory_space<semaphore_mem>> -> memref<1x!tpu.dma_semaphore, #tpu.memory_space<semaphore_mem>>
      %dma_start3A_113 = tpu.memref_squeeze %dma_start3A_112 : memref<1x!tpu.dma_semaphore, #tpu.memory_space<semaphore_mem>> -> memref<!tpu.dma_semaphore, #tpu.memory_space<semaphore_mem>>
      %dma_start3A_114 = arith.constant 0 : i32
      %dma_start3A_115 = arith.constant 0 : i32
      %dma_start3A_116 = tpu.memref_slice %arg7[%dma_start3A_102, %dma_start3A_114, %dma_start3A_115] : memref<2x1x128xi32, #tpu.memory_space<vmem>> -> memref<1x1x128xi32, #tpu.memory_space<vmem>>
      %dma_start3A_117 = tpu.memref_squeeze %dma_start3A_116 : memref<1x1x128xi32, #tpu.memory_space<vmem>> -> memref<1x128xi32, #tpu.memory_space<vmem>>
      %dma_start3A_118 = arith.constant 0 : i32
      %dma_start3A_119 = arith.constant 0 : i32
      %dma_start3A_120 = tpu.memref_slice %arg3[%add3A_101, %dma_start3A_118, %dma_start3A_119] : memref<2560x1x128xi32, #tpu.memory_space<hbm>> -> memref<1x1x128xi32, #tpu.memory_space<hbm>>
      %dma_start3A_121 = tpu.memref_squeeze %dma_start3A_120 : memref<1x1x128xi32, #tpu.memory_space<hbm>> -> memref<1x128xi32, #tpu.memory_space<hbm>>
      tpu.enqueue_dma source(%dma_start3A_121 : memref<1x128xi32, #tpu.memory_space<hbm>>) target(%dma_start3A_117 : memref<1x128xi32, #tpu.memory_space<vmem>>) target_semaphore(%dma_start3A_113 : memref<!tpu.dma_semaphore, #tpu.memory_space<semaphore_mem>>)
      %add3A_122 = arith.constant 1 : i32
      %add3A_123 = arith.addi %add3A_78, %add3A_122 : i32
      %dma_start3A_124 = arith.constant 1 : i32
      %dma_start3A_125 = arith.constant 1 : i32
      %dma_start3A_126 = arith.constant 0 : i32
      %dma_start3A_127 = arith.constant 0 : i32
      %dma_start3A_128 = tpu.memref_slice %arg6[%dma_start3A_124, %dma_start3A_126, %dma_start3A_127] : memref<2x1x128xi32, #tpu.memory_space<vmem>> -> memref<1x1x128xi32, #tpu.memory_space<vmem>>
      %dma_start3A_129 = tpu.memref_squeeze %dma_start3A_128 : memref<1x1x128xi32, #tpu.memory_space<vmem>> -> memref<1x128xi32, #tpu.memory_space<vmem>>
      %dma_start3A_130 = arith.constant 0 : i32
      %dma_start3A_131 = arith.constant 0 : i32
      %dma_start3A_132 = tpu.memref_slice %arg2[%add3A_123, %dma_start3A_130, %dma_start3A_131] : memref<2560x1x128xi32, #tpu.memory_space<hbm>> -> memref<1x1x128xi32, #tpu.memory_space<hbm>>
      %dma_start3A_133 = tpu.memref_squeeze %dma_start3A_132 : memref<1x1x128xi32, #tpu.memory_space<hbm>> -> memref<1x128xi32, #tpu.memory_space<hbm>>
      %dma_start3A_134 = tpu.memref_slice %arg10[%dma_start3A_125] : memref<2x!tpu.dma_semaphore, #tpu.memory_space<semaphore_mem>> -> memref<1x!tpu.dma_semaphore, #tpu.memory_space<semaphore_mem>>
      %dma_start3A_135 = tpu.memref_squeeze %dma_start3A_134 : memref<1x!tpu.dma_semaphore, #tpu.memory_space<semaphore_mem>> -> memref<!tpu.dma_semaphore, #tpu.memory_space<semaphore_mem>>
      %dma_start3A_136 = arith.constant 0 : i32
      %dma_start3A_137 = arith.constant 0 : i32
      %dma_start3A_138 = tpu.memref_slice %arg6[%dma_start3A_124, %dma_start3A_136, %dma_start3A_137] : memref<2x1x128xi32, #tpu.memory_space<vmem>> -> memref<1x1x128xi32, #tpu.memory_space<vmem>>
      %dma_start3A_139 = tpu.memref_squeeze %dma_start3A_138 : memref<1x1x128xi32, #tpu.memory_space<vmem>> -> memref<1x128xi32, #tpu.memory_space<vmem>>
      %dma_start3A_140 = arith.constant 0 : i32
      %dma_start3A_141 = arith.constant 0 : i32
      %dma_start3A_142 = tpu.memref_slice %arg2[%add3A_123, %dma_start3A_140, %dma_start3A_141] : memref<2560x1x128xi32, #tpu.memory_space<hbm>> -> memref<1x1x128xi32, #tpu.memory_space<hbm>>
      %dma_start3A_143 = tpu.memref_squeeze %dma_start3A_142 : memref<1x1x128xi32, #tpu.memory_space<hbm>> -> memref<1x128xi32, #tpu.memory_space<hbm>>
      tpu.enqueue_dma source(%dma_start3A_143 : memref<1x128xi32, #tpu.memory_space<hbm>>) target(%dma_start3A_139 : memref<1x128xi32, #tpu.memory_space<vmem>>) target_semaphore(%dma_start3A_135 : memref<!tpu.dma_semaphore, #tpu.memory_space<semaphore_mem>>)
      %add3A_144 = arith.constant 1 : i32
      %add3A_145 = arith.addi %add3A_78, %add3A_144 : i32
      %dma_start3A_146 = arith.constant 1 : i32
      %dma_start3A_147 = arith.constant 1 : i32
      %dma_start3A_148 = arith.constant 0 : i32
      %dma_start3A_149 = arith.constant 0 : i32
      %dma_start3A_150 = tpu.memref_slice %arg7[%dma_start3A_146, %dma_start3A_148, %dma_start3A_149] : memref<2x1x128xi32, #tpu.memory_space<vmem>> -> memref<1x1x128xi32, #tpu.memory_space<vmem>>
      %dma_start3A_151 = tpu.memref_squeeze %dma_start3A_150 : memref<1x1x128xi32, #tpu.memory_space<vmem>> -> memref<1x128xi32, #tpu.memory_space<vmem>>
      %dma_start3A_152 = arith.constant 0 : i32
      %dma_start3A_153 = arith.constant 0 : i32
      %dma_start3A_154 = tpu.memref_slice %arg3[%add3A_145, %dma_start3A_152, %dma_start3A_153] : memref<2560x1x128xi32, #tpu.memory_space<hbm>> -> memref<1x1x128xi32, #tpu.memory_space<hbm>>
      %dma_start3A_155 = tpu.memref_squeeze %dma_start3A_154 : memref<1x1x128xi32, #tpu.memory_space<hbm>> -> memref<1x128xi32, #tpu.memory_space<hbm>>
      %dma_start3A_156 = tpu.memref_slice %arg11[%dma_start3A_147] : memref<2x!tpu.dma_semaphore, #tpu.memory_space<semaphore_mem>> -> memref<1x!tpu.dma_semaphore, #tpu.memory_space<semaphore_mem>>
      %dma_start3A_157 = tpu.memref_squeeze %dma_start3A_156 : memref<1x!tpu.dma_semaphore, #tpu.memory_space<semaphore_mem>> -> memref<!tpu.dma_semaphore, #tpu.memory_space<semaphore_mem>>
      %dma_start3A_158 = arith.constant 0 : i32
      %dma_start3A_159 = arith.constant 0 : i32
      %dma_start3A_160 = tpu.memref_slice %arg7[%dma_start3A_146, %dma_start3A_158, %dma_start3A_159] : memref<2x1x128xi32, #tpu.memory_space<vmem>> -> memref<1x1x128xi32, #tpu.memory_space<vmem>>
      %dma_start3A_161 = tpu.memref_squeeze %dma_start3A_160 : memref<1x1x128xi32, #tpu.memory_space<vmem>> -> memref<1x128xi32, #tpu.memory_space<vmem>>
      %dma_start3A_162 = arith.constant 0 : i32
      %dma_start3A_163 = arith.constant 0 : i32
      %dma_start3A_164 = tpu.memref_slice %arg3[%add3A_145, %dma_start3A_162, %dma_start3A_163] : memref<2560x1x128xi32, #tpu.memory_space<hbm>> -> memref<1x1x128xi32, #tpu.memory_space<hbm>>
      %dma_start3A_165 = tpu.memref_squeeze %dma_start3A_164 : memref<1x1x128xi32, #tpu.memory_space<hbm>> -> memref<1x128xi32, #tpu.memory_space<hbm>>
      tpu.enqueue_dma source(%dma_start3A_165 : memref<1x128xi32, #tpu.memory_space<hbm>>) target(%dma_start3A_161 : memref<1x128xi32, #tpu.memory_space<vmem>>) target_semaphore(%dma_start3A_157 : memref<!tpu.dma_semaphore, #tpu.memory_space<semaphore_mem>>)
      %scan3A_166 = arith.constant 0 : i32
      %scan3A_167 = arith.constant 0 : i32
      %scan3A_168 = arith.constant 5 : i32
      %scan3A_169 = arith.addi %scan3A_167, %scan3A_168 : i32
      %scan3A_170 = arith.constant 1 : i32
      scf.for %scan3A_172 = %scan3A_167 to %scan3A_169 step %scan3A_170  : i32 {
        %mul3A_173 = arith.constant 2 : i32
        %mul3A_174 = arith.muli %scan3A_172, %mul3A_173 : i32
        %add3A_175 = arith.addi %add3A_78, %mul3A_174 : i32
        %add3A_176 = arith.constant 0 : i32
        %add3A_177 = arith.addi %add3A_175, %add3A_176 : i32
        %dma_wait3A = arith.constant 0 : i32
        %dma_wait3A_178 = arith.constant 0 : i32
        %dma_wait3A_179 = arith.constant 0 : i32
        %dma_wait3A_180 = arith.constant 0 : i32
        %dma_wait3A_181 = tpu.memref_slice %arg6[%dma_wait3A, %dma_wait3A_179, %dma_wait3A_180] : memref<2x1x128xi32, #tpu.memory_space<vmem>> -> memref<1x1x128xi32, #tpu.memory_space<vmem>>
        %dma_wait3A_182 = tpu.memref_squeeze %dma_wait3A_181 : memref<1x1x128xi32, #tpu.memory_space<vmem>> -> memref<1x128xi32, #tpu.memory_space<vmem>>
        %dma_wait3A_183 = arith.constant 0 : i32
        %dma_wait3A_184 = arith.constant 0 : i32
        %dma_wait3A_185 = tpu.memref_slice %arg2[%add3A_177, %dma_wait3A_183, %dma_wait3A_184] : memref<2560x1x128xi32, #tpu.memory_space<hbm>> -> memref<1x1x128xi32, #tpu.memory_space<hbm>>
        %dma_wait3A_186 = tpu.memref_squeeze %dma_wait3A_185 : memref<1x1x128xi32, #tpu.memory_space<hbm>> -> memref<1x128xi32, #tpu.memory_space<hbm>>
        %dma_wait3A_187 = tpu.memref_slice %arg10[%dma_wait3A_178] : memref<2x!tpu.dma_semaphore, #tpu.memory_space<semaphore_mem>> -> memref<1x!tpu.dma_semaphore, #tpu.memory_space<semaphore_mem>>
        %dma_wait3A_188 = tpu.memref_squeeze %dma_wait3A_187 : memref<1x!tpu.dma_semaphore, #tpu.memory_space<semaphore_mem>> -> memref<!tpu.dma_semaphore, #tpu.memory_space<semaphore_mem>>
        %dma_wait3A_189 = arith.constant 0 : i32
        %dma_wait3A_190 = arith.constant 0 : i32
        %dma_wait3A_191 = tpu.memref_slice %arg6[%dma_wait3A, %dma_wait3A_189, %dma_wait3A_190] : memref<2x1x128xi32, #tpu.memory_space<vmem>> -> memref<1x1x128xi32, #tpu.memory_space<vmem>>
        %dma_wait3A_192 = tpu.memref_squeeze %dma_wait3A_191 : memref<1x1x128xi32, #tpu.memory_space<vmem>> -> memref<1x128xi32, #tpu.memory_space<vmem>>
        %dma_wait3A_193 = arith.constant 0 : i32
        %dma_wait3A_194 = arith.constant 0 : i32
        %dma_wait3A_195 = tpu.memref_slice %arg2[%add3A_177, %dma_wait3A_193, %dma_wait3A_194] : memref<2560x1x128xi32, #tpu.memory_space<hbm>> -> memref<1x1x128xi32, #tpu.memory_space<hbm>>
        %dma_wait3A_196 = tpu.memref_squeeze %dma_wait3A_195 : memref<1x1x128xi32, #tpu.memory_space<hbm>> -> memref<1x128xi32, #tpu.memory_space<hbm>>
        tpu.wait_dma2 semaphore(%dma_wait3A_188 : memref<!tpu.dma_semaphore, #tpu.memory_space<semaphore_mem>>) src(%dma_wait3A_196 : memref<1x128xi32, #tpu.memory_space<hbm>>) dst(%dma_wait3A_192 : memref<1x128xi32, #tpu.memory_space<vmem>>)
        %dma_start3A_197 = arith.constant 0 : i32
        %dma_start3A_198 = arith.constant 0 : i32
        %dma_start3A_199 = arith.constant 0 : i32
        %dma_start3A_200 = arith.constant 0 : i32
        %dma_start3A_201 = arith.constant 0 : i32
        %dma_start3A_202 = arith.constant 0 : i32
        %dma_start3A_203 = tpu.memref_slice %arg8[%dma_start3A_199, %dma_start3A_201, %dma_start3A_202] : memref<2x128x128xf32, #tpu.memory_space<vmem>> -> memref<1x128x128xf32, #tpu.memory_space<vmem>>
        %dma_start3A_204 = tpu.memref_squeeze %dma_start3A_203 : memref<1x128x128xf32, #tpu.memory_space<vmem>> -> memref<128x128xf32, #tpu.memory_space<vmem>>
        %dma_start3A_205 = arith.constant 0 : i32
        %dma_start3A_206 = tpu.memref_slice %arg6[%dma_start3A_197, %dma_start3A_198, %dma_start3A_205] : memref<2x1x128xi32, #tpu.memory_space<vmem>> -> memref<1x1x128xi32, #tpu.memory_space<vmem>>
        %dma_start3A_207 = tpu.memref_squeeze %dma_start3A_206 : memref<1x1x128xi32, #tpu.memory_space<vmem>> -> memref<128xi32, #tpu.memory_space<vmem>>
        %dma_start3A_208 = arith.constant 0 : i32
        %dma_start3A_209 = arith.constant 0 : i32
        %dma_start3A_210 = tpu.memref_slice %arg4[%dma_start3A_208, %dma_start3A_209] : memref<10000x128xf32, #tpu.memory_space<hbm>> -> memref<10000x128xf32, #tpu.memory_space<hbm>>
        %dma_start3A_211 = tpu.memref_slice %arg12[%dma_start3A_200] : memref<2x!tpu.dma_semaphore, #tpu.memory_space<semaphore_mem>> -> memref<1x!tpu.dma_semaphore, #tpu.memory_space<semaphore_mem>>
        %dma_start3A_212 = tpu.memref_squeeze %dma_start3A_211 : memref<1x!tpu.dma_semaphore, #tpu.memory_space<semaphore_mem>> -> memref<!tpu.dma_semaphore, #tpu.memory_space<semaphore_mem>>
        tpu.enqueue_indirect_dma source(%dma_start3A_210 : memref<10000x128xf32, #tpu.memory_space<hbm>>) target(%dma_start3A_204 : memref<128x128xf32, #tpu.memory_space<vmem>>) offsets(%dma_start3A_207 : memref<128xi32, #tpu.memory_space<vmem>>) semaphore(%dma_start3A_212 : memref<!tpu.dma_semaphore, #tpu.memory_space<semaphore_mem>>)
        %add3A_213 = arith.addi %add3A_78, %mul3A_174 : i32
        %add3A_214 = arith.constant 1 : i32
        %add3A_215 = arith.addi %add3A_213, %add3A_214 : i32
        %dma_wait3A_216 = arith.constant 1 : i32
        %dma_wait3A_217 = arith.constant 1 : i32
        %dma_wait3A_218 = arith.constant 0 : i32
        %dma_wait3A_219 = arith.constant 0 : i32
        %dma_wait3A_220 = tpu.memref_slice %arg6[%dma_wait3A_216, %dma_wait3A_218, %dma_wait3A_219] : memref<2x1x128xi32, #tpu.memory_space<vmem>> -> memref<1x1x128xi32, #tpu.memory_space<vmem>>
        %dma_wait3A_221 = tpu.memref_squeeze %dma_wait3A_220 : memref<1x1x128xi32, #tpu.memory_space<vmem>> -> memref<1x128xi32, #tpu.memory_space<vmem>>
        %dma_wait3A_222 = arith.constant 0 : i32
        %dma_wait3A_223 = arith.constant 0 : i32
        %dma_wait3A_224 = tpu.memref_slice %arg2[%add3A_215, %dma_wait3A_222, %dma_wait3A_223] : memref<2560x1x128xi32, #tpu.memory_space<hbm>> -> memref<1x1x128xi32, #tpu.memory_space<hbm>>
        %dma_wait3A_225 = tpu.memref_squeeze %dma_wait3A_224 : memref<1x1x128xi32, #tpu.memory_space<hbm>> -> memref<1x128xi32, #tpu.memory_space<hbm>>
        %dma_wait3A_226 = tpu.memref_slice %arg10[%dma_wait3A_217] : memref<2x!tpu.dma_semaphore, #tpu.memory_space<semaphore_mem>> -> memref<1x!tpu.dma_semaphore, #tpu.memory_space<semaphore_mem>>
        %dma_wait3A_227 = tpu.memref_squeeze %dma_wait3A_226 : memref<1x!tpu.dma_semaphore, #tpu.memory_space<semaphore_mem>> -> memref<!tpu.dma_semaphore, #tpu.memory_space<semaphore_mem>>
        %dma_wait3A_228 = arith.constant 0 : i32
        %dma_wait3A_229 = arith.constant 0 : i32
        %dma_wait3A_230 = tpu.memref_slice %arg6[%dma_wait3A_216, %dma_wait3A_228, %dma_wait3A_229] : memref<2x1x128xi32, #tpu.memory_space<vmem>> -> memref<1x1x128xi32, #tpu.memory_space<vmem>>
        %dma_wait3A_231 = tpu.memref_squeeze %dma_wait3A_230 : memref<1x1x128xi32, #tpu.memory_space<vmem>> -> memref<1x128xi32, #tpu.memory_space<vmem>>
        %dma_wait3A_232 = arith.constant 0 : i32
        %dma_wait3A_233 = arith.constant 0 : i32
        %dma_wait3A_234 = tpu.memref_slice %arg2[%add3A_215, %dma_wait3A_232, %dma_wait3A_233] : memref<2560x1x128xi32, #tpu.memory_space<hbm>> -> memref<1x1x128xi32, #tpu.memory_space<hbm>>
        %dma_wait3A_235 = tpu.memref_squeeze %dma_wait3A_234 : memref<1x1x128xi32, #tpu.memory_space<hbm>> -> memref<1x128xi32, #tpu.memory_space<hbm>>
        tpu.wait_dma2 semaphore(%dma_wait3A_227 : memref<!tpu.dma_semaphore, #tpu.memory_space<semaphore_mem>>) src(%dma_wait3A_235 : memref<1x128xi32, #tpu.memory_space<hbm>>) dst(%dma_wait3A_231 : memref<1x128xi32, #tpu.memory_space<vmem>>)
        %dma_start3A_236 = arith.constant 1 : i32
        %dma_start3A_237 = arith.constant 0 : i32
        %dma_start3A_238 = arith.constant 1 : i32
        %dma_start3A_239 = arith.constant 1 : i32
        %dma_start3A_240 = arith.constant 0 : i32
        %dma_start3A_241 = arith.constant 0 : i32
        %dma_start3A_242 = tpu.memref_slice %arg8[%dma_start3A_238, %dma_start3A_240, %dma_start3A_241] : memref<2x128x128xf32, #tpu.memory_space<vmem>> -> memref<1x128x128xf32, #tpu.memory_space<vmem>>
        %dma_start3A_243 = tpu.memref_squeeze %dma_start3A_242 : memref<1x128x128xf32, #tpu.memory_space<vmem>> -> memref<128x128xf32, #tpu.memory_space<vmem>>
        %dma_start3A_244 = arith.constant 0 : i32
        %dma_start3A_245 = tpu.memref_slice %arg6[%dma_start3A_236, %dma_start3A_237, %dma_start3A_244] : memref<2x1x128xi32, #tpu.memory_space<vmem>> -> memref<1x1x128xi32, #tpu.memory_space<vmem>>
        %dma_start3A_246 = tpu.memref_squeeze %dma_start3A_245 : memref<1x1x128xi32, #tpu.memory_space<vmem>> -> memref<128xi32, #tpu.memory_space<vmem>>
        %dma_start3A_247 = arith.constant 0 : i32
        %dma_start3A_248 = arith.constant 0 : i32
        %dma_start3A_249 = tpu.memref_slice %arg4[%dma_start3A_247, %dma_start3A_248] : memref<10000x128xf32, #tpu.memory_space<hbm>> -> memref<10000x128xf32, #tpu.memory_space<hbm>>
        %dma_start3A_250 = tpu.memref_slice %arg12[%dma_start3A_239] : memref<2x!tpu.dma_semaphore, #tpu.memory_space<semaphore_mem>> -> memref<1x!tpu.dma_semaphore, #tpu.memory_space<semaphore_mem>>
        %dma_start3A_251 = tpu.memref_squeeze %dma_start3A_250 : memref<1x!tpu.dma_semaphore, #tpu.memory_space<semaphore_mem>> -> memref<!tpu.dma_semaphore, #tpu.memory_space<semaphore_mem>>
        tpu.enqueue_indirect_dma source(%dma_start3A_249 : memref<10000x128xf32, #tpu.memory_space<hbm>>) target(%dma_start3A_243 : memref<128x128xf32, #tpu.memory_space<vmem>>) offsets(%dma_start3A_246 : memref<128xi32, #tpu.memory_space<vmem>>) semaphore(%dma_start3A_251 : memref<!tpu.dma_semaphore, #tpu.memory_space<semaphore_mem>>)
        %dma_wait3A_252 = arith.constant 0 : i32
        %dma_wait3A_253 = arith.constant 0 : i32
        %dma_wait3A_254 = arith.constant 0 : i32
        %dma_wait3A_255 = arith.constant 0 : i32
        %dma_wait3A_256 = arith.constant 0 : i32
        %dma_wait3A_257 = arith.constant 0 : i32
        %dma_wait3A_258 = tpu.memref_slice %arg8[%dma_wait3A_254, %dma_wait3A_256, %dma_wait3A_257] : memref<2x128x128xf32, #tpu.memory_space<vmem>> -> memref<1x128x128xf32, #tpu.memory_space<vmem>>
        %dma_wait3A_259 = tpu.memref_squeeze %dma_wait3A_258 : memref<1x128x128xf32, #tpu.memory_space<vmem>> -> memref<128x128xf32, #tpu.memory_space<vmem>>
        %dma_wait3A_260 = arith.constant 0 : i32
        %dma_wait3A_261 = tpu.memref_slice %arg6[%dma_wait3A_252, %dma_wait3A_253, %dma_wait3A_260] : memref<2x1x128xi32, #tpu.memory_space<vmem>> -> memref<1x1x128xi32, #tpu.memory_space<vmem>>
        %dma_wait3A_262 = tpu.memref_squeeze %dma_wait3A_261 : memref<1x1x128xi32, #tpu.memory_space<vmem>> -> memref<128xi32, #tpu.memory_space<vmem>>
        %dma_wait3A_263 = arith.constant 0 : i32
        %dma_wait3A_264 = arith.constant 0 : i32
        %dma_wait3A_265 = tpu.memref_slice %arg4[%dma_wait3A_263, %dma_wait3A_264] : memref<10000x128xf32, #tpu.memory_space<hbm>> -> memref<10000x128xf32, #tpu.memory_space<hbm>>
        %dma_wait3A_266 = tpu.memref_slice %arg12[%dma_wait3A_255] : memref<2x!tpu.dma_semaphore, #tpu.memory_space<semaphore_mem>> -> memref<1x!tpu.dma_semaphore, #tpu.memory_space<semaphore_mem>>
        %dma_wait3A_267 = tpu.memref_squeeze %dma_wait3A_266 : memref<1x!tpu.dma_semaphore, #tpu.memory_space<semaphore_mem>> -> memref<!tpu.dma_semaphore, #tpu.memory_space<semaphore_mem>>
        tpu.wait_indirect_dma semaphore(%dma_wait3A_267 : memref<!tpu.dma_semaphore, #tpu.memory_space<semaphore_mem>>) src(%dma_wait3A_265 : memref<10000x128xf32, #tpu.memory_space<hbm>>) dst(%dma_wait3A_259 : memref<128x128xf32, #tpu.memory_space<vmem>>)
        %add3A_268 = arith.constant 0 : i32
        %add3A_269 = arith.addi %mul3A_174, %add3A_268 : i32
        %add3A_270 = arith.constant 2 : i32
        %add3A_271 = arith.addi %add3A_269, %add3A_270 : i32
        %lt3A = arith.constant 10 : i32
        %lt3A_272 = arith.cmpi slt, %add3A_271, %lt3A : i32
        %convert_element_type3A_273 = arith.extui %lt3A_272 : i1 to i32
        %cond3A_274 = arith.constant 0 : i32
        %cond3A_275 = arith.cmpi ne, %convert_element_type3A_273, %cond3A_274 : i32
        scf.if %cond3A_275 {
          %add3A_417 = arith.addi %add3A_78, %add3A_271 : i32
          %dma_start3A_418 = arith.constant 0 : i32
          %dma_start3A_419 = arith.constant 0 : i32
          %dma_start3A_420 = arith.constant 0 : i32
          %dma_start3A_421 = arith.constant 0 : i32
          %dma_start3A_422 = tpu.memref_slice %arg6[%dma_start3A_418, %dma_start3A_420, %dma_start3A_421] : memref<2x1x128xi32, #tpu.memory_space<vmem>> -> memref<1x1x128xi32, #tpu.memory_space<vmem>>
          %dma_start3A_423 = tpu.memref_squeeze %dma_start3A_422 : memref<1x1x128xi32, #tpu.memory_space<vmem>> -> memref<1x128xi32, #tpu.memory_space<vmem>>
          %dma_start3A_424 = arith.constant 0 : i32
          %dma_start3A_425 = arith.constant 0 : i32
          %dma_start3A_426 = tpu.memref_slice %arg2[%add3A_417, %dma_start3A_424, %dma_start3A_425] : memref<2560x1x128xi32, #tpu.memory_space<hbm>> -> memref<1x1x128xi32, #tpu.memory_space<hbm>>
          %dma_start3A_427 = tpu.memref_squeeze %dma_start3A_426 : memref<1x1x128xi32, #tpu.memory_space<hbm>> -> memref<1x128xi32, #tpu.memory_space<hbm>>
          %dma_start3A_428 = tpu.memref_slice %arg10[%dma_start3A_419] : memref<2x!tpu.dma_semaphore, #tpu.memory_space<semaphore_mem>> -> memref<1x!tpu.dma_semaphore, #tpu.memory_space<semaphore_mem>>
          %dma_start3A_429 = tpu.memref_squeeze %dma_start3A_428 : memref<1x!tpu.dma_semaphore, #tpu.memory_space<semaphore_mem>> -> memref<!tpu.dma_semaphore, #tpu.memory_space<semaphore_mem>>
          %dma_start3A_430 = arith.constant 0 : i32
          %dma_start3A_431 = arith.constant 0 : i32
          %dma_start3A_432 = tpu.memref_slice %arg6[%dma_start3A_418, %dma_start3A_430, %dma_start3A_431] : memref<2x1x128xi32, #tpu.memory_space<vmem>> -> memref<1x1x128xi32, #tpu.memory_space<vmem>>
          %dma_start3A_433 = tpu.memref_squeeze %dma_start3A_432 : memref<1x1x128xi32, #tpu.memory_space<vmem>> -> memref<1x128xi32, #tpu.memory_space<vmem>>
          %dma_start3A_434 = arith.constant 0 : i32
          %dma_start3A_435 = arith.constant 0 : i32
          %dma_start3A_436 = tpu.memref_slice %arg2[%add3A_417, %dma_start3A_434, %dma_start3A_435] : memref<2560x1x128xi32, #tpu.memory_space<hbm>> -> memref<1x1x128xi32, #tpu.memory_space<hbm>>
          %dma_start3A_437 = tpu.memref_squeeze %dma_start3A_436 : memref<1x1x128xi32, #tpu.memory_space<hbm>> -> memref<1x128xi32, #tpu.memory_space<hbm>>
          tpu.enqueue_dma source(%dma_start3A_437 : memref<1x128xi32, #tpu.memory_space<hbm>>) target(%dma_start3A_433 : memref<1x128xi32, #tpu.memory_space<vmem>>) target_semaphore(%dma_start3A_429 : memref<!tpu.dma_semaphore, #tpu.memory_space<semaphore_mem>>)
        } else {
        }
        %add3A_276 = arith.addi %add3A_78, %mul3A_174 : i32
        %add3A_277 = arith.constant 0 : i32
        %add3A_278 = arith.addi %add3A_276, %add3A_277 : i32
        %dma_wait3A_279 = arith.constant 0 : i32
        %dma_wait3A_280 = arith.constant 0 : i32
        %dma_wait3A_281 = arith.constant 0 : i32
        %dma_wait3A_282 = arith.constant 0 : i32
        %dma_wait3A_283 = tpu.memref_slice %arg7[%dma_wait3A_279, %dma_wait3A_281, %dma_wait3A_282] : memref<2x1x128xi32, #tpu.memory_space<vmem>> -> memref<1x1x128xi32, #tpu.memory_space<vmem>>
        %dma_wait3A_284 = tpu.memref_squeeze %dma_wait3A_283 : memref<1x1x128xi32, #tpu.memory_space<vmem>> -> memref<1x128xi32, #tpu.memory_space<vmem>>
        %dma_wait3A_285 = arith.constant 0 : i32
        %dma_wait3A_286 = arith.constant 0 : i32
        %dma_wait3A_287 = tpu.memref_slice %arg3[%add3A_278, %dma_wait3A_285, %dma_wait3A_286] : memref<2560x1x128xi32, #tpu.memory_space<hbm>> -> memref<1x1x128xi32, #tpu.memory_space<hbm>>
        %dma_wait3A_288 = tpu.memref_squeeze %dma_wait3A_287 : memref<1x1x128xi32, #tpu.memory_space<hbm>> -> memref<1x128xi32, #tpu.memory_space<hbm>>
        %dma_wait3A_289 = tpu.memref_slice %arg11[%dma_wait3A_280] : memref<2x!tpu.dma_semaphore, #tpu.memory_space<semaphore_mem>> -> memref<1x!tpu.dma_semaphore, #tpu.memory_space<semaphore_mem>>
        %dma_wait3A_290 = tpu.memref_squeeze %dma_wait3A_289 : memref<1x!tpu.dma_semaphore, #tpu.memory_space<semaphore_mem>> -> memref<!tpu.dma_semaphore, #tpu.memory_space<semaphore_mem>>
        %dma_wait3A_291 = arith.constant 0 : i32
        %dma_wait3A_292 = arith.constant 0 : i32
        %dma_wait3A_293 = tpu.memref_slice %arg7[%dma_wait3A_279, %dma_wait3A_291, %dma_wait3A_292] : memref<2x1x128xi32, #tpu.memory_space<vmem>> -> memref<1x1x128xi32, #tpu.memory_space<vmem>>
        %dma_wait3A_294 = tpu.memref_squeeze %dma_wait3A_293 : memref<1x1x128xi32, #tpu.memory_space<vmem>> -> memref<1x128xi32, #tpu.memory_space<vmem>>
        %dma_wait3A_295 = arith.constant 0 : i32
        %dma_wait3A_296 = arith.constant 0 : i32
        %dma_wait3A_297 = tpu.memref_slice %arg3[%add3A_278, %dma_wait3A_295, %dma_wait3A_296] : memref<2560x1x128xi32, #tpu.memory_space<hbm>> -> memref<1x1x128xi32, #tpu.memory_space<hbm>>
        %dma_wait3A_298 = tpu.memref_squeeze %dma_wait3A_297 : memref<1x1x128xi32, #tpu.memory_space<hbm>> -> memref<1x128xi32, #tpu.memory_space<hbm>>
        tpu.wait_dma2 semaphore(%dma_wait3A_290 : memref<!tpu.dma_semaphore, #tpu.memory_space<semaphore_mem>>) src(%dma_wait3A_298 : memref<1x128xi32, #tpu.memory_space<hbm>>) dst(%dma_wait3A_294 : memref<1x128xi32, #tpu.memory_space<vmem>>)
        %dma_start3A_299 = arith.constant 0 : i32
        %dma_start3A_300 = arith.constant 0 : i32
        %dma_start3A_301 = arith.constant 0 : i32
        %dma_start3A_302 = arith.constant 0 : i32
        %dma_start3A_303 = arith.constant 0 : i32
        %dma_start3A_304 = tpu.memref_slice %arg8[%dma_start3A_299, %dma_start3A_302, %dma_start3A_303] : memref<2x128x128xf32, #tpu.memory_space<vmem>> -> memref<1x128x128xf32, #tpu.memory_space<vmem>>
        %dma_start3A_305 = tpu.memref_squeeze %dma_start3A_304 : memref<1x128x128xf32, #tpu.memory_space<vmem>> -> memref<128x128xf32, #tpu.memory_space<vmem>>
        %dma_start3A_306 = arith.constant 0 : i32
        %dma_start3A_307 = tpu.memref_slice %arg7[%dma_start3A_300, %dma_start3A_301, %dma_start3A_306] : memref<2x1x128xi32, #tpu.memory_space<vmem>> -> memref<1x1x128xi32, #tpu.memory_space<vmem>>
        %dma_start3A_308 = tpu.memref_squeeze %dma_start3A_307 : memref<1x1x128xi32, #tpu.memory_space<vmem>> -> memref<128xi32, #tpu.memory_space<vmem>>
        %dma_start3A_309 = arith.constant 0 : i32
        %dma_start3A_310 = arith.constant 0 : i32
        %dma_start3A_311 = tpu.memref_slice %arg9[%dma_start3A_309, %dma_start3A_310] : memref<10240x128xf32, #tpu.memory_space<vmem_shared>> -> memref<10240x128xf32, #tpu.memory_space<vmem_shared>>
        tpu.enqueue_indirect_dma source(%dma_start3A_305 : memref<128x128xf32, #tpu.memory_space<vmem>>) target(%dma_start3A_311 : memref<10240x128xf32, #tpu.memory_space<vmem_shared>>) offsets(%dma_start3A_308 : memref<128xi32, #tpu.memory_space<vmem>>) semaphore(%arg13 : memref<!tpu.dma_semaphore, #tpu.memory_space<semaphore_mem>>) {add = true}
        %dma_wait3A_312 = arith.constant 1 : i32
        %dma_wait3A_313 = arith.constant 0 : i32
        %dma_wait3A_314 = arith.constant 1 : i32
        %dma_wait3A_315 = arith.constant 1 : i32
        %dma_wait3A_316 = arith.constant 0 : i32
        %dma_wait3A_317 = arith.constant 0 : i32
        %dma_wait3A_318 = tpu.memref_slice %arg8[%dma_wait3A_314, %dma_wait3A_316, %dma_wait3A_317] : memref<2x128x128xf32, #tpu.memory_space<vmem>> -> memref<1x128x128xf32, #tpu.memory_space<vmem>>
        %dma_wait3A_319 = tpu.memref_squeeze %dma_wait3A_318 : memref<1x128x128xf32, #tpu.memory_space<vmem>> -> memref<128x128xf32, #tpu.memory_space<vmem>>
        %dma_wait3A_320 = arith.constant 0 : i32
        %dma_wait3A_321 = tpu.memref_slice %arg6[%dma_wait3A_312, %dma_wait3A_313, %dma_wait3A_320] : memref<2x1x128xi32, #tpu.memory_space<vmem>> -> memref<1x1x128xi32, #tpu.memory_space<vmem>>
        %dma_wait3A_322 = tpu.memref_squeeze %dma_wait3A_321 : memref<1x1x128xi32, #tpu.memory_space<vmem>> -> memref<128xi32, #tpu.memory_space<vmem>>
        %dma_wait3A_323 = arith.constant 0 : i32
        %dma_wait3A_324 = arith.constant 0 : i32
        %dma_wait3A_325 = tpu.memref_slice %arg4[%dma_wait3A_323, %dma_wait3A_324] : memref<10000x128xf32, #tpu.memory_space<hbm>> -> memref<10000x128xf32, #tpu.memory_space<hbm>>
        %dma_wait3A_326 = tpu.memref_slice %arg12[%dma_wait3A_315] : memref<2x!tpu.dma_semaphore, #tpu.memory_space<semaphore_mem>> -> memref<1x!tpu.dma_semaphore, #tpu.memory_space<semaphore_mem>>
        %dma_wait3A_327 = tpu.memref_squeeze %dma_wait3A_326 : memref<1x!tpu.dma_semaphore, #tpu.memory_space<semaphore_mem>> -> memref<!tpu.dma_semaphore, #tpu.memory_space<semaphore_mem>>
        tpu.wait_indirect_dma semaphore(%dma_wait3A_327 : memref<!tpu.dma_semaphore, #tpu.memory_space<semaphore_mem>>) src(%dma_wait3A_325 : memref<10000x128xf32, #tpu.memory_space<hbm>>) dst(%dma_wait3A_319 : memref<128x128xf32, #tpu.memory_space<vmem>>)
        %add3A_328 = arith.constant 1 : i32
        %add3A_329 = arith.addi %mul3A_174, %add3A_328 : i32
        %add3A_330 = arith.constant 2 : i32
        %add3A_331 = arith.addi %add3A_329, %add3A_330 : i32
        %lt3A_332 = arith.constant 10 : i32
        %lt3A_333 = arith.cmpi slt, %add3A_331, %lt3A_332 : i32
        %convert_element_type3A_334 = arith.extui %lt3A_333 : i1 to i32
        %cond3A_335 = arith.constant 0 : i32
        %cond3A_336 = arith.cmpi ne, %convert_element_type3A_334, %cond3A_335 : i32
        scf.if %cond3A_336 {
          %add3A_417 = arith.addi %add3A_78, %add3A_331 : i32
          %dma_start3A_418 = arith.constant 1 : i32
          %dma_start3A_419 = arith.constant 1 : i32
          %dma_start3A_420 = arith.constant 0 : i32
          %dma_start3A_421 = arith.constant 0 : i32
          %dma_start3A_422 = tpu.memref_slice %arg6[%dma_start3A_418, %dma_start3A_420, %dma_start3A_421] : memref<2x1x128xi32, #tpu.memory_space<vmem>> -> memref<1x1x128xi32, #tpu.memory_space<vmem>>
          %dma_start3A_423 = tpu.memref_squeeze %dma_start3A_422 : memref<1x1x128xi32, #tpu.memory_space<vmem>> -> memref<1x128xi32, #tpu.memory_space<vmem>>
          %dma_start3A_424 = arith.constant 0 : i32
          %dma_start3A_425 = arith.constant 0 : i32
          %dma_start3A_426 = tpu.memref_slice %arg2[%add3A_417, %dma_start3A_424, %dma_start3A_425] : memref<2560x1x128xi32, #tpu.memory_space<hbm>> -> memref<1x1x128xi32, #tpu.memory_space<hbm>>
          %dma_start3A_427 = tpu.memref_squeeze %dma_start3A_426 : memref<1x1x128xi32, #tpu.memory_space<hbm>> -> memref<1x128xi32, #tpu.memory_space<hbm>>
          %dma_start3A_428 = tpu.memref_slice %arg10[%dma_start3A_419] : memref<2x!tpu.dma_semaphore, #tpu.memory_space<semaphore_mem>> -> memref<1x!tpu.dma_semaphore, #tpu.memory_space<semaphore_mem>>
          %dma_start3A_429 = tpu.memref_squeeze %dma_start3A_428 : memref<1x!tpu.dma_semaphore, #tpu.memory_space<semaphore_mem>> -> memref<!tpu.dma_semaphore, #tpu.memory_space<semaphore_mem>>
          %dma_start3A_430 = arith.constant 0 : i32
          %dma_start3A_431 = arith.constant 0 : i32
          %dma_start3A_432 = tpu.memref_slice %arg6[%dma_start3A_418, %dma_start3A_430, %dma_start3A_431] : memref<2x1x128xi32, #tpu.memory_space<vmem>> -> memref<1x1x128xi32, #tpu.memory_space<vmem>>
          %dma_start3A_433 = tpu.memref_squeeze %dma_start3A_432 : memref<1x1x128xi32, #tpu.memory_space<vmem>> -> memref<1x128xi32, #tpu.memory_space<vmem>>
          %dma_start3A_434 = arith.constant 0 : i32
          %dma_start3A_435 = arith.constant 0 : i32
          %dma_start3A_436 = tpu.memref_slice %arg2[%add3A_417, %dma_start3A_434, %dma_start3A_435] : memref<2560x1x128xi32, #tpu.memory_space<hbm>> -> memref<1x1x128xi32, #tpu.memory_space<hbm>>
          %dma_start3A_437 = tpu.memref_squeeze %dma_start3A_436 : memref<1x1x128xi32, #tpu.memory_space<hbm>> -> memref<1x128xi32, #tpu.memory_space<hbm>>
          tpu.enqueue_dma source(%dma_start3A_437 : memref<1x128xi32, #tpu.memory_space<hbm>>) target(%dma_start3A_433 : memref<1x128xi32, #tpu.memory_space<vmem>>) target_semaphore(%dma_start3A_429 : memref<!tpu.dma_semaphore, #tpu.memory_space<semaphore_mem>>)
        } else {
        }
        %add3A_337 = arith.addi %add3A_78, %mul3A_174 : i32
        %add3A_338 = arith.constant 1 : i32
        %add3A_339 = arith.addi %add3A_337, %add3A_338 : i32
        %dma_wait3A_340 = arith.constant 1 : i32
        %dma_wait3A_341 = arith.constant 1 : i32
        %dma_wait3A_342 = arith.constant 0 : i32
        %dma_wait3A_343 = arith.constant 0 : i32
        %dma_wait3A_344 = tpu.memref_slice %arg7[%dma_wait3A_340, %dma_wait3A_342, %dma_wait3A_343] : memref<2x1x128xi32, #tpu.memory_space<vmem>> -> memref<1x1x128xi32, #tpu.memory_space<vmem>>
        %dma_wait3A_345 = tpu.memref_squeeze %dma_wait3A_344 : memref<1x1x128xi32, #tpu.memory_space<vmem>> -> memref<1x128xi32, #tpu.memory_space<vmem>>
        %dma_wait3A_346 = arith.constant 0 : i32
        %dma_wait3A_347 = arith.constant 0 : i32
        %dma_wait3A_348 = tpu.memref_slice %arg3[%add3A_339, %dma_wait3A_346, %dma_wait3A_347] : memref<2560x1x128xi32, #tpu.memory_space<hbm>> -> memref<1x1x128xi32, #tpu.memory_space<hbm>>
        %dma_wait3A_349 = tpu.memref_squeeze %dma_wait3A_348 : memref<1x1x128xi32, #tpu.memory_space<hbm>> -> memref<1x128xi32, #tpu.memory_space<hbm>>
        %dma_wait3A_350 = tpu.memref_slice %arg11[%dma_wait3A_341] : memref<2x!tpu.dma_semaphore, #tpu.memory_space<semaphore_mem>> -> memref<1x!tpu.dma_semaphore, #tpu.memory_space<semaphore_mem>>
        %dma_wait3A_351 = tpu.memref_squeeze %dma_wait3A_350 : memref<1x!tpu.dma_semaphore, #tpu.memory_space<semaphore_mem>> -> memref<!tpu.dma_semaphore, #tpu.memory_space<semaphore_mem>>
        %dma_wait3A_352 = arith.constant 0 : i32
        %dma_wait3A_353 = arith.constant 0 : i32
        %dma_wait3A_354 = tpu.memref_slice %arg7[%dma_wait3A_340, %dma_wait3A_352, %dma_wait3A_353] : memref<2x1x128xi32, #tpu.memory_space<vmem>> -> memref<1x1x128xi32, #tpu.memory_space<vmem>>
        %dma_wait3A_355 = tpu.memref_squeeze %dma_wait3A_354 : memref<1x1x128xi32, #tpu.memory_space<vmem>> -> memref<1x128xi32, #tpu.memory_space<vmem>>
        %dma_wait3A_356 = arith.constant 0 : i32
        %dma_wait3A_357 = arith.constant 0 : i32
        %dma_wait3A_358 = tpu.memref_slice %arg3[%add3A_339, %dma_wait3A_356, %dma_wait3A_357] : memref<2560x1x128xi32, #tpu.memory_space<hbm>> -> memref<1x1x128xi32, #tpu.memory_space<hbm>>
        %dma_wait3A_359 = tpu.memref_squeeze %dma_wait3A_358 : memref<1x1x128xi32, #tpu.memory_space<hbm>> -> memref<1x128xi32, #tpu.memory_space<hbm>>
        tpu.wait_dma2 semaphore(%dma_wait3A_351 : memref<!tpu.dma_semaphore, #tpu.memory_space<semaphore_mem>>) src(%dma_wait3A_359 : memref<1x128xi32, #tpu.memory_space<hbm>>) dst(%dma_wait3A_355 : memref<1x128xi32, #tpu.memory_space<vmem>>)
        %dma_start3A_360 = arith.constant 1 : i32
        %dma_start3A_361 = arith.constant 1 : i32
        %dma_start3A_362 = arith.constant 0 : i32
        %dma_start3A_363 = arith.constant 0 : i32
        %dma_start3A_364 = arith.constant 0 : i32
        %dma_start3A_365 = tpu.memref_slice %arg8[%dma_start3A_360, %dma_start3A_363, %dma_start3A_364] : memref<2x128x128xf32, #tpu.memory_space<vmem>> -> memref<1x128x128xf32, #tpu.memory_space<vmem>>
        %dma_start3A_366 = tpu.memref_squeeze %dma_start3A_365 : memref<1x128x128xf32, #tpu.memory_space<vmem>> -> memref<128x128xf32, #tpu.memory_space<vmem>>
        %dma_start3A_367 = arith.constant 0 : i32
        %dma_start3A_368 = tpu.memref_slice %arg7[%dma_start3A_361, %dma_start3A_362, %dma_start3A_367] : memref<2x1x128xi32, #tpu.memory_space<vmem>> -> memref<1x1x128xi32, #tpu.memory_space<vmem>>
        %dma_start3A_369 = tpu.memref_squeeze %dma_start3A_368 : memref<1x1x128xi32, #tpu.memory_space<vmem>> -> memref<128xi32, #tpu.memory_space<vmem>>
        %dma_start3A_370 = arith.constant 0 : i32
        %dma_start3A_371 = arith.constant 0 : i32
        %dma_start3A_372 = tpu.memref_slice %arg9[%dma_start3A_370, %dma_start3A_371] : memref<10240x128xf32, #tpu.memory_space<vmem_shared>> -> memref<10240x128xf32, #tpu.memory_space<vmem_shared>>
        tpu.enqueue_indirect_dma source(%dma_start3A_366 : memref<128x128xf32, #tpu.memory_space<vmem>>) target(%dma_start3A_372 : memref<10240x128xf32, #tpu.memory_space<vmem_shared>>) offsets(%dma_start3A_369 : memref<128xi32, #tpu.memory_space<vmem>>) semaphore(%arg13 : memref<!tpu.dma_semaphore, #tpu.memory_space<semaphore_mem>>) {add = true}
        %dma_wait3A_373 = arith.constant 0 : i32
        %dma_wait3A_374 = arith.constant 0 : i32
        %dma_wait3A_375 = arith.constant 0 : i32
        %dma_wait3A_376 = arith.constant 0 : i32
        %dma_wait3A_377 = arith.constant 0 : i32
        %dma_wait3A_378 = tpu.memref_slice %arg8[%dma_wait3A_373, %dma_wait3A_376, %dma_wait3A_377] : memref<2x128x128xf32, #tpu.memory_space<vmem>> -> memref<1x128x128xf32, #tpu.memory_space<vmem>>
        %dma_wait3A_379 = tpu.memref_squeeze %dma_wait3A_378 : memref<1x128x128xf32, #tpu.memory_space<vmem>> -> memref<128x128xf32, #tpu.memory_space<vmem>>
        %dma_wait3A_380 = arith.constant 0 : i32
        %dma_wait3A_381 = tpu.memref_slice %arg7[%dma_wait3A_374, %dma_wait3A_375, %dma_wait3A_380] : memref<2x1x128xi32, #tpu.memory_space<vmem>> -> memref<1x1x128xi32, #tpu.memory_space<vmem>>
        %dma_wait3A_382 = tpu.memref_squeeze %dma_wait3A_381 : memref<1x1x128xi32, #tpu.memory_space<vmem>> -> memref<128xi32, #tpu.memory_space<vmem>>
        %dma_wait3A_383 = arith.constant 0 : i32
        %dma_wait3A_384 = arith.constant 0 : i32
        %dma_wait3A_385 = tpu.memref_slice %arg9[%dma_wait3A_383, %dma_wait3A_384] : memref<10240x128xf32, #tpu.memory_space<vmem_shared>> -> memref<10240x128xf32, #tpu.memory_space<vmem_shared>>
        tpu.wait_indirect_dma semaphore(%arg13 : memref<!tpu.dma_semaphore, #tpu.memory_space<semaphore_mem>>) src(%dma_wait3A_379 : memref<128x128xf32, #tpu.memory_space<vmem>>) dst(%dma_wait3A_385 : memref<10240x128xf32, #tpu.memory_space<vmem_shared>>)
        %dma_wait3A_386 = arith.constant 1 : i32
        %dma_wait3A_387 = arith.constant 1 : i32
        %dma_wait3A_388 = arith.constant 0 : i32
        %dma_wait3A_389 = arith.constant 0 : i32
        %dma_wait3A_390 = arith.constant 0 : i32
        %dma_wait3A_391 = tpu.memref_slice %arg8[%dma_wait3A_386, %dma_wait3A_389, %dma_wait3A_390] : memref<2x128x128xf32, #tpu.memory_space<vmem>> -> memref<1x128x128xf32, #tpu.memory_space<vmem>>
        %dma_wait3A_392 = tpu.memref_squeeze %dma_wait3A_391 : memref<1x128x128xf32, #tpu.memory_space<vmem>> -> memref<128x128xf32, #tpu.memory_space<vmem>>
        %dma_wait3A_393 = arith.constant 0 : i32
        %dma_wait3A_394 = tpu.memref_slice %arg7[%dma_wait3A_387, %dma_wait3A_388, %dma_wait3A_393] : memref<2x1x128xi32, #tpu.memory_space<vmem>> -> memref<1x1x128xi32, #tpu.memory_space<vmem>>
        %dma_wait3A_395 = tpu.memref_squeeze %dma_wait3A_394 : memref<1x1x128xi32, #tpu.memory_space<vmem>> -> memref<128xi32, #tpu.memory_space<vmem>>
        %dma_wait3A_396 = arith.constant 0 : i32
        %dma_wait3A_397 = arith.constant 0 : i32
        %dma_wait3A_398 = tpu.memref_slice %arg9[%dma_wait3A_396, %dma_wait3A_397] : memref<10240x128xf32, #tpu.memory_space<vmem_shared>> -> memref<10240x128xf32, #tpu.memory_space<vmem_shared>>
        tpu.wait_indirect_dma semaphore(%arg13 : memref<!tpu.dma_semaphore, #tpu.memory_space<semaphore_mem>>) src(%dma_wait3A_392 : memref<128x128xf32, #tpu.memory_space<vmem>>) dst(%dma_wait3A_398 : memref<10240x128xf32, #tpu.memory_space<vmem_shared>>)
        %add3A_399 = arith.constant 0 : i32
        %add3A_400 = arith.addi %mul3A_174, %add3A_399 : i32
        %add3A_401 = arith.constant 2 : i32
        %add3A_402 = arith.addi %add3A_400, %add3A_401 : i32
        %lt3A_403 = arith.constant 10 : i32
        %lt3A_404 = arith.cmpi slt, %add3A_402, %lt3A_403 : i32
        %convert_element_type3A_405 = arith.extui %lt3A_404 : i1 to i32
        %cond3A_406 = arith.constant 0 : i32
        %cond3A_407 = arith.cmpi ne, %convert_element_type3A_405, %cond3A_406 : i32
        scf.if %cond3A_407 {
          %add3A_417 = arith.addi %add3A_78, %add3A_402 : i32
          %dma_start3A_418 = arith.constant 0 : i32
          %dma_start3A_419 = arith.constant 0 : i32
          %dma_start3A_420 = arith.constant 0 : i32
          %dma_start3A_421 = arith.constant 0 : i32
          %dma_start3A_422 = tpu.memref_slice %arg7[%dma_start3A_418, %dma_start3A_420, %dma_start3A_421] : memref<2x1x128xi32, #tpu.memory_space<vmem>> -> memref<1x1x128xi32, #tpu.memory_space<vmem>>
          %dma_start3A_423 = tpu.memref_squeeze %dma_start3A_422 : memref<1x1x128xi32, #tpu.memory_space<vmem>> -> memref<1x128xi32, #tpu.memory_space<vmem>>
          %dma_start3A_424 = arith.constant 0 : i32
          %dma_start3A_425 = arith.constant 0 : i32
          %dma_start3A_426 = tpu.memref_slice %arg3[%add3A_417, %dma_start3A_424, %dma_start3A_425] : memref<2560x1x128xi32, #tpu.memory_space<hbm>> -> memref<1x1x128xi32, #tpu.memory_space<hbm>>
          %dma_start3A_427 = tpu.memref_squeeze %dma_start3A_426 : memref<1x1x128xi32, #tpu.memory_space<hbm>> -> memref<1x128xi32, #tpu.memory_space<hbm>>
          %dma_start3A_428 = tpu.memref_slice %arg11[%dma_start3A_419] : memref<2x!tpu.dma_semaphore, #tpu.memory_space<semaphore_mem>> -> memref<1x!tpu.dma_semaphore, #tpu.memory_space<semaphore_mem>>
          %dma_start3A_429 = tpu.memref_squeeze %dma_start3A_428 : memref<1x!tpu.dma_semaphore, #tpu.memory_space<semaphore_mem>> -> memref<!tpu.dma_semaphore, #tpu.memory_space<semaphore_mem>>
          %dma_start3A_430 = arith.constant 0 : i32
          %dma_start3A_431 = arith.constant 0 : i32
          %dma_start3A_432 = tpu.memref_slice %arg7[%dma_start3A_418, %dma_start3A_430, %dma_start3A_431] : memref<2x1x128xi32, #tpu.memory_space<vmem>> -> memref<1x1x128xi32, #tpu.memory_space<vmem>>
          %dma_start3A_433 = tpu.memref_squeeze %dma_start3A_432 : memref<1x1x128xi32, #tpu.memory_space<vmem>> -> memref<1x128xi32, #tpu.memory_space<vmem>>
          %dma_start3A_434 = arith.constant 0 : i32
          %dma_start3A_435 = arith.constant 0 : i32
          %dma_start3A_436 = tpu.memref_slice %arg3[%add3A_417, %dma_start3A_434, %dma_start3A_435] : memref<2560x1x128xi32, #tpu.memory_space<hbm>> -> memref<1x1x128xi32, #tpu.memory_space<hbm>>
          %dma_start3A_437 = tpu.memref_squeeze %dma_start3A_436 : memref<1x1x128xi32, #tpu.memory_space<hbm>> -> memref<1x128xi32, #tpu.memory_space<hbm>>
          tpu.enqueue_dma source(%dma_start3A_437 : memref<1x128xi32, #tpu.memory_space<hbm>>) target(%dma_start3A_433 : memref<1x128xi32, #tpu.memory_space<vmem>>) target_semaphore(%dma_start3A_429 : memref<!tpu.dma_semaphore, #tpu.memory_space<semaphore_mem>>)
        } else {
        }
        %add3A_408 = arith.constant 1 : i32
        %add3A_409 = arith.addi %mul3A_174, %add3A_408 : i32
        %add3A_410 = arith.constant 2 : i32
        %add3A_411 = arith.addi %add3A_409, %add3A_410 : i32
        %lt3A_412 = arith.constant 10 : i32
        %lt3A_413 = arith.cmpi slt, %add3A_411, %lt3A_412 : i32
        %convert_element_type3A_414 = arith.extui %lt3A_413 : i1 to i32
        %cond3A_415 = arith.constant 0 : i32
        %cond3A_416 = arith.cmpi ne, %convert_element_type3A_414, %cond3A_415 : i32
        scf.if %cond3A_416 {
          %add3A_417 = arith.addi %add3A_78, %add3A_411 : i32
          %dma_start3A_418 = arith.constant 1 : i32
          %dma_start3A_419 = arith.constant 1 : i32
          %dma_start3A_420 = arith.constant 0 : i32
          %dma_start3A_421 = arith.constant 0 : i32
          %dma_start3A_422 = tpu.memref_slice %arg7[%dma_start3A_418, %dma_start3A_420, %dma_start3A_421] : memref<2x1x128xi32, #tpu.memory_space<vmem>> -> memref<1x1x128xi32, #tpu.memory_space<vmem>>
          %dma_start3A_423 = tpu.memref_squeeze %dma_start3A_422 : memref<1x1x128xi32, #tpu.memory_space<vmem>> -> memref<1x128xi32, #tpu.memory_space<vmem>>
          %dma_start3A_424 = arith.constant 0 : i32
          %dma_start3A_425 = arith.constant 0 : i32
          %dma_start3A_426 = tpu.memref_slice %arg3[%add3A_417, %dma_start3A_424, %dma_start3A_425] : memref<2560x1x128xi32, #tpu.memory_space<hbm>> -> memref<1x1x128xi32, #tpu.memory_space<hbm>>
          %dma_start3A_427 = tpu.memref_squeeze %dma_start3A_426 : memref<1x1x128xi32, #tpu.memory_space<hbm>> -> memref<1x128xi32, #tpu.memory_space<hbm>>
          %dma_start3A_428 = tpu.memref_slice %arg11[%dma_start3A_419] : memref<2x!tpu.dma_semaphore, #tpu.memory_space<semaphore_mem>> -> memref<1x!tpu.dma_semaphore, #tpu.memory_space<semaphore_mem>>
          %dma_start3A_429 = tpu.memref_squeeze %dma_start3A_428 : memref<1x!tpu.dma_semaphore, #tpu.memory_space<semaphore_mem>> -> memref<!tpu.dma_semaphore, #tpu.memory_space<semaphore_mem>>
          %dma_start3A_430 = arith.constant 0 : i32
          %dma_start3A_431 = arith.constant 0 : i32
          %dma_start3A_432 = tpu.memref_slice %arg7[%dma_start3A_418, %dma_start3A_430, %dma_start3A_431] : memref<2x1x128xi32, #tpu.memory_space<vmem>> -> memref<1x1x128xi32, #tpu.memory_space<vmem>>
          %dma_start3A_433 = tpu.memref_squeeze %dma_start3A_432 : memref<1x1x128xi32, #tpu.memory_space<vmem>> -> memref<1x128xi32, #tpu.memory_space<vmem>>
          %dma_start3A_434 = arith.constant 0 : i32
          %dma_start3A_435 = arith.constant 0 : i32
          %dma_start3A_436 = tpu.memref_slice %arg3[%add3A_417, %dma_start3A_434, %dma_start3A_435] : memref<2560x1x128xi32, #tpu.memory_space<hbm>> -> memref<1x1x128xi32, #tpu.memory_space<hbm>>
          %dma_start3A_437 = tpu.memref_squeeze %dma_start3A_436 : memref<1x1x128xi32, #tpu.memory_space<hbm>> -> memref<1x128xi32, #tpu.memory_space<hbm>>
          tpu.enqueue_dma source(%dma_start3A_437 : memref<1x128xi32, #tpu.memory_space<hbm>>) target(%dma_start3A_433 : memref<1x128xi32, #tpu.memory_space<vmem>>) target_semaphore(%dma_start3A_429 : memref<!tpu.dma_semaphore, #tpu.memory_space<semaphore_mem>>)
        } else {
        }
      }
      %scan3A_171 = arith.constant 5 : i32
    } else {
    }
    %barrier3A_34 = arith.constant 0 : index
    tpu.barrier barrier_id(%barrier3A_34)
    %mul3A_35 = arith.constant 640 : i32
    %mul3A_36 = arith.muli %arg1, %mul3A_35 : i32
    %add3A_37 = arith.constant 0 : i32
    %add3A_38 = arith.addi %mul3A_36, %add3A_37 : i32
    %mul3A_39 = arith.constant 640 : i32
    %mul3A_40 = arith.muli %arg1, %mul3A_39 : i32
    %add3A_41 = arith.constant 0 : i32
    %add3A_42 = arith.addi %mul3A_40, %add3A_41 : i32
    "tpu.region"() ({
      %run_scoped3A_75 = tpu.sem_alloc : memref<!tpu.dma_semaphore, #tpu.memory_space<semaphore_mem>>
      %dma_start3A = arith.constant 0 : i32
      %dma_start3A_76 = tpu.memref_slice %arg5[%arg0, %add3A_42, %dma_start3A] : memref<2x10240x128xf32, #tpu.memory_space<hbm>> -> memref<1x128x128xf32, #tpu.memory_space<hbm>>
      %dma_start3A_77 = tpu.memref_squeeze %dma_start3A_76 : memref<1x128x128xf32, #tpu.memory_space<hbm>> -> memref<128x128xf32, #tpu.memory_space<hbm>>
      %dma_start3A_78 = arith.constant 0 : i32
      %dma_start3A_79 = tpu.memref_slice %arg9[%add3A_38, %dma_start3A_78] : memref<10240x128xf32, #tpu.memory_space<vmem_shared>> -> memref<128x128xf32, #tpu.memory_space<vmem_shared>>
      tpu.enqueue_dma source(%dma_start3A_79 : memref<128x128xf32, #tpu.memory_space<vmem_shared>>) target(%dma_start3A_77 : memref<128x128xf32, #tpu.memory_space<hbm>>) target_semaphore(%run_scoped3A_75 : memref<!tpu.dma_semaphore, #tpu.memory_space<semaphore_mem>>)
      %dma_wait3A = arith.constant 0 : i32
      %dma_wait3A_80 = tpu.memref_slice %arg5[%arg0, %add3A_42, %dma_wait3A] : memref<2x10240x128xf32, #tpu.memory_space<hbm>> -> memref<1x128x128xf32, #tpu.memory_space<hbm>>
      %dma_wait3A_81 = tpu.memref_squeeze %dma_wait3A_80 : memref<1x128x128xf32, #tpu.memory_space<hbm>> -> memref<128x128xf32, #tpu.memory_space<hbm>>
      %dma_wait3A_82 = arith.constant 0 : i32
      %dma_wait3A_83 = tpu.memref_slice %arg9[%add3A_38, %dma_wait3A_82] : memref<10240x128xf32, #tpu.memory_space<vmem_shared>> -> memref<128x128xf32, #tpu.memory_space<vmem_shared>>
      tpu.wait_dma2 semaphore(%run_scoped3A_75 : memref<!tpu.dma_semaphore, #tpu.memory_space<semaphore_mem>>) src(%dma_wait3A_83 : memref<128x128xf32, #tpu.memory_space<vmem_shared>>) dst(%dma_wait3A_81 : memref<128x128xf32, #tpu.memory_space<hbm>>)
      tpu.yield
    }) : () -> ()
    %mul3A_43 = arith.constant 640 : i32
    %mul3A_44 = arith.muli %arg1, %mul3A_43 : i32
    %add3A_45 = arith.constant 128 : i32
    %add3A_46 = arith.addi %mul3A_44, %add3A_45 : i32
    %mul3A_47 = arith.constant 640 : i32
    %mul3A_48 = arith.muli %arg1, %mul3A_47 : i32
    %add3A_49 = arith.constant 128 : i32
    %add3A_50 = arith.addi %mul3A_48, %add3A_49 : i32
    "tpu.region"() ({
      %run_scoped3A_75 = tpu.sem_alloc : memref<!tpu.dma_semaphore, #tpu.memory_space<semaphore_mem>>
      %dma_start3A = arith.constant 0 : i32
      %dma_start3A_76 = tpu.memref_slice %arg5[%arg0, %add3A_50, %dma_start3A] : memref<2x10240x128xf32, #tpu.memory_space<hbm>> -> memref<1x128x128xf32, #tpu.memory_space<hbm>>
      %dma_start3A_77 = tpu.memref_squeeze %dma_start3A_76 : memref<1x128x128xf32, #tpu.memory_space<hbm>> -> memref<128x128xf32, #tpu.memory_space<hbm>>
      %dma_start3A_78 = arith.constant 0 : i32
      %dma_start3A_79 = tpu.memref_slice %arg9[%add3A_46, %dma_start3A_78] : memref<10240x128xf32, #tpu.memory_space<vmem_shared>> -> memref<128x128xf32, #tpu.memory_space<vmem_shared>>
      tpu.enqueue_dma source(%dma_start3A_79 : memref<128x128xf32, #tpu.memory_space<vmem_shared>>) target(%dma_start3A_77 : memref<128x128xf32, #tpu.memory_space<hbm>>) target_semaphore(%run_scoped3A_75 : memref<!tpu.dma_semaphore, #tpu.memory_space<semaphore_mem>>)
      %dma_wait3A = arith.constant 0 : i32
      %dma_wait3A_80 = tpu.memref_slice %arg5[%arg0, %add3A_50, %dma_wait3A] : memref<2x10240x128xf32, #tpu.memory_space<hbm>> -> memref<1x128x128xf32, #tpu.memory_space<hbm>>
      %dma_wait3A_81 = tpu.memref_squeeze %dma_wait3A_80 : memref<1x128x128xf32, #tpu.memory_space<hbm>> -> memref<128x128xf32, #tpu.memory_space<hbm>>
      %dma_wait3A_82 = arith.constant 0 : i32
      %dma_wait3A_83 = tpu.memref_slice %arg9[%add3A_46, %dma_wait3A_82] : memref<10240x128xf32, #tpu.memory_space<vmem_shared>> -> memref<128x128xf32, #tpu.memory_space<vmem_shared>>
      tpu.wait_dma2 semaphore(%run_scoped3A_75 : memref<!tpu.dma_semaphore, #tpu.memory_space<semaphore_mem>>) src(%dma_wait3A_83 : memref<128x128xf32, #tpu.memory_space<vmem_shared>>) dst(%dma_wait3A_81 : memref<128x128xf32, #tpu.memory_space<hbm>>)
      tpu.yield
    }) : () -> ()
    %mul3A_51 = arith.constant 640 : i32
    %mul3A_52 = arith.muli %arg1, %mul3A_51 : i32
    %add3A_53 = arith.constant 256 : i32
    %add3A_54 = arith.addi %mul3A_52, %add3A_53 : i32
    %mul3A_55 = arith.constant 640 : i32
    %mul3A_56 = arith.muli %arg1, %mul3A_55 : i32
    %add3A_57 = arith.constant 256 : i32
    %add3A_58 = arith.addi %mul3A_56, %add3A_57 : i32
    "tpu.region"() ({
      %run_scoped3A_75 = tpu.sem_alloc : memref<!tpu.dma_semaphore, #tpu.memory_space<semaphore_mem>>
      %dma_start3A = arith.constant 0 : i32
      %dma_start3A_76 = tpu.memref_slice %arg5[%arg0, %add3A_58, %dma_start3A] : memref<2x10240x128xf32, #tpu.memory_space<hbm>> -> memref<1x128x128xf32, #tpu.memory_space<hbm>>
      %dma_start3A_77 = tpu.memref_squeeze %dma_start3A_76 : memref<1x128x128xf32, #tpu.memory_space<hbm>> -> memref<128x128xf32, #tpu.memory_space<hbm>>
      %dma_start3A_78 = arith.constant 0 : i32
      %dma_start3A_79 = tpu.memref_slice %arg9[%add3A_54, %dma_start3A_78] : memref<10240x128xf32, #tpu.memory_space<vmem_shared>> -> memref<128x128xf32, #tpu.memory_space<vmem_shared>>
      tpu.enqueue_dma source(%dma_start3A_79 : memref<128x128xf32, #tpu.memory_space<vmem_shared>>) target(%dma_start3A_77 : memref<128x128xf32, #tpu.memory_space<hbm>>) target_semaphore(%run_scoped3A_75 : memref<!tpu.dma_semaphore, #tpu.memory_space<semaphore_mem>>)
      %dma_wait3A = arith.constant 0 : i32
      %dma_wait3A_80 = tpu.memref_slice %arg5[%arg0, %add3A_58, %dma_wait3A] : memref<2x10240x128xf32, #tpu.memory_space<hbm>> -> memref<1x128x128xf32, #tpu.memory_space<hbm>>
      %dma_wait3A_81 = tpu.memref_squeeze %dma_wait3A_80 : memref<1x128x128xf32, #tpu.memory_space<hbm>> -> memref<128x128xf32, #tpu.memory_space<hbm>>
      %dma_wait3A_82 = arith.constant 0 : i32
      %dma_wait3A_83 = tpu.memref_slice %arg9[%add3A_54, %dma_wait3A_82] : memref<10240x128xf32, #tpu.memory_space<vmem_shared>> -> memref<128x128xf32, #tpu.memory_space<vmem_shared>>
      tpu.wait_dma2 semaphore(%run_scoped3A_75 : memref<!tpu.dma_semaphore, #tpu.memory_space<semaphore_mem>>) src(%dma_wait3A_83 : memref<128x128xf32, #tpu.memory_space<vmem_shared>>) dst(%dma_wait3A_81 : memref<128x128xf32, #tpu.memory_space<hbm>>)
      tpu.yield
    }) : () -> ()
    %mul3A_59 = arith.constant 640 : i32
    %mul3A_60 = arith.muli %arg1, %mul3A_59 : i32
    %add3A_61 = arith.constant 384 : i32
    %add3A_62 = arith.addi %mul3A_60, %add3A_61 : i32
    %mul3A_63 = arith.constant 640 : i32
    %mul3A_64 = arith.muli %arg1, %mul3A_63 : i32
    %add3A_65 = arith.constant 384 : i32
    %add3A_66 = arith.addi %mul3A_64, %add3A_65 : i32
    "tpu.region"() ({
      %run_scoped3A_75 = tpu.sem_alloc : memref<!tpu.dma_semaphore, #tpu.memory_space<semaphore_mem>>
      %dma_start3A = arith.constant 0 : i32
      %dma_start3A_76 = tpu.memref_slice %arg5[%arg0, %add3A_66, %dma_start3A] : memref<2x10240x128xf32, #tpu.memory_space<hbm>> -> memref<1x128x128xf32, #tpu.memory_space<hbm>>
      %dma_start3A_77 = tpu.memref_squeeze %dma_start3A_76 : memref<1x128x128xf32, #tpu.memory_space<hbm>> -> memref<128x128xf32, #tpu.memory_space<hbm>>
      %dma_start3A_78 = arith.constant 0 : i32
      %dma_start3A_79 = tpu.memref_slice %arg9[%add3A_62, %dma_start3A_78] : memref<10240x128xf32, #tpu.memory_space<vmem_shared>> -> memref<128x128xf32, #tpu.memory_space<vmem_shared>>
      tpu.enqueue_dma source(%dma_start3A_79 : memref<128x128xf32, #tpu.memory_space<vmem_shared>>) target(%dma_start3A_77 : memref<128x128xf32, #tpu.memory_space<hbm>>) target_semaphore(%run_scoped3A_75 : memref<!tpu.dma_semaphore, #tpu.memory_space<semaphore_mem>>)
      %dma_wait3A = arith.constant 0 : i32
      %dma_wait3A_80 = tpu.memref_slice %arg5[%arg0, %add3A_66, %dma_wait3A] : memref<2x10240x128xf32, #tpu.memory_space<hbm>> -> memref<1x128x128xf32, #tpu.memory_space<hbm>>
      %dma_wait3A_81 = tpu.memref_squeeze %dma_wait3A_80 : memref<1x128x128xf32, #tpu.memory_space<hbm>> -> memref<128x128xf32, #tpu.memory_space<hbm>>
      %dma_wait3A_82 = arith.constant 0 : i32
      %dma_wait3A_83 = tpu.memref_slice %arg9[%add3A_62, %dma_wait3A_82] : memref<10240x128xf32, #tpu.memory_space<vmem_shared>> -> memref<128x128xf32, #tpu.memory_space<vmem_shared>>
      tpu.wait_dma2 semaphore(%run_scoped3A_75 : memref<!tpu.dma_semaphore, #tpu.memory_space<semaphore_mem>>) src(%dma_wait3A_83 : memref<128x128xf32, #tpu.memory_space<vmem_shared>>) dst(%dma_wait3A_81 : memref<128x128xf32, #tpu.memory_space<hbm>>)
      tpu.yield
    }) : () -> ()
    %mul3A_67 = arith.constant 640 : i32
    %mul3A_68 = arith.muli %arg1, %mul3A_67 : i32
    %add3A_69 = arith.constant 512 : i32
    %add3A_70 = arith.addi %mul3A_68, %add3A_69 : i32
    %mul3A_71 = arith.constant 640 : i32
    %mul3A_72 = arith.muli %arg1, %mul3A_71 : i32
    %add3A_73 = arith.constant 512 : i32
    %add3A_74 = arith.addi %mul3A_72, %add3A_73 : i32
    "tpu.region"() ({
      %run_scoped3A_75 = tpu.sem_alloc : memref<!tpu.dma_semaphore, #tpu.memory_space<semaphore_mem>>
      %dma_start3A = arith.constant 0 : i32
      %dma_start3A_76 = tpu.memref_slice %arg5[%arg0, %add3A_74, %dma_start3A] : memref<2x10240x128xf32, #tpu.memory_space<hbm>> -> memref<1x128x128xf32, #tpu.memory_space<hbm>>
      %dma_start3A_77 = tpu.memref_squeeze %dma_start3A_76 : memref<1x128x128xf32, #tpu.memory_space<hbm>> -> memref<128x128xf32, #tpu.memory_space<hbm>>
      %dma_start3A_78 = arith.constant 0 : i32
      %dma_start3A_79 = tpu.memref_slice %arg9[%add3A_70, %dma_start3A_78] : memref<10240x128xf32, #tpu.memory_space<vmem_shared>> -> memref<128x128xf32, #tpu.memory_space<vmem_shared>>
      tpu.enqueue_dma source(%dma_start3A_79 : memref<128x128xf32, #tpu.memory_space<vmem_shared>>) target(%dma_start3A_77 : memref<128x128xf32, #tpu.memory_space<hbm>>) target_semaphore(%run_scoped3A_75 : memref<!tpu.dma_semaphore, #tpu.memory_space<semaphore_mem>>)
      %dma_wait3A = arith.constant 0 : i32
      %dma_wait3A_80 = tpu.memref_slice %arg5[%arg0, %add3A_74, %dma_wait3A] : memref<2x10240x128xf32, #tpu.memory_space<hbm>> -> memref<1x128x128xf32, #tpu.memory_space<hbm>>
      %dma_wait3A_81 = tpu.memref_squeeze %dma_wait3A_80 : memref<1x128x128xf32, #tpu.memory_space<hbm>> -> memref<128x128xf32, #tpu.memory_space<hbm>>
      %dma_wait3A_82 = arith.constant 0 : i32
      %dma_wait3A_83 = tpu.memref_slice %arg9[%add3A_70, %dma_wait3A_82] : memref<10240x128xf32, #tpu.memory_space<vmem_shared>> -> memref<128x128xf32, #tpu.memory_space<vmem_shared>>
      tpu.wait_dma2 semaphore(%run_scoped3A_75 : memref<!tpu.dma_semaphore, #tpu.memory_space<semaphore_mem>>) src(%dma_wait3A_83 : memref<128x128xf32, #tpu.memory_space<vmem_shared>>) dst(%dma_wait3A_81 : memref<128x128xf32, #tpu.memory_space<hbm>>)
      tpu.yield
    }) : () -> ()
    return
  }
}

module attributes {stable_mosaic.version = 14 : i64} {
  func.func @body(%arg0: memref<2x10240xf32, #tpu.memory_space<vmem>>, %arg1: memref<10240xf32, #tpu.memory_space<vmem>>) attributes {dimension_semantics = [], scalar_prefetch = 0 : i64, scratch_operands = 0 : i64, tpu.core_type = #tpu.core_type<tc>} {
    %get3A = arith.constant 0 : index
    %get3A_0 = arith.constant 0 : index
    %get3A_1 = vector.load %arg0[%get3A, %get3A_0] : memref<2x10240xf32, #tpu.memory_space<vmem>>, vector<1x10240xf32>
    %get3A_2 = vector.shape_cast %get3A_1 : vector<1x10240xf32> to vector<10240xf32>
    %get3A_3 = arith.constant 1 : index
    %get3A_4 = arith.constant 0 : index
    %get3A_5 = vector.load %arg0[%get3A_3, %get3A_4] : memref<2x10240xf32, #tpu.memory_space<vmem>>, vector<1x10240xf32>
    %get3A_6 = vector.shape_cast %get3A_5 : vector<1x10240xf32> to vector<10240xf32>
    %add3A = arith.addf %get3A_2, %get3A_6 : vector<10240xf32>
    %add3A_7 = arith.constant 1.000000e+00 : f32
    %add3A_8 = vector.broadcast %add3A_7 : f32 to vector<10240xf32>
    %add3A_9 = arith.addf %add3A, %add3A_8 : vector<10240xf32>
    %rsqrt3A = math.rsqrt %add3A_9 : vector<10240xf32>
    %swap3A = arith.constant 0 : index
    %swap3A_10 = vector.load %arg1[%swap3A] : memref<10240xf32, #tpu.memory_space<vmem>>, vector<10240xf32>
    tpu.vector_store %arg1[%swap3A], %rsqrt3A {strides = array<i32>} : memref<10240xf32, #tpu.memory_space<vmem>>, vector<10240xf32>,
    return
  }
}

module attributes {stable_mosaic.version = 14 : i64} {
  func.func @body(%arg0: i32, %arg1: memref<400x128xf32, #tpu.memory_space<vmem>>, %arg2: memref<128x128xf32, #tpu.memory_space<vmem>>, %arg3: memref<400x1xf32, #tpu.memory_space<vmem>>, %arg4: memref<400x128xf32, #tpu.memory_space<vmem>>) attributes {dimension_semantics = [#tpu.dimension_semantics<arbitrary>], iteration_bounds = array<i64: 25>, scalar_prefetch = 0 : i64, scratch_operands = 0 : i64, tpu.core_type = #tpu.core_type<tc>, window_params = [{transform_indices = @transform_0, window_bounds = array<i64: 400, 128>}, {pipeline_mode = #tpu.pipeline_mode<synchronous>, transform_indices = @transform_1, window_bounds = array<i64: 128, 128>}, {transform_indices = @transform_2, window_bounds = array<i64: 400, 1>}, {transform_indices = @transform_3, window_bounds = array<i64: 400, 128>}]} {
    %get3A = arith.constant 0 : index
    %get3A_0 = arith.constant 0 : index
    %get3A_1 = vector.load %arg1[%get3A, %get3A_0] : memref<400x128xf32, #tpu.memory_space<vmem>>, vector<400x128xf32>
    %get3A_2 = arith.constant 0 : index
    %get3A_3 = arith.constant 0 : index
    %get3A_4 = vector.load %arg2[%get3A_2, %get3A_3] : memref<128x128xf32, #tpu.memory_space<vmem>>, vector<128x128xf32>
    %dot_general3A = arith.constant dense<0.000000e+00> : vector<400x128xf32>
    %dot_general3A_5 = tpu.matmul %get3A_1, %get3A_4, %dot_general3A {dimension_numbers = #tpu.dot_dimension_numbers<[1], [0], [0], [1], [0, 0, 1, 1], [], []>, transpose_lhs_hint = false} : vector<400x128xf32>, vector<128x128xf32>, vector<400x128xf32> -> vector<400x128xf32>
    %get3A_6 = arith.constant 0 : index
    %get3A_7 = arith.constant 0 : index
    %get3A_8 = vector.load %arg3[%get3A_6, %get3A_7] : memref<400x1xf32, #tpu.memory_space<vmem>>, vector<400x1xf32>
    %mul3A = vector.broadcast %get3A_8 : vector<400x1xf32> to vector<400x128xf32>
    %mul3A_9 = arith.mulf %dot_general3A_5, %mul3A : vector<400x128xf32>
    %swap3A = arith.constant 0 : index
    %swap3A_10 = arith.constant 0 : index
    %swap3A_11 = vector.load %arg4[%swap3A, %swap3A_10] : memref<400x128xf32, #tpu.memory_space<vmem>>, vector<400x128xf32>
    tpu.vector_store %arg4[%swap3A, %swap3A_10], %mul3A_9 {strides = array<i32>} : memref<400x128xf32, #tpu.memory_space<vmem>>, vector<400x128xf32>,
    return
  }
  func.func @transform_0(%arg0: i32) -> (i32, i32) {
    %c0_i32 = arith.constant 0 : i32
    %c0_i32_0 = arith.constant 0 : i32
    return %arg0, %c0_i32 : i32, i32
  }
  func.func @transform_1(%arg0: i32) -> (i32, i32) {
    %c0_i32 = arith.constant 0 : i32
    %c0_i32_0 = arith.constant 0 : i32
    %c0_i32_1 = arith.constant 0 : i32
    return %c0_i32, %c0_i32_0 : i32, i32
  }
  func.func @transform_2(%arg0: i32) -> (i32, i32) {
    %c0_i32 = arith.constant 0 : i32
    %c0_i32_0 = arith.constant 0 : i32
    return %arg0, %c0_i32 : i32, i32
  }
  func.func @transform_3(%arg0: i32) -> (i32, i32) {
    %c0_i32 = arith.constant 0 : i32
    %c0_i32_0 = arith.constant 0 : i32
    return %arg0, %c0_i32 : i32, i32
  }
}

module attributes {stable_mosaic.version = 14 : i64} {
  func.func @body(%arg0: i32, %arg1: memref<2x400x128xf32, #tpu.memory_space<vmem>>, %arg2: memref<400x128xf32, #tpu.memory_space<vmem>>, %arg3: memref<400x1xf32, #tpu.memory_space<vmem>>, %arg4: memref<1x128xf32, #tpu.memory_space<vmem>>, %arg5: memref<128x128xf32, #tpu.memory_space<vmem>>, %arg6: memref<400x128xf32, #tpu.memory_space<vmem>>, %arg7: memref<400x128xf32, #tpu.memory_space<vmem>>) attributes {dimension_semantics = [#tpu.dimension_semantics<arbitrary>], iteration_bounds = array<i64: 25>, scalar_prefetch = 0 : i64, scratch_operands = 0 : i64, tpu.core_type = #tpu.core_type<tc>, window_params = [{transform_indices = @transform_0, window_bounds = array<i64: 2, 400, 128>}, {transform_indices = @transform_1, window_bounds = array<i64: 400, 128>}, {transform_indices = @transform_2, window_bounds = array<i64: 400, 1>}, {pipeline_mode = #tpu.pipeline_mode<synchronous>, transform_indices = @transform_3, window_bounds = array<i64: 1, 128>}, {pipeline_mode = #tpu.pipeline_mode<synchronous>, transform_indices = @transform_4, window_bounds = array<i64: 128, 128>}, {transform_indices = @transform_5, window_bounds = array<i64: 400, 128>}, {transform_indices = @transform_6, window_bounds = array<i64: 400, 128>}]} {
    %get3A = arith.constant 0 : index
    %get3A_0 = arith.constant 0 : index
    %get3A_1 = arith.constant 0 : index
    %get3A_2 = vector.load %arg1[%get3A, %get3A_0, %get3A_1] : memref<2x400x128xf32, #tpu.memory_space<vmem>>, vector<1x400x128xf32>
    %get3A_3 = vector.shape_cast %get3A_2 : vector<1x400x128xf32> to vector<400x128xf32>
    %get3A_4 = arith.constant 1 : index
    %get3A_5 = arith.constant 0 : index
    %get3A_6 = arith.constant 0 : index
    %get3A_7 = vector.load %arg1[%get3A_4, %get3A_5, %get3A_6] : memref<2x400x128xf32, #tpu.memory_space<vmem>>, vector<1x400x128xf32>
    %get3A_8 = vector.shape_cast %get3A_7 : vector<1x400x128xf32> to vector<400x128xf32>
    %add3A = arith.addf %get3A_3, %get3A_8 : vector<400x128xf32>
    %get3A_9 = arith.constant 0 : index
    %get3A_10 = arith.constant 0 : index
    %get3A_11 = vector.load %arg2[%get3A_9, %get3A_10] : memref<400x128xf32, #tpu.memory_space<vmem>>, vector<400x128xf32>
    %add3A_12 = arith.addf %add3A, %get3A_11 : vector<400x128xf32>
    %get3A_13 = arith.constant 0 : index
    %get3A_14 = arith.constant 0 : index
    %get3A_15 = vector.load %arg3[%get3A_13, %get3A_14] : memref<400x1xf32, #tpu.memory_space<vmem>>, vector<400x1xf32>
    %mul3A = vector.broadcast %get3A_15 : vector<400x1xf32> to vector<400x128xf32>
    %mul3A_16 = arith.mulf %add3A_12, %mul3A : vector<400x128xf32>
    %get3A_17 = arith.constant 0 : index
    %get3A_18 = arith.constant 0 : index
    %get3A_19 = vector.load %arg4[%get3A_17, %get3A_18] : memref<1x128xf32, #tpu.memory_space<vmem>>, vector<1x128xf32>
    %add3A_20 = vector.broadcast %get3A_19 : vector<1x128xf32> to vector<400x128xf32>
    %add3A_21 = arith.addf %mul3A_16, %add3A_20 : vector<400x128xf32>
    %max3A = arith.constant 0.000000e+00 : f32
    %max3A_22 = vector.broadcast %max3A : f32 to vector<400x128xf32>
    %max3A_23 = arith.maximumf %add3A_21, %max3A_22 : vector<400x128xf32>
    %swap3A = arith.constant 0 : index
    %swap3A_24 = arith.constant 0 : index
    %swap3A_25 = vector.load %arg6[%swap3A, %swap3A_24] : memref<400x128xf32, #tpu.memory_space<vmem>>, vector<400x128xf32>
    tpu.vector_store %arg6[%swap3A, %swap3A_24], %max3A_23 {strides = array<i32>} : memref<400x128xf32, #tpu.memory_space<vmem>>, vector<400x128xf32>,
    %get3A_26 = arith.constant 0 : index
    %get3A_27 = arith.constant 0 : index
    %get3A_28 = vector.load %arg5[%get3A_26, %get3A_27] : memref<128x128xf32, #tpu.memory_space<vmem>>, vector<128x128xf32>
    %dot_general3A = arith.constant dense<0.000000e+00> : vector<400x128xf32>
    %dot_general3A_29 = tpu.matmul %max3A_23, %get3A_28, %dot_general3A {dimension_numbers = #tpu.dot_dimension_numbers<[1], [0], [0], [1], [0, 0, 1, 1], [], []>, transpose_lhs_hint = false} : vector<400x128xf32>, vector<128x128xf32>, vector<400x128xf32> -> vector<400x128xf32>
    %mul3A_30 = vector.broadcast %get3A_15 : vector<400x1xf32> to vector<400x128xf32>
    %mul3A_31 = arith.mulf %dot_general3A_29, %mul3A_30 : vector<400x128xf32>
    %swap3A_32 = arith.constant 0 : index
    %swap3A_33 = arith.constant 0 : index
    %swap3A_34 = vector.load %arg7[%swap3A_32, %swap3A_33] : memref<400x128xf32, #tpu.memory_space<vmem>>, vector<400x128xf32>
    tpu.vector_store %arg7[%swap3A_32, %swap3A_33], %mul3A_31 {strides = array<i32>} : memref<400x128xf32, #tpu.memory_space<vmem>>, vector<400x128xf32>,
    return
  }
  func.func @transform_0(%arg0: i32) -> (i32, i32, i32) {
    %c0_i32 = arith.constant 0 : i32
    %c0_i32_0 = arith.constant 0 : i32
    %c0_i32_1 = arith.constant 0 : i32
    return %c0_i32, %arg0, %c0_i32_0 : i32, i32, i32
  }
  func.func @transform_1(%arg0: i32) -> (i32, i32) {
    %c0_i32 = arith.constant 0 : i32
    %c0_i32_0 = arith.constant 0 : i32
    return %arg0, %c0_i32 : i32, i32
  }
  func.func @transform_2(%arg0: i32) -> (i32, i32) {
    %c0_i32 = arith.constant 0 : i32
    %c0_i32_0 = arith.constant 0 : i32
    return %arg0, %c0_i32 : i32, i32
  }
  func.func @transform_3(%arg0: i32) -> (i32, i32) {
    %c0_i32 = arith.constant 0 : i32
    %c0_i32_0 = arith.constant 0 : i32
    %c0_i32_1 = arith.constant 0 : i32
    return %c0_i32, %c0_i32_0 : i32, i32
  }
  func.func @transform_4(%arg0: i32) -> (i32, i32) {
    %c0_i32 = arith.constant 0 : i32
    %c0_i32_0 = arith.constant 0 : i32
    %c0_i32_1 = arith.constant 0 : i32
    return %c0_i32, %c0_i32_0 : i32, i32
  }
  func.func @transform_5(%arg0: i32) -> (i32, i32) {
    %c0_i32 = arith.constant 0 : i32
    %c0_i32_0 = arith.constant 0 : i32
    return %arg0, %c0_i32 : i32, i32
  }
  func.func @transform_6(%arg0: i32) -> (i32, i32) {
    %c0_i32 = arith.constant 0 : i32
    %c0_i32_0 = arith.constant 0 : i32
    return %arg0, %c0_i32 : i32, i32
  }
}

module attributes {stable_mosaic.version = 14 : i64} {
  func.func @body(%arg0: i32, %arg1: memref<2x400x128xf32, #tpu.memory_space<vmem>>, %arg2: memref<400x128xf32, #tpu.memory_space<vmem>>, %arg3: memref<400x1xf32, #tpu.memory_space<vmem>>, %arg4: memref<1x128xf32, #tpu.memory_space<vmem>>, %arg5: memref<400x128xf32, #tpu.memory_space<vmem>>, %arg6: memref<2x128x40xf32, #tpu.memory_space<vmem>>, %arg7: memref<1x40xf32, #tpu.memory_space<vmem>>, %arg8: memref<400x40xf32, #tpu.memory_space<vmem>>) attributes {dimension_semantics = [#tpu.dimension_semantics<arbitrary>], iteration_bounds = array<i64: 25>, scalar_prefetch = 0 : i64, scratch_operands = 0 : i64, tpu.core_type = #tpu.core_type<tc>, window_params = [{transform_indices = @transform_0, window_bounds = array<i64: 2, 400, 128>}, {transform_indices = @transform_1, window_bounds = array<i64: 400, 128>}, {transform_indices = @transform_2, window_bounds = array<i64: 400, 1>}, {pipeline_mode = #tpu.pipeline_mode<synchronous>, transform_indices = @transform_3, window_bounds = array<i64: 1, 128>}, {transform_indices = @transform_4, window_bounds = array<i64: 400, 128>}, {pipeline_mode = #tpu.pipeline_mode<synchronous>, transform_indices = @transform_5, window_bounds = array<i64: 2, 128, 40>}, {pipeline_mode = #tpu.pipeline_mode<synchronous>, transform_indices = @transform_6, window_bounds = array<i64: 1, 40>}, {transform_indices = @transform_7, window_bounds = array<i64: 400, 40>}]} {
    %get3A = arith.constant 0 : index
    %get3A_0 = arith.constant 0 : index
    %get3A_1 = arith.constant 0 : index
    %get3A_2 = vector.load %arg1[%get3A, %get3A_0, %get3A_1] : memref<2x400x128xf32, #tpu.memory_space<vmem>>, vector<1x400x128xf32>
    %get3A_3 = vector.shape_cast %get3A_2 : vector<1x400x128xf32> to vector<400x128xf32>
    %get3A_4 = arith.constant 1 : index
    %get3A_5 = arith.constant 0 : index
    %get3A_6 = arith.constant 0 : index
    %get3A_7 = vector.load %arg1[%get3A_4, %get3A_5, %get3A_6] : memref<2x400x128xf32, #tpu.memory_space<vmem>>, vector<1x400x128xf32>
    %get3A_8 = vector.shape_cast %get3A_7 : vector<1x400x128xf32> to vector<400x128xf32>
    %add3A = arith.addf %get3A_3, %get3A_8 : vector<400x128xf32>
    %get3A_9 = arith.constant 0 : index
    %get3A_10 = arith.constant 0 : index
    %get3A_11 = vector.load %arg2[%get3A_9, %get3A_10] : memref<400x128xf32, #tpu.memory_space<vmem>>, vector<400x128xf32>
    %add3A_12 = arith.addf %add3A, %get3A_11 : vector<400x128xf32>
    %get3A_13 = arith.constant 0 : index
    %get3A_14 = arith.constant 0 : index
    %get3A_15 = vector.load %arg3[%get3A_13, %get3A_14] : memref<400x1xf32, #tpu.memory_space<vmem>>, vector<400x1xf32>
    %mul3A = vector.broadcast %get3A_15 : vector<400x1xf32> to vector<400x128xf32>
    %mul3A_16 = arith.mulf %add3A_12, %mul3A : vector<400x128xf32>
    %get3A_17 = arith.constant 0 : index
    %get3A_18 = arith.constant 0 : index
    %get3A_19 = vector.load %arg4[%get3A_17, %get3A_18] : memref<1x128xf32, #tpu.memory_space<vmem>>, vector<1x128xf32>
    %add3A_20 = vector.broadcast %get3A_19 : vector<1x128xf32> to vector<400x128xf32>
    %add3A_21 = arith.addf %mul3A_16, %add3A_20 : vector<400x128xf32>
    %max3A = arith.constant 0.000000e+00 : f32
    %max3A_22 = vector.broadcast %max3A : f32 to vector<400x128xf32>
    %max3A_23 = arith.maximumf %add3A_21, %max3A_22 : vector<400x128xf32>
    %get3A_24 = arith.constant 0 : index
    %get3A_25 = arith.constant 0 : index
    %get3A_26 = vector.load %arg5[%get3A_24, %get3A_25] : memref<400x128xf32, #tpu.memory_space<vmem>>, vector<400x128xf32>
    %get3A_27 = arith.constant 0 : index
    %get3A_28 = arith.constant 0 : index
    %get3A_29 = arith.constant 0 : index
    %get3A_30 = vector.load %arg6[%get3A_27, %get3A_28, %get3A_29] : memref<2x128x40xf32, #tpu.memory_space<vmem>>, vector<1x128x40xf32>
    %get3A_31 = vector.shape_cast %get3A_30 : vector<1x128x40xf32> to vector<128x40xf32>
    %dot_general3A = arith.constant dense<0.000000e+00> : vector<400x40xf32>
    %dot_general3A_32 = tpu.matmul %get3A_26, %get3A_31, %dot_general3A {dimension_numbers = #tpu.dot_dimension_numbers<[1], [0], [0], [1], [0, 0, 1, 1], [], []>, transpose_lhs_hint = false} : vector<400x128xf32>, vector<128x40xf32>, vector<400x40xf32> -> vector<400x40xf32>
    %get3A_33 = arith.constant 1 : index
    %get3A_34 = arith.constant 0 : index
    %get3A_35 = arith.constant 0 : index
    %get3A_36 = vector.load %arg6[%get3A_33, %get3A_34, %get3A_35] : memref<2x128x40xf32, #tpu.memory_space<vmem>>, vector<1x128x40xf32>
    %get3A_37 = vector.shape_cast %get3A_36 : vector<1x128x40xf32> to vector<128x40xf32>
    %dot_general3A_38 = arith.constant dense<0.000000e+00> : vector<400x40xf32>
    %dot_general3A_39 = tpu.matmul %max3A_23, %get3A_37, %dot_general3A_38 {dimension_numbers = #tpu.dot_dimension_numbers<[1], [0], [0], [1], [0, 0, 1, 1], [], []>, transpose_lhs_hint = false} : vector<400x128xf32>, vector<128x40xf32>, vector<400x40xf32> -> vector<400x40xf32>
    %add3A_40 = arith.addf %dot_general3A_32, %dot_general3A_39 : vector<400x40xf32>
    %get3A_41 = arith.constant 0 : index
    %get3A_42 = arith.constant 0 : index
    %get3A_43 = vector.load %arg7[%get3A_41, %get3A_42] : memref<1x40xf32, #tpu.memory_space<vmem>>, vector<1x40xf32>
    %add3A_44 = vector.broadcast %get3A_43 : vector<1x40xf32> to vector<400x40xf32>
    %add3A_45 = arith.addf %add3A_40, %add3A_44 : vector<400x40xf32>
    %reduce_max3A = arith.constant dense<0xFF800000> : vector<400xf32>
    %reduce_max3A_46 = vector.multi_reduction <maximumf>, %add3A_45, %reduce_max3A [1] : vector<400x40xf32> to vector<400xf32>
    %broadcast_in_dim3A = vector.shape_cast %reduce_max3A_46 : vector<400xf32> to vector<400x1xf32>
    %sub3A = vector.broadcast %broadcast_in_dim3A : vector<400x1xf32> to vector<400x40xf32>
    %sub3A_47 = arith.subf %add3A_45, %sub3A : vector<400x40xf32>
    %exp3A = math.exp %sub3A_47 : vector<400x40xf32>
    %sub3A_48 = vector.broadcast %broadcast_in_dim3A : vector<400x1xf32> to vector<400x40xf32>
    %sub3A_49 = arith.subf %add3A_45, %sub3A_48 : vector<400x40xf32>
    %reduce_sum3A = arith.constant dense<0.000000e+00> : vector<400xf32>
    %reduce_sum3A_50 = vector.multi_reduction <add>, %exp3A, %reduce_sum3A [1] : vector<400x40xf32> to vector<400xf32>
    %broadcast_in_dim3A_51 = vector.shape_cast %reduce_sum3A_50 : vector<400xf32> to vector<400x1xf32>
    %log3A = math.log %broadcast_in_dim3A_51 : vector<400x1xf32>
    %sub3A_52 = vector.broadcast %log3A : vector<400x1xf32> to vector<400x40xf32>
    %sub3A_53 = arith.subf %sub3A_49, %sub3A_52 : vector<400x40xf32>
    %swap3A = arith.constant 0 : index
    %swap3A_54 = arith.constant 0 : index
    %swap3A_55 = vector.load %arg8[%swap3A, %swap3A_54] : memref<400x40xf32, #tpu.memory_space<vmem>>, vector<400x40xf32>
    tpu.vector_store %arg8[%swap3A, %swap3A_54], %sub3A_53 {strides = array<i32>} : memref<400x40xf32, #tpu.memory_space<vmem>>, vector<400x40xf32>,
    return
  }
  func.func @transform_0(%arg0: i32) -> (i32, i32, i32) {
    %c0_i32 = arith.constant 0 : i32
    %c0_i32_0 = arith.constant 0 : i32
    %c0_i32_1 = arith.constant 0 : i32
    return %c0_i32, %arg0, %c0_i32_0 : i32, i32, i32
  }
  func.func @transform_1(%arg0: i32) -> (i32, i32) {
    %c0_i32 = arith.constant 0 : i32
    %c0_i32_0 = arith.constant 0 : i32
    return %arg0, %c0_i32 : i32, i32
  }
  func.func @transform_2(%arg0: i32) -> (i32, i32) {
    %c0_i32 = arith.constant 0 : i32
    %c0_i32_0 = arith.constant 0 : i32
    return %arg0, %c0_i32 : i32, i32
  }
  func.func @transform_3(%arg0: i32) -> (i32, i32) {
    %c0_i32 = arith.constant 0 : i32
    %c0_i32_0 = arith.constant 0 : i32
    %c0_i32_1 = arith.constant 0 : i32
    return %c0_i32, %c0_i32_0 : i32, i32
  }
  func.func @transform_4(%arg0: i32) -> (i32, i32) {
    %c0_i32 = arith.constant 0 : i32
    %c0_i32_0 = arith.constant 0 : i32
    return %arg0, %c0_i32 : i32, i32
  }
  func.func @transform_5(%arg0: i32) -> (i32, i32, i32) {
    %c0_i32 = arith.constant 0 : i32
    %c0_i32_0 = arith.constant 0 : i32
    %c0_i32_1 = arith.constant 0 : i32
    %c0_i32_2 = arith.constant 0 : i32
    return %c0_i32, %c0_i32_0, %c0_i32_1 : i32, i32, i32
  }
  func.func @transform_6(%arg0: i32) -> (i32, i32) {
    %c0_i32 = arith.constant 0 : i32
    %c0_i32_0 = arith.constant 0 : i32
    %c0_i32_1 = arith.constant 0 : i32
    return %c0_i32, %c0_i32_0 : i32, i32
  }
  func.func @transform_7(%arg0: i32) -> (i32, i32) {
    %c0_i32 = arith.constant 0 : i32
    %c0_i32_0 = arith.constant 0 : i32
    return %arg0, %c0_i32 : i32, i32
  }
}

</mosaic_0001>

<sc_bundles>
// kernel: kernel.12.cloned.1.call-start
scs
__scs_entry_jumppad:
0x0: {  	(pc) =	sbr.rel $0x88, $3  }
0x1: {  	(tag) =	ssettag $0x0;
	lr =	simm.s32 $0x1  }
0x2: {  	[smem:$0x3F99] =	sst lr;
	_ =	strace $0xD0000000  }
0x3: {  	_ = 	snop  }
0x4: {  	_ = 	snop  }
0x5: {  	_ = 	snop  }
0x6: {  	_ = 	snop  }
0x7: {  	_ = 	snop  }
__scs_overlays_trampoline_lowered:
0x8: {  	[smem:$0x3FA8] =	sst s0  }
0x9: {  	[smem:$0x3FA9] =	sst s1  }
0xa: {  	[smem:$0x3FAA] =	sst s2  }
0xb: {  	[smem:$0x3FAB] =	sst s3  }
0xc: {  	[smem:$0x3FAC] =	sst s4  }
0xd: {  	[smem:$0x3FAD] =	sst s5  }
0xe: {  	[smem:$0x3FAE] =	sst s6  }
0xf: {  	[smem:$0x3FAF] =	sst s7  }
0x10: {  	[smem:$0x3FB0] =	sst s8  }
0x11: {  	[smem:$0x3FB1] =	sst s9;
	s0 =	simm.s32 @!p0 $0x0  }
0x12: {  	s1 =	sld [smem:$0x3F97];
	s0 =	simm.s32 @p0 $0x1  }
0x13: {  	[smem:$0x3FB2] =	sst s0;
	s0 =	simm.s32 @!p1 $0x0  }
0x14: {  	s2 =	sld [smem:$0x3F96];
	s0 =	simm.s32 @p1 $0x1  }
0x15: {  	[smem:$0x3FB3] =	sst s0;
	s0 =	simm.s32 @!p2 $0x0  }
0x16: {  	s3 =	sld [smem:$0x3FDB];
	s0 =	simm.s32 @p2 $0x1  }
0x17: {  	s4 =	simm.s32 $0x1BF5;
	[smem:$0x3FB5] =	sst s0  }
0x18: {  	s0 =	sld [smem:$0x3F98];
	_ =	swait.ge [sflag:s4], $0x0  }
0x19: {  	s7 =	sld [smem:$0x3F99]  }
0x1a: {  	s8 =	sadd.s32 $0xFFFFE003, lr  }
0x1b: {  	s9 =	sadd.s32 $0xFFFFFEF7, lr;
	s5 =	simm.s32 $0xFFFFFFFF;
	p2 =	slt.u32 s8, $0xFFFFF086  }
0x1c: {  	p1 =	slt.u32 s9, $0xF7A;
	s5 =	simm.s32 @!p2 $0x0  }
0x1d: {  	s5 =	simm.s32 @p1 $0x1;
	p0 =	seq.s32 s7, s2  }
0x1e: {  	s7 =	smul.u32 @!p0 $0xF7A, s2;
	p2 =	seq.s32 @!p0 s5, $0x0  }
0x1f: {  	s9 =	smul.u32 $0xF7A, s1;
	s8 =	simm.s32 @!p0 $0x1BF5;
	p2 =	por !p2, p0  }
0x20: {  	[sflag:s8] =	ssyncset.s32 @!p0 $0xFFFFF086;
	s6 =	sadd.s32 @!p0 s3, s7;
	s7 =	simm.s32 @!p0 $0x108  }
0x21: {  	s3 =	sadd.s32 s3, s9;
	s6 =	sadd.s32 @!p0 $0x88, s6;
	s7 =	simm.s32 @p2 $0x1082  }
0x22: {  	[simem:s7], [sflag:s8] =	dma.local @!p0 [hbm:s6], $0xF7A  }
0x23: {  	s9 =	sor.u32 $0xD0000000, s2;
	s6 =	simm.s32 $0x108;
	_ =	swait.ge @!p0 [sflag:s8], $0x0  }
0x24: {  	s3 =	sadd.s32 $0x88, s3;
	s6 =	simm.s32 @!p1 $0x1082;
	[sflag:s4] =	ssyncset.s32 $0xFFFFF086  }
0x25: {  	[simem:s6], [sflag:s4] =	dma.local [hbm:s3], $0xF7A  }
0x26: {  	[smem:$0x3F99] =	sst s1;
	(tag) =	ssettag s2;
	_ =	strace s9  }
0x27: {  	s1 =	sld [smem:$0x3FA9]  }
0x28: {  	s2 =	sld [smem:$0x3FAA]  }
0x29: {  	s4 =	sld [smem:$0x3FAC]  }
0x2a: {  	p0 =	seq.s32 s5, $0x0;
	s5 =	sld [smem:$0x3FAD]  }
0x2b: {  	s6 =	sld [smem:$0x3FAE]  }
0x2c: {  	s7 =	sld [smem:$0x3FAF]  }
0x2d: {  	s3 =	simm.s32 $0x108;
	s8 =	sld [smem:$0x3FB0]  }
0x2e: {  	s3 =	simm.s32 @!p0 $0x1082;
	s9 =	sld [smem:$0x3FB1]  }
0x2f: {  	lr =	sadd.s32 s0, s3;
	s0 =	sld [smem:$0x3FA8]  }
0x30: {  	s3 =	sld [smem:$0x3FAB]  }
0x31: {  	[smem:$0x3FB4] =	sst s10  }
0x32: {  	s10 =	sld [smem:$0x3FB2];
	_ =	sdelay $0x3  }
0x33: {  	p0 =	seq.s32 s10, $0x1;
	s10 =	sld [smem:$0x3FB4];
	_ =	sdelay $0x3  }
0x34: {  	[smem:$0x3FB4] =	sst s10  }
0x35: {  	s10 =	sld [smem:$0x3FB3];
	_ =	sdelay $0x3  }
0x36: {  	p1 =	seq.s32 s10, $0x1;
	s10 =	sld [smem:$0x3FB4];
	_ =	sdelay $0x3  }
0x37: {  	[smem:$0x3FB4] =	sst s10  }
0x38: {  	s10 =	sld [smem:$0x3FB5]  }
0x39: {  	_ = 	snop;
	(pc) =	sbr.ind lr, $3  }
0x3a: {  	_ = 	snop  }
0x3b: {  	_ = 	snop  }
0x3c: {  	p2 =	seq.s32 s10, $0x1;
	s10 =	sld [smem:$0x3FB4]  }
0x3d: {  	_ =	shalt  }
0x3e: {  	_ =	shalt  }
0x3f: {  	_ =	shalt  }
0x40: {  	_ =	shalt  }
0x41: {  	_ =	shalt  }
0x42: {  	_ =	shalt  }
0x43: {  	_ =	shalt  }
0x44: {  	_ =	shalt  }
0x45: {  	_ =	shalt  }
0x46: {  	_ =	shalt  }
0x47: {  	_ =	shalt  }
0x48: {  	_ =	shalt  }
0x49: {  	_ =	shalt  }
0x4a: {  	_ =	shalt  }
0x4b: {  	_ =	shalt  }
0x4c: {  	_ =	shalt  }
0x4d: {  	_ =	shalt  }
0x4e: {  	_ =	shalt  }
0x4f: {  	_ =	shalt  }
0x50: {  	_ =	shalt  }
0x51: {  	_ =	shalt  }
0x52: {  	_ =	shalt  }
0x53: {  	_ =	shalt  }
0x54: {  	_ =	shalt  }
0x55: {  	_ =	shalt  }
0x56: {  	_ =	shalt  }
0x57: {  	_ =	shalt  }
0x58: {  	_ =	shalt  }
0x59: {  	_ =	shalt  }
0x5a: {  	_ =	shalt  }
0x5b: {  	_ =	shalt  }
0x5c: {  	_ =	shalt  }
0x5d: {  	_ =	shalt  }
0x5e: {  	_ =	shalt  }
0x5f: {  	_ =	shalt  }
0x60: {  	_ =	shalt  }
0x61: {  	_ =	shalt  }
0x62: {  	_ =	shalt  }
0x63: {  	_ =	shalt  }
0x64: {  	_ =	shalt  }
0x65: {  	_ =	shalt  }
0x66: {  	_ =	shalt  }
0x67: {  	_ =	shalt  }
0x68: {  	_ =	shalt  }
0x69: {  	_ =	shalt  }
0x6a: {  	_ =	shalt  }
0x6b: {  	_ =	shalt  }
0x6c: {  	_ =	shalt  }
0x6d: {  	_ =	shalt  }
0x6e: {  	_ =	shalt  }
0x6f: {  	_ =	shalt  }
0x70: {  	_ =	shalt  }
0x71: {  	_ =	shalt  }
0x72: {  	_ =	shalt  }
0x73: {  	_ =	shalt  }
0x74: {  	_ =	shalt  }
0x75: {  	_ =	shalt  }
0x76: {  	_ =	shalt  }
0x77: {  	_ =	shalt  }
0x78: {  	_ =	shalt  }
0x79: {  	_ =	shalt  }
0x7a: {  	_ =	shalt  }
0x7b: {  	_ =	shalt  }
0x7c: {  	_ =	shalt  }
0x7d: {  	_ =	shalt  }
0x7e: {  	_ =	shalt  }
0x7f: {  	_ =	shalt  }
0x80: {  	_ =	shalt  }
0x81: {  	_ =	shalt  }
0x82: {  	_ =	shalt  }
0x83: {  	_ =	shalt  }
0x84: {  	_ =	shalt  }
0x85: {  	_ =	shalt  }
0x86: {  	_ =	shalt  }
0x87: {  	_ =	shalt  }
.Lfunc_end0:
.L_simem_size_0:
called_computation.1_lowered:
.L_overlay_start_0:
0x88: {  	s2 =	sld [smem:$0x3FD9]  }
0x89: {  	s3 =	sld [smem:$0x3FFE];
	_ =	sdelay $0x1  }
0x8a: {  	s1 =	srdreg.scid  }
0x8b: {  	s0 =	sand.u32 $0x1, s1  }
0x8c: {  	s17 =	sshll.u32 s0, $0xA;
	s2 =	sadd.s32 s3, s2  }
0x8d: {  	s2 =	sadd.s32 s2, s17  }
0x8e: {  	[smem:$0x3FC0] =	sst s2  }
0x8f: {  	_ = 	snop  }
0x90: {  	s2 =	sld [smem:$0x3FD0];
	(tm) =	ssettm $0x1  }
0x91: {  	s18 =	sld [smem:$0x3FFB];
	_ =	sdelay $0x3  }
0x92: {  	_ =	strace s18  }
0x93: {  	s3 =	sld [smem:$0x3FFC];
	_ =	sdelay $0x3  }
0x94: {  	_ =	strace s3  }
0x95: {  	s3 =	sld [smem:$0x3FFD];
	_ =	sdelay $0x3  }
0x96: {  	_ =	strace s3  }
0x97: {  	_ =	strace $0x8FFFFFFF  }
0x98: {  	s19 =	sld [smem:$0x3FDB];
	_ =	sdelay $0x1  }
0x99: {  	s4 =	simm.s32 $_scs_section_size  }
0x9a: {  	s5 =	simm.s32 $_size__tile_overlayer_lowered;
	s6 =	simm.s32 $_tile_overlayer_lowered  }
0x9b: {  	s22 =	simm.s32 $0x1BFF;
	s21 =	sshll.u32 s6, $0x1;
	s3 =	sadd.s32 s4, s19  }
0x9c: {  	s7 =	simm.s32 $0x0;
	s20 =	sshll.u32 s5, $0x1;
	s5 =	sadd.s32 s21, s3  }
0x9d: {  	[timem:s7], [sflag:s22] =	dma.local [hbm:s5], s20  }
0x9e: {  	_ =	swait.ge [sflag:s22], s20  }
0x9f: {  	s4 =	ssub.s32 $0x0, s20;
	[sflag:s22] =	ssyncset.done $0x0  }
0xa0: {  	[sflag:s22] =	ssyncadd.s32 s4;
	_ =	sdelay $0x1  }
0xa1: {  	s23 =	simm.s32 $0x1B8B  }
0xa2: {  	_ =	swait.ge [sflag:s23], $0x1  }
0xa3: {  	[sflag:s23] =	ssyncset.done $0x0  }
0xa4: {  	s25 =	simm.s32 $0x1B8E;
	s24 =	sld [smem:$0x3FFE];
	[sflag:s23] =	ssyncadd.s32 $0xFFFFFFFF  }
0xa5: {  	s26 =	simm.s32 $execute0_lowered;
	[smem:$0x3FD2] =	sst s25  }
0xa6: {  	s5 =	sshll.u32 s26, $0x1;
	_ =	strace $0x80000049;
	[dreg:$0x1] =	wrdreg $0xFFFFFFFF  }
0xa7: {  	s28 =	simm.s32 $_size_execute0_lowered;
	s3 =	sadd.s32 s3, s5;
	[dreg:$0x0] =	wrdreg $0x0  }
0xa8: {  	s5 =	sshll.u32 s28, $0x1;
	[dreg:$0x2] =	wrdreg s3  }
0xa9: {  	[dreg:$0x3] =	wrdreg s5  }
0xaa: {  	[dreg:$0x4] =	wrdreg $0xC0  }
0xab: {  	_ =	task [dreg:s7], $0x5FFFF  }
0xac: {  	[dreg:$0x1] =	wrdreg $0xFFFFFFFF  }
0xad: {  	[dreg:$0x0] =	wrdreg $0x60  }
0xae: {  	[dreg:$0x2] =	wrdreg s2  }
0xaf: {  	[dreg:$0x3] =	wrdreg s24  }
0xb0: {  	[dreg:$0x4] =	wrdreg $0x82000  }
0xb1: {  	[dreg:$0x5] =	wrdreg $0x9  }
0xb2: {  	_ =	task.clear_ibuf [dreg:s7], $0x6FFFF;
	_ =	strace $0x90000049  }
0xb3: {  	s29 =	simm.s32 $0x9;
	_ =	strace $0x8000004B  }
0xb4: {  	_ =	swait.ge [sflag:s29], $0x1  }
0xb5: {  	[sflag:s29] =	ssyncadd.s32 $0xFFFFFFFF  }
0xb6: {  	_ =	strace $0x9000004B  }
0xb7: {  	_ =	sfence  }
0xb8: {  	s30 =	sld [smem:$0x0];
	_ =	sdelay $0x2  }
0xb9: {  	s31 =	sshll.u32 s1, $0xD;
	s1 =	sshrl.u32 s1, $0x2  }
0xba: {  	s3 =	sand.u32 $0x4000, s31;
	s1 =	sadd.s32 s1, s30  }
0xbb: {  	s0 =	sor.u32 s3, s0;
	s1 =	sshll.u32 s1, $0x11  }
0xbc: {  	s0 =	sor.u32 s1, s0  }
0xbd: {  	s0 =	sadd.s32 $0x8F2B, s0  }
0xbe: {  	[sflag:s0] =	ssyncadd.remote.s32 $0x1  }
0xbf: {  	_ =	sfence.sel $0xFFFF  }
0xc0: {  	[dreg:$0x0] =	wrdreg $0xFFFFFFFF;
	(pc) =	sbr.abs _section_cstart, $3  }
0xc1: {  	[dreg:$0x1] =	wrdreg $0xFFFFFFFF  }
0xc2: {  	_ =	task.clear_ibuf [dreg:s7], $0x2FFFF;
	_ =	strace $0x9FFFFFFF  }
0xc3: {  	(tm) =	ssettm $0x7FFFFFFF  }
tec
execute0_lowered:
.L_overlay_start_1:
0x0: {  	(tag) =	ssettag $0x1  }
0x1: {  	s0 =	rddreg [dreg:$0x0]  }
0x2: {  	s5 =	rddreg [dreg:$0x1]  }
0x3: {  	s1 =	rddreg [dreg:$0x2]  }
0x4: {  	s2 =	simm.s32 $0x0;
	s3 =	srdreg.scid;
	s17 =	stileid.u32  }
0x5: {  	s28 =	simm.s32 $0x8;
	s29 =	simm.s32 $0x100;
	s8 =	smul.u32 $0x14000, s17  }
0x6: {  	s30 =	simm.s32 $0x80;
	s31 =	simm.s32 $0x180;
	s10 =	smul.u32 $0x50000, s17  }
0x7: {  	[smem:$0x7FF] =	sst s2;
	s6 =	sand.u32 $0x1, s3;
	s13 =	smul.u32 $0x960, s17  }
0x8: {  	s7 =	sadd.s32 $0x3000, s5;
	s9 =	sadd.s32 $0x34200, s5;
	s18 =	smul.u32 $0xA0, s17  }
0x9: {  	s17 =	smul.u32 $0x500, s17;
	s3 =	ssub.s32 $0x2, s6;
	p0 =	seq.s32 s6, $0x1  }
0xa: {  	s6 =	smul.u32 $0x140000, s6;
	s4 =	sshrl.u32 s3, $0x1;
	s12 =	sadd.s32 $0x4000, s8  }
0xb: {  	s14 =	sadd.s32 $0x8000, s8;
	s15 =	sadd.s32 $0xC000, s8;
	s16 =	sadd.s32 $0x10000, s8  }
0xc: {  	s21 =	sadd.s32 $0x9600, s18;
	s24 =	sshrl.u32 s17, $0x3;
	s11 =	ssub.s32 s3, s4  }
0xd: {  	s3 =	sadd.s32 s0, s13;
	s4 =	sadd.s32 s7, s13;
	s13 =	sor.u32 $0x10, s13  }
0xe: {  	s22 =	sadd.s32 s0, s21;
	s23 =	sadd.s32 s7, s21;
	s8 =	sadd.s32 s8, s6  }
0xf: {  	s25 =	sadd.s32 s6, s12;
	s19 =	sadd.s32 s0, s13;
	[dreg:$0x6] =	wrdreg s22  }
0x10: {  	s13 =	sadd.s32 s7, s13;
	[dreg:$0x7] =	wrdreg s23;
	s8 =	sshrl.u32 s8, $0x3  }
0x11: {  	s17 =	sshrl.u32 s25, $0x3;
	s23 =	sshrl.u32 s10, $0x2;
	[dreg:$0x4] =	wrdreg s19  }
0x12: {  	s25 =	sadd.s32 s12, s1;
	s12 =	simm.s32 $0x1;
	[dreg:$0x5] =	wrdreg s13  }
0x13: {  	s13 =	sadd.s32 $0x9610, s24;
	s8 =	sadd.s32 s9, s8;
	s26 =	sadd.s32 s9, s17  }
0x14: {  	s17 =	sadd.s32 s6, s14;
	s19 =	sadd.s32 s6, s15;
	s6 =	sadd.s32 s6, s16  }
0x15: {  	s14 =	sadd.s32 s14, s1;
	s24 =	sadd.s32 s15, s1;
	[dreg:$0x8] =	wrdreg s8  }
0x16: {  	s15 =	simm.s32 $0x6;
	[dreg:$0x9] =	wrdreg s26;
	s8 =	sshrl.u32 s17, $0x3  }
0x17: {  	s20 =	sshrl.u32 s19, $0x3;
	s6 =	sshrl.u32 s6, $0x3;
	s21 =	sadd.s32 s0, s13  }
0x18: {  	s22 =	sadd.s32 s7, s13;
	s17 =	sadd.s32 s18, s7;
	s18 =	sadd.s32 s18, s0  }
0x19: {  	s19 =	sadd.s32 $0xD000, s5;
	s26 =	smax.u32 s11, $0x1;
	s5 =	simm.s32 $0x2  }
0x1a: {  	s7 =	simm.s32 $0x5;
	s0 =	simm.s32 $0x7;
	[dreg:$0xd] =	wrdreg s21  }
0x1b: {  	s8 =	sadd.s32 s9, s8;
	s6 =	sadd.s32 s9, s6;
	[dreg:$0xe] =	wrdreg s22  }
.Ltmp0:
0x1c: {  	[dreg:$0xa] =	wrdreg s8;
	s8 =	sadd.s32 s9, s20;
	(pc) =	sbr.rel .LBB2_1-.Ltmp0, $4  }
0x1d: {  	[dreg:$0xc] =	wrdreg s6;
	s20 =	sadd.s32 s23, s1;
	s6 =	simm.s32 $0x4200  }
0x1e: {  	s9 =	simm.s32 $0x0;
	[dreg:$0xb] =	wrdreg s8;
	s8 =	simm.s32 $0x3  }
0x1f: {  	_ =	strace $0x8000004A;
	[dreg:$0xf] =	wrdreg s24;
	s24 =	sadd.s32 s16, s1  }
0x20: {  	v0 =	vimm.f32 $0.0e+00;
	[dreg:$0x10] =	wrdreg s26;
	s26 =	simm.s32 $0x200;
	s16 =	simm.s32 $0x4  }
.LBB2_6:
0x21: {  	s11 =	sadd.s32 $0x960, s13;
	[sflag:s7] =	ssyncadd.s32 $0xFFFFC000  }
0x22: {  	[tilespmem:s2], [sflag:$0x1] =	stream.linear.gather [hbm4b:s11+s2], $0x80, $0x38;
	[tilespmem:$0x1C200] =	vst v63  }
0x23: {  	_ =	swait.ge [sflag:s8], $0x80  }
0x24: {  	[sflag:s8] =	ssyncset.done $0x0  }
0x25: {  	[sflag:s8] =	ssyncadd.s32 $0xFFFFFF80  }
0x26: {  	[spmem:s1] =	stream.indirect.scatter.add.f32 [tilespmem:s26], [sflag:$0x7], $0x80, s29, s30, $0xb8;
	[tilespmem:$0x1C200] =	vst v63  }
0x27: {  	_ =	swait.ge [sflag:s15], $0x4000  }
0x28: {  	[sflag:s15] =	ssyncset.done $0x0  }
0x29: {  	s20 =	sadd.s32 $0x970, s13;
	[sflag:s15] =	ssyncadd.s32 $0xFFFFC000  }
0x2a: {  	[tilespmem:s30], [sflag:$0x2] =	stream.linear.gather [hbm4b:s20+s2], $0x80, $0x38;
	[tilespmem:$0x1C200] =	vst v63  }
0x2b: {  	_ =	swait.ge [sflag:s16], $0x80  }
0x2c: {  	[sflag:s16] =	ssyncset.done $0x0  }
0x2d: {  	[sflag:s16] =	ssyncadd.s32 $0xFFFFFF80  }
0x2e: {  	[spmem:s1] =	stream.indirect.scatter.add.f32 [tilespmem:s6], [sflag:$0x7], $0x80, s31, s30, $0xb8;
	[tilespmem:$0x1C200] =	vst v63  }
0x2f: {  	_ =	swait.ge [sflag:s0], $0x4000  }
0x30: {  	[sflag:s0] =	ssyncset.done $0x0  }
0x31: {  	[sflag:s0] =	ssyncadd.s32 $0xFFFFC000  }
0x32: {  	_ =	swait.ge [sflag:s0], $0x4000  }
0x33: {  	s10 =	sadd.s32 s10, s4;
	[sflag:s0] =	ssyncset.done $0x0  }
0x34: {  	s25 =	sadd.s32 $0x960, s10;
	[sflag:s0] =	ssyncadd.s32 $0xFFFFC000  }
0x35: {  	[tilespmem:s29], [sflag:$0x3] =	stream.linear.gather [hbm4b:s25+s2], $0x80, $0x38;
	[tilespmem:$0x1C200] =	vst v63  }
0x36: {  	s10 =	sadd.s32 $0x970, s10  }
0x37: {  	[tilespmem:s31], [sflag:$0x4] =	stream.linear.gather [hbm4b:s10+s2], $0x80, $0x38;
	[tilespmem:$0x1C200] =	vst v63  }
0x38: {  	_ =	swait.ge [sflag:s12], $0x80  }
0x39: {  	[sflag:s12] =	ssyncset.done $0x0  }
0x3a: {  	[sflag:s12] =	ssyncadd.s32 $0xFFFFFF80  }
0x3b: {  	[tilespmem:s26], [sflag:$0x5] =	stream.indirect.gather [hbm4b:s19+s30], $0x80, s2, s30, $0xb8;
	[tilespmem:$0x1C200] =	vst v63  }
0x3c: {  	_ =	swait.ge [sflag:s5], $0x80  }
0x3d: {  	[sflag:s5] =	ssyncset.done $0x0  }
0x3e: {  	[sflag:s5] =	ssyncadd.s32 $0xFFFFFF80  }
0x3f: {  	[tilespmem:s6], [sflag:$0x6] =	stream.indirect.gather [hbm4b:s19+s30], $0x80, s30, s30, $0xb8;
	[tilespmem:$0x1C200] =	vst v63  }
0x40: {  	_ =	swait.ge [sflag:s7], $0x4000  }
0x41: {  	[sflag:s7] =	ssyncset.done $0x0  }
0x42: {  	[sflag:s7] =	ssyncadd.s32 $0xFFFFC000  }
.LBB2_10:
0x43: {  	_ =	swait.ge [sflag:s8], $0x80  }
0x44: {  	[sflag:s8] =	ssyncset.done $0x0  }
0x45: {  	[sflag:s8] =	ssyncadd.s32 $0xFFFFFF80  }
0x46: {  	[spmem:s1] =	stream.indirect.scatter.add.f32 [tilespmem:s26], [sflag:$0x7], $0x80, s29, s30, $0xb8;
	[tilespmem:$0x1C200] =	vst v63  }
0x47: {  	_ =	swait.ge [sflag:s15], $0x4000  }
0x48: {  	[sflag:s15] =	ssyncset.done $0x0  }
0x49: {  	[sflag:s15] =	ssyncadd.s32 $0xFFFFC000  }
0x4a: {  	_ =	swait.ge [sflag:s16], $0x80  }
0x4b: {  	[sflag:s16] =	ssyncset.done $0x0  }
0x4c: {  	[sflag:s16] =	ssyncadd.s32 $0xFFFFFF80  }
0x4d: {  	[spmem:s1] =	stream.indirect.scatter.add.f32 [tilespmem:s6], [sflag:$0x7], $0x80, s31, s30, $0xb8;
	[tilespmem:$0x1C200] =	vst v63  }
0x4e: {  	_ =	swait.ge [sflag:s0], $0x4000  }
0x4f: {  	[sflag:s0] =	ssyncset.done $0x0  }
0x50: {  	[sflag:s0] =	ssyncadd.s32 $0xFFFFC000  }
0x51: {  	_ =	swait.ge [sflag:s0], $0x4000  }
0x52: {  	[sflag:s0] =	ssyncset.done $0x0  }
0x53: {  	s10 =	stileid.u32;
	[sflag:s0] =	ssyncadd.s32 $0xFFFFC000  }
0x54: {  	s10 =	sshll.u32 s10, $0x6;
	[bflag:$0x0] =	sbarrier.arrive $0xFFFF  }
0x55: {  	s11 =	sshrl.u32 s21, $0x3;
	s10 =	sor.u32 $0x1C08, s10;
	s13 =	rddreg [dreg:$0x8]  }
0x56: {  	[hbm:s13], [sflag:s10] =	dma.local [spmem:s11], $0x800  }
0x57: {  	_ =	swait.ge [sflag:s28], $0x800  }
0x58: {  	s20 =	smov.u32 s21;
	s25 =	smov.u32 s22;
	[sflag:s28] =	ssyncset.done $0x0  }
0x59: {  	s21 =	sshrl.u32 s22, $0x3;
	s22 =	rddreg [dreg:$0x9];
	[sflag:s28] =	ssyncadd.s32 $0xFFFFF800  }
0x5a: {  	[hbm:s22], [sflag:s10] =	dma.local [spmem:s21], $0x800  }
0x5b: {  	_ =	swait.ge [sflag:s28], $0x800  }
0x5c: {  	[sflag:s28] =	ssyncset.done $0x0  }
0x5d: {  	s13 =	sshrl.u32 s23, $0x3;
	s21 =	rddreg [dreg:$0xa];
	[sflag:s28] =	ssyncadd.s32 $0xFFFFF800  }
0x5e: {  	[hbm:s21], [sflag:s10] =	dma.local [spmem:s13], $0x800  }
0x5f: {  	_ =	swait.ge [sflag:s28], $0x800  }
0x60: {  	s14 =	smov.u32 s23;
	[sflag:s28] =	ssyncset.done $0x0;
	s22 =	rddreg [dreg:$0xf]  }
0x61: {  	s23 =	rddreg [dreg:$0xb];
	[sflag:s28] =	ssyncadd.s32 $0xFFFFF800;
	s11 =	sshrl.u32 s22, $0x3  }
0x62: {  	[hbm:s23], [sflag:s10] =	dma.local [spmem:s11], $0x800  }
0x63: {  	_ =	swait.ge [sflag:s28], $0x800  }
0x64: {  	[sflag:s28] =	ssyncset.done $0x0  }
0x65: {  	s21 =	sshrl.u32 s24, $0x3;
	s22 =	rddreg [dreg:$0xc];
	[sflag:s28] =	ssyncadd.s32 $0xFFFFF800  }
0x66: {  	[hbm:s22], [sflag:s10] =	dma.local [spmem:s21], $0x800  }
0x67: {  	_ =	swait.ge [sflag:s28], $0x800  }
0x68: {  	s9 =	sadd.s32 $0x1, s9;
	s23 =	rddreg [dreg:$0x10]  }
0x69: {  	p1 =	sne.s32 s9, s23  }
.Ltmp1:
0x6a: {  	_ = 	snop;
	(pc) =	sbr.rel @!p1 .LBB2_11-.Ltmp1, $3  }
0x6b: {  	_ =	sdelay $0x1  }
0x6c: {  	[sflag:s28] =	ssyncset.done $0x0  }
0x6d: {  	[sflag:s28] =	ssyncadd.s32 $0xFFFFF800  }
.LBB2_1:
0x6e: {  	s10 =	simm.s32 $0x0;
	s11 =	simm.s32 $0x200  }
.LBB2_2:
0x6f: {  	p1 =	sne.s32 s11, $0xFE00;
	[tilespmem:s10+$0x270] =	vst v0  }
0x70: {  	[tilespmem:s10+$0x200] =	vst v0  }
0x71: {  	[tilespmem:s10+$0x210] =	vst v0  }
.Ltmp2:
0x72: {  	[tilespmem:s10+$0x220] =	vst v0;
	(pc) =	sbr.rel @p1 .LBB2_2-.Ltmp2, $4  }
0x73: {  	[tilespmem:s10+$0x230] =	vst v0  }
0x74: {  	[tilespmem:s10+$0x240] =	vst v0  }
0x75: {  	[tilespmem:s10+$0x250] =	vst v0  }
0x76: {  	[tilespmem:s10+$0x260] =	vst v0;
	s10 =	sshra.s32 s11, $0x2;
	s11 =	sadd.s32 $0x200, s11  }
0x77: {  	[tilespmem:s10+$0x270] =	vst v0  }
0x78: {  	[tilespmem:s10+$0x200] =	vst v0  }
0x79: {  	[tilespmem:s10+$0x210] =	vst v0  }
0x7a: {  	[tilespmem:s10+$0x220] =	vst v0  }
0x7b: {  	[tilespmem:s10+$0x230] =	vst v0  }
0x7c: {  	[tilespmem:s10+$0x240] =	vst v0  }
0x7d: {  	[tilespmem:s10+$0x250] =	vst v0  }
0x7e: {  	[tilespmem:s10+$0x260] =	vst v0  }
0x7f: {  	[spmem:s20] =	stream.linear.scatter [tilespmem:s26], [sflag:$0x8], $0x4000, $0x38;
	[tilespmem:$0x1C200] =	vst v63  }
0x80: {  	_ =	swait.ge [sflag:s28], $0x4000  }
0x81: {  	[sflag:s28] =	ssyncset.done $0x0  }
0x82: {  	[sflag:s28] =	ssyncadd.s32 $0xFFFFC000  }
0x83: {  	[spmem:s25] =	stream.linear.scatter [tilespmem:s26], [sflag:$0x8], $0x4000, $0x38;
	[tilespmem:$0x1C200] =	vst v63  }
0x84: {  	_ =	swait.ge [sflag:s28], $0x4000  }
0x85: {  	[sflag:s28] =	ssyncset.done $0x0  }
0x86: {  	[sflag:s28] =	ssyncadd.s32 $0xFFFFC000  }
0x87: {  	[spmem:s14] =	stream.linear.scatter [tilespmem:s26], [sflag:$0x8], $0x4000, $0x38;
	[tilespmem:$0x1C200] =	vst v63  }
0x88: {  	_ =	swait.ge [sflag:s28], $0x4000  }
0x89: {  	[sflag:s28] =	ssyncset.done $0x0  }
0x8a: {  	s22 =	smov.u32 s25;
	s25 =	rddreg [dreg:$0xf];
	[sflag:s28] =	ssyncadd.s32 $0xFFFFC000  }
0x8b: {  	[spmem:s25] =	stream.linear.scatter [tilespmem:s26], [sflag:$0x8], $0x4000, $0x38;
	[tilespmem:$0x1C200] =	vst v63  }
0x8c: {  	_ =	swait.ge [sflag:s28], $0x4000  }
0x8d: {  	[sflag:s28] =	ssyncset.done $0x0  }
0x8e: {  	[sflag:s28] =	ssyncadd.s32 $0xFFFFC000  }
0x8f: {  	[spmem:s24] =	stream.linear.scatter [tilespmem:s26], [sflag:$0x8], $0x4000, $0x38;
	[tilespmem:$0x1C200] =	vst v63  }
.Ltmp3:
0x90: {  	_ =	swait.ge [sflag:s28], $0x4000;
	(pc) =	sbr.rel @!p0 .LBB2_4-.Ltmp3, $4  }
0x91: {  	[sflag:s28] =	ssyncset.done $0x0  }
0x92: {  	[sflag:s28] =	ssyncadd.s32 $0xFFFFC000  }
0x93: {  	[bflag:$0x0] =	sbarrier.arrive $0xFFFF  }
0x94: {  	s21 =	smov.u32 s20;
	s23 =	smov.u32 s14  }
0x95: {  	s10 =	rddreg [dreg:$0x6]  }
0x96: {  	[tilespmem:s2], [sflag:$0x1] =	stream.linear.gather [hbm4b:s10+s2], $0x80, $0x38;
	[tilespmem:$0x1C200] =	vst v63  }
0x97: {  	s25 =	rddreg [dreg:$0x7]  }
0x98: {  	[tilespmem:s29], [sflag:$0x3] =	stream.linear.gather [hbm4b:s25+s2], $0x80, $0x38;
	[tilespmem:$0x1C200] =	vst v63  }
0x99: {  	s11 =	rddreg [dreg:$0xd]  }
0x9a: {  	[tilespmem:s30], [sflag:$0x2] =	stream.linear.gather [hbm4b:s11+s2], $0x80, $0x38;
	[tilespmem:$0x1C200] =	vst v63  }
0x9b: {  	s13 =	rddreg [dreg:$0xe]  }
0x9c: {  	[tilespmem:s31], [sflag:$0x4] =	stream.linear.gather [hbm4b:s13+s2], $0x80, $0x38;
	[tilespmem:$0x1C200] =	vst v63  }
0x9d: {  	_ =	swait.ge [sflag:s12], $0x80  }
0x9e: {  	[sflag:s12] =	ssyncset.done $0x0  }
0x9f: {  	[sflag:s12] =	ssyncadd.s32 $0xFFFFFF80  }
0xa0: {  	[tilespmem:s26], [sflag:$0x5] =	stream.indirect.gather [hbm4b:s19+s30], $0x80, s2, s30, $0xb8;
	[tilespmem:$0x1C200] =	vst v63  }
0xa1: {  	_ =	swait.ge [sflag:s5], $0x80  }
0xa2: {  	[sflag:s5] =	ssyncset.done $0x0  }
0xa3: {  	[sflag:s5] =	ssyncadd.s32 $0xFFFFFF80  }
0xa4: {  	[tilespmem:s6], [sflag:$0x6] =	stream.indirect.gather [hbm4b:s19+s30], $0x80, s30, s30, $0xb8;
	[tilespmem:$0x1C200] =	vst v63  }
0xa5: {  	_ =	swait.ge [sflag:s7], $0x4000  }
0xa6: {  	s14 =	sadd.s32 $0xFFFFFF80, s18;
	[sflag:s7] =	ssyncset.done $0x0  }
0xa7: {  	s11 =	sadd.s32 $0x96A0, s14;
	[sflag:s7] =	ssyncadd.s32 $0xFFFFC000  }
0xa8: {  	[tilespmem:s2], [sflag:$0x1] =	stream.linear.gather [hbm4b:s11+s2], $0x80, $0x38;
	[tilespmem:$0x1C200] =	vst v63  }
0xa9: {  	_ =	swait.ge [sflag:s8], $0x80  }
0xaa: {  	[sflag:s8] =	ssyncset.done $0x0  }
0xab: {  	[sflag:s8] =	ssyncadd.s32 $0xFFFFFF80  }
0xac: {  	[spmem:s1] =	stream.indirect.scatter.add.f32 [tilespmem:s26], [sflag:$0x7], $0x80, s29, s30, $0xb8;
	[tilespmem:$0x1C200] =	vst v63  }
0xad: {  	_ =	swait.ge [sflag:s15], $0x4000  }
0xae: {  	[sflag:s15] =	ssyncset.done $0x0  }
0xaf: {  	s10 =	sadd.s32 $0x96B0, s14;
	[sflag:s15] =	ssyncadd.s32 $0xFFFFC000  }
0xb0: {  	[tilespmem:s30], [sflag:$0x2] =	stream.linear.gather [hbm4b:s10+s2], $0x80, $0x38;
	[tilespmem:$0x1C200] =	vst v63  }
0xb1: {  	_ =	swait.ge [sflag:s16], $0x80  }
0xb2: {  	[sflag:s16] =	ssyncset.done $0x0  }
0xb3: {  	[sflag:s16] =	ssyncadd.s32 $0xFFFFFF80  }
0xb4: {  	[spmem:s1] =	stream.indirect.scatter.add.f32 [tilespmem:s6], [sflag:$0x7], $0x80, s31, s30, $0xb8;
	[tilespmem:$0x1C200] =	vst v63  }
0xb5: {  	_ =	swait.ge [sflag:s0], $0x4000  }
0xb6: {  	[sflag:s0] =	ssyncset.done $0x0  }
0xb7: {  	[sflag:s0] =	ssyncadd.s32 $0xFFFFC000  }
0xb8: {  	_ =	swait.ge [sflag:s0], $0x4000  }
0xb9: {  	s20 =	sadd.s32 $0xFFFFFF80, s17;
	[sflag:s0] =	ssyncset.done $0x0  }
0xba: {  	s25 =	sadd.s32 $0x96A0, s20;
	[sflag:s0] =	ssyncadd.s32 $0xFFFFC000  }
0xbb: {  	[tilespmem:s29], [sflag:$0x3] =	stream.linear.gather [hbm4b:s25+s2], $0x80, $0x38;
	[tilespmem:$0x1C200] =	vst v63  }
0xbc: {  	s10 =	sadd.s32 $0x96B0, s20  }
0xbd: {  	[tilespmem:s31], [sflag:$0x4] =	stream.linear.gather [hbm4b:s10+s2], $0x80, $0x38;
	[tilespmem:$0x1C200] =	vst v63  }
0xbe: {  	_ =	swait.ge [sflag:s12], $0x80  }
0xbf: {  	[sflag:s12] =	ssyncset.done $0x0  }
0xc0: {  	[sflag:s12] =	ssyncadd.s32 $0xFFFFFF80  }
0xc1: {  	[tilespmem:s26], [sflag:$0x5] =	stream.indirect.gather [hbm4b:s19+s30], $0x80, s2, s30, $0xb8;
	[tilespmem:$0x1C200] =	vst v63  }
0xc2: {  	_ =	swait.ge [sflag:s5], $0x80  }
0xc3: {  	[sflag:s5] =	ssyncset.done $0x0  }
0xc4: {  	[sflag:s5] =	ssyncadd.s32 $0xFFFFFF80  }
0xc5: {  	[tilespmem:s6], [sflag:$0x6] =	stream.indirect.gather [hbm4b:s19+s30], $0x80, s30, s30, $0xb8;
	[tilespmem:$0x1C200] =	vst v63  }
0xc6: {  	s14 =	simm.s32 $0xFFFFFFC0;
	_ =	swait.ge [sflag:s7], $0x4000  }
0xc7: {  	s13 =	sadd.s32 $0xFFFFFFA0, s18;
	s10 =	simm.s32 $0xFFFFFFA0;
	[sflag:s7] =	ssyncset.done $0x0  }
.LBB2_8:
0xc8: {  	s20 =	sadd.s32 $0x96A0, s13  }
0xc9: {  	[sflag:s7] =	ssyncadd.s32 $0xFFFFC000;
	s25 =	smov.u32 s14;
	s11 =	sadd.s32 $0x20, s14  }
0xca: {  	[tilespmem:s2], [sflag:$0x1] =	stream.linear.gather [hbm4b:s20+s2], $0x80, $0x38;
	[tilespmem:$0x1C200] =	vst v63  }
0xcb: {  	p1 =	sne.s32 s14, $0xFFFFFFE0;
	_ =	swait.ge [sflag:s8], $0x80  }
0xcc: {  	[sflag:s8] =	ssyncset.done $0x0  }
0xcd: {  	[sflag:s8] =	ssyncadd.s32 $0xFFFFFF80  }
0xce: {  	[spmem:s1] =	stream.indirect.scatter.add.f32 [tilespmem:s26], [sflag:$0x7], $0x80, s29, s30, $0xb8;
	[tilespmem:$0x1C200] =	vst v63  }
0xcf: {  	_ =	swait.ge [sflag:s15], $0x4000  }
0xd0: {  	[sflag:s15] =	ssyncset.done $0x0  }
0xd1: {  	s13 =	sadd.s32 $0x96B0, s13;
	[sflag:s15] =	ssyncadd.s32 $0xFFFFC000  }
0xd2: {  	[tilespmem:s30], [sflag:$0x2] =	stream.linear.gather [hbm4b:s13+s2], $0x80, $0x38;
	[tilespmem:$0x1C200] =	vst v63  }
0xd3: {  	_ =	swait.ge [sflag:s16], $0x80  }
0xd4: {  	[sflag:s16] =	ssyncset.done $0x0  }
0xd5: {  	[sflag:s16] =	ssyncadd.s32 $0xFFFFFF80  }
0xd6: {  	[spmem:s1] =	stream.indirect.scatter.add.f32 [tilespmem:s6], [sflag:$0x7], $0x80, s31, s30, $0xb8;
	[tilespmem:$0x1C200] =	vst v63  }
0xd7: {  	_ =	swait.ge [sflag:s0], $0x4000  }
0xd8: {  	[sflag:s0] =	ssyncset.done $0x0  }
0xd9: {  	[sflag:s0] =	ssyncadd.s32 $0xFFFFC000  }
0xda: {  	_ =	swait.ge [sflag:s0], $0x4000  }
0xdb: {  	s13 =	sadd.s32 s10, s17;
	s10 =	smov.u32 s25;
	[sflag:s0] =	ssyncset.done $0x0  }
0xdc: {  	s14 =	sadd.s32 $0x96A0, s13;
	[sflag:s0] =	ssyncadd.s32 $0xFFFFC000  }
0xdd: {  	[tilespmem:s29], [sflag:$0x3] =	stream.linear.gather [hbm4b:s14+s2], $0x80, $0x38;
	[tilespmem:$0x1C200] =	vst v63  }
0xde: {  	s13 =	sadd.s32 $0x96B0, s13  }
0xdf: {  	[tilespmem:s31], [sflag:$0x4] =	stream.linear.gather [hbm4b:s13+s2], $0x80, $0x38;
	[tilespmem:$0x1C200] =	vst v63  }
0xe0: {  	_ =	swait.ge [sflag:s12], $0x80  }
0xe1: {  	[sflag:s12] =	ssyncset.done $0x0  }
0xe2: {  	[sflag:s12] =	ssyncadd.s32 $0xFFFFFF80  }
0xe3: {  	[tilespmem:s26], [sflag:$0x5] =	stream.indirect.gather [hbm4b:s19+s30], $0x80, s2, s30, $0xb8;
	[tilespmem:$0x1C200] =	vst v63  }
0xe4: {  	_ =	swait.ge [sflag:s5], $0x80  }
.Ltmp4:
0xe5: {  	[sflag:s5] =	ssyncset.done $0x0;
	(pc) =	sbr.rel @p1 .LBB2_8-.Ltmp4, $4  }
0xe6: {  	[sflag:s5] =	ssyncadd.s32 $0xFFFFFF80  }
0xe7: {  	[tilespmem:s6], [sflag:$0x6] =	stream.indirect.gather [hbm4b:s19+s30], $0x80, s30, s30, $0xb8;
	[tilespmem:$0x1C200] =	vst v63  }
0xe8: {  	_ =	swait.ge [sflag:s7], $0x4000  }
0xe9: {  	s14 =	smov.u32 s11;
	s13 =	sadd.s32 s10, s18;
	[sflag:s7] =	ssyncset.done $0x0  }
0xea: {  	s11 =	sadd.s32 $0x96A0, s13;
	[sflag:s7] =	ssyncadd.s32 $0xFFFFC000  }
0xeb: {  	[tilespmem:s2], [sflag:$0x1] =	stream.linear.gather [hbm4b:s11+s2], $0x80, $0x38;
	[tilespmem:$0x1C200] =	vst v63  }
0xec: {  	_ =	swait.ge [sflag:s8], $0x80  }
0xed: {  	[sflag:s8] =	ssyncset.done $0x0  }
0xee: {  	[sflag:s8] =	ssyncadd.s32 $0xFFFFFF80  }
0xef: {  	[spmem:s1] =	stream.indirect.scatter.add.f32 [tilespmem:s26], [sflag:$0x7], $0x80, s29, s30, $0xb8;
	[tilespmem:$0x1C200] =	vst v63  }
0xf0: {  	_ =	swait.ge [sflag:s15], $0x4000  }
0xf1: {  	[sflag:s15] =	ssyncset.done $0x0  }
0xf2: {  	s20 =	sadd.s32 $0x96B0, s13;
	[sflag:s15] =	ssyncadd.s32 $0xFFFFC000  }
0xf3: {  	[tilespmem:s30], [sflag:$0x2] =	stream.linear.gather [hbm4b:s20+s2], $0x80, $0x38;
	[tilespmem:$0x1C200] =	vst v63  }
0xf4: {  	_ =	swait.ge [sflag:s16], $0x80  }
0xf5: {  	[sflag:s16] =	ssyncset.done $0x0  }
0xf6: {  	[sflag:s16] =	ssyncadd.s32 $0xFFFFFF80  }
0xf7: {  	[spmem:s1] =	stream.indirect.scatter.add.f32 [tilespmem:s6], [sflag:$0x7], $0x80, s31, s30, $0xb8;
	[tilespmem:$0x1C200] =	vst v63  }
0xf8: {  	_ =	swait.ge [sflag:s0], $0x4000  }
0xf9: {  	[sflag:s0] =	ssyncset.done $0x0  }
0xfa: {  	[sflag:s0] =	ssyncadd.s32 $0xFFFFC000  }
0xfb: {  	_ =	swait.ge [sflag:s0], $0x4000  }
0xfc: {  	s10 =	sadd.s32 s10, s17;
	[sflag:s0] =	ssyncset.done $0x0  }
0xfd: {  	s25 =	sadd.s32 $0x96A0, s10;
	[sflag:s0] =	ssyncadd.s32 $0xFFFFC000  }
0xfe: {  	[tilespmem:s29], [sflag:$0x3] =	stream.linear.gather [hbm4b:s25+s2], $0x80, $0x38;
	[tilespmem:$0x1C200] =	vst v63  }
0xff: {  	s10 =	sadd.s32 $0x96B0, s10  }
0x100: {  	[tilespmem:s31], [sflag:$0x4] =	stream.linear.gather [hbm4b:s10+s2], $0x80, $0x38;
	[tilespmem:$0x1C200] =	vst v63  }
0x101: {  	_ =	swait.ge [sflag:s12], $0x80  }
0x102: {  	[sflag:s12] =	ssyncset.done $0x0  }
0x103: {  	[sflag:s12] =	ssyncadd.s32 $0xFFFFFF80  }
0x104: {  	[tilespmem:s26], [sflag:$0x5] =	stream.indirect.gather [hbm4b:s19+s30], $0x80, s2, s30, $0xb8;
	[tilespmem:$0x1C200] =	vst v63  }
0x105: {  	_ =	swait.ge [sflag:s5], $0x80  }
0x106: {  	[sflag:s5] =	ssyncset.done $0x0  }
.Ltmp5:
0x107: {  	[sflag:s5] =	ssyncadd.s32 $0xFFFFFF80;
	(pc) =	sbr.rel .LBB2_10-.Ltmp5, $4  }
0x108: {  	[tilespmem:s6], [sflag:$0x6] =	stream.indirect.gather [hbm4b:s19+s30], $0x80, s30, s30, $0xb8;
	[tilespmem:$0x1C200] =	vst v63  }
0x109: {  	_ =	swait.ge [sflag:s7], $0x4000  }
0x10a: {  	[sflag:s7] =	ssyncset.done $0x0  }
0x10b: {  	[sflag:s7] =	ssyncadd.s32 $0xFFFFC000  }
.LBB2_4:
0x10c: {  	[tilespmem:s2], [sflag:$0x1] =	stream.linear.gather [hbm4b:s3+s2], $0x80, $0x38;
	[tilespmem:$0x1C200] =	vst v63  }
0x10d: {  	_ = 	snop  }
0x10e: {  	[tilespmem:s29], [sflag:$0x3] =	stream.linear.gather [hbm4b:s4+s2], $0x80, $0x38;
	[tilespmem:$0x1C200] =	vst v63  }
0x10f: {  	s10 =	rddreg [dreg:$0x4]  }
0x110: {  	[tilespmem:s30], [sflag:$0x2] =	stream.linear.gather [hbm4b:s10+s2], $0x80, $0x38;
	[tilespmem:$0x1C200] =	vst v63  }
0x111: {  	s13 =	rddreg [dreg:$0x5]  }
0x112: {  	[tilespmem:s31], [sflag:$0x4] =	stream.linear.gather [hbm4b:s13+s2], $0x80, $0x38;
	[tilespmem:$0x1C200] =	vst v63  }
0x113: {  	_ =	swait.ge [sflag:s12], $0x80  }
0x114: {  	[sflag:s12] =	ssyncset.done $0x0  }
0x115: {  	[sflag:s12] =	ssyncadd.s32 $0xFFFFFF80  }
0x116: {  	[tilespmem:s26], [sflag:$0x5] =	stream.indirect.gather [hbm4b:s19+s30], $0x80, s2, s30, $0xb8;
	[tilespmem:$0x1C200] =	vst v63  }
0x117: {  	_ =	swait.ge [sflag:s5], $0x80  }
0x118: {  	[sflag:s5] =	ssyncset.done $0x0  }
0x119: {  	[sflag:s5] =	ssyncadd.s32 $0xFFFFFF80  }
0x11a: {  	[tilespmem:s6], [sflag:$0x6] =	stream.indirect.gather [hbm4b:s19+s30], $0x80, s30, s30, $0xb8;
	[tilespmem:$0x1C200] =	vst v63  }
0x11b: {  	_ =	swait.ge [sflag:s7], $0x4000  }
0x11c: {  	s14 =	sadd.s32 $0xFFFFF6C0, s3;
	[sflag:s7] =	ssyncset.done $0x0  }
0x11d: {  	s11 =	sadd.s32 $0x960, s14;
	[sflag:s7] =	ssyncadd.s32 $0xFFFFC000  }
0x11e: {  	[tilespmem:s2], [sflag:$0x1] =	stream.linear.gather [hbm4b:s11+s2], $0x80, $0x38;
	[tilespmem:$0x1C200] =	vst v63  }
0x11f: {  	_ =	swait.ge [sflag:s8], $0x80  }
0x120: {  	[sflag:s8] =	ssyncset.done $0x0  }
0x121: {  	[sflag:s8] =	ssyncadd.s32 $0xFFFFFF80  }
0x122: {  	[spmem:s1] =	stream.indirect.scatter.add.f32 [tilespmem:s26], [sflag:$0x7], $0x80, s29, s30, $0xb8;
	[tilespmem:$0x1C200] =	vst v63  }
0x123: {  	_ =	swait.ge [sflag:s15], $0x4000  }
0x124: {  	[sflag:s15] =	ssyncset.done $0x0  }
0x125: {  	s10 =	sadd.s32 $0x970, s14;
	[sflag:s15] =	ssyncadd.s32 $0xFFFFC000  }
0x126: {  	[tilespmem:s30], [sflag:$0x2] =	stream.linear.gather [hbm4b:s10+s2], $0x80, $0x38;
	[tilespmem:$0x1C200] =	vst v63  }
0x127: {  	_ =	swait.ge [sflag:s16], $0x80  }
0x128: {  	[sflag:s16] =	ssyncset.done $0x0  }
0x129: {  	[sflag:s16] =	ssyncadd.s32 $0xFFFFFF80  }
0x12a: {  	[spmem:s1] =	stream.indirect.scatter.add.f32 [tilespmem:s6], [sflag:$0x7], $0x80, s31, s30, $0xb8;
	[tilespmem:$0x1C200] =	vst v63  }
0x12b: {  	_ =	swait.ge [sflag:s0], $0x4000  }
0x12c: {  	[sflag:s0] =	ssyncset.done $0x0  }
0x12d: {  	[sflag:s0] =	ssyncadd.s32 $0xFFFFC000  }
0x12e: {  	_ =	swait.ge [sflag:s0], $0x4000  }
0x12f: {  	s20 =	sadd.s32 $0xFFFFF6C0, s4;
	[sflag:s0] =	ssyncset.done $0x0  }
0x130: {  	s25 =	sadd.s32 $0x960, s20;
	[sflag:s0] =	ssyncadd.s32 $0xFFFFC000  }
0x131: {  	[tilespmem:s29], [sflag:$0x3] =	stream.linear.gather [hbm4b:s25+s2], $0x80, $0x38;
	[tilespmem:$0x1C200] =	vst v63  }
0x132: {  	s10 =	sadd.s32 $0x970, s20  }
0x133: {  	[tilespmem:s31], [sflag:$0x4] =	stream.linear.gather [hbm4b:s10+s2], $0x80, $0x38;
	[tilespmem:$0x1C200] =	vst v63  }
0x134: {  	_ =	swait.ge [sflag:s12], $0x80  }
0x135: {  	[sflag:s12] =	ssyncset.done $0x0  }
0x136: {  	[sflag:s12] =	ssyncadd.s32 $0xFFFFFF80  }
0x137: {  	[tilespmem:s26], [sflag:$0x5] =	stream.indirect.gather [hbm4b:s19+s30], $0x80, s2, s30, $0xb8;
	[tilespmem:$0x1C200] =	vst v63  }
0x138: {  	_ =	swait.ge [sflag:s5], $0x80  }
0x139: {  	[sflag:s5] =	ssyncset.done $0x0  }
0x13a: {  	[sflag:s5] =	ssyncadd.s32 $0xFFFFFF80  }
0x13b: {  	[tilespmem:s6], [sflag:$0x6] =	stream.indirect.gather [hbm4b:s19+s30], $0x80, s30, s30, $0xb8;
	[tilespmem:$0x1C200] =	vst v63  }
0x13c: {  	s13 =	sadd.s32 $0xFFFFF6E0, s3;
	_ =	swait.ge [sflag:s7], $0x4000  }
0x13d: {  	s11 =	simm.s32 $0xFFFFF700;
	s10 =	simm.s32 $0xFFFFF6E0;
	[sflag:s7] =	ssyncset.done $0x0  }
.LBB2_5:
0x13e: {  	s25 =	sadd.s32 $0x960, s13  }
0x13f: {  	[sflag:s7] =	ssyncadd.s32 $0xFFFFC000;
	s20 =	smov.u32 s11;
	s14 =	sadd.s32 $0x20, s11  }
0x140: {  	[tilespmem:s2], [sflag:$0x1] =	stream.linear.gather [hbm4b:s25+s2], $0x80, $0x38;
	[tilespmem:$0x1C200] =	vst v63  }
0x141: {  	p1 =	seq.s32 s11, $0xFFFFFFE0;
	_ =	swait.ge [sflag:s8], $0x80  }
0x142: {  	[sflag:s8] =	ssyncset.done $0x0  }
0x143: {  	[sflag:s8] =	ssyncadd.s32 $0xFFFFFF80  }
0x144: {  	[spmem:s1] =	stream.indirect.scatter.add.f32 [tilespmem:s26], [sflag:$0x7], $0x80, s29, s30, $0xb8;
	[tilespmem:$0x1C200] =	vst v63  }
0x145: {  	_ =	swait.ge [sflag:s15], $0x4000  }
0x146: {  	[sflag:s15] =	ssyncset.done $0x0  }
0x147: {  	s11 =	sadd.s32 $0x970, s13;
	[sflag:s15] =	ssyncadd.s32 $0xFFFFC000  }
0x148: {  	[tilespmem:s30], [sflag:$0x2] =	stream.linear.gather [hbm4b:s11+s2], $0x80, $0x38;
	[tilespmem:$0x1C200] =	vst v63  }
0x149: {  	_ =	swait.ge [sflag:s16], $0x80  }
0x14a: {  	[sflag:s16] =	ssyncset.done $0x0  }
0x14b: {  	[sflag:s16] =	ssyncadd.s32 $0xFFFFFF80  }
0x14c: {  	[spmem:s1] =	stream.indirect.scatter.add.f32 [tilespmem:s6], [sflag:$0x7], $0x80, s31, s30, $0xb8;
	[tilespmem:$0x1C200] =	vst v63  }
0x14d: {  	_ =	swait.ge [sflag:s0], $0x4000  }
0x14e: {  	[sflag:s0] =	ssyncset.done $0x0  }
0x14f: {  	[sflag:s0] =	ssyncadd.s32 $0xFFFFC000  }
0x150: {  	_ =	swait.ge [sflag:s0], $0x4000  }
0x151: {  	s11 =	sadd.s32 s10, s4;
	s10 =	smov.u32 s20;
	[sflag:s0] =	ssyncset.done $0x0  }
0x152: {  	s13 =	sadd.s32 $0x960, s11;
	[sflag:s0] =	ssyncadd.s32 $0xFFFFC000  }
0x153: {  	[tilespmem:s29], [sflag:$0x3] =	stream.linear.gather [hbm4b:s13+s2], $0x80, $0x38;
	[tilespmem:$0x1C200] =	vst v63  }
0x154: {  	s11 =	sadd.s32 $0x970, s11  }
0x155: {  	[tilespmem:s31], [sflag:$0x4] =	stream.linear.gather [hbm4b:s11+s2], $0x80, $0x38;
	[tilespmem:$0x1C200] =	vst v63  }
0x156: {  	_ =	swait.ge [sflag:s12], $0x80  }
0x157: {  	[sflag:s12] =	ssyncset.done $0x0  }
0x158: {  	[sflag:s12] =	ssyncadd.s32 $0xFFFFFF80  }
0x159: {  	[tilespmem:s26], [sflag:$0x5] =	stream.indirect.gather [hbm4b:s19+s30], $0x80, s2, s30, $0xb8;
	[tilespmem:$0x1C200] =	vst v63  }
0x15a: {  	_ =	swait.ge [sflag:s5], $0x80  }
.Ltmp6:
0x15b: {  	[sflag:s5] =	ssyncset.done $0x0;
	(pc) =	sbr.rel @!p1 .LBB2_5-.Ltmp6, $4  }
0x15c: {  	[sflag:s5] =	ssyncadd.s32 $0xFFFFFF80  }
0x15d: {  	[tilespmem:s6], [sflag:$0x6] =	stream.indirect.gather [hbm4b:s19+s30], $0x80, s30, s30, $0xb8;
	[tilespmem:$0x1C200] =	vst v63  }
0x15e: {  	_ =	swait.ge [sflag:s7], $0x4000  }
0x15f: {  	s13 =	sadd.s32 s10, s3;
	s11 =	smov.u32 s14;
	[sflag:s7] =	ssyncset.done $0x0  }
.Ltmp7:
0x160: {  	_ = 	snop;
	(pc) =	sbr.rel .LBB2_6-.Ltmp7, $1  }
0x161: {  	_ =	sdelay $0x3  }
.LBB2_11:
0x162: {  	_ =	sfence.sel $0x180000  }
0x163: {  	[bflag:$0x0] =	sbarrier.arrive $0xFFFF  }
0x164: {  	_ =	strace $0x9000004A  }
0x165: {  	s0 =	stileid.u32;
	[bflag:$0x2] =	sbarrier.arrive $0xFFFF  }
0x166: {  	p0 =	sne.s32 s0, $0x0;
	s0 =	rddreg [dreg:$0x3]  }
0x167: {  	s0 =	sadd.s32 @!p0 $0x100000, s0  }
0x168: {  	[sflag:s0] =	ssyncadd.tile.s32 @!p0 $0x1;
	_ =	shalt  }
.Lfunc_end2:
_tile_overlayer_lowered:
.L_overlay_start_2:
0x169: {  	(tag) =	ssettag $0x2  }
0x16a: {  	s0 =	rddreg [dreg:$0x0];
	s2 =	stileid.u32  }
0x16b: {  	s1 =	rddreg [dreg:$0x1];
	p0 =	sne.s32 s2, $0x0  }
0x16c: {  	s3 =	rddreg [dreg:$0x2];
	[bflag:$0x3] =	sbarrier.arrive $0xFFFF;
	s2 =	simm.s32 @!p0 $0x1C08  }
0x16d: {  	[timem:s3], [sflag:s2] =	dma.local @!p0 [hbm:s0], s1  }
0x16e: {  	s0 =	simm.s32 @!p0 $0x8  }
0x16f: {  	_ =	swait.ge @!p0 [sflag:s0], s1  }
0x170: {  	s1 =	ssub.s32 @!p0 $0x0, s1;
	[sflag:s0] =	ssyncset.done @!p0 $0x0  }
0x171: {  	[sflag:s0] =	ssyncadd.s32 @!p0 s1  }
0x172: {  	[bflag:$0x3] =	sbarrier.arrive $0xFFFF  }
0x173: {  	_ =	shalt  }

// kernel: kernel.15.cloned.1.call-start
scs
__scs_entry_jumppad:
0x0: {  	(pc) =	sbr.rel $0x88, $3  }
0x1: {  	(tag) =	ssettag $0x0;
	lr =	simm.s32 $0x1  }
0x2: {  	[smem:$0x3F99] =	sst lr;
	_ =	strace $0xD0000000  }
0x3: {  	_ = 	snop  }
0x4: {  	_ = 	snop  }
0x5: {  	_ = 	snop  }
0x6: {  	_ = 	snop  }
0x7: {  	_ = 	snop  }
__scs_overlays_trampoline_lowered:
0x8: {  	[smem:$0x3FA8] =	sst s0  }
0x9: {  	[smem:$0x3FA9] =	sst s1  }
0xa: {  	[smem:$0x3FAA] =	sst s2  }
0xb: {  	[smem:$0x3FAB] =	sst s3  }
0xc: {  	[smem:$0x3FAC] =	sst s4  }
0xd: {  	[smem:$0x3FAD] =	sst s5  }
0xe: {  	[smem:$0x3FAE] =	sst s6  }
0xf: {  	[smem:$0x3FAF] =	sst s7  }
0x10: {  	[smem:$0x3FB0] =	sst s8  }
0x11: {  	[smem:$0x3FB1] =	sst s9;
	s0 =	simm.s32 @!p0 $0x0  }
0x12: {  	s1 =	sld [smem:$0x3F97];
	s0 =	simm.s32 @p0 $0x1  }
0x13: {  	[smem:$0x3FB2] =	sst s0;
	s0 =	simm.s32 @!p1 $0x0  }
0x14: {  	s2 =	sld [smem:$0x3F96];
	s0 =	simm.s32 @p1 $0x1  }
0x15: {  	[smem:$0x3FB3] =	sst s0;
	s0 =	simm.s32 @!p2 $0x0  }
0x16: {  	s3 =	sld [smem:$0x3FDB];
	s0 =	simm.s32 @p2 $0x1  }
0x17: {  	s4 =	simm.s32 $0x1BF5;
	[smem:$0x3FB5] =	sst s0  }
0x18: {  	s0 =	sld [smem:$0x3F98];
	_ =	swait.ge [sflag:s4], $0x0  }
0x19: {  	s7 =	sld [smem:$0x3F99]  }
0x1a: {  	s8 =	sadd.s32 $0xFFFFE003, lr  }
0x1b: {  	s9 =	sadd.s32 $0xFFFFFEF7, lr;
	s5 =	simm.s32 $0xFFFFFFFF;
	p2 =	slt.u32 s8, $0xFFFFF086  }
0x1c: {  	p1 =	slt.u32 s9, $0xF7A;
	s5 =	simm.s32 @!p2 $0x0  }
0x1d: {  	s5 =	simm.s32 @p1 $0x1;
	p0 =	seq.s32 s7, s2  }
0x1e: {  	s7 =	smul.u32 @!p0 $0xF7A, s2;
	p2 =	seq.s32 @!p0 s5, $0x0  }
0x1f: {  	s9 =	smul.u32 $0xF7A, s1;
	s8 =	simm.s32 @!p0 $0x1BF5;
	p2 =	por !p2, p0  }
0x20: {  	[sflag:s8] =	ssyncset.s32 @!p0 $0xFFFFF086;
	s6 =	sadd.s32 @!p0 s3, s7;
	s7 =	simm.s32 @!p0 $0x108  }
0x21: {  	s3 =	sadd.s32 s3, s9;
	s6 =	sadd.s32 @!p0 $0x88, s6;
	s7 =	simm.s32 @p2 $0x1082  }
0x22: {  	[simem:s7], [sflag:s8] =	dma.local @!p0 [hbm:s6], $0xF7A  }
0x23: {  	s9 =	sor.u32 $0xD0000000, s2;
	s6 =	simm.s32 $0x108;
	_ =	swait.ge @!p0 [sflag:s8], $0x0  }
0x24: {  	s3 =	sadd.s32 $0x88, s3;
	s6 =	simm.s32 @!p1 $0x1082;
	[sflag:s4] =	ssyncset.s32 $0xFFFFF086  }
0x25: {  	[simem:s6], [sflag:s4] =	dma.local [hbm:s3], $0xF7A  }
0x26: {  	[smem:$0x3F99] =	sst s1;
	(tag) =	ssettag s2;
	_ =	strace s9  }
0x27: {  	s1 =	sld [smem:$0x3FA9]  }
0x28: {  	s2 =	sld [smem:$0x3FAA]  }
0x29: {  	s4 =	sld [smem:$0x3FAC]  }
0x2a: {  	p0 =	seq.s32 s5, $0x0;
	s5 =	sld [smem:$0x3FAD]  }
0x2b: {  	s6 =	sld [smem:$0x3FAE]  }
0x2c: {  	s7 =	sld [smem:$0x3FAF]  }
0x2d: {  	s3 =	simm.s32 $0x108;
	s8 =	sld [smem:$0x3FB0]  }
0x2e: {  	s3 =	simm.s32 @!p0 $0x1082;
	s9 =	sld [smem:$0x3FB1]  }
0x2f: {  	lr =	sadd.s32 s0, s3;
	s0 =	sld [smem:$0x3FA8]  }
0x30: {  	s3 =	sld [smem:$0x3FAB]  }
0x31: {  	[smem:$0x3FB4] =	sst s10  }
0x32: {  	s10 =	sld [smem:$0x3FB2];
	_ =	sdelay $0x3  }
0x33: {  	p0 =	seq.s32 s10, $0x1;
	s10 =	sld [smem:$0x3FB4];
	_ =	sdelay $0x3  }
0x34: {  	[smem:$0x3FB4] =	sst s10  }
0x35: {  	s10 =	sld [smem:$0x3FB3];
	_ =	sdelay $0x3  }
0x36: {  	p1 =	seq.s32 s10, $0x1;
	s10 =	sld [smem:$0x3FB4];
	_ =	sdelay $0x3  }
0x37: {  	[smem:$0x3FB4] =	sst s10  }
0x38: {  	s10 =	sld [smem:$0x3FB5]  }
0x39: {  	_ = 	snop;
	(pc) =	sbr.ind lr, $3  }
0x3a: {  	_ = 	snop  }
0x3b: {  	_ = 	snop  }
0x3c: {  	p2 =	seq.s32 s10, $0x1;
	s10 =	sld [smem:$0x3FB4]  }
0x3d: {  	_ =	shalt  }
0x3e: {  	_ =	shalt  }
0x3f: {  	_ =	shalt  }
0x40: {  	_ =	shalt  }
0x41: {  	_ =	shalt  }
0x42: {  	_ =	shalt  }
0x43: {  	_ =	shalt  }
0x44: {  	_ =	shalt  }
0x45: {  	_ =	shalt  }
0x46: {  	_ =	shalt  }
0x47: {  	_ =	shalt  }
0x48: {  	_ =	shalt  }
0x49: {  	_ =	shalt  }
0x4a: {  	_ =	shalt  }
0x4b: {  	_ =	shalt  }
0x4c: {  	_ =	shalt  }
0x4d: {  	_ =	shalt  }
0x4e: {  	_ =	shalt  }
0x4f: {  	_ =	shalt  }
0x50: {  	_ =	shalt  }
0x51: {  	_ =	shalt  }
0x52: {  	_ =	shalt  }
0x53: {  	_ =	shalt  }
0x54: {  	_ =	shalt  }
0x55: {  	_ =	shalt  }
0x56: {  	_ =	shalt  }
0x57: {  	_ =	shalt  }
0x58: {  	_ =	shalt  }
0x59: {  	_ =	shalt  }
0x5a: {  	_ =	shalt  }
0x5b: {  	_ =	shalt  }
0x5c: {  	_ =	shalt  }
0x5d: {  	_ =	shalt  }
0x5e: {  	_ =	shalt  }
0x5f: {  	_ =	shalt  }
0x60: {  	_ =	shalt  }
0x61: {  	_ =	shalt  }
0x62: {  	_ =	shalt  }
0x63: {  	_ =	shalt  }
0x64: {  	_ =	shalt  }
0x65: {  	_ =	shalt  }
0x66: {  	_ =	shalt  }
0x67: {  	_ =	shalt  }
0x68: {  	_ =	shalt  }
0x69: {  	_ =	shalt  }
0x6a: {  	_ =	shalt  }
0x6b: {  	_ =	shalt  }
0x6c: {  	_ =	shalt  }
0x6d: {  	_ =	shalt  }
0x6e: {  	_ =	shalt  }
0x6f: {  	_ =	shalt  }
0x70: {  	_ =	shalt  }
0x71: {  	_ =	shalt  }
0x72: {  	_ =	shalt  }
0x73: {  	_ =	shalt  }
0x74: {  	_ =	shalt  }
0x75: {  	_ =	shalt  }
0x76: {  	_ =	shalt  }
0x77: {  	_ =	shalt  }
0x78: {  	_ =	shalt  }
0x79: {  	_ =	shalt  }
0x7a: {  	_ =	shalt  }
0x7b: {  	_ =	shalt  }
0x7c: {  	_ =	shalt  }
0x7d: {  	_ =	shalt  }
0x7e: {  	_ =	shalt  }
0x7f: {  	_ =	shalt  }
0x80: {  	_ =	shalt  }
0x81: {  	_ =	shalt  }
0x82: {  	_ =	shalt  }
0x83: {  	_ =	shalt  }
0x84: {  	_ =	shalt  }
0x85: {  	_ =	shalt  }
0x86: {  	_ =	shalt  }
0x87: {  	_ =	shalt  }
.Lfunc_end0:
.L_simem_size_0:
called_computation.2_lowered:
.L_overlay_start_0:
0x88: {  	s2 =	sld [smem:$0x3FD9]  }
0x89: {  	s3 =	sld [smem:$0x3FFE];
	_ =	sdelay $0x1  }
0x8a: {  	s1 =	srdreg.scid  }
0x8b: {  	s0 =	sand.u32 $0x1, s1  }
0x8c: {  	s17 =	sshll.u32 s0, $0xA;
	s2 =	sadd.s32 s3, s2  }
0x8d: {  	s2 =	sadd.s32 s2, s17  }
0x8e: {  	[smem:$0x3FC0] =	sst s2  }
0x8f: {  	_ = 	snop  }
0x90: {  	s2 =	sld [smem:$0x3FD0];
	(tm) =	ssettm $0x1  }
0x91: {  	s18 =	sld [smem:$0x3FFB];
	_ =	sdelay $0x3  }
0x92: {  	_ =	strace s18  }
0x93: {  	s3 =	sld [smem:$0x3FFC];
	_ =	sdelay $0x3  }
0x94: {  	_ =	strace s3  }
0x95: {  	s3 =	sld [smem:$0x3FFD];
	_ =	sdelay $0x3  }
0x96: {  	_ =	strace s3  }
0x97: {  	_ =	strace $0x8FFFFFFF  }
0x98: {  	s19 =	sld [smem:$0x3FDB];
	_ =	sdelay $0x1  }
0x99: {  	s4 =	simm.s32 $_scs_section_size  }
0x9a: {  	s5 =	simm.s32 $_size__tile_overlayer_lowered;
	s6 =	simm.s32 $_tile_overlayer_lowered  }
0x9b: {  	s22 =	simm.s32 $0x1BFF;
	s21 =	sshll.u32 s6, $0x1;
	s3 =	sadd.s32 s4, s19  }
0x9c: {  	s7 =	simm.s32 $0x0;
	s20 =	sshll.u32 s5, $0x1;
	s5 =	sadd.s32 s21, s3  }
0x9d: {  	[timem:s7], [sflag:s22] =	dma.local [hbm:s5], s20  }
0x9e: {  	_ =	swait.ge [sflag:s22], s20  }
0x9f: {  	s4 =	ssub.s32 $0x0, s20;
	[sflag:s22] =	ssyncset.done $0x0  }
0xa0: {  	[sflag:s22] =	ssyncadd.s32 s4;
	_ =	sdelay $0x1  }
0xa1: {  	s23 =	simm.s32 $0x1B8B  }
0xa2: {  	_ =	swait.ge [sflag:s23], $0x1  }
0xa3: {  	[sflag:s23] =	ssyncset.done $0x0  }
0xa4: {  	s25 =	simm.s32 $0x1B8E;
	s24 =	sld [smem:$0x3FFE];
	[sflag:s23] =	ssyncadd.s32 $0xFFFFFFFF  }
0xa5: {  	s26 =	simm.s32 $execute0_lowered;
	[smem:$0x3FD2] =	sst s25  }
0xa6: {  	s5 =	sshll.u32 s26, $0x1;
	_ =	strace $0x8000004C;
	[dreg:$0x1] =	wrdreg $0xFFFFFFFF  }
0xa7: {  	s28 =	simm.s32 $_size_execute0_lowered;
	s3 =	sadd.s32 s3, s5;
	[dreg:$0x0] =	wrdreg $0x0  }
0xa8: {  	s5 =	sshll.u32 s28, $0x1;
	[dreg:$0x2] =	wrdreg s3  }
0xa9: {  	[dreg:$0x3] =	wrdreg s5  }
0xaa: {  	[dreg:$0x4] =	wrdreg $0xC0  }
0xab: {  	_ =	task [dreg:s7], $0x5FFFF  }
0xac: {  	[dreg:$0x1] =	wrdreg $0xFFFFFFFF  }
0xad: {  	[dreg:$0x0] =	wrdreg $0x60  }
0xae: {  	[dreg:$0x2] =	wrdreg s2  }
0xaf: {  	[dreg:$0x3] =	wrdreg s24  }
0xb0: {  	[dreg:$0x4] =	wrdreg $0x82000  }
0xb1: {  	[dreg:$0x5] =	wrdreg $0x9  }
0xb2: {  	_ =	task.clear_ibuf [dreg:s7], $0x6FFFF;
	_ =	strace $0x9000004C  }
0xb3: {  	s29 =	simm.s32 $0x9;
	_ =	strace $0x8000004E  }
0xb4: {  	_ =	swait.ge [sflag:s29], $0x1  }
0xb5: {  	[sflag:s29] =	ssyncadd.s32 $0xFFFFFFFF  }
0xb6: {  	_ =	strace $0x9000004E  }
0xb7: {  	_ =	sfence  }
0xb8: {  	s30 =	sld [smem:$0x0];
	_ =	sdelay $0x2  }
0xb9: {  	s31 =	sshll.u32 s1, $0xD;
	s1 =	sshrl.u32 s1, $0x2  }
0xba: {  	s3 =	sand.u32 $0x4000, s31;
	s1 =	sadd.s32 s1, s30  }
0xbb: {  	s0 =	sor.u32 s3, s0;
	s1 =	sshll.u32 s1, $0x11  }
0xbc: {  	s0 =	sor.u32 s1, s0  }
0xbd: {  	s0 =	sadd.s32 $0x8F2B, s0  }
0xbe: {  	[sflag:s0] =	ssyncadd.remote.s32 $0x1  }
0xbf: {  	_ =	sfence.sel $0xFFFF  }
0xc0: {  	[dreg:$0x0] =	wrdreg $0xFFFFFFFF;
	(pc) =	sbr.abs _section_cstart, $3  }
0xc1: {  	[dreg:$0x1] =	wrdreg $0xFFFFFFFF  }
0xc2: {  	_ =	task.clear_ibuf [dreg:s7], $0x2FFFF;
	_ =	strace $0x9FFFFFFF  }
0xc3: {  	(tm) =	ssettm $0x7FFFFFFF  }
tec
execute0_lowered:
.L_overlay_start_1:
0x0: {  	(tag) =	ssettag $0x1  }
0x1: {  	s0 =	rddreg [dreg:$0x0]  }
0x2: {  	s5 =	rddreg [dreg:$0x1]  }
0x3: {  	s1 =	rddreg [dreg:$0x2]  }
0x4: {  	s2 =	simm.s32 $0x0;
	s3 =	srdreg.scid;
	s17 =	stileid.u32  }
0x5: {  	s28 =	simm.s32 $0x8;
	s29 =	simm.s32 $0x100;
	s8 =	smul.u32 $0x14000, s17  }
0x6: {  	s30 =	simm.s32 $0x80;
	s31 =	simm.s32 $0x180;
	s10 =	smul.u32 $0x50000, s17  }
0x7: {  	[smem:$0x7FF] =	sst s2;
	s6 =	sand.u32 $0x1, s3;
	s13 =	smul.u32 $0x960, s17  }
0x8: {  	s7 =	sadd.s32 $0x3000, s5;
	s9 =	sadd.s32 $0x34200, s5;
	s18 =	smul.u32 $0xA0, s17  }
0x9: {  	s17 =	smul.u32 $0x500, s17;
	s3 =	ssub.s32 $0x2, s6;
	p0 =	seq.s32 s6, $0x1  }
0xa: {  	s6 =	smul.u32 $0x140000, s6;
	s4 =	sshrl.u32 s3, $0x1;
	s12 =	sadd.s32 $0x4000, s8  }
0xb: {  	s14 =	sadd.s32 $0x8000, s8;
	s15 =	sadd.s32 $0xC000, s8;
	s16 =	sadd.s32 $0x10000, s8  }
0xc: {  	s21 =	sadd.s32 $0x9600, s18;
	s24 =	sshrl.u32 s17, $0x3;
	s11 =	ssub.s32 s3, s4  }
0xd: {  	s3 =	sadd.s32 s0, s13;
	s4 =	sadd.s32 s7, s13;
	s13 =	sor.u32 $0x10, s13  }
0xe: {  	s22 =	sadd.s32 s0, s21;
	s23 =	sadd.s32 s7, s21;
	s8 =	sadd.s32 s8, s6  }
0xf: {  	s25 =	sadd.s32 s6, s12;
	s19 =	sadd.s32 s0, s13;
	[dreg:$0x6] =	wrdreg s22  }
0x10: {  	s13 =	sadd.s32 s7, s13;
	[dreg:$0x7] =	wrdreg s23;
	s8 =	sshrl.u32 s8, $0x3  }
0x11: {  	s17 =	sshrl.u32 s25, $0x3;
	s23 =	sshrl.u32 s10, $0x2;
	[dreg:$0x4] =	wrdreg s19  }
0x12: {  	s25 =	sadd.s32 s12, s1;
	s12 =	simm.s32 $0x1;
	[dreg:$0x5] =	wrdreg s13  }
0x13: {  	s13 =	sadd.s32 $0x9610, s24;
	s8 =	sadd.s32 s9, s8;
	s26 =	sadd.s32 s9, s17  }
0x14: {  	s17 =	sadd.s32 s6, s14;
	s19 =	sadd.s32 s6, s15;
	s6 =	sadd.s32 s6, s16  }
0x15: {  	s14 =	sadd.s32 s14, s1;
	s24 =	sadd.s32 s15, s1;
	[dreg:$0x8] =	wrdreg s8  }
0x16: {  	s15 =	simm.s32 $0x6;
	[dreg:$0x9] =	wrdreg s26;
	s8 =	sshrl.u32 s17, $0x3  }
0x17: {  	s20 =	sshrl.u32 s19, $0x3;
	s6 =	sshrl.u32 s6, $0x3;
	s21 =	sadd.s32 s0, s13  }
0x18: {  	s22 =	sadd.s32 s7, s13;
	s17 =	sadd.s32 s18, s7;
	s18 =	sadd.s32 s18, s0  }
0x19: {  	s19 =	sadd.s32 $0xD000, s5;
	s26 =	smax.u32 s11, $0x1;
	s5 =	simm.s32 $0x2  }
0x1a: {  	s7 =	simm.s32 $0x5;
	s0 =	simm.s32 $0x7;
	[dreg:$0xd] =	wrdreg s21  }
0x1b: {  	s8 =	sadd.s32 s9, s8;
	s6 =	sadd.s32 s9, s6;
	[dreg:$0xe] =	wrdreg s22  }
.Ltmp0:
0x1c: {  	[dreg:$0xa] =	wrdreg s8;
	s8 =	sadd.s32 s9, s20;
	(pc) =	sbr.rel .LBB2_1-.Ltmp0, $4  }
0x1d: {  	[dreg:$0xc] =	wrdreg s6;
	s20 =	sadd.s32 s23, s1;
	s6 =	simm.s32 $0x4200  }
0x1e: {  	s9 =	simm.s32 $0x0;
	[dreg:$0xb] =	wrdreg s8;
	s8 =	simm.s32 $0x3  }
0x1f: {  	_ =	strace $0x8000004D;
	[dreg:$0xf] =	wrdreg s24;
	s24 =	sadd.s32 s16, s1  }
0x20: {  	v0 =	vimm.f32 $0.0e+00;
	[dreg:$0x10] =	wrdreg s26;
	s26 =	simm.s32 $0x200;
	s16 =	simm.s32 $0x4  }
.LBB2_6:
0x21: {  	s11 =	sadd.s32 $0x960, s13;
	[sflag:s7] =	ssyncadd.s32 $0xFFFFC000  }
0x22: {  	[tilespmem:s2], [sflag:$0x1] =	stream.linear.gather [hbm4b:s11+s2], $0x80, $0x38;
	[tilespmem:$0x1C200] =	vst v63  }
0x23: {  	_ =	swait.ge [sflag:s8], $0x80  }
0x24: {  	[sflag:s8] =	ssyncset.done $0x0  }
0x25: {  	[sflag:s8] =	ssyncadd.s32 $0xFFFFFF80  }
0x26: {  	[spmem:s1] =	stream.indirect.scatter.add.f32 [tilespmem:s26], [sflag:$0x7], $0x80, s29, s30, $0xb8;
	[tilespmem:$0x1C200] =	vst v63  }
0x27: {  	_ =	swait.ge [sflag:s15], $0x4000  }
0x28: {  	[sflag:s15] =	ssyncset.done $0x0  }
0x29: {  	s20 =	sadd.s32 $0x970, s13;
	[sflag:s15] =	ssyncadd.s32 $0xFFFFC000  }
0x2a: {  	[tilespmem:s30], [sflag:$0x2] =	stream.linear.gather [hbm4b:s20+s2], $0x80, $0x38;
	[tilespmem:$0x1C200] =	vst v63  }
0x2b: {  	_ =	swait.ge [sflag:s16], $0x80  }
0x2c: {  	[sflag:s16] =	ssyncset.done $0x0  }
0x2d: {  	[sflag:s16] =	ssyncadd.s32 $0xFFFFFF80  }
0x2e: {  	[spmem:s1] =	stream.indirect.scatter.add.f32 [tilespmem:s6], [sflag:$0x7], $0x80, s31, s30, $0xb8;
	[tilespmem:$0x1C200] =	vst v63  }
0x2f: {  	_ =	swait.ge [sflag:s0], $0x4000  }
0x30: {  	[sflag:s0] =	ssyncset.done $0x0  }
0x31: {  	[sflag:s0] =	ssyncadd.s32 $0xFFFFC000  }
0x32: {  	_ =	swait.ge [sflag:s0], $0x4000  }
0x33: {  	s10 =	sadd.s32 s10, s4;
	[sflag:s0] =	ssyncset.done $0x0  }
0x34: {  	s25 =	sadd.s32 $0x960, s10;
	[sflag:s0] =	ssyncadd.s32 $0xFFFFC000  }
0x35: {  	[tilespmem:s29], [sflag:$0x3] =	stream.linear.gather [hbm4b:s25+s2], $0x80, $0x38;
	[tilespmem:$0x1C200] =	vst v63  }
0x36: {  	s10 =	sadd.s32 $0x970, s10  }
0x37: {  	[tilespmem:s31], [sflag:$0x4] =	stream.linear.gather [hbm4b:s10+s2], $0x80, $0x38;
	[tilespmem:$0x1C200] =	vst v63  }
0x38: {  	_ =	swait.ge [sflag:s12], $0x80  }
0x39: {  	[sflag:s12] =	ssyncset.done $0x0  }
0x3a: {  	[sflag:s12] =	ssyncadd.s32 $0xFFFFFF80  }
0x3b: {  	[tilespmem:s26], [sflag:$0x5] =	stream.indirect.gather [hbm4b:s19+s30], $0x80, s2, s30, $0xb8;
	[tilespmem:$0x1C200] =	vst v63  }
0x3c: {  	_ =	swait.ge [sflag:s5], $0x80  }
0x3d: {  	[sflag:s5] =	ssyncset.done $0x0  }
0x3e: {  	[sflag:s5] =	ssyncadd.s32 $0xFFFFFF80  }
0x3f: {  	[tilespmem:s6], [sflag:$0x6] =	stream.indirect.gather [hbm4b:s19+s30], $0x80, s30, s30, $0xb8;
	[tilespmem:$0x1C200] =	vst v63  }
0x40: {  	_ =	swait.ge [sflag:s7], $0x4000  }
0x41: {  	[sflag:s7] =	ssyncset.done $0x0  }
0x42: {  	[sflag:s7] =	ssyncadd.s32 $0xFFFFC000  }
.LBB2_10:
0x43: {  	_ =	swait.ge [sflag:s8], $0x80  }
0x44: {  	[sflag:s8] =	ssyncset.done $0x0  }
0x45: {  	[sflag:s8] =	ssyncadd.s32 $0xFFFFFF80  }
0x46: {  	[spmem:s1] =	stream.indirect.scatter.add.f32 [tilespmem:s26], [sflag:$0x7], $0x80, s29, s30, $0xb8;
	[tilespmem:$0x1C200] =	vst v63  }
0x47: {  	_ =	swait.ge [sflag:s15], $0x4000  }
0x48: {  	[sflag:s15] =	ssyncset.done $0x0  }
0x49: {  	[sflag:s15] =	ssyncadd.s32 $0xFFFFC000  }
0x4a: {  	_ =	swait.ge [sflag:s16], $0x80  }
0x4b: {  	[sflag:s16] =	ssyncset.done $0x0  }
0x4c: {  	[sflag:s16] =	ssyncadd.s32 $0xFFFFFF80  }
0x4d: {  	[spmem:s1] =	stream.indirect.scatter.add.f32 [tilespmem:s6], [sflag:$0x7], $0x80, s31, s30, $0xb8;
	[tilespmem:$0x1C200] =	vst v63  }
0x4e: {  	_ =	swait.ge [sflag:s0], $0x4000  }
0x4f: {  	[sflag:s0] =	ssyncset.done $0x0  }
0x50: {  	[sflag:s0] =	ssyncadd.s32 $0xFFFFC000  }
0x51: {  	_ =	swait.ge [sflag:s0], $0x4000  }
0x52: {  	[sflag:s0] =	ssyncset.done $0x0  }
0x53: {  	s10 =	stileid.u32;
	[sflag:s0] =	ssyncadd.s32 $0xFFFFC000  }
0x54: {  	s10 =	sshll.u32 s10, $0x6;
	[bflag:$0x0] =	sbarrier.arrive $0xFFFF  }
0x55: {  	s11 =	sshrl.u32 s21, $0x3;
	s10 =	sor.u32 $0x1C08, s10;
	s13 =	rddreg [dreg:$0x8]  }
0x56: {  	[hbm:s13], [sflag:s10] =	dma.local [spmem:s11], $0x800  }
0x57: {  	_ =	swait.ge [sflag:s28], $0x800  }
0x58: {  	s20 =	smov.u32 s21;
	s25 =	smov.u32 s22;
	[sflag:s28] =	ssyncset.done $0x0  }
0x59: {  	s21 =	sshrl.u32 s22, $0x3;
	s22 =	rddreg [dreg:$0x9];
	[sflag:s28] =	ssyncadd.s32 $0xFFFFF800  }
0x5a: {  	[hbm:s22], [sflag:s10] =	dma.local [spmem:s21], $0x800  }
0x5b: {  	_ =	swait.ge [sflag:s28], $0x800  }
0x5c: {  	[sflag:s28] =	ssyncset.done $0x0  }
0x5d: {  	s13 =	sshrl.u32 s23, $0x3;
	s21 =	rddreg [dreg:$0xa];
	[sflag:s28] =	ssyncadd.s32 $0xFFFFF800  }
0x5e: {  	[hbm:s21], [sflag:s10] =	dma.local [spmem:s13], $0x800  }
0x5f: {  	_ =	swait.ge [sflag:s28], $0x800  }
0x60: {  	s14 =	smov.u32 s23;
	[sflag:s28] =	ssyncset.done $0x0;
	s22 =	rddreg [dreg:$0xf]  }
0x61: {  	s23 =	rddreg [dreg:$0xb];
	[sflag:s28] =	ssyncadd.s32 $0xFFFFF800;
	s11 =	sshrl.u32 s22, $0x3  }
0x62: {  	[hbm:s23], [sflag:s10] =	dma.local [spmem:s11], $0x800  }
0x63: {  	_ =	swait.ge [sflag:s28], $0x800  }
0x64: {  	[sflag:s28] =	ssyncset.done $0x0  }
0x65: {  	s21 =	sshrl.u32 s24, $0x3;
	s22 =	rddreg [dreg:$0xc];
	[sflag:s28] =	ssyncadd.s32 $0xFFFFF800  }
0x66: {  	[hbm:s22], [sflag:s10] =	dma.local [spmem:s21], $0x800  }
0x67: {  	_ =	swait.ge [sflag:s28], $0x800  }
0x68: {  	s9 =	sadd.s32 $0x1, s9;
	s23 =	rddreg [dreg:$0x10]  }
0x69: {  	p1 =	sne.s32 s9, s23  }
.Ltmp1:
0x6a: {  	_ = 	snop;
	(pc) =	sbr.rel @!p1 .LBB2_11-.Ltmp1, $3  }
0x6b: {  	_ =	sdelay $0x1  }
0x6c: {  	[sflag:s28] =	ssyncset.done $0x0  }
0x6d: {  	[sflag:s28] =	ssyncadd.s32 $0xFFFFF800  }
.LBB2_1:
0x6e: {  	s10 =	simm.s32 $0x0;
	s11 =	simm.s32 $0x200  }
.LBB2_2:
0x6f: {  	p1 =	sne.s32 s11, $0xFE00;
	[tilespmem:s10+$0x270] =	vst v0  }
0x70: {  	[tilespmem:s10+$0x200] =	vst v0  }
0x71: {  	[tilespmem:s10+$0x210] =	vst v0  }
.Ltmp2:
0x72: {  	[tilespmem:s10+$0x220] =	vst v0;
	(pc) =	sbr.rel @p1 .LBB2_2-.Ltmp2, $4  }
0x73: {  	[tilespmem:s10+$0x230] =	vst v0  }
0x74: {  	[tilespmem:s10+$0x240] =	vst v0  }
0x75: {  	[tilespmem:s10+$0x250] =	vst v0  }
0x76: {  	[tilespmem:s10+$0x260] =	vst v0;
	s10 =	sshra.s32 s11, $0x2;
	s11 =	sadd.s32 $0x200, s11  }
0x77: {  	[tilespmem:s10+$0x270] =	vst v0  }
0x78: {  	[tilespmem:s10+$0x200] =	vst v0  }
0x79: {  	[tilespmem:s10+$0x210] =	vst v0  }
0x7a: {  	[tilespmem:s10+$0x220] =	vst v0  }
0x7b: {  	[tilespmem:s10+$0x230] =	vst v0  }
0x7c: {  	[tilespmem:s10+$0x240] =	vst v0  }
0x7d: {  	[tilespmem:s10+$0x250] =	vst v0  }
0x7e: {  	[tilespmem:s10+$0x260] =	vst v0  }
0x7f: {  	[spmem:s20] =	stream.linear.scatter [tilespmem:s26], [sflag:$0x8], $0x4000, $0x38;
	[tilespmem:$0x1C200] =	vst v63  }
0x80: {  	_ =	swait.ge [sflag:s28], $0x4000  }
0x81: {  	[sflag:s28] =	ssyncset.done $0x0  }
0x82: {  	[sflag:s28] =	ssyncadd.s32 $0xFFFFC000  }
0x83: {  	[spmem:s25] =	stream.linear.scatter [tilespmem:s26], [sflag:$0x8], $0x4000, $0x38;
	[tilespmem:$0x1C200] =	vst v63  }
0x84: {  	_ =	swait.ge [sflag:s28], $0x4000  }
0x85: {  	[sflag:s28] =	ssyncset.done $0x0  }
0x86: {  	[sflag:s28] =	ssyncadd.s32 $0xFFFFC000  }
0x87: {  	[spmem:s14] =	stream.linear.scatter [tilespmem:s26], [sflag:$0x8], $0x4000, $0x38;
	[tilespmem:$0x1C200] =	vst v63  }
0x88: {  	_ =	swait.ge [sflag:s28], $0x4000  }
0x89: {  	[sflag:s28] =	ssyncset.done $0x0  }
0x8a: {  	s22 =	smov.u32 s25;
	s25 =	rddreg [dreg:$0xf];
	[sflag:s28] =	ssyncadd.s32 $0xFFFFC000  }
0x8b: {  	[spmem:s25] =	stream.linear.scatter [tilespmem:s26], [sflag:$0x8], $0x4000, $0x38;
	[tilespmem:$0x1C200] =	vst v63  }
0x8c: {  	_ =	swait.ge [sflag:s28], $0x4000  }
0x8d: {  	[sflag:s28] =	ssyncset.done $0x0  }
0x8e: {  	[sflag:s28] =	ssyncadd.s32 $0xFFFFC000  }
0x8f: {  	[spmem:s24] =	stream.linear.scatter [tilespmem:s26], [sflag:$0x8], $0x4000, $0x38;
	[tilespmem:$0x1C200] =	vst v63  }
.Ltmp3:
0x90: {  	_ =	swait.ge [sflag:s28], $0x4000;
	(pc) =	sbr.rel @!p0 .LBB2_4-.Ltmp3, $4  }
0x91: {  	[sflag:s28] =	ssyncset.done $0x0  }
0x92: {  	[sflag:s28] =	ssyncadd.s32 $0xFFFFC000  }
0x93: {  	[bflag:$0x0] =	sbarrier.arrive $0xFFFF  }
0x94: {  	s21 =	smov.u32 s20;
	s23 =	smov.u32 s14  }
0x95: {  	s10 =	rddreg [dreg:$0x6]  }
0x96: {  	[tilespmem:s2], [sflag:$0x1] =	stream.linear.gather [hbm4b:s10+s2], $0x80, $0x38;
	[tilespmem:$0x1C200] =	vst v63  }
0x97: {  	s25 =	rddreg [dreg:$0x7]  }
0x98: {  	[tilespmem:s29], [sflag:$0x3] =	stream.linear.gather [hbm4b:s25+s2], $0x80, $0x38;
	[tilespmem:$0x1C200] =	vst v63  }
0x99: {  	s11 =	rddreg [dreg:$0xd]  }
0x9a: {  	[tilespmem:s30], [sflag:$0x2] =	stream.linear.gather [hbm4b:s11+s2], $0x80, $0x38;
	[tilespmem:$0x1C200] =	vst v63  }
0x9b: {  	s13 =	rddreg [dreg:$0xe]  }
0x9c: {  	[tilespmem:s31], [sflag:$0x4] =	stream.linear.gather [hbm4b:s13+s2], $0x80, $0x38;
	[tilespmem:$0x1C200] =	vst v63  }
0x9d: {  	_ =	swait.ge [sflag:s12], $0x80  }
0x9e: {  	[sflag:s12] =	ssyncset.done $0x0  }
0x9f: {  	[sflag:s12] =	ssyncadd.s32 $0xFFFFFF80  }
0xa0: {  	[tilespmem:s26], [sflag:$0x5] =	stream.indirect.gather [hbm4b:s19+s30], $0x80, s2, s30, $0xb8;
	[tilespmem:$0x1C200] =	vst v63  }
0xa1: {  	_ =	swait.ge [sflag:s5], $0x80  }
0xa2: {  	[sflag:s5] =	ssyncset.done $0x0  }
0xa3: {  	[sflag:s5] =	ssyncadd.s32 $0xFFFFFF80  }
0xa4: {  	[tilespmem:s6], [sflag:$0x6] =	stream.indirect.gather [hbm4b:s19+s30], $0x80, s30, s30, $0xb8;
	[tilespmem:$0x1C200] =	vst v63  }
0xa5: {  	_ =	swait.ge [sflag:s7], $0x4000  }
0xa6: {  	s14 =	sadd.s32 $0xFFFFFF80, s18;
	[sflag:s7] =	ssyncset.done $0x0  }
0xa7: {  	s11 =	sadd.s32 $0x96A0, s14;
	[sflag:s7] =	ssyncadd.s32 $0xFFFFC000  }
0xa8: {  	[tilespmem:s2], [sflag:$0x1] =	stream.linear.gather [hbm4b:s11+s2], $0x80, $0x38;
	[tilespmem:$0x1C200] =	vst v63  }
0xa9: {  	_ =	swait.ge [sflag:s8], $0x80  }
0xaa: {  	[sflag:s8] =	ssyncset.done $0x0  }
0xab: {  	[sflag:s8] =	ssyncadd.s32 $0xFFFFFF80  }
0xac: {  	[spmem:s1] =	stream.indirect.scatter.add.f32 [tilespmem:s26], [sflag:$0x7], $0x80, s29, s30, $0xb8;
	[tilespmem:$0x1C200] =	vst v63  }
0xad: {  	_ =	swait.ge [sflag:s15], $0x4000  }
0xae: {  	[sflag:s15] =	ssyncset.done $0x0  }
0xaf: {  	s10 =	sadd.s32 $0x96B0, s14;
	[sflag:s15] =	ssyncadd.s32 $0xFFFFC000  }
0xb0: {  	[tilespmem:s30], [sflag:$0x2] =	stream.linear.gather [hbm4b:s10+s2], $0x80, $0x38;
	[tilespmem:$0x1C200] =	vst v63  }
0xb1: {  	_ =	swait.ge [sflag:s16], $0x80  }
0xb2: {  	[sflag:s16] =	ssyncset.done $0x0  }
0xb3: {  	[sflag:s16] =	ssyncadd.s32 $0xFFFFFF80  }
0xb4: {  	[spmem:s1] =	stream.indirect.scatter.add.f32 [tilespmem:s6], [sflag:$0x7], $0x80, s31, s30, $0xb8;
	[tilespmem:$0x1C200] =	vst v63  }
0xb5: {  	_ =	swait.ge [sflag:s0], $0x4000  }
0xb6: {  	[sflag:s0] =	ssyncset.done $0x0  }
0xb7: {  	[sflag:s0] =	ssyncadd.s32 $0xFFFFC000  }
0xb8: {  	_ =	swait.ge [sflag:s0], $0x4000  }
0xb9: {  	s20 =	sadd.s32 $0xFFFFFF80, s17;
	[sflag:s0] =	ssyncset.done $0x0  }
0xba: {  	s25 =	sadd.s32 $0x96A0, s20;
	[sflag:s0] =	ssyncadd.s32 $0xFFFFC000  }
0xbb: {  	[tilespmem:s29], [sflag:$0x3] =	stream.linear.gather [hbm4b:s25+s2], $0x80, $0x38;
	[tilespmem:$0x1C200] =	vst v63  }
0xbc: {  	s10 =	sadd.s32 $0x96B0, s20  }
0xbd: {  	[tilespmem:s31], [sflag:$0x4] =	stream.linear.gather [hbm4b:s10+s2], $0x80, $0x38;
	[tilespmem:$0x1C200] =	vst v63  }
0xbe: {  	_ =	swait.ge [sflag:s12], $0x80  }
0xbf: {  	[sflag:s12] =	ssyncset.done $0x0  }
0xc0: {  	[sflag:s12] =	ssyncadd.s32 $0xFFFFFF80  }
0xc1: {  	[tilespmem:s26], [sflag:$0x5] =	stream.indirect.gather [hbm4b:s19+s30], $0x80, s2, s30, $0xb8;
	[tilespmem:$0x1C200] =	vst v63  }
0xc2: {  	_ =	swait.ge [sflag:s5], $0x80  }
0xc3: {  	[sflag:s5] =	ssyncset.done $0x0  }
0xc4: {  	[sflag:s5] =	ssyncadd.s32 $0xFFFFFF80  }
0xc5: {  	[tilespmem:s6], [sflag:$0x6] =	stream.indirect.gather [hbm4b:s19+s30], $0x80, s30, s30, $0xb8;
	[tilespmem:$0x1C200] =	vst v63  }
0xc6: {  	s14 =	simm.s32 $0xFFFFFFC0;
	_ =	swait.ge [sflag:s7], $0x4000  }
0xc7: {  	s13 =	sadd.s32 $0xFFFFFFA0, s18;
	s10 =	simm.s32 $0xFFFFFFA0;
	[sflag:s7] =	ssyncset.done $0x0  }
.LBB2_8:
0xc8: {  	s20 =	sadd.s32 $0x96A0, s13  }
0xc9: {  	[sflag:s7] =	ssyncadd.s32 $0xFFFFC000;
	s25 =	smov.u32 s14;
	s11 =	sadd.s32 $0x20, s14  }
0xca: {  	[tilespmem:s2], [sflag:$0x1] =	stream.linear.gather [hbm4b:s20+s2], $0x80, $0x38;
	[tilespmem:$0x1C200] =	vst v63  }
0xcb: {  	p1 =	sne.s32 s14, $0xFFFFFFE0;
	_ =	swait.ge [sflag:s8], $0x80  }
0xcc: {  	[sflag:s8] =	ssyncset.done $0x0  }
0xcd: {  	[sflag:s8] =	ssyncadd.s32 $0xFFFFFF80  }
0xce: {  	[spmem:s1] =	stream.indirect.scatter.add.f32 [tilespmem:s26], [sflag:$0x7], $0x80, s29, s30, $0xb8;
	[tilespmem:$0x1C200] =	vst v63  }
0xcf: {  	_ =	swait.ge [sflag:s15], $0x4000  }
0xd0: {  	[sflag:s15] =	ssyncset.done $0x0  }
0xd1: {  	s13 =	sadd.s32 $0x96B0, s13;
	[sflag:s15] =	ssyncadd.s32 $0xFFFFC000  }
0xd2: {  	[tilespmem:s30], [sflag:$0x2] =	stream.linear.gather [hbm4b:s13+s2], $0x80, $0x38;
	[tilespmem:$0x1C200] =	vst v63  }
0xd3: {  	_ =	swait.ge [sflag:s16], $0x80  }
0xd4: {  	[sflag:s16] =	ssyncset.done $0x0  }
0xd5: {  	[sflag:s16] =	ssyncadd.s32 $0xFFFFFF80  }
0xd6: {  	[spmem:s1] =	stream.indirect.scatter.add.f32 [tilespmem:s6], [sflag:$0x7], $0x80, s31, s30, $0xb8;
	[tilespmem:$0x1C200] =	vst v63  }
0xd7: {  	_ =	swait.ge [sflag:s0], $0x4000  }
0xd8: {  	[sflag:s0] =	ssyncset.done $0x0  }
0xd9: {  	[sflag:s0] =	ssyncadd.s32 $0xFFFFC000  }
0xda: {  	_ =	swait.ge [sflag:s0], $0x4000  }
0xdb: {  	s13 =	sadd.s32 s10, s17;
	s10 =	smov.u32 s25;
	[sflag:s0] =	ssyncset.done $0x0  }
0xdc: {  	s14 =	sadd.s32 $0x96A0, s13;
	[sflag:s0] =	ssyncadd.s32 $0xFFFFC000  }
0xdd: {  	[tilespmem:s29], [sflag:$0x3] =	stream.linear.gather [hbm4b:s14+s2], $0x80, $0x38;
	[tilespmem:$0x1C200] =	vst v63  }
0xde: {  	s13 =	sadd.s32 $0x96B0, s13  }
0xdf: {  	[tilespmem:s31], [sflag:$0x4] =	stream.linear.gather [hbm4b:s13+s2], $0x80, $0x38;
	[tilespmem:$0x1C200] =	vst v63  }
0xe0: {  	_ =	swait.ge [sflag:s12], $0x80  }
0xe1: {  	[sflag:s12] =	ssyncset.done $0x0  }
0xe2: {  	[sflag:s12] =	ssyncadd.s32 $0xFFFFFF80  }
0xe3: {  	[tilespmem:s26], [sflag:$0x5] =	stream.indirect.gather [hbm4b:s19+s30], $0x80, s2, s30, $0xb8;
	[tilespmem:$0x1C200] =	vst v63  }
0xe4: {  	_ =	swait.ge [sflag:s5], $0x80  }
.Ltmp4:
0xe5: {  	[sflag:s5] =	ssyncset.done $0x0;
	(pc) =	sbr.rel @p1 .LBB2_8-.Ltmp4, $4  }
0xe6: {  	[sflag:s5] =	ssyncadd.s32 $0xFFFFFF80  }
0xe7: {  	[tilespmem:s6], [sflag:$0x6] =	stream.indirect.gather [hbm4b:s19+s30], $0x80, s30, s30, $0xb8;
	[tilespmem:$0x1C200] =	vst v63  }
0xe8: {  	_ =	swait.ge [sflag:s7], $0x4000  }
0xe9: {  	s14 =	smov.u32 s11;
	s13 =	sadd.s32 s10, s18;
	[sflag:s7] =	ssyncset.done $0x0  }
0xea: {  	s11 =	sadd.s32 $0x96A0, s13;
	[sflag:s7] =	ssyncadd.s32 $0xFFFFC000  }
0xeb: {  	[tilespmem:s2], [sflag:$0x1] =	stream.linear.gather [hbm4b:s11+s2], $0x80, $0x38;
	[tilespmem:$0x1C200] =	vst v63  }
0xec: {  	_ =	swait.ge [sflag:s8], $0x80  }
0xed: {  	[sflag:s8] =	ssyncset.done $0x0  }
0xee: {  	[sflag:s8] =	ssyncadd.s32 $0xFFFFFF80  }
0xef: {  	[spmem:s1] =	stream.indirect.scatter.add.f32 [tilespmem:s26], [sflag:$0x7], $0x80, s29, s30, $0xb8;
	[tilespmem:$0x1C200] =	vst v63  }
0xf0: {  	_ =	swait.ge [sflag:s15], $0x4000  }
0xf1: {  	[sflag:s15] =	ssyncset.done $0x0  }
0xf2: {  	s20 =	sadd.s32 $0x96B0, s13;
	[sflag:s15] =	ssyncadd.s32 $0xFFFFC000  }
0xf3: {  	[tilespmem:s30], [sflag:$0x2] =	stream.linear.gather [hbm4b:s20+s2], $0x80, $0x38;
	[tilespmem:$0x1C200] =	vst v63  }
0xf4: {  	_ =	swait.ge [sflag:s16], $0x80  }
0xf5: {  	[sflag:s16] =	ssyncset.done $0x0  }
0xf6: {  	[sflag:s16] =	ssyncadd.s32 $0xFFFFFF80  }
0xf7: {  	[spmem:s1] =	stream.indirect.scatter.add.f32 [tilespmem:s6], [sflag:$0x7], $0x80, s31, s30, $0xb8;
	[tilespmem:$0x1C200] =	vst v63  }
0xf8: {  	_ =	swait.ge [sflag:s0], $0x4000  }
0xf9: {  	[sflag:s0] =	ssyncset.done $0x0  }
0xfa: {  	[sflag:s0] =	ssyncadd.s32 $0xFFFFC000  }
0xfb: {  	_ =	swait.ge [sflag:s0], $0x4000  }
0xfc: {  	s10 =	sadd.s32 s10, s17;
	[sflag:s0] =	ssyncset.done $0x0  }
0xfd: {  	s25 =	sadd.s32 $0x96A0, s10;
	[sflag:s0] =	ssyncadd.s32 $0xFFFFC000  }
0xfe: {  	[tilespmem:s29], [sflag:$0x3] =	stream.linear.gather [hbm4b:s25+s2], $0x80, $0x38;
	[tilespmem:$0x1C200] =	vst v63  }
0xff: {  	s10 =	sadd.s32 $0x96B0, s10  }
0x100: {  	[tilespmem:s31], [sflag:$0x4] =	stream.linear.gather [hbm4b:s10+s2], $0x80, $0x38;
	[tilespmem:$0x1C200] =	vst v63  }
0x101: {  	_ =	swait.ge [sflag:s12], $0x80  }
0x102: {  	[sflag:s12] =	ssyncset.done $0x0  }
0x103: {  	[sflag:s12] =	ssyncadd.s32 $0xFFFFFF80  }
0x104: {  	[tilespmem:s26], [sflag:$0x5] =	stream.indirect.gather [hbm4b:s19+s30], $0x80, s2, s30, $0xb8;
	[tilespmem:$0x1C200] =	vst v63  }
0x105: {  	_ =	swait.ge [sflag:s5], $0x80  }
0x106: {  	[sflag:s5] =	ssyncset.done $0x0  }
.Ltmp5:
0x107: {  	[sflag:s5] =	ssyncadd.s32 $0xFFFFFF80;
	(pc) =	sbr.rel .LBB2_10-.Ltmp5, $4  }
0x108: {  	[tilespmem:s6], [sflag:$0x6] =	stream.indirect.gather [hbm4b:s19+s30], $0x80, s30, s30, $0xb8;
	[tilespmem:$0x1C200] =	vst v63  }
0x109: {  	_ =	swait.ge [sflag:s7], $0x4000  }
0x10a: {  	[sflag:s7] =	ssyncset.done $0x0  }
0x10b: {  	[sflag:s7] =	ssyncadd.s32 $0xFFFFC000  }
.LBB2_4:
0x10c: {  	[tilespmem:s2], [sflag:$0x1] =	stream.linear.gather [hbm4b:s3+s2], $0x80, $0x38;
	[tilespmem:$0x1C200] =	vst v63  }
0x10d: {  	_ = 	snop  }
0x10e: {  	[tilespmem:s29], [sflag:$0x3] =	stream.linear.gather [hbm4b:s4+s2], $0x80, $0x38;
	[tilespmem:$0x1C200] =	vst v63  }
0x10f: {  	s10 =	rddreg [dreg:$0x4]  }
0x110: {  	[tilespmem:s30], [sflag:$0x2] =	stream.linear.gather [hbm4b:s10+s2], $0x80, $0x38;
	[tilespmem:$0x1C200] =	vst v63  }
0x111: {  	s13 =	rddreg [dreg:$0x5]  }
0x112: {  	[tilespmem:s31], [sflag:$0x4] =	stream.linear.gather [hbm4b:s13+s2], $0x80, $0x38;
	[tilespmem:$0x1C200] =	vst v63  }
0x113: {  	_ =	swait.ge [sflag:s12], $0x80  }
0x114: {  	[sflag:s12] =	ssyncset.done $0x0  }
0x115: {  	[sflag:s12] =	ssyncadd.s32 $0xFFFFFF80  }
0x116: {  	[tilespmem:s26], [sflag:$0x5] =	stream.indirect.gather [hbm4b:s19+s30], $0x80, s2, s30, $0xb8;
	[tilespmem:$0x1C200] =	vst v63  }
0x117: {  	_ =	swait.ge [sflag:s5], $0x80  }
0x118: {  	[sflag:s5] =	ssyncset.done $0x0  }
0x119: {  	[sflag:s5] =	ssyncadd.s32 $0xFFFFFF80  }
0x11a: {  	[tilespmem:s6], [sflag:$0x6] =	stream.indirect.gather [hbm4b:s19+s30], $0x80, s30, s30, $0xb8;
	[tilespmem:$0x1C200] =	vst v63  }
0x11b: {  	_ =	swait.ge [sflag:s7], $0x4000  }
0x11c: {  	s14 =	sadd.s32 $0xFFFFF6C0, s3;
	[sflag:s7] =	ssyncset.done $0x0  }
0x11d: {  	s11 =	sadd.s32 $0x960, s14;
	[sflag:s7] =	ssyncadd.s32 $0xFFFFC000  }
0x11e: {  	[tilespmem:s2], [sflag:$0x1] =	stream.linear.gather [hbm4b:s11+s2], $0x80, $0x38;
	[tilespmem:$0x1C200] =	vst v63  }
0x11f: {  	_ =	swait.ge [sflag:s8], $0x80  }
0x120: {  	[sflag:s8] =	ssyncset.done $0x0  }
0x121: {  	[sflag:s8] =	ssyncadd.s32 $0xFFFFFF80  }
0x122: {  	[spmem:s1] =	stream.indirect.scatter.add.f32 [tilespmem:s26], [sflag:$0x7], $0x80, s29, s30, $0xb8;
	[tilespmem:$0x1C200] =	vst v63  }
0x123: {  	_ =	swait.ge [sflag:s15], $0x4000  }
0x124: {  	[sflag:s15] =	ssyncset.done $0x0  }
0x125: {  	s10 =	sadd.s32 $0x970, s14;
	[sflag:s15] =	ssyncadd.s32 $0xFFFFC000  }
0x126: {  	[tilespmem:s30], [sflag:$0x2] =	stream.linear.gather [hbm4b:s10+s2], $0x80, $0x38;
	[tilespmem:$0x1C200] =	vst v63  }
0x127: {  	_ =	swait.ge [sflag:s16], $0x80  }
0x128: {  	[sflag:s16] =	ssyncset.done $0x0  }
0x129: {  	[sflag:s16] =	ssyncadd.s32 $0xFFFFFF80  }
0x12a: {  	[spmem:s1] =	stream.indirect.scatter.add.f32 [tilespmem:s6], [sflag:$0x7], $0x80, s31, s30, $0xb8;
	[tilespmem:$0x1C200] =	vst v63  }
0x12b: {  	_ =	swait.ge [sflag:s0], $0x4000  }
0x12c: {  	[sflag:s0] =	ssyncset.done $0x0  }
0x12d: {  	[sflag:s0] =	ssyncadd.s32 $0xFFFFC000  }
0x12e: {  	_ =	swait.ge [sflag:s0], $0x4000  }
0x12f: {  	s20 =	sadd.s32 $0xFFFFF6C0, s4;
	[sflag:s0] =	ssyncset.done $0x0  }
0x130: {  	s25 =	sadd.s32 $0x960, s20;
	[sflag:s0] =	ssyncadd.s32 $0xFFFFC000  }
0x131: {  	[tilespmem:s29], [sflag:$0x3] =	stream.linear.gather [hbm4b:s25+s2], $0x80, $0x38;
	[tilespmem:$0x1C200] =	vst v63  }
0x132: {  	s10 =	sadd.s32 $0x970, s20  }
0x133: {  	[tilespmem:s31], [sflag:$0x4] =	stream.linear.gather [hbm4b:s10+s2], $0x80, $0x38;
	[tilespmem:$0x1C200] =	vst v63  }
0x134: {  	_ =	swait.ge [sflag:s12], $0x80  }
0x135: {  	[sflag:s12] =	ssyncset.done $0x0  }
0x136: {  	[sflag:s12] =	ssyncadd.s32 $0xFFFFFF80  }
0x137: {  	[tilespmem:s26], [sflag:$0x5] =	stream.indirect.gather [hbm4b:s19+s30], $0x80, s2, s30, $0xb8;
	[tilespmem:$0x1C200] =	vst v63  }
0x138: {  	_ =	swait.ge [sflag:s5], $0x80  }
0x139: {  	[sflag:s5] =	ssyncset.done $0x0  }
0x13a: {  	[sflag:s5] =	ssyncadd.s32 $0xFFFFFF80  }
0x13b: {  	[tilespmem:s6], [sflag:$0x6] =	stream.indirect.gather [hbm4b:s19+s30], $0x80, s30, s30, $0xb8;
	[tilespmem:$0x1C200] =	vst v63  }
0x13c: {  	s13 =	sadd.s32 $0xFFFFF6E0, s3;
	_ =	swait.ge [sflag:s7], $0x4000  }
0x13d: {  	s11 =	simm.s32 $0xFFFFF700;
	s10 =	simm.s32 $0xFFFFF6E0;
	[sflag:s7] =	ssyncset.done $0x0  }
.LBB2_5:
0x13e: {  	s25 =	sadd.s32 $0x960, s13  }
0x13f: {  	[sflag:s7] =	ssyncadd.s32 $0xFFFFC000;
	s20 =	smov.u32 s11;
	s14 =	sadd.s32 $0x20, s11  }
0x140: {  	[tilespmem:s2], [sflag:$0x1] =	stream.linear.gather [hbm4b:s25+s2], $0x80, $0x38;
	[tilespmem:$0x1C200] =	vst v63  }
0x141: {  	p1 =	seq.s32 s11, $0xFFFFFFE0;
	_ =	swait.ge [sflag:s8], $0x80  }
0x142: {  	[sflag:s8] =	ssyncset.done $0x0  }
0x143: {  	[sflag:s8] =	ssyncadd.s32 $0xFFFFFF80  }
0x144: {  	[spmem:s1] =	stream.indirect.scatter.add.f32 [tilespmem:s26], [sflag:$0x7], $0x80, s29, s30, $0xb8;
	[tilespmem:$0x1C200] =	vst v63  }
0x145: {  	_ =	swait.ge [sflag:s15], $0x4000  }
0x146: {  	[sflag:s15] =	ssyncset.done $0x0  }
0x147: {  	s11 =	sadd.s32 $0x970, s13;
	[sflag:s15] =	ssyncadd.s32 $0xFFFFC000  }
0x148: {  	[tilespmem:s30], [sflag:$0x2] =	stream.linear.gather [hbm4b:s11+s2], $0x80, $0x38;
	[tilespmem:$0x1C200] =	vst v63  }
0x149: {  	_ =	swait.ge [sflag:s16], $0x80  }
0x14a: {  	[sflag:s16] =	ssyncset.done $0x0  }
0x14b: {  	[sflag:s16] =	ssyncadd.s32 $0xFFFFFF80  }
0x14c: {  	[spmem:s1] =	stream.indirect.scatter.add.f32 [tilespmem:s6], [sflag:$0x7], $0x80, s31, s30, $0xb8;
	[tilespmem:$0x1C200] =	vst v63  }
0x14d: {  	_ =	swait.ge [sflag:s0], $0x4000  }
0x14e: {  	[sflag:s0] =	ssyncset.done $0x0  }
0x14f: {  	[sflag:s0] =	ssyncadd.s32 $0xFFFFC000  }
0x150: {  	_ =	swait.ge [sflag:s0], $0x4000  }
0x151: {  	s11 =	sadd.s32 s10, s4;
	s10 =	smov.u32 s20;
	[sflag:s0] =	ssyncset.done $0x0  }
0x152: {  	s13 =	sadd.s32 $0x960, s11;
	[sflag:s0] =	ssyncadd.s32 $0xFFFFC000  }
0x153: {  	[tilespmem:s29], [sflag:$0x3] =	stream.linear.gather [hbm4b:s13+s2], $0x80, $0x38;
	[tilespmem:$0x1C200] =	vst v63  }
0x154: {  	s11 =	sadd.s32 $0x970, s11  }
0x155: {  	[tilespmem:s31], [sflag:$0x4] =	stream.linear.gather [hbm4b:s11+s2], $0x80, $0x38;
	[tilespmem:$0x1C200] =	vst v63  }
0x156: {  	_ =	swait.ge [sflag:s12], $0x80  }
0x157: {  	[sflag:s12] =	ssyncset.done $0x0  }
0x158: {  	[sflag:s12] =	ssyncadd.s32 $0xFFFFFF80  }
0x159: {  	[tilespmem:s26], [sflag:$0x5] =	stream.indirect.gather [hbm4b:s19+s30], $0x80, s2, s30, $0xb8;
	[tilespmem:$0x1C200] =	vst v63  }
0x15a: {  	_ =	swait.ge [sflag:s5], $0x80  }
.Ltmp6:
0x15b: {  	[sflag:s5] =	ssyncset.done $0x0;
	(pc) =	sbr.rel @!p1 .LBB2_5-.Ltmp6, $4  }
0x15c: {  	[sflag:s5] =	ssyncadd.s32 $0xFFFFFF80  }
0x15d: {  	[tilespmem:s6], [sflag:$0x6] =	stream.indirect.gather [hbm4b:s19+s30], $0x80, s30, s30, $0xb8;
	[tilespmem:$0x1C200] =	vst v63  }
0x15e: {  	_ =	swait.ge [sflag:s7], $0x4000  }
0x15f: {  	s13 =	sadd.s32 s10, s3;
	s11 =	smov.u32 s14;
	[sflag:s7] =	ssyncset.done $0x0  }
.Ltmp7:
0x160: {  	_ = 	snop;
	(pc) =	sbr.rel .LBB2_6-.Ltmp7, $1  }
0x161: {  	_ =	sdelay $0x3  }
.LBB2_11:
0x162: {  	_ =	sfence.sel $0x180000  }
0x163: {  	[bflag:$0x0] =	sbarrier.arrive $0xFFFF  }
0x164: {  	_ =	strace $0x9000004D  }
0x165: {  	s0 =	stileid.u32;
	[bflag:$0x2] =	sbarrier.arrive $0xFFFF  }
0x166: {  	p0 =	sne.s32 s0, $0x0;
	s0 =	rddreg [dreg:$0x3]  }
0x167: {  	s0 =	sadd.s32 @!p0 $0x100000, s0  }
0x168: {  	[sflag:s0] =	ssyncadd.tile.s32 @!p0 $0x1;
	_ =	shalt  }
.Lfunc_end2:
_tile_overlayer_lowered:
.L_overlay_start_2:
0x169: {  	(tag) =	ssettag $0x2  }
0x16a: {  	s0 =	rddreg [dreg:$0x0];
	s2 =	stileid.u32  }
0x16b: {  	s1 =	rddreg [dreg:$0x1];
	p0 =	sne.s32 s2, $0x0  }
0x16c: {  	s3 =	rddreg [dreg:$0x2];
	[bflag:$0x3] =	sbarrier.arrive $0xFFFF;
	s2 =	simm.s32 @!p0 $0x1C08  }
0x16d: {  	[timem:s3], [sflag:s2] =	dma.local @!p0 [hbm:s0], s1  }
0x16e: {  	s0 =	simm.s32 @!p0 $0x8  }
0x16f: {  	_ =	swait.ge @!p0 [sflag:s0], s1  }
0x170: {  	s1 =	ssub.s32 @!p0 $0x0, s1;
	[sflag:s0] =	ssyncset.done @!p0 $0x0  }
0x171: {  	[sflag:s0] =	ssyncadd.s32 @!p0 s1  }
0x172: {  	[bflag:$0x3] =	sbarrier.arrive $0xFFFF  }
0x173: {  	_ =	shalt  }

// kernel: kernel.9.cloned.1.call-start
scs
__scs_entry_jumppad:
0x0: {  	(pc) =	sbr.rel $0x88, $3  }
0x1: {  	(tag) =	ssettag $0x0;
	lr =	simm.s32 $0x1  }
0x2: {  	[smem:$0x3F99] =	sst lr;
	_ =	strace $0xD0000000  }
0x3: {  	_ = 	snop  }
0x4: {  	_ = 	snop  }
0x5: {  	_ = 	snop  }
0x6: {  	_ = 	snop  }
0x7: {  	_ = 	snop  }
__scs_overlays_trampoline_lowered:
0x8: {  	[smem:$0x3FA8] =	sst s0  }
0x9: {  	[smem:$0x3FA9] =	sst s1  }
0xa: {  	[smem:$0x3FAA] =	sst s2  }
0xb: {  	[smem:$0x3FAB] =	sst s3  }
0xc: {  	[smem:$0x3FAC] =	sst s4  }
0xd: {  	[smem:$0x3FAD] =	sst s5  }
0xe: {  	[smem:$0x3FAE] =	sst s6  }
0xf: {  	[smem:$0x3FAF] =	sst s7  }
0x10: {  	[smem:$0x3FB0] =	sst s8  }
0x11: {  	[smem:$0x3FB1] =	sst s9;
	s0 =	simm.s32 @!p0 $0x0  }
0x12: {  	s1 =	sld [smem:$0x3F97];
	s0 =	simm.s32 @p0 $0x1  }
0x13: {  	[smem:$0x3FB2] =	sst s0;
	s0 =	simm.s32 @!p1 $0x0  }
0x14: {  	s2 =	sld [smem:$0x3F96];
	s0 =	simm.s32 @p1 $0x1  }
0x15: {  	[smem:$0x3FB3] =	sst s0;
	s0 =	simm.s32 @!p2 $0x0  }
0x16: {  	s3 =	sld [smem:$0x3FDB];
	s0 =	simm.s32 @p2 $0x1  }
0x17: {  	s4 =	simm.s32 $0x1BF5;
	[smem:$0x3FB5] =	sst s0  }
0x18: {  	s0 =	sld [smem:$0x3F98];
	_ =	swait.ge [sflag:s4], $0x0  }
0x19: {  	s7 =	sld [smem:$0x3F99]  }
0x1a: {  	s8 =	sadd.s32 $0xFFFFE003, lr  }
0x1b: {  	s9 =	sadd.s32 $0xFFFFFEF7, lr;
	s5 =	simm.s32 $0xFFFFFFFF;
	p2 =	slt.u32 s8, $0xFFFFF086  }
0x1c: {  	p1 =	slt.u32 s9, $0xF7A;
	s5 =	simm.s32 @!p2 $0x0  }
0x1d: {  	s5 =	simm.s32 @p1 $0x1;
	p0 =	seq.s32 s7, s2  }
0x1e: {  	s7 =	smul.u32 @!p0 $0xF7A, s2;
	p2 =	seq.s32 @!p0 s5, $0x0  }
0x1f: {  	s9 =	smul.u32 $0xF7A, s1;
	s8 =	simm.s32 @!p0 $0x1BF5;
	p2 =	por !p2, p0  }
0x20: {  	[sflag:s8] =	ssyncset.s32 @!p0 $0xFFFFF086;
	s6 =	sadd.s32 @!p0 s3, s7;
	s7 =	simm.s32 @!p0 $0x108  }
0x21: {  	s3 =	sadd.s32 s3, s9;
	s6 =	sadd.s32 @!p0 $0x88, s6;
	s7 =	simm.s32 @p2 $0x1082  }
0x22: {  	[simem:s7], [sflag:s8] =	dma.local @!p0 [hbm:s6], $0xF7A  }
0x23: {  	s9 =	sor.u32 $0xD0000000, s2;
	s6 =	simm.s32 $0x108;
	_ =	swait.ge @!p0 [sflag:s8], $0x0  }
0x24: {  	s3 =	sadd.s32 $0x88, s3;
	s6 =	simm.s32 @!p1 $0x1082;
	[sflag:s4] =	ssyncset.s32 $0xFFFFF086  }
0x25: {  	[simem:s6], [sflag:s4] =	dma.local [hbm:s3], $0xF7A  }
0x26: {  	[smem:$0x3F99] =	sst s1;
	(tag) =	ssettag s2;
	_ =	strace s9  }
0x27: {  	s1 =	sld [smem:$0x3FA9]  }
0x28: {  	s2 =	sld [smem:$0x3FAA]  }
0x29: {  	s4 =	sld [smem:$0x3FAC]  }
0x2a: {  	p0 =	seq.s32 s5, $0x0;
	s5 =	sld [smem:$0x3FAD]  }
0x2b: {  	s6 =	sld [smem:$0x3FAE]  }
0x2c: {  	s7 =	sld [smem:$0x3FAF]  }
0x2d: {  	s3 =	simm.s32 $0x108;
	s8 =	sld [smem:$0x3FB0]  }
0x2e: {  	s3 =	simm.s32 @!p0 $0x1082;
	s9 =	sld [smem:$0x3FB1]  }
0x2f: {  	lr =	sadd.s32 s0, s3;
	s0 =	sld [smem:$0x3FA8]  }
0x30: {  	s3 =	sld [smem:$0x3FAB]  }
0x31: {  	[smem:$0x3FB4] =	sst s10  }
0x32: {  	s10 =	sld [smem:$0x3FB2];
	_ =	sdelay $0x3  }
0x33: {  	p0 =	seq.s32 s10, $0x1;
	s10 =	sld [smem:$0x3FB4];
	_ =	sdelay $0x3  }
0x34: {  	[smem:$0x3FB4] =	sst s10  }
0x35: {  	s10 =	sld [smem:$0x3FB3];
	_ =	sdelay $0x3  }
0x36: {  	p1 =	seq.s32 s10, $0x1;
	s10 =	sld [smem:$0x3FB4];
	_ =	sdelay $0x3  }
0x37: {  	[smem:$0x3FB4] =	sst s10  }
0x38: {  	s10 =	sld [smem:$0x3FB5]  }
0x39: {  	_ = 	snop;
	(pc) =	sbr.ind lr, $3  }
0x3a: {  	_ = 	snop  }
0x3b: {  	_ = 	snop  }
0x3c: {  	p2 =	seq.s32 s10, $0x1;
	s10 =	sld [smem:$0x3FB4]  }
0x3d: {  	_ =	shalt  }
0x3e: {  	_ =	shalt  }
0x3f: {  	_ =	shalt  }
0x40: {  	_ =	shalt  }
0x41: {  	_ =	shalt  }
0x42: {  	_ =	shalt  }
0x43: {  	_ =	shalt  }
0x44: {  	_ =	shalt  }
0x45: {  	_ =	shalt  }
0x46: {  	_ =	shalt  }
0x47: {  	_ =	shalt  }
0x48: {  	_ =	shalt  }
0x49: {  	_ =	shalt  }
0x4a: {  	_ =	shalt  }
0x4b: {  	_ =	shalt  }
0x4c: {  	_ =	shalt  }
0x4d: {  	_ =	shalt  }
0x4e: {  	_ =	shalt  }
0x4f: {  	_ =	shalt  }
0x50: {  	_ =	shalt  }
0x51: {  	_ =	shalt  }
0x52: {  	_ =	shalt  }
0x53: {  	_ =	shalt  }
0x54: {  	_ =	shalt  }
0x55: {  	_ =	shalt  }
0x56: {  	_ =	shalt  }
0x57: {  	_ =	shalt  }
0x58: {  	_ =	shalt  }
0x59: {  	_ =	shalt  }
0x5a: {  	_ =	shalt  }
0x5b: {  	_ =	shalt  }
0x5c: {  	_ =	shalt  }
0x5d: {  	_ =	shalt  }
0x5e: {  	_ =	shalt  }
0x5f: {  	_ =	shalt  }
0x60: {  	_ =	shalt  }
0x61: {  	_ =	shalt  }
0x62: {  	_ =	shalt  }
0x63: {  	_ =	shalt  }
0x64: {  	_ =	shalt  }
0x65: {  	_ =	shalt  }
0x66: {  	_ =	shalt  }
0x67: {  	_ =	shalt  }
0x68: {  	_ =	shalt  }
0x69: {  	_ =	shalt  }
0x6a: {  	_ =	shalt  }
0x6b: {  	_ =	shalt  }
0x6c: {  	_ =	shalt  }
0x6d: {  	_ =	shalt  }
0x6e: {  	_ =	shalt  }
0x6f: {  	_ =	shalt  }
0x70: {  	_ =	shalt  }
0x71: {  	_ =	shalt  }
0x72: {  	_ =	shalt  }
0x73: {  	_ =	shalt  }
0x74: {  	_ =	shalt  }
0x75: {  	_ =	shalt  }
0x76: {  	_ =	shalt  }
0x77: {  	_ =	shalt  }
0x78: {  	_ =	shalt  }
0x79: {  	_ =	shalt  }
0x7a: {  	_ =	shalt  }
0x7b: {  	_ =	shalt  }
0x7c: {  	_ =	shalt  }
0x7d: {  	_ =	shalt  }
0x7e: {  	_ =	shalt  }
0x7f: {  	_ =	shalt  }
0x80: {  	_ =	shalt  }
0x81: {  	_ =	shalt  }
0x82: {  	_ =	shalt  }
0x83: {  	_ =	shalt  }
0x84: {  	_ =	shalt  }
0x85: {  	_ =	shalt  }
0x86: {  	_ =	shalt  }
0x87: {  	_ =	shalt  }
.Lfunc_end0:
.L_simem_size_0:
called_computation_lowered:
.L_overlay_start_0:
0x88: {  	s2 =	sld [smem:$0x3FD9]  }
0x89: {  	s3 =	sld [smem:$0x3FFE];
	_ =	sdelay $0x1  }
0x8a: {  	s1 =	srdreg.scid  }
0x8b: {  	s0 =	sand.u32 $0x1, s1  }
0x8c: {  	s16 =	sshll.u32 s0, $0xA;
	s2 =	sadd.s32 s3, s2  }
0x8d: {  	s2 =	sadd.s32 s2, s16  }
0x8e: {  	[smem:$0x3FC0] =	sst s2  }
0x8f: {  	_ = 	snop  }
0x90: {  	(tm) =	ssettm $0x1  }
0x91: {  	s17 =	sld [smem:$0x3FFB];
	_ =	sdelay $0x3  }
0x92: {  	_ =	strace s17  }
0x93: {  	s2 =	sld [smem:$0x3FFC];
	_ =	sdelay $0x3  }
0x94: {  	_ =	strace s2  }
0x95: {  	s2 =	sld [smem:$0x3FFD];
	_ =	sdelay $0x3  }
0x96: {  	_ =	strace s2  }
0x97: {  	_ =	strace $0x8FFFFFFF  }
0x98: {  	s18 =	sld [smem:$0x3FDB];
	_ =	sdelay $0x1  }
0x99: {  	s19 =	simm.s32 $_scs_section_size  }
0x9a: {  	s4 =	simm.s32 $_size__tile_overlayer_lowered;
	s5 =	simm.s32 $_tile_overlayer_lowered  }
0x9b: {  	s22 =	simm.s32 $0x1BFF;
	s21 =	sshll.u32 s5, $0x1;
	s2 =	sadd.s32 s19, s18  }
0x9c: {  	s6 =	simm.s32 $0x0;
	s20 =	sshll.u32 s4, $0x1;
	s4 =	sadd.s32 s21, s2  }
0x9d: {  	[timem:s6], [sflag:s22] =	dma.local [hbm:s4], s20  }
0x9e: {  	_ =	swait.ge [sflag:s22], s20  }
0x9f: {  	s3 =	ssub.s32 $0x0, s20;
	[sflag:s22] =	ssyncset.done $0x0  }
0xa0: {  	[sflag:s22] =	ssyncadd.s32 s3;
	_ =	sdelay $0x1  }
0xa1: {  	s23 =	simm.s32 $0x1B8B  }
0xa2: {  	_ =	swait.ge [sflag:s23], $0x1  }
0xa3: {  	[sflag:s23] =	ssyncset.done $0x0  }
0xa4: {  	s25 =	simm.s32 $0x1B8E;
	s24 =	sld [smem:$0x3FFE];
	[sflag:s23] =	ssyncadd.s32 $0xFFFFFFFF  }
0xa5: {  	s26 =	simm.s32 $execute0_lowered;
	[smem:$0x3FD2] =	sst s25  }
0xa6: {  	s4 =	sshll.u32 s26, $0x1;
	_ =	strace $0x80000046;
	[dreg:$0x1] =	wrdreg $0xFFFFFFFF  }
0xa7: {  	s28 =	simm.s32 $_size_execute0_lowered;
	s2 =	sadd.s32 s2, s4;
	[dreg:$0x0] =	wrdreg $0x0  }
0xa8: {  	s4 =	sshll.u32 s28, $0x1;
	[dreg:$0x2] =	wrdreg s2  }
0xa9: {  	[dreg:$0x3] =	wrdreg s4  }
0xaa: {  	[dreg:$0x4] =	wrdreg $0xC0  }
0xab: {  	_ =	task [dreg:s6], $0x5FFFF  }
0xac: {  	[dreg:$0x1] =	wrdreg $0xFFFFFFFF  }
0xad: {  	[dreg:$0x0] =	wrdreg $0x60  }
0xae: {  	[dreg:$0x2] =	wrdreg s24  }
0xaf: {  	[dreg:$0x3] =	wrdreg $0x4E000  }
0xb0: {  	[dreg:$0x4] =	wrdreg $0x9  }
0xb1: {  	_ =	task.clear_ibuf [dreg:s6], $0x5FFFF;
	_ =	strace $0x90000046  }
0xb2: {  	s29 =	simm.s32 $0x9;
	_ =	strace $0x80000048  }
0xb3: {  	_ =	swait.ge [sflag:s29], $0x1  }
0xb4: {  	[sflag:s29] =	ssyncadd.s32 $0xFFFFFFFF  }
0xb5: {  	_ =	strace $0x90000048  }
0xb6: {  	_ =	sfence  }
0xb7: {  	s30 =	sld [smem:$0x0];
	_ =	sdelay $0x2  }
0xb8: {  	s31 =	sshll.u32 s1, $0xD;
	s1 =	sshrl.u32 s1, $0x2  }
0xb9: {  	s3 =	sand.u32 $0x4000, s31;
	s1 =	sadd.s32 s1, s30  }
0xba: {  	s0 =	sor.u32 s3, s0;
	s1 =	sshll.u32 s1, $0x11  }
0xbb: {  	s0 =	sor.u32 s1, s0  }
0xbc: {  	s0 =	sadd.s32 $0x8F2B, s0  }
0xbd: {  	[sflag:s0] =	ssyncadd.remote.s32 $0x1  }
0xbe: {  	_ =	sfence.sel $0xFFFF  }
0xbf: {  	[dreg:$0x0] =	wrdreg $0xFFFFFFFF;
	(pc) =	sbr.abs _section_cstart, $3  }
0xc0: {  	[dreg:$0x1] =	wrdreg $0xFFFFFFFF  }
0xc1: {  	_ =	task.clear_ibuf [dreg:s6], $0x2FFFF;
	_ =	strace $0x9FFFFFFF  }
0xc2: {  	(tm) =	ssettm $0x7FFFFFFF  }
0xc3: {  	_ =	shalt  }
tec
execute0_lowered:
.L_overlay_start_1:
0x0: {  	(tag) =	ssettag $0x1  }
0x1: {  	s4 =	rddreg [dreg:$0x0]  }
0x2: {  	s2 =	rddreg [dreg:$0x1]  }
0x3: {  	s0 =	rddreg [dreg:$0x2];
	s5 =	srdreg.scid  }
0x4: {  	s1 =	stileid.u32;
	s3 =	simm.s32 $0x0;
	s12 =	simm.s32 $0x4B00  }
0x5: {  	s13 =	simm.s32 $0x100;
	s14 =	simm.s32 $0x180;
	s15 =	simm.s32 $0x200  }
0x6: {  	s16 =	simm.s32 $0x280;
	s17 =	simm.s32 $0x300;
	s18 =	simm.s32 $0x380  }
0x7: {  	s19 =	simm.s32 $0x400;
	s20 =	simm.s32 $0x480;
	s21 =	simm.s32 $0x1  }
0x8: {  	s24 =	simm.s32 $0x20;
	s25 =	simm.s32 $0x10;
	s6 =	smul.u32 $0x500, s1  }
0x9: {  	s26 =	simm.s32 $0x0;
	s5 =	sand.u32 $0x1, s5;
	s9 =	smul.u32 $0xA00, s1  }
0xa: {  	[smem:$0x7FF] =	sst s3;
	s10 =	sadd.s32 $0x3000, s4;
	s11 =	smul.u32 $0x960, s1  }
0xb: {  	s22 =	sshll.u32 s1, $0x6;
	s7 =	sshll.u32 s5, $0x7;
	_ =	strace $0x80000047  }
0xc: {  	s8 =	ssub.s32 $0x2, s5;
	p0 =	seq.s32 s5, $0x1;
	s22 =	sor.u32 $0x1C02, s22  }
0xd: {  	s7 =	sor.u32 s7, s6;
	s31 =	sshrl.u32 s8, $0x1;
	s9 =	sshrl.u32 s9, $0x2  }
.Ltmp0:
0xe: {  	s6 =	sshrl.u32 s6, $0x3;
	s5 =	sadd.s32 s10, s11;
	(pc) =	sbr.rel .LBB2_1-.Ltmp0, $4  }
0xf: {  	s11 =	simm.s32 $0x80;
	s7 =	sshrl.u32 s7, $0x3;
	s8 =	ssub.s32 s8, s31  }
0x10: {  	s6 =	sadd.s32 s10, s6;
	s10 =	simm.s32 $0x2;
	s7 =	sadd.s32 s7, s4  }
0x11: {  	s4 =	sadd.s32 s9, s2;
	s6 =	sadd.s32 $0x9600, s6;
	s8 =	smax.u32 s8, $0x1  }
0x12: {  	v0 =	vimm.f32 $1.000000000e+00;
	v1 =	vimm.f32 $0.0e+00;
	s9 =	simm.s32 $0x4B80;
	s7 =	sadd.s32 $0xD000, s7;
	s23 =	sshrl.u32 s4, $0x3  }
.LBB2_5:
0x13: {  	[tilespmem:s3], [sflag:$0x2] =	stream.linear.gather [hbm4b:s6+s3], $0x500, $0x38;
	[tilespmem:$0x5080] =	vst v63  }
0x14: {  	_ =	swait.ge [sflag:s10], $0x500  }
0x15: {  	[sflag:s10] =	ssyncset.done $0x0  }
0x16: {  	[sflag:s10] =	ssyncadd.s32 $0xFFFFFB00  }
0x17: {  	[spmem:s2] =	stream.indirect.scatter.add.f32 [tilespmem:s12], [sflag:$0x1], $0x1, s3, s11, $0xb8;
	[tilespmem:$0x5080] =	vst v63  }
0x18: {  	_ = 	snop  }
0x19: {  	[spmem:s2] =	stream.indirect.scatter.add.f32 [tilespmem:s12], [sflag:$0x1], $0x1, s11, s11, $0xb8;
	[tilespmem:$0x5080] =	vst v63  }
0x1a: {  	_ = 	snop  }
0x1b: {  	[spmem:s2] =	stream.indirect.scatter.add.f32 [tilespmem:s12], [sflag:$0x1], $0x1, s13, s11, $0xb8;
	[tilespmem:$0x5080] =	vst v63  }
0x1c: {  	_ = 	snop  }
0x1d: {  	[spmem:s2] =	stream.indirect.scatter.add.f32 [tilespmem:s12], [sflag:$0x1], $0x1, s14, s11, $0xb8;
	[tilespmem:$0x5080] =	vst v63  }
0x1e: {  	_ = 	snop  }
0x1f: {  	[spmem:s2] =	stream.indirect.scatter.add.f32 [tilespmem:s12], [sflag:$0x1], $0x1, s15, s11, $0xb8;
	[tilespmem:$0x5080] =	vst v63  }
0x20: {  	_ = 	snop  }
0x21: {  	[spmem:s2] =	stream.indirect.scatter.add.f32 [tilespmem:s12], [sflag:$0x1], $0x1, s16, s11, $0xb8;
	[tilespmem:$0x5080] =	vst v63  }
0x22: {  	_ = 	snop  }
0x23: {  	[spmem:s2] =	stream.indirect.scatter.add.f32 [tilespmem:s12], [sflag:$0x1], $0x1, s17, s11, $0xb8;
	[tilespmem:$0x5080] =	vst v63  }
0x24: {  	_ = 	snop  }
0x25: {  	[spmem:s2] =	stream.indirect.scatter.add.f32 [tilespmem:s12], [sflag:$0x1], $0x1, s18, s11, $0xb8;
	[tilespmem:$0x5080] =	vst v63  }
0x26: {  	_ = 	snop  }
0x27: {  	[spmem:s2] =	stream.indirect.scatter.add.f32 [tilespmem:s12], [sflag:$0x1], $0x1, s19, s11, $0xb8;
	[tilespmem:$0x5080] =	vst v63  }
0x28: {  	_ = 	snop  }
0x29: {  	[spmem:s2] =	stream.indirect.scatter.add.f32 [tilespmem:s12], [sflag:$0x1], $0x1, s20, s11, $0xb8;
	[tilespmem:$0x5080] =	vst v63  }
0x2a: {  	_ =	swait.ge [sflag:s21], $0x80  }
0x2b: {  	[sflag:s21] =	ssyncset.done $0x0  }
0x2c: {  	[sflag:s21] =	ssyncadd.s32 $0xFFFFFF80  }
0x2d: {  	_ =	swait.ge [sflag:s21], $0x80  }
0x2e: {  	[sflag:s21] =	ssyncset.done $0x0  }
0x2f: {  	[sflag:s21] =	ssyncadd.s32 $0xFFFFFF80  }
0x30: {  	_ =	swait.ge [sflag:s21], $0x80  }
0x31: {  	[sflag:s21] =	ssyncset.done $0x0  }
0x32: {  	[sflag:s21] =	ssyncadd.s32 $0xFFFFFF80  }
0x33: {  	_ =	swait.ge [sflag:s21], $0x80  }
0x34: {  	[sflag:s21] =	ssyncset.done $0x0  }
0x35: {  	[sflag:s21] =	ssyncadd.s32 $0xFFFFFF80  }
0x36: {  	_ =	swait.ge [sflag:s21], $0x80  }
0x37: {  	[sflag:s21] =	ssyncset.done $0x0  }
0x38: {  	[sflag:s21] =	ssyncadd.s32 $0xFFFFFF80  }
0x39: {  	_ =	swait.ge [sflag:s21], $0x80  }
0x3a: {  	[sflag:s21] =	ssyncset.done $0x0  }
0x3b: {  	[sflag:s21] =	ssyncadd.s32 $0xFFFFFF80  }
0x3c: {  	_ =	swait.ge [sflag:s21], $0x80  }
0x3d: {  	[sflag:s21] =	ssyncset.done $0x0  }
0x3e: {  	[sflag:s21] =	ssyncadd.s32 $0xFFFFFF80  }
0x3f: {  	_ =	swait.ge [sflag:s21], $0x80  }
0x40: {  	[sflag:s21] =	ssyncset.done $0x0  }
0x41: {  	[sflag:s21] =	ssyncadd.s32 $0xFFFFFF80  }
0x42: {  	_ =	swait.ge [sflag:s21], $0x80  }
0x43: {  	[sflag:s21] =	ssyncset.done $0x0  }
0x44: {  	[sflag:s21] =	ssyncadd.s32 $0xFFFFFF80  }
0x45: {  	_ =	swait.ge [sflag:s21], $0x80  }
0x46: {  	[sflag:s21] =	ssyncset.done $0x0  }
0x47: {  	[sflag:s21] =	ssyncadd.s32 $0xFFFFFF80  }
.LBB2_6:
0x48: {  	s26 =	sadd.s32 $0x1, s26  }
0x49: {  	p1 =	sne.s32 s26, s8  }
.Ltmp1:
0x4a: {  	[bflag:$0x0] =	sbarrier.arrive $0xFFFF;
	(pc) =	sbr.rel @!p1 .LBB2_7-.Ltmp1, $4  }
0x4b: {  	[hbm:s7@s24], [sflag:s22] =	dma.strided [spmem:s23@s25], $0x50, s21, $0x10   }
0x4c: {  	_ =	swait.ge [sflag:s10], $0x50  }
0x4d: {  	[sflag:s10] =	ssyncset.done $0x0  }
0x4e: {  	[sflag:s10] =	ssyncadd.s32 $0xFFFFFFB0  }
.LBB2_1:
0x4f: {  	[tilespmem:$0x4B00] =	vst v0  }
0x50: {  	[tilespmem:$0x4B10] =	vst v0  }
0x51: {  	[tilespmem:$0x4B20] =	vst v0  }
0x52: {  	[tilespmem:$0x4B30] =	vst v0  }
0x53: {  	[tilespmem:$0x4B40] =	vst v0  }
0x54: {  	[tilespmem:$0x4B50] =	vst v0  }
0x55: {  	[tilespmem:$0x4B60] =	vst v0  }
0x56: {  	[tilespmem:$0x4B70] =	vst v0  }
0x57: {  	[tilespmem:$0x4B80] =	vst v1  }
0x58: {  	[tilespmem:$0x4B90] =	vst v1  }
0x59: {  	[tilespmem:$0x4BA0] =	vst v1  }
0x5a: {  	[tilespmem:$0x4BB0] =	vst v1  }
0x5b: {  	[tilespmem:$0x4BC0] =	vst v1  }
0x5c: {  	[tilespmem:$0x4BD0] =	vst v1  }
0x5d: {  	[tilespmem:$0x4BE0] =	vst v1  }
0x5e: {  	[tilespmem:$0x4BF0] =	vst v1  }
0x5f: {  	[tilespmem:$0x4C00] =	vst v1  }
0x60: {  	[tilespmem:$0x4C10] =	vst v1  }
0x61: {  	[tilespmem:$0x4C20] =	vst v1  }
0x62: {  	[tilespmem:$0x4C30] =	vst v1  }
0x63: {  	[tilespmem:$0x4C40] =	vst v1  }
0x64: {  	[tilespmem:$0x4C50] =	vst v1  }
0x65: {  	[tilespmem:$0x4C60] =	vst v1  }
0x66: {  	[tilespmem:$0x4C70] =	vst v1  }
0x67: {  	[tilespmem:$0x4C80] =	vst v1  }
0x68: {  	[tilespmem:$0x4C90] =	vst v1  }
0x69: {  	[tilespmem:$0x4CA0] =	vst v1  }
0x6a: {  	[tilespmem:$0x4CB0] =	vst v1  }
0x6b: {  	[tilespmem:$0x4CC0] =	vst v1  }
0x6c: {  	[tilespmem:$0x4CD0] =	vst v1  }
0x6d: {  	[tilespmem:$0x4CE0] =	vst v1  }
0x6e: {  	[tilespmem:$0x4CF0] =	vst v1  }
0x6f: {  	[tilespmem:$0x4D00] =	vst v1  }
0x70: {  	[tilespmem:$0x4D10] =	vst v1  }
0x71: {  	[tilespmem:$0x4D20] =	vst v1  }
0x72: {  	[tilespmem:$0x4D30] =	vst v1  }
0x73: {  	[tilespmem:$0x4D40] =	vst v1  }
0x74: {  	[tilespmem:$0x4D50] =	vst v1  }
0x75: {  	[tilespmem:$0x4D60] =	vst v1  }
0x76: {  	[tilespmem:$0x4D70] =	vst v1  }
0x77: {  	[tilespmem:$0x4D80] =	vst v1  }
0x78: {  	[tilespmem:$0x4D90] =	vst v1  }
0x79: {  	[tilespmem:$0x4DA0] =	vst v1  }
0x7a: {  	[tilespmem:$0x4DB0] =	vst v1  }
0x7b: {  	[tilespmem:$0x4DC0] =	vst v1  }
0x7c: {  	[tilespmem:$0x4DD0] =	vst v1  }
0x7d: {  	[tilespmem:$0x4DE0] =	vst v1  }
0x7e: {  	[tilespmem:$0x4DF0] =	vst v1  }
0x7f: {  	[spmem:s4] =	stream.linear.scatter [tilespmem:s9], [sflag:$0x2], $0x280, $0x38;
	[tilespmem:$0x5080] =	vst v63  }
.Ltmp2:
0x80: {  	_ =	swait.ge [sflag:s10], $0x280;
	(pc) =	sbr.rel @p0 .LBB2_5-.Ltmp2, $3  }
0x81: {  	[sflag:s10] =	ssyncset.done $0x0  }
0x82: {  	[sflag:s10] =	ssyncadd.s32 $0xFFFFFD80  }
0x83: {  	[bflag:$0x0] =	sbarrier.arrive $0xFFFF;
	_ =	sdelay $0x1  }
0x84: {  	s28 =	simm.s32 $0x0  }
0x85: {  	[tilespmem:s28], [sflag:$0x2] =	stream.linear.gather [hbm4b:s5+s28], $0x4B00, $0x38;
	[tilespmem:$0x5080] =	vst v63  }
0x86: {  	_ =	swait.ge [sflag:s10], $0x4B00  }
0x87: {  	[sflag:s10] =	ssyncset.done $0x0  }
0x88: {  	s28 =	simm.s32 $0x0;
	[sflag:s10] =	ssyncadd.s32 $0xFFFFB500  }
0x89: {  	[spmem:s2] =	stream.indirect.scatter.add.f32 [tilespmem:s12], [sflag:$0x1], $0x1, s28, s11, $0xb8;
	[tilespmem:$0x5080] =	vst v63  }
0x8a: {  	s28 =	simm.s32 $0x80  }
0x8b: {  	[spmem:s2] =	stream.indirect.scatter.add.f32 [tilespmem:s12], [sflag:$0x1], $0x1, s28, s11, $0xb8;
	[tilespmem:$0x5080] =	vst v63  }
0x8c: {  	s28 =	simm.s32 $0x100  }
0x8d: {  	[spmem:s2] =	stream.indirect.scatter.add.f32 [tilespmem:s12], [sflag:$0x1], $0x1, s28, s11, $0xb8;
	[tilespmem:$0x5080] =	vst v63  }
0x8e: {  	s28 =	simm.s32 $0x180  }
0x8f: {  	[spmem:s2] =	stream.indirect.scatter.add.f32 [tilespmem:s12], [sflag:$0x1], $0x1, s28, s11, $0xb8;
	[tilespmem:$0x5080] =	vst v63  }
0x90: {  	s28 =	simm.s32 $0x200  }
0x91: {  	[spmem:s2] =	stream.indirect.scatter.add.f32 [tilespmem:s12], [sflag:$0x1], $0x1, s28, s11, $0xb8;
	[tilespmem:$0x5080] =	vst v63  }
0x92: {  	s28 =	simm.s32 $0x280  }
0x93: {  	[spmem:s2] =	stream.indirect.scatter.add.f32 [tilespmem:s12], [sflag:$0x1], $0x1, s28, s11, $0xb8;
	[tilespmem:$0x5080] =	vst v63  }
0x94: {  	s28 =	simm.s32 $0x300  }
0x95: {  	[spmem:s2] =	stream.indirect.scatter.add.f32 [tilespmem:s12], [sflag:$0x1], $0x1, s28, s11, $0xb8;
	[tilespmem:$0x5080] =	vst v63  }
0x96: {  	s28 =	simm.s32 $0x380  }
0x97: {  	[spmem:s2] =	stream.indirect.scatter.add.f32 [tilespmem:s12], [sflag:$0x1], $0x1, s28, s11, $0xb8;
	[tilespmem:$0x5080] =	vst v63  }
0x98: {  	s28 =	simm.s32 $0x400  }
0x99: {  	[spmem:s2] =	stream.indirect.scatter.add.f32 [tilespmem:s12], [sflag:$0x1], $0x1, s28, s11, $0xb8;
	[tilespmem:$0x5080] =	vst v63  }
0x9a: {  	s28 =	simm.s32 $0x480  }
0x9b: {  	[spmem:s2] =	stream.indirect.scatter.add.f32 [tilespmem:s12], [sflag:$0x1], $0x1, s28, s11, $0xb8;
	[tilespmem:$0x5080] =	vst v63  }
0x9c: {  	_ =	swait.ge [sflag:s21], $0x80  }
0x9d: {  	[sflag:s21] =	ssyncset.done $0x0  }
0x9e: {  	[sflag:s21] =	ssyncadd.s32 $0xFFFFFF80  }
0x9f: {  	_ =	swait.ge [sflag:s21], $0x80  }
0xa0: {  	[sflag:s21] =	ssyncset.done $0x0  }
0xa1: {  	[sflag:s21] =	ssyncadd.s32 $0xFFFFFF80  }
0xa2: {  	_ =	swait.ge [sflag:s21], $0x80  }
0xa3: {  	[sflag:s21] =	ssyncset.done $0x0  }
0xa4: {  	[sflag:s21] =	ssyncadd.s32 $0xFFFFFF80  }
0xa5: {  	_ =	swait.ge [sflag:s21], $0x80  }
0xa6: {  	[sflag:s21] =	ssyncset.done $0x0  }
0xa7: {  	[sflag:s21] =	ssyncadd.s32 $0xFFFFFF80  }
0xa8: {  	_ =	swait.ge [sflag:s21], $0x80  }
0xa9: {  	[sflag:s21] =	ssyncset.done $0x0  }
0xaa: {  	[sflag:s21] =	ssyncadd.s32 $0xFFFFFF80  }
0xab: {  	_ =	swait.ge [sflag:s21], $0x80  }
0xac: {  	[sflag:s21] =	ssyncset.done $0x0  }
0xad: {  	[sflag:s21] =	ssyncadd.s32 $0xFFFFFF80  }
0xae: {  	_ =	swait.ge [sflag:s21], $0x80  }
0xaf: {  	[sflag:s21] =	ssyncset.done $0x0  }
0xb0: {  	[sflag:s21] =	ssyncadd.s32 $0xFFFFFF80  }
0xb1: {  	_ =	swait.ge [sflag:s21], $0x80  }
0xb2: {  	[sflag:s21] =	ssyncset.done $0x0  }
0xb3: {  	[sflag:s21] =	ssyncadd.s32 $0xFFFFFF80  }
0xb4: {  	_ =	swait.ge [sflag:s21], $0x80  }
0xb5: {  	[sflag:s21] =	ssyncset.done $0x0  }
0xb6: {  	[sflag:s21] =	ssyncadd.s32 $0xFFFFFF80  }
0xb7: {  	_ =	swait.ge [sflag:s21], $0x80  }
0xb8: {  	s30 =	simm.s32 $0x2800;
	s28 =	simm.s32 $0x1400;
	[sflag:s21] =	ssyncset.done $0x0  }
.LBB2_3:
0xb9: {  	s31 =	sshra.s32 s28, $0x2  }
0xba: {  	[sflag:s21] =	ssyncadd.s32 $0xFFFFFF80;
	s28 =	smov.u32 s30;
	s29 =	sadd.s32 $0x1400, s30  }
0xbb: {  	[spmem:s2] =	stream.indirect.scatter.add.f32 [tilespmem:s12], [sflag:$0x1], $0x1, s31, s11, $0xb8;
	[tilespmem:$0x5080] =	vst v63  }
0xbc: {  	p1 =	seq.s32 s30, $0x11800;
	s30 =	sadd.s32 $0x80, s31  }
0xbd: {  	[spmem:s2] =	stream.indirect.scatter.add.f32 [tilespmem:s12], [sflag:$0x1], $0x1, s30, s11, $0xb8;
	[tilespmem:$0x5080] =	vst v63  }
0xbe: {  	s30 =	sadd.s32 $0x100, s31  }
0xbf: {  	[spmem:s2] =	stream.indirect.scatter.add.f32 [tilespmem:s12], [sflag:$0x1], $0x1, s30, s11, $0xb8;
	[tilespmem:$0x5080] =	vst v63  }
0xc0: {  	s30 =	sadd.s32 $0x180, s31  }
0xc1: {  	[spmem:s2] =	stream.indirect.scatter.add.f32 [tilespmem:s12], [sflag:$0x1], $0x1, s30, s11, $0xb8;
	[tilespmem:$0x5080] =	vst v63  }
0xc2: {  	s30 =	sadd.s32 $0x200, s31  }
0xc3: {  	[spmem:s2] =	stream.indirect.scatter.add.f32 [tilespmem:s12], [sflag:$0x1], $0x1, s30, s11, $0xb8;
	[tilespmem:$0x5080] =	vst v63  }
0xc4: {  	s30 =	sadd.s32 $0x280, s31  }
0xc5: {  	[spmem:s2] =	stream.indirect.scatter.add.f32 [tilespmem:s12], [sflag:$0x1], $0x1, s30, s11, $0xb8;
	[tilespmem:$0x5080] =	vst v63  }
0xc6: {  	s30 =	sadd.s32 $0x300, s31  }
0xc7: {  	[spmem:s2] =	stream.indirect.scatter.add.f32 [tilespmem:s12], [sflag:$0x1], $0x1, s30, s11, $0xb8;
	[tilespmem:$0x5080] =	vst v63  }
0xc8: {  	s30 =	sadd.s32 $0x380, s31  }
0xc9: {  	[spmem:s2] =	stream.indirect.scatter.add.f32 [tilespmem:s12], [sflag:$0x1], $0x1, s30, s11, $0xb8;
	[tilespmem:$0x5080] =	vst v63  }
0xca: {  	s30 =	sadd.s32 $0x400, s31  }
0xcb: {  	[spmem:s2] =	stream.indirect.scatter.add.f32 [tilespmem:s12], [sflag:$0x1], $0x1, s30, s11, $0xb8;
	[tilespmem:$0x5080] =	vst v63  }
0xcc: {  	s30 =	sadd.s32 $0x480, s31  }
0xcd: {  	[spmem:s2] =	stream.indirect.scatter.add.f32 [tilespmem:s12], [sflag:$0x1], $0x1, s30, s11, $0xb8;
	[tilespmem:$0x5080] =	vst v63  }
0xce: {  	_ =	swait.ge [sflag:s21], $0x80  }
0xcf: {  	[sflag:s21] =	ssyncset.done $0x0  }
0xd0: {  	[sflag:s21] =	ssyncadd.s32 $0xFFFFFF80  }
0xd1: {  	_ =	swait.ge [sflag:s21], $0x80  }
0xd2: {  	[sflag:s21] =	ssyncset.done $0x0  }
0xd3: {  	[sflag:s21] =	ssyncadd.s32 $0xFFFFFF80  }
0xd4: {  	_ =	swait.ge [sflag:s21], $0x80  }
0xd5: {  	[sflag:s21] =	ssyncset.done $0x0  }
0xd6: {  	[sflag:s21] =	ssyncadd.s32 $0xFFFFFF80  }
0xd7: {  	_ =	swait.ge [sflag:s21], $0x80  }
0xd8: {  	[sflag:s21] =	ssyncset.done $0x0  }
0xd9: {  	[sflag:s21] =	ssyncadd.s32 $0xFFFFFF80  }
0xda: {  	_ =	swait.ge [sflag:s21], $0x80  }
0xdb: {  	[sflag:s21] =	ssyncset.done $0x0  }
0xdc: {  	[sflag:s21] =	ssyncadd.s32 $0xFFFFFF80  }
0xdd: {  	_ =	swait.ge [sflag:s21], $0x80  }
0xde: {  	[sflag:s21] =	ssyncset.done $0x0  }
0xdf: {  	[sflag:s21] =	ssyncadd.s32 $0xFFFFFF80  }
0xe0: {  	_ =	swait.ge [sflag:s21], $0x80  }
0xe1: {  	[sflag:s21] =	ssyncset.done $0x0  }
0xe2: {  	[sflag:s21] =	ssyncadd.s32 $0xFFFFFF80  }
0xe3: {  	_ =	swait.ge [sflag:s21], $0x80  }
0xe4: {  	[sflag:s21] =	ssyncset.done $0x0  }
0xe5: {  	[sflag:s21] =	ssyncadd.s32 $0xFFFFFF80  }
.Ltmp3:
0xe6: {  	_ =	swait.ge [sflag:s21], $0x80;
	(pc) =	sbr.rel @!p1 .LBB2_3-.Ltmp3, $4  }
0xe7: {  	[sflag:s21] =	ssyncset.done $0x0  }
0xe8: {  	[sflag:s21] =	ssyncadd.s32 $0xFFFFFF80  }
0xe9: {  	_ =	swait.ge [sflag:s21], $0x80  }
0xea: {  	s30 =	smov.u32 s29;
	[sflag:s21] =	ssyncset.done $0x0  }
0xeb: {  	s28 =	sshra.s32 s28, $0x2;
	[sflag:s21] =	ssyncadd.s32 $0xFFFFFF80  }
0xec: {  	[spmem:s2] =	stream.indirect.scatter.add.f32 [tilespmem:s12], [sflag:$0x1], $0x1, s28, s11, $0xb8;
	[tilespmem:$0x5080] =	vst v63  }
0xed: {  	s29 =	sadd.s32 $0x80, s28  }
0xee: {  	[spmem:s2] =	stream.indirect.scatter.add.f32 [tilespmem:s12], [sflag:$0x1], $0x1, s29, s11, $0xb8;
	[tilespmem:$0x5080] =	vst v63  }
0xef: {  	s31 =	sadd.s32 $0x100, s28  }
0xf0: {  	[spmem:s2] =	stream.indirect.scatter.add.f32 [tilespmem:s12], [sflag:$0x1], $0x1, s31, s11, $0xb8;
	[tilespmem:$0x5080] =	vst v63  }
0xf1: {  	s30 =	sadd.s32 $0x180, s28  }
0xf2: {  	[spmem:s2] =	stream.indirect.scatter.add.f32 [tilespmem:s12], [sflag:$0x1], $0x1, s30, s11, $0xb8;
	[tilespmem:$0x5080] =	vst v63  }
0xf3: {  	s31 =	sadd.s32 $0x200, s28  }
0xf4: {  	[spmem:s2] =	stream.indirect.scatter.add.f32 [tilespmem:s12], [sflag:$0x1], $0x1, s31, s11, $0xb8;
	[tilespmem:$0x5080] =	vst v63  }
0xf5: {  	s30 =	sadd.s32 $0x280, s28  }
0xf6: {  	[spmem:s2] =	stream.indirect.scatter.add.f32 [tilespmem:s12], [sflag:$0x1], $0x1, s30, s11, $0xb8;
	[tilespmem:$0x5080] =	vst v63  }
0xf7: {  	s31 =	sadd.s32 $0x300, s28  }
0xf8: {  	[spmem:s2] =	stream.indirect.scatter.add.f32 [tilespmem:s12], [sflag:$0x1], $0x1, s31, s11, $0xb8;
	[tilespmem:$0x5080] =	vst v63  }
0xf9: {  	s30 =	sadd.s32 $0x380, s28  }
0xfa: {  	[spmem:s2] =	stream.indirect.scatter.add.f32 [tilespmem:s12], [sflag:$0x1], $0x1, s30, s11, $0xb8;
	[tilespmem:$0x5080] =	vst v63  }
0xfb: {  	s31 =	sadd.s32 $0x400, s28  }
0xfc: {  	[spmem:s2] =	stream.indirect.scatter.add.f32 [tilespmem:s12], [sflag:$0x1], $0x1, s31, s11, $0xb8;
	[tilespmem:$0x5080] =	vst v63  }
0xfd: {  	s28 =	sadd.s32 $0x480, s28  }
0xfe: {  	[spmem:s2] =	stream.indirect.scatter.add.f32 [tilespmem:s12], [sflag:$0x1], $0x1, s28, s11, $0xb8;
	[tilespmem:$0x5080] =	vst v63  }
0xff: {  	_ =	swait.ge [sflag:s21], $0x80  }
0x100: {  	[sflag:s21] =	ssyncset.done $0x0  }
0x101: {  	[sflag:s21] =	ssyncadd.s32 $0xFFFFFF80  }
0x102: {  	_ =	swait.ge [sflag:s21], $0x80  }
0x103: {  	[sflag:s21] =	ssyncset.done $0x0  }
0x104: {  	[sflag:s21] =	ssyncadd.s32 $0xFFFFFF80  }
0x105: {  	_ =	swait.ge [sflag:s21], $0x80  }
0x106: {  	[sflag:s21] =	ssyncset.done $0x0  }
0x107: {  	[sflag:s21] =	ssyncadd.s32 $0xFFFFFF80  }
0x108: {  	_ =	swait.ge [sflag:s21], $0x80  }
0x109: {  	[sflag:s21] =	ssyncset.done $0x0  }
0x10a: {  	[sflag:s21] =	ssyncadd.s32 $0xFFFFFF80  }
0x10b: {  	_ =	swait.ge [sflag:s21], $0x80  }
0x10c: {  	[sflag:s21] =	ssyncset.done $0x0  }
0x10d: {  	[sflag:s21] =	ssyncadd.s32 $0xFFFFFF80  }
0x10e: {  	_ =	swait.ge [sflag:s21], $0x80  }
0x10f: {  	[sflag:s21] =	ssyncset.done $0x0  }
0x110: {  	[sflag:s21] =	ssyncadd.s32 $0xFFFFFF80  }
0x111: {  	_ =	swait.ge [sflag:s21], $0x80  }
0x112: {  	[sflag:s21] =	ssyncset.done $0x0  }
0x113: {  	[sflag:s21] =	ssyncadd.s32 $0xFFFFFF80  }
0x114: {  	_ =	swait.ge [sflag:s21], $0x80  }
0x115: {  	[sflag:s21] =	ssyncset.done $0x0  }
0x116: {  	[sflag:s21] =	ssyncadd.s32 $0xFFFFFF80  }
0x117: {  	_ =	swait.ge [sflag:s21], $0x80  }
.Ltmp4:
0x118: {  	[sflag:s21] =	ssyncset.done $0x0;
	(pc) =	sbr.rel .LBB2_6-.Ltmp4, $4  }
0x119: {  	[sflag:s21] =	ssyncadd.s32 $0xFFFFFF80  }
0x11a: {  	_ =	swait.ge [sflag:s21], $0x80  }
0x11b: {  	[sflag:s21] =	ssyncset.done $0x0  }
0x11c: {  	[sflag:s21] =	ssyncadd.s32 $0xFFFFFF80  }
.LBB2_7:
0x11d: {  	_ =	sfence.sel $0x180000  }
0x11e: {  	[bflag:$0x0] =	sbarrier.arrive $0xFFFF  }
0x11f: {  	p0 =	sne.s32 s1, $0x0;
	_ =	strace $0x90000047  }
0x120: {  	s0 =	sadd.s32 @!p0 $0x100000, s0;
	[bflag:$0x2] =	sbarrier.arrive $0xFFFF  }
0x121: {  	[sflag:s0] =	ssyncadd.tile.s32 @!p0 $0x1;
	_ =	shalt  }
.Lfunc_end2:
_tile_overlayer_lowered:
.L_overlay_start_2:
0x122: {  	(tag) =	ssettag $0x2  }
0x123: {  	s0 =	rddreg [dreg:$0x0];
	s2 =	stileid.u32  }
0x124: {  	s1 =	rddreg [dreg:$0x1];
	p0 =	sne.s32 s2, $0x0  }
0x125: {  	s3 =	rddreg [dreg:$0x2];
	[bflag:$0x3] =	sbarrier.arrive $0xFFFF;
	s2 =	simm.s32 @!p0 $0x1C02  }
0x126: {  	[timem:s3], [sflag:s2] =	dma.local @!p0 [hbm:s0], s1  }
0x127: {  	s0 =	simm.s32 @!p0 $0x2  }
0x128: {  	_ =	swait.ge @!p0 [sflag:s0], s1  }
0x129: {  	s1 =	ssub.s32 @!p0 $0x0, s1;
	[sflag:s0] =	ssyncset.done @!p0 $0x0  }
0x12a: {  	[sflag:s0] =	ssyncadd.s32 @!p0 s1  }
0x12b: {  	[bflag:$0x3] =	sbarrier.arrive $0xFFFF  }
0x12c: {  	_ =	shalt  }

</sc_bundles>
